<compile_context>
chip_gen: v7x
topology: tpu7x:2x2x1
jax: 0.10.2.dev20260603
libtpu: 0.0.44.dev20260713+nightly
codegen_flags: <defaults>
</compile_context>

<pallas_src>
import functools

import jax
import jax.numpy as jnp
from jax import lax
from jax.experimental import pallas as pl
from jax.experimental.pallas import tpu as pltpu
from jax.experimental.pallas import tpu_sc as plsc

_B, _S, _D = 4, 4096, 768
_N = _B * _S
_VLEN, _TLEN = 100, 500
_VPAD, _TPAD = 128, 512

_N_SC = 6144
_N_TC = _N - _N_SC

_NC, _NS = 2, 16
_NW = _NC * _NS
_TPW = _N_SC // _NW
_T = 16
_NCHUNK = _TPW // _T
_NBUF = 2
_LANES = 16
_DREGS = _D // _LANES

_mesh = plsc.VectorSubcoreMesh(
    core_axis_name="c", subcore_axis_name="s", num_cores=_NC, num_subcores=_NS
)


@functools.partial(
    pl.kernel,
    out_type=jax.ShapeDtypeStruct((_N, _D), jnp.float32),
    mesh=_mesh,
    scratch_types=[
        pltpu.VMEM((_NCHUNK, _T), jnp.int32),
        pltpu.VMEM((_NCHUNK, _T), jnp.int32),
        pltpu.VMEM((_NBUF, _T, _D), jnp.float32),
        pltpu.VMEM((_NBUF, _T, _D), jnp.float32),
        pltpu.VMEM((_NBUF, _T, _D), jnp.float32),
        pltpu.VMEM((_NBUF, _T, _D), jnp.float32),
        pltpu.SemaphoreType.DMA,
        pltpu.SemaphoreType.DMA,
        pltpu.SemaphoreType.DMA,
        pltpu.SemaphoreType.DMA,
    ],
)
def _sc_embed_add(x_hbm, vs_hbm, ls_hbm, vtab_hbm, ttab_hbm, out_hbm,
                  vidx, tidx, xbuf, vbuf, tbuf, obuf,
                  lsem0, lsem1, wsem0, wsem1):
    wid = lax.axis_index("s") * _NC + lax.axis_index("c")
    base = wid * _TPW
    lsems = (lsem0, lsem1)
    wsems = (wsem0, wsem1)

    pltpu.sync_copy(vs_hbm.at[wid], vidx)
    pltpu.sync_copy(ls_hbm.at[wid], tidx)

    def start_loads(j, b):
        row0 = base + j * _T
        pltpu.async_copy(x_hbm.at[pl.ds(row0, _T)], xbuf.at[b], lsems[b])
        pltpu.async_copy(vtab_hbm.at[vidx.at[j]], vbuf.at[b], lsems[b])
        pltpu.async_copy(ttab_hbm.at[tidx.at[j]], tbuf.at[b], lsems[b])

    def wait_loads(j, b):
        row0 = base + j * _T
        pltpu.make_async_copy(x_hbm.at[pl.ds(row0, _T)], xbuf.at[b], lsems[b]).wait()
        pltpu.make_async_copy(vtab_hbm.at[vidx.at[j]], vbuf.at[b], lsems[b]).wait()
        pltpu.make_async_copy(ttab_hbm.at[tidx.at[j]], tbuf.at[b], lsems[b]).wait()

    def start_wb(j, b):
        row0 = base + j * _T
        pltpu.async_copy(obuf.at[b], out_hbm.at[pl.ds(row0, _T)], wsems[b])

    def wait_wb(j, b):
        row0 = base + j * _T
        pltpu.make_async_copy(obuf.at[b], out_hbm.at[pl.ds(row0, _T)], wsems[b]).wait()

    def compute(b):
        def body(t, carry):
            for d in range(_DREGS):
                sl = pl.ds(d * _LANES, _LANES)
                obuf[b, t, sl] = xbuf[b, t, sl] + vbuf[b, t, sl] + tbuf[b, t, sl]
            return carry
        lax.fori_loop(0, _T, body, 0)

    start_loads(0, 0)
    start_loads(1, 1)

    def group(g, carry):
        for b in range(_NBUF):
            j = g * _NBUF + b
            wait_loads(j, b)
            @pl.when(g > 0)
            def _():
                wait_wb(j - _NBUF, b)
            compute(b)
            start_wb(j, b)
            @pl.when(g < _NCHUNK // _NBUF - 1)
            def _():
                start_loads(j + _NBUF, b)
        return carry

    lax.fori_loop(0, _NCHUNK // _NBUF, group, 0)

    wait_wb(_NCHUNK - 2, 0)
    wait_wb(_NCHUNK - 1, 1)


_TB = 1024
_NB_SC = _N_SC // _TB
_NB_TC = _N_TC // _TB


def _tc_body(prev_ref, x_ref, vs_ref, ls_ref, vt_ref, tt_ref, o_ref):
    del prev_ref
    vs = vs_ref[0, 0, :]
    ls = ls_ref[0, 0, :]
    ohv = (vs[:, None] == lax.broadcasted_iota(jnp.int32, (_TB, _VPAD), 1))
    oht = (ls[:, None] == lax.broadcasted_iota(jnp.int32, (_TB, _TPAD), 1))
    ve = jnp.dot(ohv.astype(jnp.bfloat16), vt_ref[...],
                 preferred_element_type=jnp.float32)
    te = jnp.dot(oht.astype(jnp.bfloat16), tt_ref[...],
                 preferred_element_type=jnp.float32)
    o_ref[...] = x_ref[...] + ve + te


_tc_embed_add = pl.pallas_call(
    _tc_body,
    grid=(_NB_TC,),
    in_specs=[
        pl.BlockSpec(memory_space=pl.ANY),
        pl.BlockSpec((_TB, _D), lambda i: (_NB_SC + i, 0)),
        pl.BlockSpec((1, 1, _TB), lambda i: (_NB_SC + i, 0, 0)),
        pl.BlockSpec((1, 1, _TB), lambda i: (_NB_SC + i, 0, 0)),
        pl.BlockSpec((_VPAD, _D), lambda i: (0, 0)),
        pl.BlockSpec((_TPAD, _D), lambda i: (0, 0)),
    ],
    out_specs=pl.BlockSpec((_TB, _D), lambda i: (_NB_SC + i, 0)),
    out_shape=jax.ShapeDtypeStruct((_N, _D), jnp.float32),
    input_output_aliases={0: 0},
)


def kernel(x, variable_seq, lead_time_seq, var_table, time_table):
    xf = x.reshape(_N, _D)
    vs_flat = variable_seq.reshape(_N).astype(jnp.int32)
    ls_flat = lead_time_seq.reshape(_N).astype(jnp.int32)

    vs_sc = vs_flat[:_N_SC].reshape(_NW, _NCHUNK, _T)
    ls_sc = ls_flat[:_N_SC].reshape(_NW, _NCHUNK, _T)
    out_sc = _sc_embed_add(xf, vs_sc, ls_sc, var_table, time_table)

    vs3 = vs_flat.reshape(_N // _TB, 1, _TB)
    ls3 = ls_flat.reshape(_N // _TB, 1, _TB)
    vtab_bf = jnp.pad(var_table, ((0, _VPAD - _VLEN), (0, 0))).astype(jnp.bfloat16)
    ttab_bf = jnp.pad(time_table, ((0, _TPAD - _TLEN), (0, 0))).astype(jnp.bfloat16)
    out = _tc_embed_add(out_sc, xf, vs3, ls3, vtab_bf, ttab_bf)

    return out.reshape(_B, _S, _D)

# --- scband reference (transcript-rebuilt; emitter-appended) ---
"""Pipeline reference for scband-embedding-6176162972455 (READ-ONLY COPY).

The authoritative reference and input builder live on the scoring server;
editing this copy changes nothing except your own understanding.
"""

import jax, jax.numpy as jnp
import numpy as np

B, S, D = 4, 4096, 768
VAR_LEN = 100
MAX_LEAD_TIME = 500

def setup_inputs(seed: int = 0) -> dict:
    key = jax.random.key(seed)
    k1, k2, k3, k4, k5 = jax.random.split(key, 5)
    x = jax.random.normal(k1, (B, S, D), dtype=jnp.float32)
    variable_seq = jax.random.randint(k2, (B, S), 0, VAR_LEN, dtype=jnp.int64 if jax.config.jax_enable_x64 else jnp.int32)
    lead_time_seq = jax.random.randint(k3, (B, S), 0, MAX_LEAD_TIME, dtype=jnp.int64 if jax.config.jax_enable_x64 else jnp.int32)
    # learned parameters (nn.Embedding default init ~ N(0,1))
    var_table = jax.random.normal(k4, (VAR_LEN, D), dtype=jnp.float32)
    time_table = jax.random.normal(k5, (MAX_LEAD_TIME, D), dtype=jnp.float32)
    return {"x": x, "variable_seq": variable_seq, "lead_time_seq": lead_time_seq, "var_table": var_table, "time_table": time_table}

def reference(x, variable_seq, lead_time_seq, var_table, time_table):
    # dropout is identity at inference (p only scales during training)
    var_emb = jnp.take(var_table, variable_seq, axis=0)
    time_emb = jnp.take(time_table, lead_time_seq, axis=0)
    return x + var_emb + time_emb

if __name__ == "__main__":
    import jax
    _d = setup_inputs()
    print(jax.jit(kernel)(*tuple(_d.values())))

</pallas_src>

<mosaic_0001>
#map = affine_map<(d0, d1) -> (0, 0)>
#map1 = affine_map<(d0, d1) -> (0, 0, 0)>
module attributes {stable_mosaic.version = 14 : i64} {
  func.func @_sc_embed_add(%arg0: i32, %arg1: i32, %arg2: memref<16384x768xf32, #tpu.memory_space<hbm>>, %arg3: memref<32x12x16xi32, #tpu.memory_space<hbm>>, %arg4: memref<32x12x16xi32, #tpu.memory_space<hbm>>, %arg5: memref<100x768xf32, #tpu.memory_space<hbm>>, %arg6: memref<500x768xf32, #tpu.memory_space<hbm>>, %arg7: memref<16384x768xf32, #tpu.memory_space<hbm>>, %arg8: memref<12x16xi32, #tpu.memory_space<vmem>>, %arg9: memref<12x16xi32, #tpu.memory_space<vmem>>, %arg10: memref<2x16x768xf32, #tpu.memory_space<vmem>>, %arg11: memref<2x16x768xf32, #tpu.memory_space<vmem>>, %arg12: memref<2x16x768xf32, #tpu.memory_space<vmem>>, %arg13: memref<2x16x768xf32, #tpu.memory_space<vmem>>, %arg14: memref<!tpu.dma_semaphore, #tpu.memory_space<semaphore_mem>>, %arg15: memref<!tpu.dma_semaphore, #tpu.memory_space<semaphore_mem>>, %arg16: memref<!tpu.dma_semaphore, #tpu.memory_space<semaphore_mem>>, %arg17: memref<!tpu.dma_semaphore, #tpu.memory_space<semaphore_mem>>) attributes {dimension_semantics = [#tpu.dimension_semantics<core_parallel>, #tpu.dimension_semantics<subcore_parallel>], iteration_bounds = array<i64: 2, 16>, scalar_prefetch = 0 : i64, scratch_operands = 10 : i64, tpu.core_type = #tpu.core_type<sc_vector_subcore>, window_params = [{transform_indices = #map}, {transform_indices = #map1}, {transform_indices = #map1}, {transform_indices = #map}, {transform_indices = #map}, {transform_indices = #map}]} {
    %mul3A = arith.constant 2 : i32
    %mul3A_0 = arith.muli %arg1, %mul3A : i32
    %add3A = arith.addi %mul3A_0, %arg0 : i32
    %mul3A_1 = arith.constant 192 : i32
    %mul3A_2 = arith.muli %add3A, %mul3A_1 : i32
    "tpu.region"() ({
      %run_scoped3A = tpu.sem_alloc : memref<!tpu.dma_semaphore, #tpu.memory_space<semaphore_mem>>
      %dma_start3A_114 = arith.constant 0 : i32
      %dma_start3A_115 = arith.constant 0 : i32
      %dma_start3A_116 = tpu.memref_slice %arg3[%add3A, %dma_start3A_114, %dma_start3A_115] : memref<32x12x16xi32, #tpu.memory_space<hbm>> -> memref<1x12x16xi32, #tpu.memory_space<hbm>>
      %dma_start3A_117 = tpu.memref_squeeze %dma_start3A_116 : memref<1x12x16xi32, #tpu.memory_space<hbm>> -> memref<12x16xi32, #tpu.memory_space<hbm>>
      %dma_start3A_118 = arith.constant 0 : i32
      %dma_start3A_119 = arith.constant 0 : i32
      %dma_start3A_120 = tpu.memref_slice %arg3[%add3A, %dma_start3A_118, %dma_start3A_119] : memref<32x12x16xi32, #tpu.memory_space<hbm>> -> memref<1x12x16xi32, #tpu.memory_space<hbm>>
      %dma_start3A_121 = tpu.memref_squeeze %dma_start3A_120 : memref<1x12x16xi32, #tpu.memory_space<hbm>> -> memref<12x16xi32, #tpu.memory_space<hbm>>
      tpu.enqueue_dma source(%dma_start3A_121 : memref<12x16xi32, #tpu.memory_space<hbm>>) target(%arg8 : memref<12x16xi32, #tpu.memory_space<vmem>>) target_semaphore(%run_scoped3A : memref<!tpu.dma_semaphore, #tpu.memory_space<semaphore_mem>>)
      %dma_wait3A_122 = arith.constant 0 : i32
      %dma_wait3A_123 = arith.constant 0 : i32
      %dma_wait3A_124 = tpu.memref_slice %arg3[%add3A, %dma_wait3A_122, %dma_wait3A_123] : memref<32x12x16xi32, #tpu.memory_space<hbm>> -> memref<1x12x16xi32, #tpu.memory_space<hbm>>
      %dma_wait3A_125 = tpu.memref_squeeze %dma_wait3A_124 : memref<1x12x16xi32, #tpu.memory_space<hbm>> -> memref<12x16xi32, #tpu.memory_space<hbm>>
      %dma_wait3A_126 = arith.constant 0 : i32
      %dma_wait3A_127 = arith.constant 0 : i32
      %dma_wait3A_128 = tpu.memref_slice %arg3[%add3A, %dma_wait3A_126, %dma_wait3A_127] : memref<32x12x16xi32, #tpu.memory_space<hbm>> -> memref<1x12x16xi32, #tpu.memory_space<hbm>>
      %dma_wait3A_129 = tpu.memref_squeeze %dma_wait3A_128 : memref<1x12x16xi32, #tpu.memory_space<hbm>> -> memref<12x16xi32, #tpu.memory_space<hbm>>
      tpu.wait_dma2 semaphore(%run_scoped3A : memref<!tpu.dma_semaphore, #tpu.memory_space<semaphore_mem>>) src(%dma_wait3A_129 : memref<12x16xi32, #tpu.memory_space<hbm>>) dst(%arg8 : memref<12x16xi32, #tpu.memory_space<vmem>>)
      tpu.yield
    }) : () -> ()
    "tpu.region"() ({
      %run_scoped3A = tpu.sem_alloc : memref<!tpu.dma_semaphore, #tpu.memory_space<semaphore_mem>>
      %dma_start3A_114 = arith.constant 0 : i32
      %dma_start3A_115 = arith.constant 0 : i32
      %dma_start3A_116 = tpu.memref_slice %arg4[%add3A, %dma_start3A_114, %dma_start3A_115] : memref<32x12x16xi32, #tpu.memory_space<hbm>> -> memref<1x12x16xi32, #tpu.memory_space<hbm>>
      %dma_start3A_117 = tpu.memref_squeeze %dma_start3A_116 : memref<1x12x16xi32, #tpu.memory_space<hbm>> -> memref<12x16xi32, #tpu.memory_space<hbm>>
      %dma_start3A_118 = arith.constant 0 : i32
      %dma_start3A_119 = arith.constant 0 : i32
      %dma_start3A_120 = tpu.memref_slice %arg4[%add3A, %dma_start3A_118, %dma_start3A_119] : memref<32x12x16xi32, #tpu.memory_space<hbm>> -> memref<1x12x16xi32, #tpu.memory_space<hbm>>
      %dma_start3A_121 = tpu.memref_squeeze %dma_start3A_120 : memref<1x12x16xi32, #tpu.memory_space<hbm>> -> memref<12x16xi32, #tpu.memory_space<hbm>>
      tpu.enqueue_dma source(%dma_start3A_121 : memref<12x16xi32, #tpu.memory_space<hbm>>) target(%arg9 : memref<12x16xi32, #tpu.memory_space<vmem>>) target_semaphore(%run_scoped3A : memref<!tpu.dma_semaphore, #tpu.memory_space<semaphore_mem>>)
      %dma_wait3A_122 = arith.constant 0 : i32
      %dma_wait3A_123 = arith.constant 0 : i32
      %dma_wait3A_124 = tpu.memref_slice %arg4[%add3A, %dma_wait3A_122, %dma_wait3A_123] : memref<32x12x16xi32, #tpu.memory_space<hbm>> -> memref<1x12x16xi32, #tpu.memory_space<hbm>>
      %dma_wait3A_125 = tpu.memref_squeeze %dma_wait3A_124 : memref<1x12x16xi32, #tpu.memory_space<hbm>> -> memref<12x16xi32, #tpu.memory_space<hbm>>
      %dma_wait3A_126 = arith.constant 0 : i32
      %dma_wait3A_127 = arith.constant 0 : i32
      %dma_wait3A_128 = tpu.memref_slice %arg4[%add3A, %dma_wait3A_126, %dma_wait3A_127] : memref<32x12x16xi32, #tpu.memory_space<hbm>> -> memref<1x12x16xi32, #tpu.memory_space<hbm>>
      %dma_wait3A_129 = tpu.memref_squeeze %dma_wait3A_128 : memref<1x12x16xi32, #tpu.memory_space<hbm>> -> memref<12x16xi32, #tpu.memory_space<hbm>>
      tpu.wait_dma2 semaphore(%run_scoped3A : memref<!tpu.dma_semaphore, #tpu.memory_space<semaphore_mem>>) src(%dma_wait3A_129 : memref<12x16xi32, #tpu.memory_space<hbm>>) dst(%arg9 : memref<12x16xi32, #tpu.memory_space<vmem>>)
      tpu.yield
    }) : () -> ()
    %add3A_3 = arith.constant 0 : i32
    %add3A_4 = arith.addi %mul3A_2, %add3A_3 : i32
    %dma_start3A = arith.constant 0 : i32
    %dma_start3A_5 = arith.constant 0 : i32
    %dma_start3A_6 = arith.constant 0 : i32
    %dma_start3A_7 = tpu.memref_slice %arg10[%dma_start3A, %dma_start3A_5, %dma_start3A_6] : memref<2x16x768xf32, #tpu.memory_space<vmem>> -> memref<1x16x768xf32, #tpu.memory_space<vmem>>
    %dma_start3A_8 = tpu.memref_squeeze %dma_start3A_7 : memref<1x16x768xf32, #tpu.memory_space<vmem>> -> memref<16x768xf32, #tpu.memory_space<vmem>>
    %dma_start3A_9 = arith.constant 0 : i32
    %dma_start3A_10 = tpu.memref_slice %arg2[%add3A_4, %dma_start3A_9] : memref<16384x768xf32, #tpu.memory_space<hbm>> -> memref<16x768xf32, #tpu.memory_space<hbm>>
    %dma_start3A_11 = arith.constant 0 : i32
    %dma_start3A_12 = arith.constant 0 : i32
    %dma_start3A_13 = tpu.memref_slice %arg10[%dma_start3A, %dma_start3A_11, %dma_start3A_12] : memref<2x16x768xf32, #tpu.memory_space<vmem>> -> memref<1x16x768xf32, #tpu.memory_space<vmem>>
    %dma_start3A_14 = tpu.memref_squeeze %dma_start3A_13 : memref<1x16x768xf32, #tpu.memory_space<vmem>> -> memref<16x768xf32, #tpu.memory_space<vmem>>
    %dma_start3A_15 = arith.constant 0 : i32
    %dma_start3A_16 = tpu.memref_slice %arg2[%add3A_4, %dma_start3A_15] : memref<16384x768xf32, #tpu.memory_space<hbm>> -> memref<16x768xf32, #tpu.memory_space<hbm>>
    tpu.enqueue_dma source(%dma_start3A_16 : memref<16x768xf32, #tpu.memory_space<hbm>>) target(%dma_start3A_14 : memref<16x768xf32, #tpu.memory_space<vmem>>) target_semaphore(%arg14 : memref<!tpu.dma_semaphore, #tpu.memory_space<semaphore_mem>>)
    %dma_start3A_17 = arith.constant 0 : i32
    %dma_start3A_18 = arith.constant 0 : i32
    %dma_start3A_19 = arith.constant 0 : i32
    %dma_start3A_20 = arith.constant 0 : i32
    %dma_start3A_21 = tpu.memref_slice %arg11[%dma_start3A_18, %dma_start3A_19, %dma_start3A_20] : memref<2x16x768xf32, #tpu.memory_space<vmem>> -> memref<1x16x768xf32, #tpu.memory_space<vmem>>
    %dma_start3A_22 = tpu.memref_squeeze %dma_start3A_21 : memref<1x16x768xf32, #tpu.memory_space<vmem>> -> memref<16x768xf32, #tpu.memory_space<vmem>>
    %dma_start3A_23 = arith.constant 0 : i32
    %dma_start3A_24 = tpu.memref_slice %arg8[%dma_start3A_17, %dma_start3A_23] : memref<12x16xi32, #tpu.memory_space<vmem>> -> memref<1x16xi32, #tpu.memory_space<vmem>>
    %dma_start3A_25 = tpu.memref_squeeze %dma_start3A_24 : memref<1x16xi32, #tpu.memory_space<vmem>> -> memref<16xi32, #tpu.memory_space<vmem>>
    %dma_start3A_26 = arith.constant 0 : i32
    %dma_start3A_27 = arith.constant 0 : i32
    %dma_start3A_28 = tpu.memref_slice %arg5[%dma_start3A_26, %dma_start3A_27] : memref<100x768xf32, #tpu.memory_space<hbm>> -> memref<100x768xf32, #tpu.memory_space<hbm>>
    tpu.enqueue_indirect_dma source(%dma_start3A_28 : memref<100x768xf32, #tpu.memory_space<hbm>>) target(%dma_start3A_22 : memref<16x768xf32, #tpu.memory_space<vmem>>) offsets(%dma_start3A_25 : memref<16xi32, #tpu.memory_space<vmem>>) semaphore(%arg14 : memref<!tpu.dma_semaphore, #tpu.memory_space<semaphore_mem>>)
    %dma_start3A_29 = arith.constant 0 : i32
    %dma_start3A_30 = arith.constant 0 : i32
    %dma_start3A_31 = arith.constant 0 : i32
    %dma_start3A_32 = arith.constant 0 : i32
    %dma_start3A_33 = tpu.memref_slice %arg12[%dma_start3A_30, %dma_start3A_31, %dma_start3A_32] : memref<2x16x768xf32, #tpu.memory_space<vmem>> -> memref<1x16x768xf32, #tpu.memory_space<vmem>>
    %dma_start3A_34 = tpu.memref_squeeze %dma_start3A_33 : memref<1x16x768xf32, #tpu.memory_space<vmem>> -> memref<16x768xf32, #tpu.memory_space<vmem>>
    %dma_start3A_35 = arith.constant 0 : i32
    %dma_start3A_36 = tpu.memref_slice %arg9[%dma_start3A_29, %dma_start3A_35] : memref<12x16xi32, #tpu.memory_space<vmem>> -> memref<1x16xi32, #tpu.memory_space<vmem>>
    %dma_start3A_37 = tpu.memref_squeeze %dma_start3A_36 : memref<1x16xi32, #tpu.memory_space<vmem>> -> memref<16xi32, #tpu.memory_space<vmem>>
    %dma_start3A_38 = arith.constant 0 : i32
    %dma_start3A_39 = arith.constant 0 : i32
    %dma_start3A_40 = tpu.memref_slice %arg6[%dma_start3A_38, %dma_start3A_39] : memref<500x768xf32, #tpu.memory_space<hbm>> -> memref<500x768xf32, #tpu.memory_space<hbm>>
    tpu.enqueue_indirect_dma source(%dma_start3A_40 : memref<500x768xf32, #tpu.memory_space<hbm>>) target(%dma_start3A_34 : memref<16x768xf32, #tpu.memory_space<vmem>>) offsets(%dma_start3A_37 : memref<16xi32, #tpu.memory_space<vmem>>) semaphore(%arg14 : memref<!tpu.dma_semaphore, #tpu.memory_space<semaphore_mem>>)
    %add3A_41 = arith.constant 16 : i32
    %add3A_42 = arith.addi %mul3A_2, %add3A_41 : i32
    %dma_start3A_43 = arith.constant 1 : i32
    %dma_start3A_44 = arith.constant 0 : i32
    %dma_start3A_45 = arith.constant 0 : i32
    %dma_start3A_46 = tpu.memref_slice %arg10[%dma_start3A_43, %dma_start3A_44, %dma_start3A_45] : memref<2x16x768xf32, #tpu.memory_space<vmem>> -> memref<1x16x768xf32, #tpu.memory_space<vmem>>
    %dma_start3A_47 = tpu.memref_squeeze %dma_start3A_46 : memref<1x16x768xf32, #tpu.memory_space<vmem>> -> memref<16x768xf32, #tpu.memory_space<vmem>>
    %dma_start3A_48 = arith.constant 0 : i32
    %dma_start3A_49 = tpu.memref_slice %arg2[%add3A_42, %dma_start3A_48] : memref<16384x768xf32, #tpu.memory_space<hbm>> -> memref<16x768xf32, #tpu.memory_space<hbm>>
    %dma_start3A_50 = arith.constant 0 : i32
    %dma_start3A_51 = arith.constant 0 : i32
    %dma_start3A_52 = tpu.memref_slice %arg10[%dma_start3A_43, %dma_start3A_50, %dma_start3A_51] : memref<2x16x768xf32, #tpu.memory_space<vmem>> -> memref<1x16x768xf32, #tpu.memory_space<vmem>>
    %dma_start3A_53 = tpu.memref_squeeze %dma_start3A_52 : memref<1x16x768xf32, #tpu.memory_space<vmem>> -> memref<16x768xf32, #tpu.memory_space<vmem>>
    %dma_start3A_54 = arith.constant 0 : i32
    %dma_start3A_55 = tpu.memref_slice %arg2[%add3A_42, %dma_start3A_54] : memref<16384x768xf32, #tpu.memory_space<hbm>> -> memref<16x768xf32, #tpu.memory_space<hbm>>
    tpu.enqueue_dma source(%dma_start3A_55 : memref<16x768xf32, #tpu.memory_space<hbm>>) target(%dma_start3A_53 : memref<16x768xf32, #tpu.memory_space<vmem>>) target_semaphore(%arg15 : memref<!tpu.dma_semaphore, #tpu.memory_space<semaphore_mem>>)
    %dma_start3A_56 = arith.constant 1 : i32
    %dma_start3A_57 = arith.constant 1 : i32
    %dma_start3A_58 = arith.constant 0 : i32
    %dma_start3A_59 = arith.constant 0 : i32
    %dma_start3A_60 = tpu.memref_slice %arg11[%dma_start3A_57, %dma_start3A_58, %dma_start3A_59] : memref<2x16x768xf32, #tpu.memory_space<vmem>> -> memref<1x16x768xf32, #tpu.memory_space<vmem>>
    %dma_start3A_61 = tpu.memref_squeeze %dma_start3A_60 : memref<1x16x768xf32, #tpu.memory_space<vmem>> -> memref<16x768xf32, #tpu.memory_space<vmem>>
    %dma_start3A_62 = arith.constant 0 : i32
    %dma_start3A_63 = tpu.memref_slice %arg8[%dma_start3A_56, %dma_start3A_62] : memref<12x16xi32, #tpu.memory_space<vmem>> -> memref<1x16xi32, #tpu.memory_space<vmem>>
    %dma_start3A_64 = tpu.memref_squeeze %dma_start3A_63 : memref<1x16xi32, #tpu.memory_space<vmem>> -> memref<16xi32, #tpu.memory_space<vmem>>
    %dma_start3A_65 = arith.constant 0 : i32
    %dma_start3A_66 = arith.constant 0 : i32
    %dma_start3A_67 = tpu.memref_slice %arg5[%dma_start3A_65, %dma_start3A_66] : memref<100x768xf32, #tpu.memory_space<hbm>> -> memref<100x768xf32, #tpu.memory_space<hbm>>
    tpu.enqueue_indirect_dma source(%dma_start3A_67 : memref<100x768xf32, #tpu.memory_space<hbm>>) target(%dma_start3A_61 : memref<16x768xf32, #tpu.memory_space<vmem>>) offsets(%dma_start3A_64 : memref<16xi32, #tpu.memory_space<vmem>>) semaphore(%arg15 : memref<!tpu.dma_semaphore, #tpu.memory_space<semaphore_mem>>)
    %dma_start3A_68 = arith.constant 1 : i32
    %dma_start3A_69 = arith.constant 1 : i32
    %dma_start3A_70 = arith.constant 0 : i32
    %dma_start3A_71 = arith.constant 0 : i32
    %dma_start3A_72 = tpu.memref_slice %arg12[%dma_start3A_69, %dma_start3A_70, %dma_start3A_71] : memref<2x16x768xf32, #tpu.memory_space<vmem>> -> memref<1x16x768xf32, #tpu.memory_space<vmem>>
    %dma_start3A_73 = tpu.memref_squeeze %dma_start3A_72 : memref<1x16x768xf32, #tpu.memory_space<vmem>> -> memref<16x768xf32, #tpu.memory_space<vmem>>
    %dma_start3A_74 = arith.constant 0 : i32
    %dma_start3A_75 = tpu.memref_slice %arg9[%dma_start3A_68, %dma_start3A_74] : memref<12x16xi32, #tpu.memory_space<vmem>> -> memref<1x16xi32, #tpu.memory_space<vmem>>
    %dma_start3A_76 = tpu.memref_squeeze %dma_start3A_75 : memref<1x16xi32, #tpu.memory_space<vmem>> -> memref<16xi32, #tpu.memory_space<vmem>>
    %dma_start3A_77 = arith.constant 0 : i32
    %dma_start3A_78 = arith.constant 0 : i32
    %dma_start3A_79 = tpu.memref_slice %arg6[%dma_start3A_77, %dma_start3A_78] : memref<500x768xf32, #tpu.memory_space<hbm>> -> memref<500x768xf32, #tpu.memory_space<hbm>>
    tpu.enqueue_indirect_dma source(%dma_start3A_79 : memref<500x768xf32, #tpu.memory_space<hbm>>) target(%dma_start3A_73 : memref<16x768xf32, #tpu.memory_space<vmem>>) offsets(%dma_start3A_76 : memref<16xi32, #tpu.memory_space<vmem>>) semaphore(%arg15 : memref<!tpu.dma_semaphore, #tpu.memory_space<semaphore_mem>>)
    %scan3A = arith.constant 0 : i32
    %scan3A_80 = arith.constant 0 : i32
    %scan3A_81 = arith.constant 6 : i32
    %scan3A_82 = arith.addi %scan3A_80, %scan3A_81 : i32
    %scan3A_83 = arith.constant 1 : i32
    scf.for %scan3A_114 = %scan3A_80 to %scan3A_82 step %scan3A_83  : i32 {
      %mul3A_115 = arith.constant 2 : i32
      %mul3A_116 = arith.muli %scan3A_114, %mul3A_115 : i32
      %add3A_117 = arith.constant 0 : i32
      %add3A_118 = arith.addi %mul3A_116, %add3A_117 : i32
      %mul3A_119 = arith.constant 16 : i32
      %mul3A_120 = arith.muli %add3A_118, %mul3A_119 : i32
      %add3A_121 = arith.addi %mul3A_2, %mul3A_120 : i32
      %dma_wait3A_122 = arith.constant 0 : i32
      %dma_wait3A_123 = arith.constant 0 : i32
      %dma_wait3A_124 = arith.constant 0 : i32
      %dma_wait3A_125 = tpu.memref_slice %arg10[%dma_wait3A_122, %dma_wait3A_123, %dma_wait3A_124] : memref<2x16x768xf32, #tpu.memory_space<vmem>> -> memref<1x16x768xf32, #tpu.memory_space<vmem>>
      %dma_wait3A_126 = tpu.memref_squeeze %dma_wait3A_125 : memref<1x16x768xf32, #tpu.memory_space<vmem>> -> memref<16x768xf32, #tpu.memory_space<vmem>>
      %dma_wait3A_127 = arith.constant 0 : i32
      %dma_wait3A_128 = tpu.memref_slice %arg2[%add3A_121, %dma_wait3A_127] : memref<16384x768xf32, #tpu.memory_space<hbm>> -> memref<16x768xf32, #tpu.memory_space<hbm>>
      %dma_wait3A_129 = arith.constant 0 : i32
      %dma_wait3A_130 = arith.constant 0 : i32
      %dma_wait3A_131 = tpu.memref_slice %arg10[%dma_wait3A_122, %dma_wait3A_129, %dma_wait3A_130] : memref<2x16x768xf32, #tpu.memory_space<vmem>> -> memref<1x16x768xf32, #tpu.memory_space<vmem>>
      %dma_wait3A_132 = tpu.memref_squeeze %dma_wait3A_131 : memref<1x16x768xf32, #tpu.memory_space<vmem>> -> memref<16x768xf32, #tpu.memory_space<vmem>>
      %dma_wait3A_133 = arith.constant 0 : i32
      %dma_wait3A_134 = tpu.memref_slice %arg2[%add3A_121, %dma_wait3A_133] : memref<16384x768xf32, #tpu.memory_space<hbm>> -> memref<16x768xf32, #tpu.memory_space<hbm>>
      tpu.wait_dma2 semaphore(%arg14 : memref<!tpu.dma_semaphore, #tpu.memory_space<semaphore_mem>>) src(%dma_wait3A_134 : memref<16x768xf32, #tpu.memory_space<hbm>>) dst(%dma_wait3A_132 : memref<16x768xf32, #tpu.memory_space<vmem>>)
      %dma_wait3A_135 = arith.constant 0 : i32
      %dma_wait3A_136 = arith.constant 0 : i32
      %dma_wait3A_137 = arith.constant 0 : i32
      %dma_wait3A_138 = tpu.memref_slice %arg11[%dma_wait3A_135, %dma_wait3A_136, %dma_wait3A_137] : memref<2x16x768xf32, #tpu.memory_space<vmem>> -> memref<1x16x768xf32, #tpu.memory_space<vmem>>
      %dma_wait3A_139 = tpu.memref_squeeze %dma_wait3A_138 : memref<1x16x768xf32, #tpu.memory_space<vmem>> -> memref<16x768xf32, #tpu.memory_space<vmem>>
      %dma_wait3A_140 = arith.constant 0 : i32
      %dma_wait3A_141 = tpu.memref_slice %arg8[%add3A_118, %dma_wait3A_140] : memref<12x16xi32, #tpu.memory_space<vmem>> -> memref<1x16xi32, #tpu.memory_space<vmem>>
      %dma_wait3A_142 = tpu.memref_squeeze %dma_wait3A_141 : memref<1x16xi32, #tpu.memory_space<vmem>> -> memref<16xi32, #tpu.memory_space<vmem>>
      %dma_wait3A_143 = arith.constant 0 : i32
      %dma_wait3A_144 = arith.constant 0 : i32
      %dma_wait3A_145 = tpu.memref_slice %arg5[%dma_wait3A_143, %dma_wait3A_144] : memref<100x768xf32, #tpu.memory_space<hbm>> -> memref<100x768xf32, #tpu.memory_space<hbm>>
      tpu.wait_indirect_dma semaphore(%arg14 : memref<!tpu.dma_semaphore, #tpu.memory_space<semaphore_mem>>) src(%dma_wait3A_145 : memref<100x768xf32, #tpu.memory_space<hbm>>) dst(%dma_wait3A_139 : memref<16x768xf32, #tpu.memory_space<vmem>>)
      %dma_wait3A_146 = arith.constant 0 : i32
      %dma_wait3A_147 = arith.constant 0 : i32
      %dma_wait3A_148 = arith.constant 0 : i32
      %dma_wait3A_149 = tpu.memref_slice %arg12[%dma_wait3A_146, %dma_wait3A_147, %dma_wait3A_148] : memref<2x16x768xf32, #tpu.memory_space<vmem>> -> memref<1x16x768xf32, #tpu.memory_space<vmem>>
      %dma_wait3A_150 = tpu.memref_squeeze %dma_wait3A_149 : memref<1x16x768xf32, #tpu.memory_space<vmem>> -> memref<16x768xf32, #tpu.memory_space<vmem>>
      %dma_wait3A_151 = arith.constant 0 : i32
      %dma_wait3A_152 = tpu.memref_slice %arg9[%add3A_118, %dma_wait3A_151] : memref<12x16xi32, #tpu.memory_space<vmem>> -> memref<1x16xi32, #tpu.memory_space<vmem>>
      %dma_wait3A_153 = tpu.memref_squeeze %dma_wait3A_152 : memref<1x16xi32, #tpu.memory_space<vmem>> -> memref<16xi32, #tpu.memory_space<vmem>>
      %dma_wait3A_154 = arith.constant 0 : i32
      %dma_wait3A_155 = arith.constant 0 : i32
      %dma_wait3A_156 = tpu.memref_slice %arg6[%dma_wait3A_154, %dma_wait3A_155] : memref<500x768xf32, #tpu.memory_space<hbm>> -> memref<500x768xf32, #tpu.memory_space<hbm>>
      tpu.wait_indirect_dma semaphore(%arg14 : memref<!tpu.dma_semaphore, #tpu.memory_space<semaphore_mem>>) src(%dma_wait3A_156 : memref<500x768xf32, #tpu.memory_space<hbm>>) dst(%dma_wait3A_150 : memref<16x768xf32, #tpu.memory_space<vmem>>)
      %gt3A = arith.constant 0 : i32
      %gt3A_157 = arith.cmpi sgt, %scan3A_114, %gt3A : i32
      %convert_element_type3A = arith.extui %gt3A_157 : i1 to i32
      %cond3A = arith.constant 0 : i32
      %cond3A_158 = arith.cmpi ne, %convert_element_type3A, %cond3A : i32
      scf.if %cond3A_158 {
        %sub3A = arith.constant 2 : i32
        %sub3A_259 = arith.subi %add3A_118, %sub3A : i32
        %mul3A_260 = arith.constant 16 : i32
        %mul3A_261 = arith.muli %sub3A_259, %mul3A_260 : i32
        %add3A_262 = arith.addi %mul3A_2, %mul3A_261 : i32
        %dma_wait3A_263 = arith.constant 0 : i32
        %dma_wait3A_264 = arith.constant 0 : i32
        %dma_wait3A_265 = arith.constant 0 : i32
        %dma_wait3A_266 = tpu.memref_slice %arg13[%dma_wait3A_263, %dma_wait3A_264, %dma_wait3A_265] : memref<2x16x768xf32, #tpu.memory_space<vmem>> -> memref<1x16x768xf32, #tpu.memory_space<vmem>>
        %dma_wait3A_267 = tpu.memref_squeeze %dma_wait3A_266 : memref<1x16x768xf32, #tpu.memory_space<vmem>> -> memref<16x768xf32, #tpu.memory_space<vmem>>
        %dma_wait3A_268 = arith.constant 0 : i32
        %dma_wait3A_269 = tpu.memref_slice %arg7[%add3A_262, %dma_wait3A_268] : memref<16384x768xf32, #tpu.memory_space<hbm>> -> memref<16x768xf32, #tpu.memory_space<hbm>>
        %dma_wait3A_270 = arith.constant 0 : i32
        %dma_wait3A_271 = tpu.memref_slice %arg7[%add3A_262, %dma_wait3A_270] : memref<16384x768xf32, #tpu.memory_space<hbm>> -> memref<16x768xf32, #tpu.memory_space<hbm>>
        %dma_wait3A_272 = arith.constant 0 : i32
        %dma_wait3A_273 = arith.constant 0 : i32
        %dma_wait3A_274 = tpu.memref_slice %arg13[%dma_wait3A_263, %dma_wait3A_272, %dma_wait3A_273] : memref<2x16x768xf32, #tpu.memory_space<vmem>> -> memref<1x16x768xf32, #tpu.memory_space<vmem>>
        %dma_wait3A_275 = tpu.memref_squeeze %dma_wait3A_274 : memref<1x16x768xf32, #tpu.memory_space<vmem>> -> memref<16x768xf32, #tpu.memory_space<vmem>>
        tpu.wait_dma2 semaphore(%arg16 : memref<!tpu.dma_semaphore, #tpu.memory_space<semaphore_mem>>) src(%dma_wait3A_275 : memref<16x768xf32, #tpu.memory_space<vmem>>) dst(%dma_wait3A_271 : memref<16x768xf32, #tpu.memory_space<hbm>>)
      } else {
      }
      %scan3A_159 = arith.constant 0 : i32
      %scan3A_160 = arith.constant 0 : i32
      %scan3A_161 = arith.constant 16 : i32
      %scan3A_162 = arith.addi %scan3A_160, %scan3A_161 : i32
      %scan3A_163 = arith.constant 1 : i32
      scf.for %scan3A_259 = %scan3A_160 to %scan3A_162 step %scan3A_163  : i32 {
        %get3A = arith.constant 0 : i32
        %get3A_260 = arith.index_cast %get3A : i32 to index
        %get3A_261 = arith.index_cast %scan3A_259 : i32 to index
        %get3A_262 = arith.constant 0 : index
        %get3A_263 = tpu.vector_load %arg10[%get3A_260, %get3A_261, %get3A_262] {strides = array<i32>} : memref<2x16x768xf32, #tpu.memory_space<vmem>>, vector<1x1x16xf32>,
        %get3A_264 = vector.shape_cast %get3A_263 : vector<1x1x16xf32> to vector<16xf32>
        %get3A_265 = arith.constant 0 : i32
        %get3A_266 = arith.index_cast %get3A_265 : i32 to index
        %get3A_267 = arith.index_cast %scan3A_259 : i32 to index
        %get3A_268 = arith.constant 0 : index
        %get3A_269 = tpu.vector_load %arg11[%get3A_266, %get3A_267, %get3A_268] {strides = array<i32>} : memref<2x16x768xf32, #tpu.memory_space<vmem>>, vector<1x1x16xf32>,
        %get3A_270 = vector.shape_cast %get3A_269 : vector<1x1x16xf32> to vector<16xf32>
        %add3A_271 = arith.addf %get3A_264, %get3A_270 : vector<16xf32>
        %get3A_272 = arith.constant 0 : i32
        %get3A_273 = arith.index_cast %get3A_272 : i32 to index
        %get3A_274 = arith.index_cast %scan3A_259 : i32 to index
        %get3A_275 = arith.constant 0 : index
        %get3A_276 = tpu.vector_load %arg12[%get3A_273, %get3A_274, %get3A_275] {strides = array<i32>} : memref<2x16x768xf32, #tpu.memory_space<vmem>>, vector<1x1x16xf32>,
        %get3A_277 = vector.shape_cast %get3A_276 : vector<1x1x16xf32> to vector<16xf32>
        %add3A_278 = arith.addf %add3A_271, %get3A_277 : vector<16xf32>
        %swap3A = arith.constant 0 : i32
        %swap3A_279 = arith.index_cast %swap3A : i32 to index
        %swap3A_280 = arith.index_cast %scan3A_259 : i32 to index
        %swap3A_281 = arith.constant 0 : index
        %swap3A_282 = tpu.vector_load %arg13[%swap3A_279, %swap3A_280, %swap3A_281] {strides = array<i32>} : memref<2x16x768xf32, #tpu.memory_space<vmem>>, vector<1x1x16xf32>,
        %swap3A_283 = vector.shape_cast %swap3A_282 : vector<1x1x16xf32> to vector<16xf32>
        %swap3A_284 = vector.shape_cast %add3A_278 : vector<16xf32> to vector<1x1x16xf32>
        tpu.vector_store %arg13[%swap3A_279, %swap3A_280, %swap3A_281], %swap3A_284 {strides = array<i32>} : memref<2x16x768xf32, #tpu.memory_space<vmem>>, vector<1x1x16xf32>,
        %get3A_285 = arith.constant 0 : i32
        %get3A_286 = arith.index_cast %get3A_285 : i32 to index
        %get3A_287 = arith.index_cast %scan3A_259 : i32 to index
        %get3A_288 = arith.constant 16 : index
        %get3A_289 = tpu.vector_load %arg10[%get3A_286, %get3A_287, %get3A_288] {strides = array<i32>} : memref<2x16x768xf32, #tpu.memory_space<vmem>>, vector<1x1x16xf32>,
        %get3A_290 = vector.shape_cast %get3A_289 : vector<1x1x16xf32> to vector<16xf32>
        %get3A_291 = arith.constant 0 : i32
        %get3A_292 = arith.index_cast %get3A_291 : i32 to index
        %get3A_293 = arith.index_cast %scan3A_259 : i32 to index
        %get3A_294 = arith.constant 16 : index
        %get3A_295 = tpu.vector_load %arg11[%get3A_292, %get3A_293, %get3A_294] {strides = array<i32>} : memref<2x16x768xf32, #tpu.memory_space<vmem>>, vector<1x1x16xf32>,
        %get3A_296 = vector.shape_cast %get3A_295 : vector<1x1x16xf32> to vector<16xf32>
        %add3A_297 = arith.addf %get3A_290, %get3A_296 : vector<16xf32>
        %get3A_298 = arith.constant 0 : i32
        %get3A_299 = arith.index_cast %get3A_298 : i32 to index
        %get3A_300 = arith.index_cast %scan3A_259 : i32 to index
        %get3A_301 = arith.constant 16 : index
        %get3A_302 = tpu.vector_load %arg12[%get3A_299, %get3A_300, %get3A_301] {strides = array<i32>} : memref<2x16x768xf32, #tpu.memory_space<vmem>>, vector<1x1x16xf32>,
        %get3A_303 = vector.shape_cast %get3A_302 : vector<1x1x16xf32> to vector<16xf32>
        %add3A_304 = arith.addf %add3A_297, %get3A_303 : vector<16xf32>
        %swap3A_305 = arith.constant 0 : i32
        %swap3A_306 = arith.index_cast %swap3A_305 : i32 to index
        %swap3A_307 = arith.index_cast %scan3A_259 : i32 to index
        %swap3A_308 = arith.constant 16 : index
        %swap3A_309 = tpu.vector_load %arg13[%swap3A_306, %swap3A_307, %swap3A_308] {strides = array<i32>} : memref<2x16x768xf32, #tpu.memory_space<vmem>>, vector<1x1x16xf32>,
        %swap3A_310 = vector.shape_cast %swap3A_309 : vector<1x1x16xf32> to vector<16xf32>
        %swap3A_311 = vector.shape_cast %add3A_304 : vector<16xf32> to vector<1x1x16xf32>
        tpu.vector_store %arg13[%swap3A_306, %swap3A_307, %swap3A_308], %swap3A_311 {strides = array<i32>} : memref<2x16x768xf32, #tpu.memory_space<vmem>>, vector<1x1x16xf32>,
        %get3A_312 = arith.constant 0 : i32
        %get3A_313 = arith.index_cast %get3A_312 : i32 to index
        %get3A_314 = arith.index_cast %scan3A_259 : i32 to index
        %get3A_315 = arith.constant 32 : index
        %get3A_316 = tpu.vector_load %arg10[%get3A_313, %get3A_314, %get3A_315] {strides = array<i32>} : memref<2x16x768xf32, #tpu.memory_space<vmem>>, vector<1x1x16xf32>,
        %get3A_317 = vector.shape_cast %get3A_316 : vector<1x1x16xf32> to vector<16xf32>
        %get3A_318 = arith.constant 0 : i32
        %get3A_319 = arith.index_cast %get3A_318 : i32 to index
        %get3A_320 = arith.index_cast %scan3A_259 : i32 to index
        %get3A_321 = arith.constant 32 : index
        %get3A_322 = tpu.vector_load %arg11[%get3A_319, %get3A_320, %get3A_321] {strides = array<i32>} : memref<2x16x768xf32, #tpu.memory_space<vmem>>, vector<1x1x16xf32>,
        %get3A_323 = vector.shape_cast %get3A_322 : vector<1x1x16xf32> to vector<16xf32>
        %add3A_324 = arith.addf %get3A_317, %get3A_323 : vector<16xf32>
        %get3A_325 = arith.constant 0 : i32
        %get3A_326 = arith.index_cast %get3A_325 : i32 to index
        %get3A_327 = arith.index_cast %scan3A_259 : i32 to index
        %get3A_328 = arith.constant 32 : index
        %get3A_329 = tpu.vector_load %arg12[%get3A_326, %get3A_327, %get3A_328] {strides = array<i32>} : memref<2x16x768xf32, #tpu.memory_space<vmem>>, vector<1x1x16xf32>,
        %get3A_330 = vector.shape_cast %get3A_329 : vector<1x1x16xf32> to vector<16xf32>
        %add3A_331 = arith.addf %add3A_324, %get3A_330 : vector<16xf32>
        %swap3A_332 = arith.constant 0 : i32
        %swap3A_333 = arith.index_cast %swap3A_332 : i32 to index
        %swap3A_334 = arith.index_cast %scan3A_259 : i32 to index
        %swap3A_335 = arith.constant 32 : index
        %swap3A_336 = tpu.vector_load %arg13[%swap3A_333, %swap3A_334, %swap3A_335] {strides = array<i32>} : memref<2x16x768xf32, #tpu.memory_space<vmem>>, vector<1x1x16xf32>,
        %swap3A_337 = vector.shape_cast %swap3A_336 : vector<1x1x16xf32> to vector<16xf32>
        %swap3A_338 = vector.shape_cast %add3A_331 : vector<16xf32> to vector<1x1x16xf32>
        tpu.vector_store %arg13[%swap3A_333, %swap3A_334, %swap3A_335], %swap3A_338 {strides = array<i32>} : memref<2x16x768xf32, #tpu.memory_space<vmem>>, vector<1x1x16xf32>,
        %get3A_339 = arith.constant 0 : i32
        %get3A_340 = arith.index_cast %get3A_339 : i32 to index
        %get3A_341 = arith.index_cast %scan3A_259 : i32 to index
        %get3A_342 = arith.constant 48 : index
        %get3A_343 = tpu.vector_load %arg10[%get3A_340, %get3A_341, %get3A_342] {strides = array<i32>} : memref<2x16x768xf32, #tpu.memory_space<vmem>>, vector<1x1x16xf32>,
        %get3A_344 = vector.shape_cast %get3A_343 : vector<1x1x16xf32> to vector<16xf32>
        %get3A_345 = arith.constant 0 : i32
        %get3A_346 = arith.index_cast %get3A_345 : i32 to index
        %get3A_347 = arith.index_cast %scan3A_259 : i32 to index
        %get3A_348 = arith.constant 48 : index
        %get3A_349 = tpu.vector_load %arg11[%get3A_346, %get3A_347, %get3A_348] {strides = array<i32>} : memref<2x16x768xf32, #tpu.memory_space<vmem>>, vector<1x1x16xf32>,
        %get3A_350 = vector.shape_cast %get3A_349 : vector<1x1x16xf32> to vector<16xf32>
        %add3A_351 = arith.addf %get3A_344, %get3A_350 : vector<16xf32>
        %get3A_352 = arith.constant 0 : i32
        %get3A_353 = arith.index_cast %get3A_352 : i32 to index
        %get3A_354 = arith.index_cast %scan3A_259 : i32 to index
        %get3A_355 = arith.constant 48 : index
        %get3A_356 = tpu.vector_load %arg12[%get3A_353, %get3A_354, %get3A_355] {strides = array<i32>} : memref<2x16x768xf32, #tpu.memory_space<vmem>>, vector<1x1x16xf32>,
        %get3A_357 = vector.shape_cast %get3A_356 : vector<1x1x16xf32> to vector<16xf32>
        %add3A_358 = arith.addf %add3A_351, %get3A_357 : vector<16xf32>
        %swap3A_359 = arith.constant 0 : i32
        %swap3A_360 = arith.index_cast %swap3A_359 : i32 to index
        %swap3A_361 = arith.index_cast %scan3A_259 : i32 to index
        %swap3A_362 = arith.constant 48 : index
        %swap3A_363 = tpu.vector_load %arg13[%swap3A_360, %swap3A_361, %swap3A_362] {strides = array<i32>} : memref<2x16x768xf32, #tpu.memory_space<vmem>>, vector<1x1x16xf32>,
        %swap3A_364 = vector.shape_cast %swap3A_363 : vector<1x1x16xf32> to vector<16xf32>
        %swap3A_365 = vector.shape_cast %add3A_358 : vector<16xf32> to vector<1x1x16xf32>
        tpu.vector_store %arg13[%swap3A_360, %swap3A_361, %swap3A_362], %swap3A_365 {strides = array<i32>} : memref<2x16x768xf32, #tpu.memory_space<vmem>>, vector<1x1x16xf32>,
        %get3A_366 = arith.constant 0 : i32
        %get3A_367 = arith.index_cast %get3A_366 : i32 to index
        %get3A_368 = arith.index_cast %scan3A_259 : i32 to index
        %get3A_369 = arith.constant 64 : index
        %get3A_370 = tpu.vector_load %arg10[%get3A_367, %get3A_368, %get3A_369] {strides = array<i32>} : memref<2x16x768xf32, #tpu.memory_space<vmem>>, vector<1x1x16xf32>,
        %get3A_371 = vector.shape_cast %get3A_370 : vector<1x1x16xf32> to vector<16xf32>
        %get3A_372 = arith.constant 0 : i32
        %get3A_373 = arith.index_cast %get3A_372 : i32 to index
        %get3A_374 = arith.index_cast %scan3A_259 : i32 to index
        %get3A_375 = arith.constant 64 : index
        %get3A_376 = tpu.vector_load %arg11[%get3A_373, %get3A_374, %get3A_375] {strides = array<i32>} : memref<2x16x768xf32, #tpu.memory_space<vmem>>, vector<1x1x16xf32>,
        %get3A_377 = vector.shape_cast %get3A_376 : vector<1x1x16xf32> to vector<16xf32>
        %add3A_378 = arith.addf %get3A_371, %get3A_377 : vector<16xf32>
        %get3A_379 = arith.constant 0 : i32
        %get3A_380 = arith.index_cast %get3A_379 : i32 to index
        %get3A_381 = arith.index_cast %scan3A_259 : i32 to index
        %get3A_382 = arith.constant 64 : index
        %get3A_383 = tpu.vector_load %arg12[%get3A_380, %get3A_381, %get3A_382] {strides = array<i32>} : memref<2x16x768xf32, #tpu.memory_space<vmem>>, vector<1x1x16xf32>,
        %get3A_384 = vector.shape_cast %get3A_383 : vector<1x1x16xf32> to vector<16xf32>
        %add3A_385 = arith.addf %add3A_378, %get3A_384 : vector<16xf32>
        %swap3A_386 = arith.constant 0 : i32
        %swap3A_387 = arith.index_cast %swap3A_386 : i32 to index
        %swap3A_388 = arith.index_cast %scan3A_259 : i32 to index
        %swap3A_389 = arith.constant 64 : index
        %swap3A_390 = tpu.vector_load %arg13[%swap3A_387, %swap3A_388, %swap3A_389] {strides = array<i32>} : memref<2x16x768xf32, #tpu.memory_space<vmem>>, vector<1x1x16xf32>,
        %swap3A_391 = vector.shape_cast %swap3A_390 : vector<1x1x16xf32> to vector<16xf32>
        %swap3A_392 = vector.shape_cast %add3A_385 : vector<16xf32> to vector<1x1x16xf32>
        tpu.vector_store %arg13[%swap3A_387, %swap3A_388, %swap3A_389], %swap3A_392 {strides = array<i32>} : memref<2x16x768xf32, #tpu.memory_space<vmem>>, vector<1x1x16xf32>,
        %get3A_393 = arith.constant 0 : i32
        %get3A_394 = arith.index_cast %get3A_393 : i32 to index
        %get3A_395 = arith.index_cast %scan3A_259 : i32 to index
        %get3A_396 = arith.constant 80 : index
        %get3A_397 = tpu.vector_load %arg10[%get3A_394, %get3A_395, %get3A_396] {strides = array<i32>} : memref<2x16x768xf32, #tpu.memory_space<vmem>>, vector<1x1x16xf32>,
        %get3A_398 = vector.shape_cast %get3A_397 : vector<1x1x16xf32> to vector<16xf32>
        %get3A_399 = arith.constant 0 : i32
        %get3A_400 = arith.index_cast %get3A_399 : i32 to index
        %get3A_401 = arith.index_cast %scan3A_259 : i32 to index
        %get3A_402 = arith.constant 80 : index
        %get3A_403 = tpu.vector_load %arg11[%get3A_400, %get3A_401, %get3A_402] {strides = array<i32>} : memref<2x16x768xf32, #tpu.memory_space<vmem>>, vector<1x1x16xf32>,
        %get3A_404 = vector.shape_cast %get3A_403 : vector<1x1x16xf32> to vector<16xf32>
        %add3A_405 = arith.addf %get3A_398, %get3A_404 : vector<16xf32>
        %get3A_406 = arith.constant 0 : i32
        %get3A_407 = arith.index_cast %get3A_406 : i32 to index
        %get3A_408 = arith.index_cast %scan3A_259 : i32 to index
        %get3A_409 = arith.constant 80 : index
        %get3A_410 = tpu.vector_load %arg12[%get3A_407, %get3A_408, %get3A_409] {strides = array<i32>} : memref<2x16x768xf32, #tpu.memory_space<vmem>>, vector<1x1x16xf32>,
        %get3A_411 = vector.shape_cast %get3A_410 : vector<1x1x16xf32> to vector<16xf32>
        %add3A_412 = arith.addf %add3A_405, %get3A_411 : vector<16xf32>
        %swap3A_413 = arith.constant 0 : i32
        %swap3A_414 = arith.index_cast %swap3A_413 : i32 to index
        %swap3A_415 = arith.index_cast %scan3A_259 : i32 to index
        %swap3A_416 = arith.constant 80 : index
        %swap3A_417 = tpu.vector_load %arg13[%swap3A_414, %swap3A_415, %swap3A_416] {strides = array<i32>} : memref<2x16x768xf32, #tpu.memory_space<vmem>>, vector<1x1x16xf32>,
        %swap3A_418 = vector.shape_cast %swap3A_417 : vector<1x1x16xf32> to vector<16xf32>
        %swap3A_419 = vector.shape_cast %add3A_412 : vector<16xf32> to vector<1x1x16xf32>
        tpu.vector_store %arg13[%swap3A_414, %swap3A_415, %swap3A_416], %swap3A_419 {strides = array<i32>} : memref<2x16x768xf32, #tpu.memory_space<vmem>>, vector<1x1x16xf32>,
        %get3A_420 = arith.constant 0 : i32
        %get3A_421 = arith.index_cast %get3A_420 : i32 to index
        %get3A_422 = arith.index_cast %scan3A_259 : i32 to index
        %get3A_423 = arith.constant 96 : index
        %get3A_424 = tpu.vector_load %arg10[%get3A_421, %get3A_422, %get3A_423] {strides = array<i32>} : memref<2x16x768xf32, #tpu.memory_space<vmem>>, vector<1x1x16xf32>,
        %get3A_425 = vector.shape_cast %get3A_424 : vector<1x1x16xf32> to vector<16xf32>
        %get3A_426 = arith.constant 0 : i32
        %get3A_427 = arith.index_cast %get3A_426 : i32 to index
        %get3A_428 = arith.index_cast %scan3A_259 : i32 to index
        %get3A_429 = arith.constant 96 : index
        %get3A_430 = tpu.vector_load %arg11[%get3A_427, %get3A_428, %get3A_429] {strides = array<i32>} : memref<2x16x768xf32, #tpu.memory_space<vmem>>, vector<1x1x16xf32>,
        %get3A_431 = vector.shape_cast %get3A_430 : vector<1x1x16xf32> to vector<16xf32>
        %add3A_432 = arith.addf %get3A_425, %get3A_431 : vector<16xf32>
        %get3A_433 = arith.constant 0 : i32
        %get3A_434 = arith.index_cast %get3A_433 : i32 to index
        %get3A_435 = arith.index_cast %scan3A_259 : i32 to index
        %get3A_436 = arith.constant 96 : index
        %get3A_437 = tpu.vector_load %arg12[%get3A_434, %get3A_435, %get3A_436] {strides = array<i32>} : memref<2x16x768xf32, #tpu.memory_space<vmem>>, vector<1x1x16xf32>,
        %get3A_438 = vector.shape_cast %get3A_437 : vector<1x1x16xf32> to vector<16xf32>
        %add3A_439 = arith.addf %add3A_432, %get3A_438 : vector<16xf32>
        %swap3A_440 = arith.constant 0 : i32
        %swap3A_441 = arith.index_cast %swap3A_440 : i32 to index
        %swap3A_442 = arith.index_cast %scan3A_259 : i32 to index
        %swap3A_443 = arith.constant 96 : index
        %swap3A_444 = tpu.vector_load %arg13[%swap3A_441, %swap3A_442, %swap3A_443] {strides = array<i32>} : memref<2x16x768xf32, #tpu.memory_space<vmem>>, vector<1x1x16xf32>,
        %swap3A_445 = vector.shape_cast %swap3A_444 : vector<1x1x16xf32> to vector<16xf32>
        %swap3A_446 = vector.shape_cast %add3A_439 : vector<16xf32> to vector<1x1x16xf32>
        tpu.vector_store %arg13[%swap3A_441, %swap3A_442, %swap3A_443], %swap3A_446 {strides = array<i32>} : memref<2x16x768xf32, #tpu.memory_space<vmem>>, vector<1x1x16xf32>,
        %get3A_447 = arith.constant 0 : i32
        %get3A_448 = arith.index_cast %get3A_447 : i32 to index
        %get3A_449 = arith.index_cast %scan3A_259 : i32 to index
        %get3A_450 = arith.constant 112 : index
        %get3A_451 = tpu.vector_load %arg10[%get3A_448, %get3A_449, %get3A_450] {strides = array<i32>} : memref<2x16x768xf32, #tpu.memory_space<vmem>>, vector<1x1x16xf32>,
        %get3A_452 = vector.shape_cast %get3A_451 : vector<1x1x16xf32> to vector<16xf32>
        %get3A_453 = arith.constant 0 : i32
        %get3A_454 = arith.index_cast %get3A_453 : i32 to index
        %get3A_455 = arith.index_cast %scan3A_259 : i32 to index
        %get3A_456 = arith.constant 112 : index
        %get3A_457 = tpu.vector_load %arg11[%get3A_454, %get3A_455, %get3A_456] {strides = array<i32>} : memref<2x16x768xf32, #tpu.memory_space<vmem>>, vector<1x1x16xf32>,
        %get3A_458 = vector.shape_cast %get3A_457 : vector<1x1x16xf32> to vector<16xf32>
        %add3A_459 = arith.addf %get3A_452, %get3A_458 : vector<16xf32>
        %get3A_460 = arith.constant 0 : i32
        %get3A_461 = arith.index_cast %get3A_460 : i32 to index
        %get3A_462 = arith.index_cast %scan3A_259 : i32 to index
        %get3A_463 = arith.constant 112 : index
        %get3A_464 = tpu.vector_load %arg12[%get3A_461, %get3A_462, %get3A_463] {strides = array<i32>} : memref<2x16x768xf32, #tpu.memory_space<vmem>>, vector<1x1x16xf32>,
        %get3A_465 = vector.shape_cast %get3A_464 : vector<1x1x16xf32> to vector<16xf32>
        %add3A_466 = arith.addf %add3A_459, %get3A_465 : vector<16xf32>
        %swap3A_467 = arith.constant 0 : i32
        %swap3A_468 = arith.index_cast %swap3A_467 : i32 to index
        %swap3A_469 = arith.index_cast %scan3A_259 : i32 to index
        %swap3A_470 = arith.constant 112 : index
        %swap3A_471 = tpu.vector_load %arg13[%swap3A_468, %swap3A_469, %swap3A_470] {strides = array<i32>} : memref<2x16x768xf32, #tpu.memory_space<vmem>>, vector<1x1x16xf32>,
        %swap3A_472 = vector.shape_cast %swap3A_471 : vector<1x1x16xf32> to vector<16xf32>
        %swap3A_473 = vector.shape_cast %add3A_466 : vector<16xf32> to vector<1x1x16xf32>
        tpu.vector_store %arg13[%swap3A_468, %swap3A_469, %swap3A_470], %swap3A_473 {strides = array<i32>} : memref<2x16x768xf32, #tpu.memory_space<vmem>>, vector<1x1x16xf32>,
        %get3A_474 = arith.constant 0 : i32
        %get3A_475 = arith.index_cast %get3A_474 : i32 to index
        %get3A_476 = arith.index_cast %scan3A_259 : i32 to index
        %get3A_477 = arith.constant 128 : index
        %get3A_478 = tpu.vector_load %arg10[%get3A_475, %get3A_476, %get3A_477] {strides = array<i32>} : memref<2x16x768xf32, #tpu.memory_space<vmem>>, vector<1x1x16xf32>,
        %get3A_479 = vector.shape_cast %get3A_478 : vector<1x1x16xf32> to vector<16xf32>
        %get3A_480 = arith.constant 0 : i32
        %get3A_481 = arith.index_cast %get3A_480 : i32 to index
        %get3A_482 = arith.index_cast %scan3A_259 : i32 to index
        %get3A_483 = arith.constant 128 : index
        %get3A_484 = tpu.vector_load %arg11[%get3A_481, %get3A_482, %get3A_483] {strides = array<i32>} : memref<2x16x768xf32, #tpu.memory_space<vmem>>, vector<1x1x16xf32>,
        %get3A_485 = vector.shape_cast %get3A_484 : vector<1x1x16xf32> to vector<16xf32>
        %add3A_486 = arith.addf %get3A_479, %get3A_485 : vector<16xf32>
        %get3A_487 = arith.constant 0 : i32
        %get3A_488 = arith.index_cast %get3A_487 : i32 to index
        %get3A_489 = arith.index_cast %scan3A_259 : i32 to index
        %get3A_490 = arith.constant 128 : index
        %get3A_491 = tpu.vector_load %arg12[%get3A_488, %get3A_489, %get3A_490] {strides = array<i32>} : memref<2x16x768xf32, #tpu.memory_space<vmem>>, vector<1x1x16xf32>,
        %get3A_492 = vector.shape_cast %get3A_491 : vector<1x1x16xf32> to vector<16xf32>
        %add3A_493 = arith.addf %add3A_486, %get3A_492 : vector<16xf32>
        %swap3A_494 = arith.constant 0 : i32
        %swap3A_495 = arith.index_cast %swap3A_494 : i32 to index
        %swap3A_496 = arith.index_cast %scan3A_259 : i32 to index
        %swap3A_497 = arith.constant 128 : index
        %swap3A_498 = tpu.vector_load %arg13[%swap3A_495, %swap3A_496, %swap3A_497] {strides = array<i32>} : memref<2x16x768xf32, #tpu.memory_space<vmem>>, vector<1x1x16xf32>,
        %swap3A_499 = vector.shape_cast %swap3A_498 : vector<1x1x16xf32> to vector<16xf32>
        %swap3A_500 = vector.shape_cast %add3A_493 : vector<16xf32> to vector<1x1x16xf32>
        tpu.vector_store %arg13[%swap3A_495, %swap3A_496, %swap3A_497], %swap3A_500 {strides = array<i32>} : memref<2x16x768xf32, #tpu.memory_space<vmem>>, vector<1x1x16xf32>,
        %get3A_501 = arith.constant 0 : i32
        %get3A_502 = arith.index_cast %get3A_501 : i32 to index
        %get3A_503 = arith.index_cast %scan3A_259 : i32 to index
        %get3A_504 = arith.constant 144 : index
        %get3A_505 = tpu.vector_load %arg10[%get3A_502, %get3A_503, %get3A_504] {strides = array<i32>} : memref<2x16x768xf32, #tpu.memory_space<vmem>>, vector<1x1x16xf32>,
        %get3A_506 = vector.shape_cast %get3A_505 : vector<1x1x16xf32> to vector<16xf32>
        %get3A_507 = arith.constant 0 : i32
        %get3A_508 = arith.index_cast %get3A_507 : i32 to index
        %get3A_509 = arith.index_cast %scan3A_259 : i32 to index
        %get3A_510 = arith.constant 144 : index
        %get3A_511 = tpu.vector_load %arg11[%get3A_508, %get3A_509, %get3A_510] {strides = array<i32>} : memref<2x16x768xf32, #tpu.memory_space<vmem>>, vector<1x1x16xf32>,
        %get3A_512 = vector.shape_cast %get3A_511 : vector<1x1x16xf32> to vector<16xf32>
        %add3A_513 = arith.addf %get3A_506, %get3A_512 : vector<16xf32>
        %get3A_514 = arith.constant 0 : i32
        %get3A_515 = arith.index_cast %get3A_514 : i32 to index
        %get3A_516 = arith.index_cast %scan3A_259 : i32 to index
        %get3A_517 = arith.constant 144 : index
        %get3A_518 = tpu.vector_load %arg12[%get3A_515, %get3A_516, %get3A_517] {strides = array<i32>} : memref<2x16x768xf32, #tpu.memory_space<vmem>>, vector<1x1x16xf32>,
        %get3A_519 = vector.shape_cast %get3A_518 : vector<1x1x16xf32> to vector<16xf32>
        %add3A_520 = arith.addf %add3A_513, %get3A_519 : vector<16xf32>
        %swap3A_521 = arith.constant 0 : i32
        %swap3A_522 = arith.index_cast %swap3A_521 : i32 to index
        %swap3A_523 = arith.index_cast %scan3A_259 : i32 to index
        %swap3A_524 = arith.constant 144 : index
        %swap3A_525 = tpu.vector_load %arg13[%swap3A_522, %swap3A_523, %swap3A_524] {strides = array<i32>} : memref<2x16x768xf32, #tpu.memory_space<vmem>>, vector<1x1x16xf32>,
        %swap3A_526 = vector.shape_cast %swap3A_525 : vector<1x1x16xf32> to vector<16xf32>
        %swap3A_527 = vector.shape_cast %add3A_520 : vector<16xf32> to vector<1x1x16xf32>
        tpu.vector_store %arg13[%swap3A_522, %swap3A_523, %swap3A_524], %swap3A_527 {strides = array<i32>} : memref<2x16x768xf32, #tpu.memory_space<vmem>>, vector<1x1x16xf32>,
        %get3A_528 = arith.constant 0 : i32
        %get3A_529 = arith.index_cast %get3A_528 : i32 to index
        %get3A_530 = arith.index_cast %scan3A_259 : i32 to index
        %get3A_531 = arith.constant 160 : index
        %get3A_532 = tpu.vector_load %arg10[%get3A_529, %get3A_530, %get3A_531] {strides = array<i32>} : memref<2x16x768xf32, #tpu.memory_space<vmem>>, vector<1x1x16xf32>,
        %get3A_533 = vector.shape_cast %get3A_532 : vector<1x1x16xf32> to vector<16xf32>
        %get3A_534 = arith.constant 0 : i32
        %get3A_535 = arith.index_cast %get3A_534 : i32 to index
        %get3A_536 = arith.index_cast %scan3A_259 : i32 to index
        %get3A_537 = arith.constant 160 : index
        %get3A_538 = tpu.vector_load %arg11[%get3A_535, %get3A_536, %get3A_537] {strides = array<i32>} : memref<2x16x768xf32, #tpu.memory_space<vmem>>, vector<1x1x16xf32>,
        %get3A_539 = vector.shape_cast %get3A_538 : vector<1x1x16xf32> to vector<16xf32>
        %add3A_540 = arith.addf %get3A_533, %get3A_539 : vector<16xf32>
        %get3A_541 = arith.constant 0 : i32
        %get3A_542 = arith.index_cast %get3A_541 : i32 to index
        %get3A_543 = arith.index_cast %scan3A_259 : i32 to index
        %get3A_544 = arith.constant 160 : index
        %get3A_545 = tpu.vector_load %arg12[%get3A_542, %get3A_543, %get3A_544] {strides = array<i32>} : memref<2x16x768xf32, #tpu.memory_space<vmem>>, vector<1x1x16xf32>,
        %get3A_546 = vector.shape_cast %get3A_545 : vector<1x1x16xf32> to vector<16xf32>
        %add3A_547 = arith.addf %add3A_540, %get3A_546 : vector<16xf32>
        %swap3A_548 = arith.constant 0 : i32
        %swap3A_549 = arith.index_cast %swap3A_548 : i32 to index
        %swap3A_550 = arith.index_cast %scan3A_259 : i32 to index
        %swap3A_551 = arith.constant 160 : index
        %swap3A_552 = tpu.vector_load %arg13[%swap3A_549, %swap3A_550, %swap3A_551] {strides = array<i32>} : memref<2x16x768xf32, #tpu.memory_space<vmem>>, vector<1x1x16xf32>,
        %swap3A_553 = vector.shape_cast %swap3A_552 : vector<1x1x16xf32> to vector<16xf32>
        %swap3A_554 = vector.shape_cast %add3A_547 : vector<16xf32> to vector<1x1x16xf32>
        tpu.vector_store %arg13[%swap3A_549, %swap3A_550, %swap3A_551], %swap3A_554 {strides = array<i32>} : memref<2x16x768xf32, #tpu.memory_space<vmem>>, vector<1x1x16xf32>,
        %get3A_555 = arith.constant 0 : i32
        %get3A_556 = arith.index_cast %get3A_555 : i32 to index
        %get3A_557 = arith.index_cast %scan3A_259 : i32 to index
        %get3A_558 = arith.constant 176 : index
        %get3A_559 = tpu.vector_load %arg10[%get3A_556, %get3A_557, %get3A_558] {strides = array<i32>} : memref<2x16x768xf32, #tpu.memory_space<vmem>>, vector<1x1x16xf32>,
        %get3A_560 = vector.shape_cast %get3A_559 : vector<1x1x16xf32> to vector<16xf32>
        %get3A_561 = arith.constant 0 : i32
        %get3A_562 = arith.index_cast %get3A_561 : i32 to index
        %get3A_563 = arith.index_cast %scan3A_259 : i32 to index
        %get3A_564 = arith.constant 176 : index
        %get3A_565 = tpu.vector_load %arg11[%get3A_562, %get3A_563, %get3A_564] {strides = array<i32>} : memref<2x16x768xf32, #tpu.memory_space<vmem>>, vector<1x1x16xf32>,
        %get3A_566 = vector.shape_cast %get3A_565 : vector<1x1x16xf32> to vector<16xf32>
        %add3A_567 = arith.addf %get3A_560, %get3A_566 : vector<16xf32>
        %get3A_568 = arith.constant 0 : i32
        %get3A_569 = arith.index_cast %get3A_568 : i32 to index
        %get3A_570 = arith.index_cast %scan3A_259 : i32 to index
        %get3A_571 = arith.constant 176 : index
        %get3A_572 = tpu.vector_load %arg12[%get3A_569, %get3A_570, %get3A_571] {strides = array<i32>} : memref<2x16x768xf32, #tpu.memory_space<vmem>>, vector<1x1x16xf32>,
        %get3A_573 = vector.shape_cast %get3A_572 : vector<1x1x16xf32> to vector<16xf32>
        %add3A_574 = arith.addf %add3A_567, %get3A_573 : vector<16xf32>
        %swap3A_575 = arith.constant 0 : i32
        %swap3A_576 = arith.index_cast %swap3A_575 : i32 to index
        %swap3A_577 = arith.index_cast %scan3A_259 : i32 to index
        %swap3A_578 = arith.constant 176 : index
        %swap3A_579 = tpu.vector_load %arg13[%swap3A_576, %swap3A_577, %swap3A_578] {strides = array<i32>} : memref<2x16x768xf32, #tpu.memory_space<vmem>>, vector<1x1x16xf32>,
        %swap3A_580 = vector.shape_cast %swap3A_579 : vector<1x1x16xf32> to vector<16xf32>
        %swap3A_581 = vector.shape_cast %add3A_574 : vector<16xf32> to vector<1x1x16xf32>
        tpu.vector_store %arg13[%swap3A_576, %swap3A_577, %swap3A_578], %swap3A_581 {strides = array<i32>} : memref<2x16x768xf32, #tpu.memory_space<vmem>>, vector<1x1x16xf32>,
        %get3A_582 = arith.constant 0 : i32
        %get3A_583 = arith.index_cast %get3A_582 : i32 to index
        %get3A_584 = arith.index_cast %scan3A_259 : i32 to index
        %get3A_585 = arith.constant 192 : index
        %get3A_586 = tpu.vector_load %arg10[%get3A_583, %get3A_584, %get3A_585] {strides = array<i32>} : memref<2x16x768xf32, #tpu.memory_space<vmem>>, vector<1x1x16xf32>,
        %get3A_587 = vector.shape_cast %get3A_586 : vector<1x1x16xf32> to vector<16xf32>
        %get3A_588 = arith.constant 0 : i32
        %get3A_589 = arith.index_cast %get3A_588 : i32 to index
        %get3A_590 = arith.index_cast %scan3A_259 : i32 to index
        %get3A_591 = arith.constant 192 : index
        %get3A_592 = tpu.vector_load %arg11[%get3A_589, %get3A_590, %get3A_591] {strides = array<i32>} : memref<2x16x768xf32, #tpu.memory_space<vmem>>, vector<1x1x16xf32>,
        %get3A_593 = vector.shape_cast %get3A_592 : vector<1x1x16xf32> to vector<16xf32>
        %add3A_594 = arith.addf %get3A_587, %get3A_593 : vector<16xf32>
        %get3A_595 = arith.constant 0 : i32
        %get3A_596 = arith.index_cast %get3A_595 : i32 to index
        %get3A_597 = arith.index_cast %scan3A_259 : i32 to index
        %get3A_598 = arith.constant 192 : index
        %get3A_599 = tpu.vector_load %arg12[%get3A_596, %get3A_597, %get3A_598] {strides = array<i32>} : memref<2x16x768xf32, #tpu.memory_space<vmem>>, vector<1x1x16xf32>,
        %get3A_600 = vector.shape_cast %get3A_599 : vector<1x1x16xf32> to vector<16xf32>
        %add3A_601 = arith.addf %add3A_594, %get3A_600 : vector<16xf32>
        %swap3A_602 = arith.constant 0 : i32
        %swap3A_603 = arith.index_cast %swap3A_602 : i32 to index
        %swap3A_604 = arith.index_cast %scan3A_259 : i32 to index
        %swap3A_605 = arith.constant 192 : index
        %swap3A_606 = tpu.vector_load %arg13[%swap3A_603, %swap3A_604, %swap3A_605] {strides = array<i32>} : memref<2x16x768xf32, #tpu.memory_space<vmem>>, vector<1x1x16xf32>,
        %swap3A_607 = vector.shape_cast %swap3A_606 : vector<1x1x16xf32> to vector<16xf32>
        %swap3A_608 = vector.shape_cast %add3A_601 : vector<16xf32> to vector<1x1x16xf32>
        tpu.vector_store %arg13[%swap3A_603, %swap3A_604, %swap3A_605], %swap3A_608 {strides = array<i32>} : memref<2x16x768xf32, #tpu.memory_space<vmem>>, vector<1x1x16xf32>,
        %get3A_609 = arith.constant 0 : i32
        %get3A_610 = arith.index_cast %get3A_609 : i32 to index
        %get3A_611 = arith.index_cast %scan3A_259 : i32 to index
        %get3A_612 = arith.constant 208 : index
        %get3A_613 = tpu.vector_load %arg10[%get3A_610, %get3A_611, %get3A_612] {strides = array<i32>} : memref<2x16x768xf32, #tpu.memory_space<vmem>>, vector<1x1x16xf32>,
        %get3A_614 = vector.shape_cast %get3A_613 : vector<1x1x16xf32> to vector<16xf32>
        %get3A_615 = arith.constant 0 : i32
        %get3A_616 = arith.index_cast %get3A_615 : i32 to index
        %get3A_617 = arith.index_cast %scan3A_259 : i32 to index
        %get3A_618 = arith.constant 208 : index
        %get3A_619 = tpu.vector_load %arg11[%get3A_616, %get3A_617, %get3A_618] {strides = array<i32>} : memref<2x16x768xf32, #tpu.memory_space<vmem>>, vector<1x1x16xf32>,
        %get3A_620 = vector.shape_cast %get3A_619 : vector<1x1x16xf32> to vector<16xf32>
        %add3A_621 = arith.addf %get3A_614, %get3A_620 : vector<16xf32>
        %get3A_622 = arith.constant 0 : i32
        %get3A_623 = arith.index_cast %get3A_622 : i32 to index
        %get3A_624 = arith.index_cast %scan3A_259 : i32 to index
        %get3A_625 = arith.constant 208 : index
        %get3A_626 = tpu.vector_load %arg12[%get3A_623, %get3A_624, %get3A_625] {strides = array<i32>} : memref<2x16x768xf32, #tpu.memory_space<vmem>>, vector<1x1x16xf32>,
        %get3A_627 = vector.shape_cast %get3A_626 : vector<1x1x16xf32> to vector<16xf32>
        %add3A_628 = arith.addf %add3A_621, %get3A_627 : vector<16xf32>
        %swap3A_629 = arith.constant 0 : i32
        %swap3A_630 = arith.index_cast %swap3A_629 : i32 to index
        %swap3A_631 = arith.index_cast %scan3A_259 : i32 to index
        %swap3A_632 = arith.constant 208 : index
        %swap3A_633 = tpu.vector_load %arg13[%swap3A_630, %swap3A_631, %swap3A_632] {strides = array<i32>} : memref<2x16x768xf32, #tpu.memory_space<vmem>>, vector<1x1x16xf32>,
        %swap3A_634 = vector.shape_cast %swap3A_633 : vector<1x1x16xf32> to vector<16xf32>
        %swap3A_635 = vector.shape_cast %add3A_628 : vector<16xf32> to vector<1x1x16xf32>
        tpu.vector_store %arg13[%swap3A_630, %swap3A_631, %swap3A_632], %swap3A_635 {strides = array<i32>} : memref<2x16x768xf32, #tpu.memory_space<vmem>>, vector<1x1x16xf32>,
        %get3A_636 = arith.constant 0 : i32
        %get3A_637 = arith.index_cast %get3A_636 : i32 to index
        %get3A_638 = arith.index_cast %scan3A_259 : i32 to index
        %get3A_639 = arith.constant 224 : index
        %get3A_640 = tpu.vector_load %arg10[%get3A_637, %get3A_638, %get3A_639] {strides = array<i32>} : memref<2x16x768xf32, #tpu.memory_space<vmem>>, vector<1x1x16xf32>,
        %get3A_641 = vector.shape_cast %get3A_640 : vector<1x1x16xf32> to vector<16xf32>
        %get3A_642 = arith.constant 0 : i32
        %get3A_643 = arith.index_cast %get3A_642 : i32 to index
        %get3A_644 = arith.index_cast %scan3A_259 : i32 to index
        %get3A_645 = arith.constant 224 : index
        %get3A_646 = tpu.vector_load %arg11[%get3A_643, %get3A_644, %get3A_645] {strides = array<i32>} : memref<2x16x768xf32, #tpu.memory_space<vmem>>, vector<1x1x16xf32>,
        %get3A_647 = vector.shape_cast %get3A_646 : vector<1x1x16xf32> to vector<16xf32>
        %add3A_648 = arith.addf %get3A_641, %get3A_647 : vector<16xf32>
        %get3A_649 = arith.constant 0 : i32
        %get3A_650 = arith.index_cast %get3A_649 : i32 to index
        %get3A_651 = arith.index_cast %scan3A_259 : i32 to index
        %get3A_652 = arith.constant 224 : index
        %get3A_653 = tpu.vector_load %arg12[%get3A_650, %get3A_651, %get3A_652] {strides = array<i32>} : memref<2x16x768xf32, #tpu.memory_space<vmem>>, vector<1x1x16xf32>,
        %get3A_654 = vector.shape_cast %get3A_653 : vector<1x1x16xf32> to vector<16xf32>
        %add3A_655 = arith.addf %add3A_648, %get3A_654 : vector<16xf32>
        %swap3A_656 = arith.constant 0 : i32
        %swap3A_657 = arith.index_cast %swap3A_656 : i32 to index
        %swap3A_658 = arith.index_cast %scan3A_259 : i32 to index
        %swap3A_659 = arith.constant 224 : index
        %swap3A_660 = tpu.vector_load %arg13[%swap3A_657, %swap3A_658, %swap3A_659] {strides = array<i32>} : memref<2x16x768xf32, #tpu.memory_space<vmem>>, vector<1x1x16xf32>,
        %swap3A_661 = vector.shape_cast %swap3A_660 : vector<1x1x16xf32> to vector<16xf32>
        %swap3A_662 = vector.shape_cast %add3A_655 : vector<16xf32> to vector<1x1x16xf32>
        tpu.vector_store %arg13[%swap3A_657, %swap3A_658, %swap3A_659], %swap3A_662 {strides = array<i32>} : memref<2x16x768xf32, #tpu.memory_space<vmem>>, vector<1x1x16xf32>,
        %get3A_663 = arith.constant 0 : i32
        %get3A_664 = arith.index_cast %get3A_663 : i32 to index
        %get3A_665 = arith.index_cast %scan3A_259 : i32 to index
        %get3A_666 = arith.constant 240 : index
        %get3A_667 = tpu.vector_load %arg10[%get3A_664, %get3A_665, %get3A_666] {strides = array<i32>} : memref<2x16x768xf32, #tpu.memory_space<vmem>>, vector<1x1x16xf32>,
        %get3A_668 = vector.shape_cast %get3A_667 : vector<1x1x16xf32> to vector<16xf32>
        %get3A_669 = arith.constant 0 : i32
        %get3A_670 = arith.index_cast %get3A_669 : i32 to index
        %get3A_671 = arith.index_cast %scan3A_259 : i32 to index
        %get3A_672 = arith.constant 240 : index
        %get3A_673 = tpu.vector_load %arg11[%get3A_670, %get3A_671, %get3A_672] {strides = array<i32>} : memref<2x16x768xf32, #tpu.memory_space<vmem>>, vector<1x1x16xf32>,
        %get3A_674 = vector.shape_cast %get3A_673 : vector<1x1x16xf32> to vector<16xf32>
        %add3A_675 = arith.addf %get3A_668, %get3A_674 : vector<16xf32>
        %get3A_676 = arith.constant 0 : i32
        %get3A_677 = arith.index_cast %get3A_676 : i32 to index
        %get3A_678 = arith.index_cast %scan3A_259 : i32 to index
        %get3A_679 = arith.constant 240 : index
        %get3A_680 = tpu.vector_load %arg12[%get3A_677, %get3A_678, %get3A_679] {strides = array<i32>} : memref<2x16x768xf32, #tpu.memory_space<vmem>>, vector<1x1x16xf32>,
        %get3A_681 = vector.shape_cast %get3A_680 : vector<1x1x16xf32> to vector<16xf32>
        %add3A_682 = arith.addf %add3A_675, %get3A_681 : vector<16xf32>
        %swap3A_683 = arith.constant 0 : i32
        %swap3A_684 = arith.index_cast %swap3A_683 : i32 to index
        %swap3A_685 = arith.index_cast %scan3A_259 : i32 to index
        %swap3A_686 = arith.constant 240 : index
        %swap3A_687 = tpu.vector_load %arg13[%swap3A_684, %swap3A_685, %swap3A_686] {strides = array<i32>} : memref<2x16x768xf32, #tpu.memory_space<vmem>>, vector<1x1x16xf32>,
        %swap3A_688 = vector.shape_cast %swap3A_687 : vector<1x1x16xf32> to vector<16xf32>
        %swap3A_689 = vector.shape_cast %add3A_682 : vector<16xf32> to vector<1x1x16xf32>
        tpu.vector_store %arg13[%swap3A_684, %swap3A_685, %swap3A_686], %swap3A_689 {strides = array<i32>} : memref<2x16x768xf32, #tpu.memory_space<vmem>>, vector<1x1x16xf32>,
        %get3A_690 = arith.constant 0 : i32
        %get3A_691 = arith.index_cast %get3A_690 : i32 to index
        %get3A_692 = arith.index_cast %scan3A_259 : i32 to index
        %get3A_693 = arith.constant 256 : index
        %get3A_694 = tpu.vector_load %arg10[%get3A_691, %get3A_692, %get3A_693] {strides = array<i32>} : memref<2x16x768xf32, #tpu.memory_space<vmem>>, vector<1x1x16xf32>,
        %get3A_695 = vector.shape_cast %get3A_694 : vector<1x1x16xf32> to vector<16xf32>
        %get3A_696 = arith.constant 0 : i32
        %get3A_697 = arith.index_cast %get3A_696 : i32 to index
        %get3A_698 = arith.index_cast %scan3A_259 : i32 to index
        %get3A_699 = arith.constant 256 : index
        %get3A_700 = tpu.vector_load %arg11[%get3A_697, %get3A_698, %get3A_699] {strides = array<i32>} : memref<2x16x768xf32, #tpu.memory_space<vmem>>, vector<1x1x16xf32>,
        %get3A_701 = vector.shape_cast %get3A_700 : vector<1x1x16xf32> to vector<16xf32>
        %add3A_702 = arith.addf %get3A_695, %get3A_701 : vector<16xf32>
        %get3A_703 = arith.constant 0 : i32
        %get3A_704 = arith.index_cast %get3A_703 : i32 to index
        %get3A_705 = arith.index_cast %scan3A_259 : i32 to index
        %get3A_706 = arith.constant 256 : index
        %get3A_707 = tpu.vector_load %arg12[%get3A_704, %get3A_705, %get3A_706] {strides = array<i32>} : memref<2x16x768xf32, #tpu.memory_space<vmem>>, vector<1x1x16xf32>,
        %get3A_708 = vector.shape_cast %get3A_707 : vector<1x1x16xf32> to vector<16xf32>
        %add3A_709 = arith.addf %add3A_702, %get3A_708 : vector<16xf32>
        %swap3A_710 = arith.constant 0 : i32
        %swap3A_711 = arith.index_cast %swap3A_710 : i32 to index
        %swap3A_712 = arith.index_cast %scan3A_259 : i32 to index
        %swap3A_713 = arith.constant 256 : index
        %swap3A_714 = tpu.vector_load %arg13[%swap3A_711, %swap3A_712, %swap3A_713] {strides = array<i32>} : memref<2x16x768xf32, #tpu.memory_space<vmem>>, vector<1x1x16xf32>,
        %swap3A_715 = vector.shape_cast %swap3A_714 : vector<1x1x16xf32> to vector<16xf32>
        %swap3A_716 = vector.shape_cast %add3A_709 : vector<16xf32> to vector<1x1x16xf32>
        tpu.vector_store %arg13[%swap3A_711, %swap3A_712, %swap3A_713], %swap3A_716 {strides = array<i32>} : memref<2x16x768xf32, #tpu.memory_space<vmem>>, vector<1x1x16xf32>,
        %get3A_717 = arith.constant 0 : i32
        %get3A_718 = arith.index_cast %get3A_717 : i32 to index
        %get3A_719 = arith.index_cast %scan3A_259 : i32 to index
        %get3A_720 = arith.constant 272 : index
        %get3A_721 = tpu.vector_load %arg10[%get3A_718, %get3A_719, %get3A_720] {strides = array<i32>} : memref<2x16x768xf32, #tpu.memory_space<vmem>>, vector<1x1x16xf32>,
        %get3A_722 = vector.shape_cast %get3A_721 : vector<1x1x16xf32> to vector<16xf32>
        %get3A_723 = arith.constant 0 : i32
        %get3A_724 = arith.index_cast %get3A_723 : i32 to index
        %get3A_725 = arith.index_cast %scan3A_259 : i32 to index
        %get3A_726 = arith.constant 272 : index
        %get3A_727 = tpu.vector_load %arg11[%get3A_724, %get3A_725, %get3A_726] {strides = array<i32>} : memref<2x16x768xf32, #tpu.memory_space<vmem>>, vector<1x1x16xf32>,
        %get3A_728 = vector.shape_cast %get3A_727 : vector<1x1x16xf32> to vector<16xf32>
        %add3A_729 = arith.addf %get3A_722, %get3A_728 : vector<16xf32>
        %get3A_730 = arith.constant 0 : i32
        %get3A_731 = arith.index_cast %get3A_730 : i32 to index
        %get3A_732 = arith.index_cast %scan3A_259 : i32 to index
        %get3A_733 = arith.constant 272 : index
        %get3A_734 = tpu.vector_load %arg12[%get3A_731, %get3A_732, %get3A_733] {strides = array<i32>} : memref<2x16x768xf32, #tpu.memory_space<vmem>>, vector<1x1x16xf32>,
        %get3A_735 = vector.shape_cast %get3A_734 : vector<1x1x16xf32> to vector<16xf32>
        %add3A_736 = arith.addf %add3A_729, %get3A_735 : vector<16xf32>
        %swap3A_737 = arith.constant 0 : i32
        %swap3A_738 = arith.index_cast %swap3A_737 : i32 to index
        %swap3A_739 = arith.index_cast %scan3A_259 : i32 to index
        %swap3A_740 = arith.constant 272 : index
        %swap3A_741 = tpu.vector_load %arg13[%swap3A_738, %swap3A_739, %swap3A_740] {strides = array<i32>} : memref<2x16x768xf32, #tpu.memory_space<vmem>>, vector<1x1x16xf32>,
        %swap3A_742 = vector.shape_cast %swap3A_741 : vector<1x1x16xf32> to vector<16xf32>
        %swap3A_743 = vector.shape_cast %add3A_736 : vector<16xf32> to vector<1x1x16xf32>
        tpu.vector_store %arg13[%swap3A_738, %swap3A_739, %swap3A_740], %swap3A_743 {strides = array<i32>} : memref<2x16x768xf32, #tpu.memory_space<vmem>>, vector<1x1x16xf32>,
        %get3A_744 = arith.constant 0 : i32
        %get3A_745 = arith.index_cast %get3A_744 : i32 to index
        %get3A_746 = arith.index_cast %scan3A_259 : i32 to index
        %get3A_747 = arith.constant 288 : index
        %get3A_748 = tpu.vector_load %arg10[%get3A_745, %get3A_746, %get3A_747] {strides = array<i32>} : memref<2x16x768xf32, #tpu.memory_space<vmem>>, vector<1x1x16xf32>,
        %get3A_749 = vector.shape_cast %get3A_748 : vector<1x1x16xf32> to vector<16xf32>
        %get3A_750 = arith.constant 0 : i32
        %get3A_751 = arith.index_cast %get3A_750 : i32 to index
        %get3A_752 = arith.index_cast %scan3A_259 : i32 to index
        %get3A_753 = arith.constant 288 : index
        %get3A_754 = tpu.vector_load %arg11[%get3A_751, %get3A_752, %get3A_753] {strides = array<i32>} : memref<2x16x768xf32, #tpu.memory_space<vmem>>, vector<1x1x16xf32>,
        %get3A_755 = vector.shape_cast %get3A_754 : vector<1x1x16xf32> to vector<16xf32>
        %add3A_756 = arith.addf %get3A_749, %get3A_755 : vector<16xf32>
        %get3A_757 = arith.constant 0 : i32
        %get3A_758 = arith.index_cast %get3A_757 : i32 to index
        %get3A_759 = arith.index_cast %scan3A_259 : i32 to index
        %get3A_760 = arith.constant 288 : index
        %get3A_761 = tpu.vector_load %arg12[%get3A_758, %get3A_759, %get3A_760] {strides = array<i32>} : memref<2x16x768xf32, #tpu.memory_space<vmem>>, vector<1x1x16xf32>,
        %get3A_762 = vector.shape_cast %get3A_761 : vector<1x1x16xf32> to vector<16xf32>
        %add3A_763 = arith.addf %add3A_756, %get3A_762 : vector<16xf32>
        %swap3A_764 = arith.constant 0 : i32
        %swap3A_765 = arith.index_cast %swap3A_764 : i32 to index
        %swap3A_766 = arith.index_cast %scan3A_259 : i32 to index
        %swap3A_767 = arith.constant 288 : index
        %swap3A_768 = tpu.vector_load %arg13[%swap3A_765, %swap3A_766, %swap3A_767] {strides = array<i32>} : memref<2x16x768xf32, #tpu.memory_space<vmem>>, vector<1x1x16xf32>,
        %swap3A_769 = vector.shape_cast %swap3A_768 : vector<1x1x16xf32> to vector<16xf32>
        %swap3A_770 = vector.shape_cast %add3A_763 : vector<16xf32> to vector<1x1x16xf32>
        tpu.vector_store %arg13[%swap3A_765, %swap3A_766, %swap3A_767], %swap3A_770 {strides = array<i32>} : memref<2x16x768xf32, #tpu.memory_space<vmem>>, vector<1x1x16xf32>,
        %get3A_771 = arith.constant 0 : i32
        %get3A_772 = arith.index_cast %get3A_771 : i32 to index
        %get3A_773 = arith.index_cast %scan3A_259 : i32 to index
        %get3A_774 = arith.constant 304 : index
        %get3A_775 = tpu.vector_load %arg10[%get3A_772, %get3A_773, %get3A_774] {strides = array<i32>} : memref<2x16x768xf32, #tpu.memory_space<vmem>>, vector<1x1x16xf32>,
        %get3A_776 = vector.shape_cast %get3A_775 : vector<1x1x16xf32> to vector<16xf32>
        %get3A_777 = arith.constant 0 : i32
        %get3A_778 = arith.index_cast %get3A_777 : i32 to index
        %get3A_779 = arith.index_cast %scan3A_259 : i32 to index
        %get3A_780 = arith.constant 304 : index
        %get3A_781 = tpu.vector_load %arg11[%get3A_778, %get3A_779, %get3A_780] {strides = array<i32>} : memref<2x16x768xf32, #tpu.memory_space<vmem>>, vector<1x1x16xf32>,
        %get3A_782 = vector.shape_cast %get3A_781 : vector<1x1x16xf32> to vector<16xf32>
        %add3A_783 = arith.addf %get3A_776, %get3A_782 : vector<16xf32>
        %get3A_784 = arith.constant 0 : i32
        %get3A_785 = arith.index_cast %get3A_784 : i32 to index
        %get3A_786 = arith.index_cast %scan3A_259 : i32 to index
        %get3A_787 = arith.constant 304 : index
        %get3A_788 = tpu.vector_load %arg12[%get3A_785, %get3A_786, %get3A_787] {strides = array<i32>} : memref<2x16x768xf32, #tpu.memory_space<vmem>>, vector<1x1x16xf32>,
        %get3A_789 = vector.shape_cast %get3A_788 : vector<1x1x16xf32> to vector<16xf32>
        %add3A_790 = arith.addf %add3A_783, %get3A_789 : vector<16xf32>
        %swap3A_791 = arith.constant 0 : i32
        %swap3A_792 = arith.index_cast %swap3A_791 : i32 to index
        %swap3A_793 = arith.index_cast %scan3A_259 : i32 to index
        %swap3A_794 = arith.constant 304 : index
        %swap3A_795 = tpu.vector_load %arg13[%swap3A_792, %swap3A_793, %swap3A_794] {strides = array<i32>} : memref<2x16x768xf32, #tpu.memory_space<vmem>>, vector<1x1x16xf32>,
        %swap3A_796 = vector.shape_cast %swap3A_795 : vector<1x1x16xf32> to vector<16xf32>
        %swap3A_797 = vector.shape_cast %add3A_790 : vector<16xf32> to vector<1x1x16xf32>
        tpu.vector_store %arg13[%swap3A_792, %swap3A_793, %swap3A_794], %swap3A_797 {strides = array<i32>} : memref<2x16x768xf32, #tpu.memory_space<vmem>>, vector<1x1x16xf32>,
        %get3A_798 = arith.constant 0 : i32
        %get3A_799 = arith.index_cast %get3A_798 : i32 to index
        %get3A_800 = arith.index_cast %scan3A_259 : i32 to index
        %get3A_801 = arith.constant 320 : index
        %get3A_802 = tpu.vector_load %arg10[%get3A_799, %get3A_800, %get3A_801] {strides = array<i32>} : memref<2x16x768xf32, #tpu.memory_space<vmem>>, vector<1x1x16xf32>,
        %get3A_803 = vector.shape_cast %get3A_802 : vector<1x1x16xf32> to vector<16xf32>
        %get3A_804 = arith.constant 0 : i32
        %get3A_805 = arith.index_cast %get3A_804 : i32 to index
        %get3A_806 = arith.index_cast %scan3A_259 : i32 to index
        %get3A_807 = arith.constant 320 : index
        %get3A_808 = tpu.vector_load %arg11[%get3A_805, %get3A_806, %get3A_807] {strides = array<i32>} : memref<2x16x768xf32, #tpu.memory_space<vmem>>, vector<1x1x16xf32>,
        %get3A_809 = vector.shape_cast %get3A_808 : vector<1x1x16xf32> to vector<16xf32>
        %add3A_810 = arith.addf %get3A_803, %get3A_809 : vector<16xf32>
        %get3A_811 = arith.constant 0 : i32
        %get3A_812 = arith.index_cast %get3A_811 : i32 to index
        %get3A_813 = arith.index_cast %scan3A_259 : i32 to index
        %get3A_814 = arith.constant 320 : index
        %get3A_815 = tpu.vector_load %arg12[%get3A_812, %get3A_813, %get3A_814] {strides = array<i32>} : memref<2x16x768xf32, #tpu.memory_space<vmem>>, vector<1x1x16xf32>,
        %get3A_816 = vector.shape_cast %get3A_815 : vector<1x1x16xf32> to vector<16xf32>
        %add3A_817 = arith.addf %add3A_810, %get3A_816 : vector<16xf32>
        %swap3A_818 = arith.constant 0 : i32
        %swap3A_819 = arith.index_cast %swap3A_818 : i32 to index
        %swap3A_820 = arith.index_cast %scan3A_259 : i32 to index
        %swap3A_821 = arith.constant 320 : index
        %swap3A_822 = tpu.vector_load %arg13[%swap3A_819, %swap3A_820, %swap3A_821] {strides = array<i32>} : memref<2x16x768xf32, #tpu.memory_space<vmem>>, vector<1x1x16xf32>,
        %swap3A_823 = vector.shape_cast %swap3A_822 : vector<1x1x16xf32> to vector<16xf32>
        %swap3A_824 = vector.shape_cast %add3A_817 : vector<16xf32> to vector<1x1x16xf32>
        tpu.vector_store %arg13[%swap3A_819, %swap3A_820, %swap3A_821], %swap3A_824 {strides = array<i32>} : memref<2x16x768xf32, #tpu.memory_space<vmem>>, vector<1x1x16xf32>,
        %get3A_825 = arith.constant 0 : i32
        %get3A_826 = arith.index_cast %get3A_825 : i32 to index
        %get3A_827 = arith.index_cast %scan3A_259 : i32 to index
        %get3A_828 = arith.constant 336 : index
        %get3A_829 = tpu.vector_load %arg10[%get3A_826, %get3A_827, %get3A_828] {strides = array<i32>} : memref<2x16x768xf32, #tpu.memory_space<vmem>>, vector<1x1x16xf32>,
        %get3A_830 = vector.shape_cast %get3A_829 : vector<1x1x16xf32> to vector<16xf32>
        %get3A_831 = arith.constant 0 : i32
        %get3A_832 = arith.index_cast %get3A_831 : i32 to index
        %get3A_833 = arith.index_cast %scan3A_259 : i32 to index
        %get3A_834 = arith.constant 336 : index
        %get3A_835 = tpu.vector_load %arg11[%get3A_832, %get3A_833, %get3A_834] {strides = array<i32>} : memref<2x16x768xf32, #tpu.memory_space<vmem>>, vector<1x1x16xf32>,
        %get3A_836 = vector.shape_cast %get3A_835 : vector<1x1x16xf32> to vector<16xf32>
        %add3A_837 = arith.addf %get3A_830, %get3A_836 : vector<16xf32>
        %get3A_838 = arith.constant 0 : i32
        %get3A_839 = arith.index_cast %get3A_838 : i32 to index
        %get3A_840 = arith.index_cast %scan3A_259 : i32 to index
        %get3A_841 = arith.constant 336 : index
        %get3A_842 = tpu.vector_load %arg12[%get3A_839, %get3A_840, %get3A_841] {strides = array<i32>} : memref<2x16x768xf32, #tpu.memory_space<vmem>>, vector<1x1x16xf32>,
        %get3A_843 = vector.shape_cast %get3A_842 : vector<1x1x16xf32> to vector<16xf32>
        %add3A_844 = arith.addf %add3A_837, %get3A_843 : vector<16xf32>
        %swap3A_845 = arith.constant 0 : i32
        %swap3A_846 = arith.index_cast %swap3A_845 : i32 to index
        %swap3A_847 = arith.index_cast %scan3A_259 : i32 to index
        %swap3A_848 = arith.constant 336 : index
        %swap3A_849 = tpu.vector_load %arg13[%swap3A_846, %swap3A_847, %swap3A_848] {strides = array<i32>} : memref<2x16x768xf32, #tpu.memory_space<vmem>>, vector<1x1x16xf32>,
        %swap3A_850 = vector.shape_cast %swap3A_849 : vector<1x1x16xf32> to vector<16xf32>
        %swap3A_851 = vector.shape_cast %add3A_844 : vector<16xf32> to vector<1x1x16xf32>
        tpu.vector_store %arg13[%swap3A_846, %swap3A_847, %swap3A_848], %swap3A_851 {strides = array<i32>} : memref<2x16x768xf32, #tpu.memory_space<vmem>>, vector<1x1x16xf32>,
        %get3A_852 = arith.constant 0 : i32
        %get3A_853 = arith.index_cast %get3A_852 : i32 to index
        %get3A_854 = arith.index_cast %scan3A_259 : i32 to index
        %get3A_855 = arith.constant 352 : index
        %get3A_856 = tpu.vector_load %arg10[%get3A_853, %get3A_854, %get3A_855] {strides = array<i32>} : memref<2x16x768xf32, #tpu.memory_space<vmem>>, vector<1x1x16xf32>,
        %get3A_857 = vector.shape_cast %get3A_856 : vector<1x1x16xf32> to vector<16xf32>
        %get3A_858 = arith.constant 0 : i32
        %get3A_859 = arith.index_cast %get3A_858 : i32 to index
        %get3A_860 = arith.index_cast %scan3A_259 : i32 to index
        %get3A_861 = arith.constant 352 : index
        %get3A_862 = tpu.vector_load %arg11[%get3A_859, %get3A_860, %get3A_861] {strides = array<i32>} : memref<2x16x768xf32, #tpu.memory_space<vmem>>, vector<1x1x16xf32>,
        %get3A_863 = vector.shape_cast %get3A_862 : vector<1x1x16xf32> to vector<16xf32>
        %add3A_864 = arith.addf %get3A_857, %get3A_863 : vector<16xf32>
        %get3A_865 = arith.constant 0 : i32
        %get3A_866 = arith.index_cast %get3A_865 : i32 to index
        %get3A_867 = arith.index_cast %scan3A_259 : i32 to index
        %get3A_868 = arith.constant 352 : index
        %get3A_869 = tpu.vector_load %arg12[%get3A_866, %get3A_867, %get3A_868] {strides = array<i32>} : memref<2x16x768xf32, #tpu.memory_space<vmem>>, vector<1x1x16xf32>,
        %get3A_870 = vector.shape_cast %get3A_869 : vector<1x1x16xf32> to vector<16xf32>
        %add3A_871 = arith.addf %add3A_864, %get3A_870 : vector<16xf32>
        %swap3A_872 = arith.constant 0 : i32
        %swap3A_873 = arith.index_cast %swap3A_872 : i32 to index
        %swap3A_874 = arith.index_cast %scan3A_259 : i32 to index
        %swap3A_875 = arith.constant 352 : index
        %swap3A_876 = tpu.vector_load %arg13[%swap3A_873, %swap3A_874, %swap3A_875] {strides = array<i32>} : memref<2x16x768xf32, #tpu.memory_space<vmem>>, vector<1x1x16xf32>,
        %swap3A_877 = vector.shape_cast %swap3A_876 : vector<1x1x16xf32> to vector<16xf32>
        %swap3A_878 = vector.shape_cast %add3A_871 : vector<16xf32> to vector<1x1x16xf32>
        tpu.vector_store %arg13[%swap3A_873, %swap3A_874, %swap3A_875], %swap3A_878 {strides = array<i32>} : memref<2x16x768xf32, #tpu.memory_space<vmem>>, vector<1x1x16xf32>,
        %get3A_879 = arith.constant 0 : i32
        %get3A_880 = arith.index_cast %get3A_879 : i32 to index
        %get3A_881 = arith.index_cast %scan3A_259 : i32 to index
        %get3A_882 = arith.constant 368 : index
        %get3A_883 = tpu.vector_load %arg10[%get3A_880, %get3A_881, %get3A_882] {strides = array<i32>} : memref<2x16x768xf32, #tpu.memory_space<vmem>>, vector<1x1x16xf32>,
        %get3A_884 = vector.shape_cast %get3A_883 : vector<1x1x16xf32> to vector<16xf32>
        %get3A_885 = arith.constant 0 : i32
        %get3A_886 = arith.index_cast %get3A_885 : i32 to index
        %get3A_887 = arith.index_cast %scan3A_259 : i32 to index
        %get3A_888 = arith.constant 368 : index
        %get3A_889 = tpu.vector_load %arg11[%get3A_886, %get3A_887, %get3A_888] {strides = array<i32>} : memref<2x16x768xf32, #tpu.memory_space<vmem>>, vector<1x1x16xf32>,
        %get3A_890 = vector.shape_cast %get3A_889 : vector<1x1x16xf32> to vector<16xf32>
        %add3A_891 = arith.addf %get3A_884, %get3A_890 : vector<16xf32>
        %get3A_892 = arith.constant 0 : i32
        %get3A_893 = arith.index_cast %get3A_892 : i32 to index
        %get3A_894 = arith.index_cast %scan3A_259 : i32 to index
        %get3A_895 = arith.constant 368 : index
        %get3A_896 = tpu.vector_load %arg12[%get3A_893, %get3A_894, %get3A_895] {strides = array<i32>} : memref<2x16x768xf32, #tpu.memory_space<vmem>>, vector<1x1x16xf32>,
        %get3A_897 = vector.shape_cast %get3A_896 : vector<1x1x16xf32> to vector<16xf32>
        %add3A_898 = arith.addf %add3A_891, %get3A_897 : vector<16xf32>
        %swap3A_899 = arith.constant 0 : i32
        %swap3A_900 = arith.index_cast %swap3A_899 : i32 to index
        %swap3A_901 = arith.index_cast %scan3A_259 : i32 to index
        %swap3A_902 = arith.constant 368 : index
        %swap3A_903 = tpu.vector_load %arg13[%swap3A_900, %swap3A_901, %swap3A_902] {strides = array<i32>} : memref<2x16x768xf32, #tpu.memory_space<vmem>>, vector<1x1x16xf32>,
        %swap3A_904 = vector.shape_cast %swap3A_903 : vector<1x1x16xf32> to vector<16xf32>
        %swap3A_905 = vector.shape_cast %add3A_898 : vector<16xf32> to vector<1x1x16xf32>
        tpu.vector_store %arg13[%swap3A_900, %swap3A_901, %swap3A_902], %swap3A_905 {strides = array<i32>} : memref<2x16x768xf32, #tpu.memory_space<vmem>>, vector<1x1x16xf32>,
        %get3A_906 = arith.constant 0 : i32
        %get3A_907 = arith.index_cast %get3A_906 : i32 to index
        %get3A_908 = arith.index_cast %scan3A_259 : i32 to index
        %get3A_909 = arith.constant 384 : index
        %get3A_910 = tpu.vector_load %arg10[%get3A_907, %get3A_908, %get3A_909] {strides = array<i32>} : memref<2x16x768xf32, #tpu.memory_space<vmem>>, vector<1x1x16xf32>,
        %get3A_911 = vector.shape_cast %get3A_910 : vector<1x1x16xf32> to vector<16xf32>
        %get3A_912 = arith.constant 0 : i32
        %get3A_913 = arith.index_cast %get3A_912 : i32 to index
        %get3A_914 = arith.index_cast %scan3A_259 : i32 to index
        %get3A_915 = arith.constant 384 : index
        %get3A_916 = tpu.vector_load %arg11[%get3A_913, %get3A_914, %get3A_915] {strides = array<i32>} : memref<2x16x768xf32, #tpu.memory_space<vmem>>, vector<1x1x16xf32>,
        %get3A_917 = vector.shape_cast %get3A_916 : vector<1x1x16xf32> to vector<16xf32>
        %add3A_918 = arith.addf %get3A_911, %get3A_917 : vector<16xf32>
        %get3A_919 = arith.constant 0 : i32
        %get3A_920 = arith.index_cast %get3A_919 : i32 to index
        %get3A_921 = arith.index_cast %scan3A_259 : i32 to index
        %get3A_922 = arith.constant 384 : index
        %get3A_923 = tpu.vector_load %arg12[%get3A_920, %get3A_921, %get3A_922] {strides = array<i32>} : memref<2x16x768xf32, #tpu.memory_space<vmem>>, vector<1x1x16xf32>,
        %get3A_924 = vector.shape_cast %get3A_923 : vector<1x1x16xf32> to vector<16xf32>
        %add3A_925 = arith.addf %add3A_918, %get3A_924 : vector<16xf32>
        %swap3A_926 = arith.constant 0 : i32
        %swap3A_927 = arith.index_cast %swap3A_926 : i32 to index
        %swap3A_928 = arith.index_cast %scan3A_259 : i32 to index
        %swap3A_929 = arith.constant 384 : index
        %swap3A_930 = tpu.vector_load %arg13[%swap3A_927, %swap3A_928, %swap3A_929] {strides = array<i32>} : memref<2x16x768xf32, #tpu.memory_space<vmem>>, vector<1x1x16xf32>,
        %swap3A_931 = vector.shape_cast %swap3A_930 : vector<1x1x16xf32> to vector<16xf32>
        %swap3A_932 = vector.shape_cast %add3A_925 : vector<16xf32> to vector<1x1x16xf32>
        tpu.vector_store %arg13[%swap3A_927, %swap3A_928, %swap3A_929], %swap3A_932 {strides = array<i32>} : memref<2x16x768xf32, #tpu.memory_space<vmem>>, vector<1x1x16xf32>,
        %get3A_933 = arith.constant 0 : i32
        %get3A_934 = arith.index_cast %get3A_933 : i32 to index
        %get3A_935 = arith.index_cast %scan3A_259 : i32 to index
        %get3A_936 = arith.constant 400 : index
        %get3A_937 = tpu.vector_load %arg10[%get3A_934, %get3A_935, %get3A_936] {strides = array<i32>} : memref<2x16x768xf32, #tpu.memory_space<vmem>>, vector<1x1x16xf32>,
        %get3A_938 = vector.shape_cast %get3A_937 : vector<1x1x16xf32> to vector<16xf32>
        %get3A_939 = arith.constant 0 : i32
        %get3A_940 = arith.index_cast %get3A_939 : i32 to index
        %get3A_941 = arith.index_cast %scan3A_259 : i32 to index
        %get3A_942 = arith.constant 400 : index
        %get3A_943 = tpu.vector_load %arg11[%get3A_940, %get3A_941, %get3A_942] {strides = array<i32>} : memref<2x16x768xf32, #tpu.memory_space<vmem>>, vector<1x1x16xf32>,
        %get3A_944 = vector.shape_cast %get3A_943 : vector<1x1x16xf32> to vector<16xf32>
        %add3A_945 = arith.addf %get3A_938, %get3A_944 : vector<16xf32>
        %get3A_946 = arith.constant 0 : i32
        %get3A_947 = arith.index_cast %get3A_946 : i32 to index
        %get3A_948 = arith.index_cast %scan3A_259 : i32 to index
        %get3A_949 = arith.constant 400 : index
        %get3A_950 = tpu.vector_load %arg12[%get3A_947, %get3A_948, %get3A_949] {strides = array<i32>} : memref<2x16x768xf32, #tpu.memory_space<vmem>>, vector<1x1x16xf32>,
        %get3A_951 = vector.shape_cast %get3A_950 : vector<1x1x16xf32> to vector<16xf32>
        %add3A_952 = arith.addf %add3A_945, %get3A_951 : vector<16xf32>
        %swap3A_953 = arith.constant 0 : i32
        %swap3A_954 = arith.index_cast %swap3A_953 : i32 to index
        %swap3A_955 = arith.index_cast %scan3A_259 : i32 to index
        %swap3A_956 = arith.constant 400 : index
        %swap3A_957 = tpu.vector_load %arg13[%swap3A_954, %swap3A_955, %swap3A_956] {strides = array<i32>} : memref<2x16x768xf32, #tpu.memory_space<vmem>>, vector<1x1x16xf32>,
        %swap3A_958 = vector.shape_cast %swap3A_957 : vector<1x1x16xf32> to vector<16xf32>
        %swap3A_959 = vector.shape_cast %add3A_952 : vector<16xf32> to vector<1x1x16xf32>
        tpu.vector_store %arg13[%swap3A_954, %swap3A_955, %swap3A_956], %swap3A_959 {strides = array<i32>} : memref<2x16x768xf32, #tpu.memory_space<vmem>>, vector<1x1x16xf32>,
        %get3A_960 = arith.constant 0 : i32
        %get3A_961 = arith.index_cast %get3A_960 : i32 to index
        %get3A_962 = arith.index_cast %scan3A_259 : i32 to index
        %get3A_963 = arith.constant 416 : index
        %get3A_964 = tpu.vector_load %arg10[%get3A_961, %get3A_962, %get3A_963] {strides = array<i32>} : memref<2x16x768xf32, #tpu.memory_space<vmem>>, vector<1x1x16xf32>,
        %get3A_965 = vector.shape_cast %get3A_964 : vector<1x1x16xf32> to vector<16xf32>
        %get3A_966 = arith.constant 0 : i32
        %get3A_967 = arith.index_cast %get3A_966 : i32 to index
        %get3A_968 = arith.index_cast %scan3A_259 : i32 to index
        %get3A_969 = arith.constant 416 : index
        %get3A_970 = tpu.vector_load %arg11[%get3A_967, %get3A_968, %get3A_969] {strides = array<i32>} : memref<2x16x768xf32, #tpu.memory_space<vmem>>, vector<1x1x16xf32>,
        %get3A_971 = vector.shape_cast %get3A_970 : vector<1x1x16xf32> to vector<16xf32>
        %add3A_972 = arith.addf %get3A_965, %get3A_971 : vector<16xf32>
        %get3A_973 = arith.constant 0 : i32
        %get3A_974 = arith.index_cast %get3A_973 : i32 to index
        %get3A_975 = arith.index_cast %scan3A_259 : i32 to index
        %get3A_976 = arith.constant 416 : index
        %get3A_977 = tpu.vector_load %arg12[%get3A_974, %get3A_975, %get3A_976] {strides = array<i32>} : memref<2x16x768xf32, #tpu.memory_space<vmem>>, vector<1x1x16xf32>,
        %get3A_978 = vector.shape_cast %get3A_977 : vector<1x1x16xf32> to vector<16xf32>
        %add3A_979 = arith.addf %add3A_972, %get3A_978 : vector<16xf32>
        %swap3A_980 = arith.constant 0 : i32
        %swap3A_981 = arith.index_cast %swap3A_980 : i32 to index
        %swap3A_982 = arith.index_cast %scan3A_259 : i32 to index
        %swap3A_983 = arith.constant 416 : index
        %swap3A_984 = tpu.vector_load %arg13[%swap3A_981, %swap3A_982, %swap3A_983] {strides = array<i32>} : memref<2x16x768xf32, #tpu.memory_space<vmem>>, vector<1x1x16xf32>,
        %swap3A_985 = vector.shape_cast %swap3A_984 : vector<1x1x16xf32> to vector<16xf32>
        %swap3A_986 = vector.shape_cast %add3A_979 : vector<16xf32> to vector<1x1x16xf32>
        tpu.vector_store %arg13[%swap3A_981, %swap3A_982, %swap3A_983], %swap3A_986 {strides = array<i32>} : memref<2x16x768xf32, #tpu.memory_space<vmem>>, vector<1x1x16xf32>,
        %get3A_987 = arith.constant 0 : i32
        %get3A_988 = arith.index_cast %get3A_987 : i32 to index
        %get3A_989 = arith.index_cast %scan3A_259 : i32 to index
        %get3A_990 = arith.constant 432 : index
        %get3A_991 = tpu.vector_load %arg10[%get3A_988, %get3A_989, %get3A_990] {strides = array<i32>} : memref<2x16x768xf32, #tpu.memory_space<vmem>>, vector<1x1x16xf32>,
        %get3A_992 = vector.shape_cast %get3A_991 : vector<1x1x16xf32> to vector<16xf32>
        %get3A_993 = arith.constant 0 : i32
        %get3A_994 = arith.index_cast %get3A_993 : i32 to index
        %get3A_995 = arith.index_cast %scan3A_259 : i32 to index
        %get3A_996 = arith.constant 432 : index
        %get3A_997 = tpu.vector_load %arg11[%get3A_994, %get3A_995, %get3A_996] {strides = array<i32>} : memref<2x16x768xf32, #tpu.memory_space<vmem>>, vector<1x1x16xf32>,
        %get3A_998 = vector.shape_cast %get3A_997 : vector<1x1x16xf32> to vector<16xf32>
        %add3A_999 = arith.addf %get3A_992, %get3A_998 : vector<16xf32>
        %get3A_1000 = arith.constant 0 : i32
        %get3A_1001 = arith.index_cast %get3A_1000 : i32 to index
        %get3A_1002 = arith.index_cast %scan3A_259 : i32 to index
        %get3A_1003 = arith.constant 432 : index
        %get3A_1004 = tpu.vector_load %arg12[%get3A_1001, %get3A_1002, %get3A_1003] {strides = array<i32>} : memref<2x16x768xf32, #tpu.memory_space<vmem>>, vector<1x1x16xf32>,
        %get3A_1005 = vector.shape_cast %get3A_1004 : vector<1x1x16xf32> to vector<16xf32>
        %add3A_1006 = arith.addf %add3A_999, %get3A_1005 : vector<16xf32>
        %swap3A_1007 = arith.constant 0 : i32
        %swap3A_1008 = arith.index_cast %swap3A_1007 : i32 to index
        %swap3A_1009 = arith.index_cast %scan3A_259 : i32 to index
        %swap3A_1010 = arith.constant 432 : index
        %swap3A_1011 = tpu.vector_load %arg13[%swap3A_1008, %swap3A_1009, %swap3A_1010] {strides = array<i32>} : memref<2x16x768xf32, #tpu.memory_space<vmem>>, vector<1x1x16xf32>,
        %swap3A_1012 = vector.shape_cast %swap3A_1011 : vector<1x1x16xf32> to vector<16xf32>
        %swap3A_1013 = vector.shape_cast %add3A_1006 : vector<16xf32> to vector<1x1x16xf32>
        tpu.vector_store %arg13[%swap3A_1008, %swap3A_1009, %swap3A_1010], %swap3A_1013 {strides = array<i32>} : memref<2x16x768xf32, #tpu.memory_space<vmem>>, vector<1x1x16xf32>,
        %get3A_1014 = arith.constant 0 : i32
        %get3A_1015 = arith.index_cast %get3A_1014 : i32 to index
        %get3A_1016 = arith.index_cast %scan3A_259 : i32 to index
        %get3A_1017 = arith.constant 448 : index
        %get3A_1018 = tpu.vector_load %arg10[%get3A_1015, %get3A_1016, %get3A_1017] {strides = array<i32>} : memref<2x16x768xf32, #tpu.memory_space<vmem>>, vector<1x1x16xf32>,
        %get3A_1019 = vector.shape_cast %get3A_1018 : vector<1x1x16xf32> to vector<16xf32>
        %get3A_1020 = arith.constant 0 : i32
        %get3A_1021 = arith.index_cast %get3A_1020 : i32 to index
        %get3A_1022 = arith.index_cast %scan3A_259 : i32 to index
        %get3A_1023 = arith.constant 448 : index
        %get3A_1024 = tpu.vector_load %arg11[%get3A_1021, %get3A_1022, %get3A_1023] {strides = array<i32>} : memref<2x16x768xf32, #tpu.memory_space<vmem>>, vector<1x1x16xf32>,
        %get3A_1025 = vector.shape_cast %get3A_1024 : vector<1x1x16xf32> to vector<16xf32>
        %add3A_1026 = arith.addf %get3A_1019, %get3A_1025 : vector<16xf32>
        %get3A_1027 = arith.constant 0 : i32
        %get3A_1028 = arith.index_cast %get3A_1027 : i32 to index
        %get3A_1029 = arith.index_cast %scan3A_259 : i32 to index
        %get3A_1030 = arith.constant 448 : index
        %get3A_1031 = tpu.vector_load %arg12[%get3A_1028, %get3A_1029, %get3A_1030] {strides = array<i32>} : memref<2x16x768xf32, #tpu.memory_space<vmem>>, vector<1x1x16xf32>,
        %get3A_1032 = vector.shape_cast %get3A_1031 : vector<1x1x16xf32> to vector<16xf32>
        %add3A_1033 = arith.addf %add3A_1026, %get3A_1032 : vector<16xf32>
        %swap3A_1034 = arith.constant 0 : i32
        %swap3A_1035 = arith.index_cast %swap3A_1034 : i32 to index
        %swap3A_1036 = arith.index_cast %scan3A_259 : i32 to index
        %swap3A_1037 = arith.constant 448 : index
        %swap3A_1038 = tpu.vector_load %arg13[%swap3A_1035, %swap3A_1036, %swap3A_1037] {strides = array<i32>} : memref<2x16x768xf32, #tpu.memory_space<vmem>>, vector<1x1x16xf32>,
        %swap3A_1039 = vector.shape_cast %swap3A_1038 : vector<1x1x16xf32> to vector<16xf32>
        %swap3A_1040 = vector.shape_cast %add3A_1033 : vector<16xf32> to vector<1x1x16xf32>
        tpu.vector_store %arg13[%swap3A_1035, %swap3A_1036, %swap3A_1037], %swap3A_1040 {strides = array<i32>} : memref<2x16x768xf32, #tpu.memory_space<vmem>>, vector<1x1x16xf32>,
        %get3A_1041 = arith.constant 0 : i32
        %get3A_1042 = arith.index_cast %get3A_1041 : i32 to index
        %get3A_1043 = arith.index_cast %scan3A_259 : i32 to index
        %get3A_1044 = arith.constant 464 : index
        %get3A_1045 = tpu.vector_load %arg10[%get3A_1042, %get3A_1043, %get3A_1044] {strides = array<i32>} : memref<2x16x768xf32, #tpu.memory_space<vmem>>, vector<1x1x16xf32>,
        %get3A_1046 = vector.shape_cast %get3A_1045 : vector<1x1x16xf32> to vector<16xf32>
        %get3A_1047 = arith.constant 0 : i32
        %get3A_1048 = arith.index_cast %get3A_1047 : i32 to index
        %get3A_1049 = arith.index_cast %scan3A_259 : i32 to index
        %get3A_1050 = arith.constant 464 : index
        %get3A_1051 = tpu.vector_load %arg11[%get3A_1048, %get3A_1049, %get3A_1050] {strides = array<i32>} : memref<2x16x768xf32, #tpu.memory_space<vmem>>, vector<1x1x16xf32>,
        %get3A_1052 = vector.shape_cast %get3A_1051 : vector<1x1x16xf32> to vector<16xf32>
        %add3A_1053 = arith.addf %get3A_1046, %get3A_1052 : vector<16xf32>
        %get3A_1054 = arith.constant 0 : i32
        %get3A_1055 = arith.index_cast %get3A_1054 : i32 to index
        %get3A_1056 = arith.index_cast %scan3A_259 : i32 to index
        %get3A_1057 = arith.constant 464 : index
        %get3A_1058 = tpu.vector_load %arg12[%get3A_1055, %get3A_1056, %get3A_1057] {strides = array<i32>} : memref<2x16x768xf32, #tpu.memory_space<vmem>>, vector<1x1x16xf32>,
        %get3A_1059 = vector.shape_cast %get3A_1058 : vector<1x1x16xf32> to vector<16xf32>
        %add3A_1060 = arith.addf %add3A_1053, %get3A_1059 : vector<16xf32>
        %swap3A_1061 = arith.constant 0 : i32
        %swap3A_1062 = arith.index_cast %swap3A_1061 : i32 to index
        %swap3A_1063 = arith.index_cast %scan3A_259 : i32 to index
        %swap3A_1064 = arith.constant 464 : index
        %swap3A_1065 = tpu.vector_load %arg13[%swap3A_1062, %swap3A_1063, %swap3A_1064] {strides = array<i32>} : memref<2x16x768xf32, #tpu.memory_space<vmem>>, vector<1x1x16xf32>,
        %swap3A_1066 = vector.shape_cast %swap3A_1065 : vector<1x1x16xf32> to vector<16xf32>
        %swap3A_1067 = vector.shape_cast %add3A_1060 : vector<16xf32> to vector<1x1x16xf32>
        tpu.vector_store %arg13[%swap3A_1062, %swap3A_1063, %swap3A_1064], %swap3A_1067 {strides = array<i32>} : memref<2x16x768xf32, #tpu.memory_space<vmem>>, vector<1x1x16xf32>,
        %get3A_1068 = arith.constant 0 : i32
        %get3A_1069 = arith.index_cast %get3A_1068 : i32 to index
        %get3A_1070 = arith.index_cast %scan3A_259 : i32 to index
        %get3A_1071 = arith.constant 480 : index
        %get3A_1072 = tpu.vector_load %arg10[%get3A_1069, %get3A_1070, %get3A_1071] {strides = array<i32>} : memref<2x16x768xf32, #tpu.memory_space<vmem>>, vector<1x1x16xf32>,
        %get3A_1073 = vector.shape_cast %get3A_1072 : vector<1x1x16xf32> to vector<16xf32>
        %get3A_1074 = arith.constant 0 : i32
        %get3A_1075 = arith.index_cast %get3A_1074 : i32 to index
        %get3A_1076 = arith.index_cast %scan3A_259 : i32 to index
        %get3A_1077 = arith.constant 480 : index
        %get3A_1078 = tpu.vector_load %arg11[%get3A_1075, %get3A_1076, %get3A_1077] {strides = array<i32>} : memref<2x16x768xf32, #tpu.memory_space<vmem>>, vector<1x1x16xf32>,
        %get3A_1079 = vector.shape_cast %get3A_1078 : vector<1x1x16xf32> to vector<16xf32>
        %add3A_1080 = arith.addf %get3A_1073, %get3A_1079 : vector<16xf32>
        %get3A_1081 = arith.constant 0 : i32
        %get3A_1082 = arith.index_cast %get3A_1081 : i32 to index
        %get3A_1083 = arith.index_cast %scan3A_259 : i32 to index
        %get3A_1084 = arith.constant 480 : index
        %get3A_1085 = tpu.vector_load %arg12[%get3A_1082, %get3A_1083, %get3A_1084] {strides = array<i32>} : memref<2x16x768xf32, #tpu.memory_space<vmem>>, vector<1x1x16xf32>,
        %get3A_1086 = vector.shape_cast %get3A_1085 : vector<1x1x16xf32> to vector<16xf32>
        %add3A_1087 = arith.addf %add3A_1080, %get3A_1086 : vector<16xf32>
        %swap3A_1088 = arith.constant 0 : i32
        %swap3A_1089 = arith.index_cast %swap3A_1088 : i32 to index
        %swap3A_1090 = arith.index_cast %scan3A_259 : i32 to index
        %swap3A_1091 = arith.constant 480 : index
        %swap3A_1092 = tpu.vector_load %arg13[%swap3A_1089, %swap3A_1090, %swap3A_1091] {strides = array<i32>} : memref<2x16x768xf32, #tpu.memory_space<vmem>>, vector<1x1x16xf32>,
        %swap3A_1093 = vector.shape_cast %swap3A_1092 : vector<1x1x16xf32> to vector<16xf32>
        %swap3A_1094 = vector.shape_cast %add3A_1087 : vector<16xf32> to vector<1x1x16xf32>
        tpu.vector_store %arg13[%swap3A_1089, %swap3A_1090, %swap3A_1091], %swap3A_1094 {strides = array<i32>} : memref<2x16x768xf32, #tpu.memory_space<vmem>>, vector<1x1x16xf32>,
        %get3A_1095 = arith.constant 0 : i32
        %get3A_1096 = arith.index_cast %get3A_1095 : i32 to index
        %get3A_1097 = arith.index_cast %scan3A_259 : i32 to index
        %get3A_1098 = arith.constant 496 : index
        %get3A_1099 = tpu.vector_load %arg10[%get3A_1096, %get3A_1097, %get3A_1098] {strides = array<i32>} : memref<2x16x768xf32, #tpu.memory_space<vmem>>, vector<1x1x16xf32>,
        %get3A_1100 = vector.shape_cast %get3A_1099 : vector<1x1x16xf32> to vector<16xf32>
        %get3A_1101 = arith.constant 0 : i32
        %get3A_1102 = arith.index_cast %get3A_1101 : i32 to index
        %get3A_1103 = arith.index_cast %scan3A_259 : i32 to index
        %get3A_1104 = arith.constant 496 : index
        %get3A_1105 = tpu.vector_load %arg11[%get3A_1102, %get3A_1103, %get3A_1104] {strides = array<i32>} : memref<2x16x768xf32, #tpu.memory_space<vmem>>, vector<1x1x16xf32>,
        %get3A_1106 = vector.shape_cast %get3A_1105 : vector<1x1x16xf32> to vector<16xf32>
        %add3A_1107 = arith.addf %get3A_1100, %get3A_1106 : vector<16xf32>
        %get3A_1108 = arith.constant 0 : i32
        %get3A_1109 = arith.index_cast %get3A_1108 : i32 to index
        %get3A_1110 = arith.index_cast %scan3A_259 : i32 to index
        %get3A_1111 = arith.constant 496 : index
        %get3A_1112 = tpu.vector_load %arg12[%get3A_1109, %get3A_1110, %get3A_1111] {strides = array<i32>} : memref<2x16x768xf32, #tpu.memory_space<vmem>>, vector<1x1x16xf32>,
        %get3A_1113 = vector.shape_cast %get3A_1112 : vector<1x1x16xf32> to vector<16xf32>
        %add3A_1114 = arith.addf %add3A_1107, %get3A_1113 : vector<16xf32>
        %swap3A_1115 = arith.constant 0 : i32
        %swap3A_1116 = arith.index_cast %swap3A_1115 : i32 to index
        %swap3A_1117 = arith.index_cast %scan3A_259 : i32 to index
        %swap3A_1118 = arith.constant 496 : index
        %swap3A_1119 = tpu.vector_load %arg13[%swap3A_1116, %swap3A_1117, %swap3A_1118] {strides = array<i32>} : memref<2x16x768xf32, #tpu.memory_space<vmem>>, vector<1x1x16xf32>,
        %swap3A_1120 = vector.shape_cast %swap3A_1119 : vector<1x1x16xf32> to vector<16xf32>
        %swap3A_1121 = vector.shape_cast %add3A_1114 : vector<16xf32> to vector<1x1x16xf32>
        tpu.vector_store %arg13[%swap3A_1116, %swap3A_1117, %swap3A_1118], %swap3A_1121 {strides = array<i32>} : memref<2x16x768xf32, #tpu.memory_space<vmem>>, vector<1x1x16xf32>,
        %get3A_1122 = arith.constant 0 : i32
        %get3A_1123 = arith.index_cast %get3A_1122 : i32 to index
        %get3A_1124 = arith.index_cast %scan3A_259 : i32 to index
        %get3A_1125 = arith.constant 512 : index
        %get3A_1126 = tpu.vector_load %arg10[%get3A_1123, %get3A_1124, %get3A_1125] {strides = array<i32>} : memref<2x16x768xf32, #tpu.memory_space<vmem>>, vector<1x1x16xf32>,
        %get3A_1127 = vector.shape_cast %get3A_1126 : vector<1x1x16xf32> to vector<16xf32>
        %get3A_1128 = arith.constant 0 : i32
        %get3A_1129 = arith.index_cast %get3A_1128 : i32 to index
        %get3A_1130 = arith.index_cast %scan3A_259 : i32 to index
        %get3A_1131 = arith.constant 512 : index
        %get3A_1132 = tpu.vector_load %arg11[%get3A_1129, %get3A_1130, %get3A_1131] {strides = array<i32>} : memref<2x16x768xf32, #tpu.memory_space<vmem>>, vector<1x1x16xf32>,
        %get3A_1133 = vector.shape_cast %get3A_1132 : vector<1x1x16xf32> to vector<16xf32>
        %add3A_1134 = arith.addf %get3A_1127, %get3A_1133 : vector<16xf32>
        %get3A_1135 = arith.constant 0 : i32
        %get3A_1136 = arith.index_cast %get3A_1135 : i32 to index
        %get3A_1137 = arith.index_cast %scan3A_259 : i32 to index
        %get3A_1138 = arith.constant 512 : index
        %get3A_1139 = tpu.vector_load %arg12[%get3A_1136, %get3A_1137, %get3A_1138] {strides = array<i32>} : memref<2x16x768xf32, #tpu.memory_space<vmem>>, vector<1x1x16xf32>,
        %get3A_1140 = vector.shape_cast %get3A_1139 : vector<1x1x16xf32> to vector<16xf32>
        %add3A_1141 = arith.addf %add3A_1134, %get3A_1140 : vector<16xf32>
        %swap3A_1142 = arith.constant 0 : i32
        %swap3A_1143 = arith.index_cast %swap3A_1142 : i32 to index
        %swap3A_1144 = arith.index_cast %scan3A_259 : i32 to index
        %swap3A_1145 = arith.constant 512 : index
        %swap3A_1146 = tpu.vector_load %arg13[%swap3A_1143, %swap3A_1144, %swap3A_1145] {strides = array<i32>} : memref<2x16x768xf32, #tpu.memory_space<vmem>>, vector<1x1x16xf32>,
        %swap3A_1147 = vector.shape_cast %swap3A_1146 : vector<1x1x16xf32> to vector<16xf32>
        %swap3A_1148 = vector.shape_cast %add3A_1141 : vector<16xf32> to vector<1x1x16xf32>
        tpu.vector_store %arg13[%swap3A_1143, %swap3A_1144, %swap3A_1145], %swap3A_1148 {strides = array<i32>} : memref<2x16x768xf32, #tpu.memory_space<vmem>>, vector<1x1x16xf32>,
        %get3A_1149 = arith.constant 0 : i32
        %get3A_1150 = arith.index_cast %get3A_1149 : i32 to index
        %get3A_1151 = arith.index_cast %scan3A_259 : i32 to index
        %get3A_1152 = arith.constant 528 : index
        %get3A_1153 = tpu.vector_load %arg10[%get3A_1150, %get3A_1151, %get3A_1152] {strides = array<i32>} : memref<2x16x768xf32, #tpu.memory_space<vmem>>, vector<1x1x16xf32>,
        %get3A_1154 = vector.shape_cast %get3A_1153 : vector<1x1x16xf32> to vector<16xf32>
        %get3A_1155 = arith.constant 0 : i32
        %get3A_1156 = arith.index_cast %get3A_1155 : i32 to index
        %get3A_1157 = arith.index_cast %scan3A_259 : i32 to index
        %get3A_1158 = arith.constant 528 : index
        %get3A_1159 = tpu.vector_load %arg11[%get3A_1156, %get3A_1157, %get3A_1158] {strides = array<i32>} : memref<2x16x768xf32, #tpu.memory_space<vmem>>, vector<1x1x16xf32>,
        %get3A_1160 = vector.shape_cast %get3A_1159 : vector<1x1x16xf32> to vector<16xf32>
        %add3A_1161 = arith.addf %get3A_1154, %get3A_1160 : vector<16xf32>
        %get3A_1162 = arith.constant 0 : i32
        %get3A_1163 = arith.index_cast %get3A_1162 : i32 to index
        %get3A_1164 = arith.index_cast %scan3A_259 : i32 to index
        %get3A_1165 = arith.constant 528 : index
        %get3A_1166 = tpu.vector_load %arg12[%get3A_1163, %get3A_1164, %get3A_1165] {strides = array<i32>} : memref<2x16x768xf32, #tpu.memory_space<vmem>>, vector<1x1x16xf32>,
        %get3A_1167 = vector.shape_cast %get3A_1166 : vector<1x1x16xf32> to vector<16xf32>
        %add3A_1168 = arith.addf %add3A_1161, %get3A_1167 : vector<16xf32>
        %swap3A_1169 = arith.constant 0 : i32
        %swap3A_1170 = arith.index_cast %swap3A_1169 : i32 to index
        %swap3A_1171 = arith.index_cast %scan3A_259 : i32 to index
        %swap3A_1172 = arith.constant 528 : index
        %swap3A_1173 = tpu.vector_load %arg13[%swap3A_1170, %swap3A_1171, %swap3A_1172] {strides = array<i32>} : memref<2x16x768xf32, #tpu.memory_space<vmem>>, vector<1x1x16xf32>,
        %swap3A_1174 = vector.shape_cast %swap3A_1173 : vector<1x1x16xf32> to vector<16xf32>
        %swap3A_1175 = vector.shape_cast %add3A_1168 : vector<16xf32> to vector<1x1x16xf32>
        tpu.vector_store %arg13[%swap3A_1170, %swap3A_1171, %swap3A_1172], %swap3A_1175 {strides = array<i32>} : memref<2x16x768xf32, #tpu.memory_space<vmem>>, vector<1x1x16xf32>,
        %get3A_1176 = arith.constant 0 : i32
        %get3A_1177 = arith.index_cast %get3A_1176 : i32 to index
        %get3A_1178 = arith.index_cast %scan3A_259 : i32 to index
        %get3A_1179 = arith.constant 544 : index
        %get3A_1180 = tpu.vector_load %arg10[%get3A_1177, %get3A_1178, %get3A_1179] {strides = array<i32>} : memref<2x16x768xf32, #tpu.memory_space<vmem>>, vector<1x1x16xf32>,
        %get3A_1181 = vector.shape_cast %get3A_1180 : vector<1x1x16xf32> to vector<16xf32>
        %get3A_1182 = arith.constant 0 : i32
        %get3A_1183 = arith.index_cast %get3A_1182 : i32 to index
        %get3A_1184 = arith.index_cast %scan3A_259 : i32 to index
        %get3A_1185 = arith.constant 544 : index
        %get3A_1186 = tpu.vector_load %arg11[%get3A_1183, %get3A_1184, %get3A_1185] {strides = array<i32>} : memref<2x16x768xf32, #tpu.memory_space<vmem>>, vector<1x1x16xf32>,
        %get3A_1187 = vector.shape_cast %get3A_1186 : vector<1x1x16xf32> to vector<16xf32>
        %add3A_1188 = arith.addf %get3A_1181, %get3A_1187 : vector<16xf32>
        %get3A_1189 = arith.constant 0 : i32
        %get3A_1190 = arith.index_cast %get3A_1189 : i32 to index
        %get3A_1191 = arith.index_cast %scan3A_259 : i32 to index
        %get3A_1192 = arith.constant 544 : index
        %get3A_1193 = tpu.vector_load %arg12[%get3A_1190, %get3A_1191, %get3A_1192] {strides = array<i32>} : memref<2x16x768xf32, #tpu.memory_space<vmem>>, vector<1x1x16xf32>,
        %get3A_1194 = vector.shape_cast %get3A_1193 : vector<1x1x16xf32> to vector<16xf32>
        %add3A_1195 = arith.addf %add3A_1188, %get3A_1194 : vector<16xf32>
        %swap3A_1196 = arith.constant 0 : i32
        %swap3A_1197 = arith.index_cast %swap3A_1196 : i32 to index
        %swap3A_1198 = arith.index_cast %scan3A_259 : i32 to index
        %swap3A_1199 = arith.constant 544 : index
        %swap3A_1200 = tpu.vector_load %arg13[%swap3A_1197, %swap3A_1198, %swap3A_1199] {strides = array<i32>} : memref<2x16x768xf32, #tpu.memory_space<vmem>>, vector<1x1x16xf32>,
        %swap3A_1201 = vector.shape_cast %swap3A_1200 : vector<1x1x16xf32> to vector<16xf32>
        %swap3A_1202 = vector.shape_cast %add3A_1195 : vector<16xf32> to vector<1x1x16xf32>
        tpu.vector_store %arg13[%swap3A_1197, %swap3A_1198, %swap3A_1199], %swap3A_1202 {strides = array<i32>} : memref<2x16x768xf32, #tpu.memory_space<vmem>>, vector<1x1x16xf32>,
        %get3A_1203 = arith.constant 0 : i32
        %get3A_1204 = arith.index_cast %get3A_1203 : i32 to index
        %get3A_1205 = arith.index_cast %scan3A_259 : i32 to index
        %get3A_1206 = arith.constant 560 : index
        %get3A_1207 = tpu.vector_load %arg10[%get3A_1204, %get3A_1205, %get3A_1206] {strides = array<i32>} : memref<2x16x768xf32, #tpu.memory_space<vmem>>, vector<1x1x16xf32>,
        %get3A_1208 = vector.shape_cast %get3A_1207 : vector<1x1x16xf32> to vector<16xf32>
        %get3A_1209 = arith.constant 0 : i32
        %get3A_1210 = arith.index_cast %get3A_1209 : i32 to index
        %get3A_1211 = arith.index_cast %scan3A_259 : i32 to index
        %get3A_1212 = arith.constant 560 : index
        %get3A_1213 = tpu.vector_load %arg11[%get3A_1210, %get3A_1211, %get3A_1212] {strides = array<i32>} : memref<2x16x768xf32, #tpu.memory_space<vmem>>, vector<1x1x16xf32>,
        %get3A_1214 = vector.shape_cast %get3A_1213 : vector<1x1x16xf32> to vector<16xf32>
        %add3A_1215 = arith.addf %get3A_1208, %get3A_1214 : vector<16xf32>
        %get3A_1216 = arith.constant 0 : i32
        %get3A_1217 = arith.index_cast %get3A_1216 : i32 to index
        %get3A_1218 = arith.index_cast %scan3A_259 : i32 to index
        %get3A_1219 = arith.constant 560 : index
        %get3A_1220 = tpu.vector_load %arg12[%get3A_1217, %get3A_1218, %get3A_1219] {strides = array<i32>} : memref<2x16x768xf32, #tpu.memory_space<vmem>>, vector<1x1x16xf32>,
        %get3A_1221 = vector.shape_cast %get3A_1220 : vector<1x1x16xf32> to vector<16xf32>
        %add3A_1222 = arith.addf %add3A_1215, %get3A_1221 : vector<16xf32>
        %swap3A_1223 = arith.constant 0 : i32
        %swap3A_1224 = arith.index_cast %swap3A_1223 : i32 to index
        %swap3A_1225 = arith.index_cast %scan3A_259 : i32 to index
        %swap3A_1226 = arith.constant 560 : index
        %swap3A_1227 = tpu.vector_load %arg13[%swap3A_1224, %swap3A_1225, %swap3A_1226] {strides = array<i32>} : memref<2x16x768xf32, #tpu.memory_space<vmem>>, vector<1x1x16xf32>,
        %swap3A_1228 = vector.shape_cast %swap3A_1227 : vector<1x1x16xf32> to vector<16xf32>
        %swap3A_1229 = vector.shape_cast %add3A_1222 : vector<16xf32> to vector<1x1x16xf32>
        tpu.vector_store %arg13[%swap3A_1224, %swap3A_1225, %swap3A_1226], %swap3A_1229 {strides = array<i32>} : memref<2x16x768xf32, #tpu.memory_space<vmem>>, vector<1x1x16xf32>,
        %get3A_1230 = arith.constant 0 : i32
        %get3A_1231 = arith.index_cast %get3A_1230 : i32 to index
        %get3A_1232 = arith.index_cast %scan3A_259 : i32 to index
        %get3A_1233 = arith.constant 576 : index
        %get3A_1234 = tpu.vector_load %arg10[%get3A_1231, %get3A_1232, %get3A_1233] {strides = array<i32>} : memref<2x16x768xf32, #tpu.memory_space<vmem>>, vector<1x1x16xf32>,
        %get3A_1235 = vector.shape_cast %get3A_1234 : vector<1x1x16xf32> to vector<16xf32>
        %get3A_1236 = arith.constant 0 : i32
        %get3A_1237 = arith.index_cast %get3A_1236 : i32 to index
        %get3A_1238 = arith.index_cast %scan3A_259 : i32 to index
        %get3A_1239 = arith.constant 576 : index
        %get3A_1240 = tpu.vector_load %arg11[%get3A_1237, %get3A_1238, %get3A_1239] {strides = array<i32>} : memref<2x16x768xf32, #tpu.memory_space<vmem>>, vector<1x1x16xf32>,
        %get3A_1241 = vector.shape_cast %get3A_1240 : vector<1x1x16xf32> to vector<16xf32>
        %add3A_1242 = arith.addf %get3A_1235, %get3A_1241 : vector<16xf32>
        %get3A_1243 = arith.constant 0 : i32
        %get3A_1244 = arith.index_cast %get3A_1243 : i32 to index
        %get3A_1245 = arith.index_cast %scan3A_259 : i32 to index
        %get3A_1246 = arith.constant 576 : index
        %get3A_1247 = tpu.vector_load %arg12[%get3A_1244, %get3A_1245, %get3A_1246] {strides = array<i32>} : memref<2x16x768xf32, #tpu.memory_space<vmem>>, vector<1x1x16xf32>,
        %get3A_1248 = vector.shape_cast %get3A_1247 : vector<1x1x16xf32> to vector<16xf32>
        %add3A_1249 = arith.addf %add3A_1242, %get3A_1248 : vector<16xf32>
        %swap3A_1250 = arith.constant 0 : i32
        %swap3A_1251 = arith.index_cast %swap3A_1250 : i32 to index
        %swap3A_1252 = arith.index_cast %scan3A_259 : i32 to index
        %swap3A_1253 = arith.constant 576 : index
        %swap3A_1254 = tpu.vector_load %arg13[%swap3A_1251, %swap3A_1252, %swap3A_1253] {strides = array<i32>} : memref<2x16x768xf32, #tpu.memory_space<vmem>>, vector<1x1x16xf32>,
        %swap3A_1255 = vector.shape_cast %swap3A_1254 : vector<1x1x16xf32> to vector<16xf32>
        %swap3A_1256 = vector.shape_cast %add3A_1249 : vector<16xf32> to vector<1x1x16xf32>
        tpu.vector_store %arg13[%swap3A_1251, %swap3A_1252, %swap3A_1253], %swap3A_1256 {strides = array<i32>} : memref<2x16x768xf32, #tpu.memory_space<vmem>>, vector<1x1x16xf32>,
        %get3A_1257 = arith.constant 0 : i32
        %get3A_1258 = arith.index_cast %get3A_1257 : i32 to index
        %get3A_1259 = arith.index_cast %scan3A_259 : i32 to index
        %get3A_1260 = arith.constant 592 : index
        %get3A_1261 = tpu.vector_load %arg10[%get3A_1258, %get3A_1259, %get3A_1260] {strides = array<i32>} : memref<2x16x768xf32, #tpu.memory_space<vmem>>, vector<1x1x16xf32>,
        %get3A_1262 = vector.shape_cast %get3A_1261 : vector<1x1x16xf32> to vector<16xf32>
        %get3A_1263 = arith.constant 0 : i32
        %get3A_1264 = arith.index_cast %get3A_1263 : i32 to index
        %get3A_1265 = arith.index_cast %scan3A_259 : i32 to index
        %get3A_1266 = arith.constant 592 : index
        %get3A_1267 = tpu.vector_load %arg11[%get3A_1264, %get3A_1265, %get3A_1266] {strides = array<i32>} : memref<2x16x768xf32, #tpu.memory_space<vmem>>, vector<1x1x16xf32>,
        %get3A_1268 = vector.shape_cast %get3A_1267 : vector<1x1x16xf32> to vector<16xf32>
        %add3A_1269 = arith.addf %get3A_1262, %get3A_1268 : vector<16xf32>
        %get3A_1270 = arith.constant 0 : i32
        %get3A_1271 = arith.index_cast %get3A_1270 : i32 to index
        %get3A_1272 = arith.index_cast %scan3A_259 : i32 to index
        %get3A_1273 = arith.constant 592 : index
        %get3A_1274 = tpu.vector_load %arg12[%get3A_1271, %get3A_1272, %get3A_1273] {strides = array<i32>} : memref<2x16x768xf32, #tpu.memory_space<vmem>>, vector<1x1x16xf32>,
        %get3A_1275 = vector.shape_cast %get3A_1274 : vector<1x1x16xf32> to vector<16xf32>
        %add3A_1276 = arith.addf %add3A_1269, %get3A_1275 : vector<16xf32>
        %swap3A_1277 = arith.constant 0 : i32
        %swap3A_1278 = arith.index_cast %swap3A_1277 : i32 to index
        %swap3A_1279 = arith.index_cast %scan3A_259 : i32 to index
        %swap3A_1280 = arith.constant 592 : index
        %swap3A_1281 = tpu.vector_load %arg13[%swap3A_1278, %swap3A_1279, %swap3A_1280] {strides = array<i32>} : memref<2x16x768xf32, #tpu.memory_space<vmem>>, vector<1x1x16xf32>,
        %swap3A_1282 = vector.shape_cast %swap3A_1281 : vector<1x1x16xf32> to vector<16xf32>
        %swap3A_1283 = vector.shape_cast %add3A_1276 : vector<16xf32> to vector<1x1x16xf32>
        tpu.vector_store %arg13[%swap3A_1278, %swap3A_1279, %swap3A_1280], %swap3A_1283 {strides = array<i32>} : memref<2x16x768xf32, #tpu.memory_space<vmem>>, vector<1x1x16xf32>,
        %get3A_1284 = arith.constant 0 : i32
        %get3A_1285 = arith.index_cast %get3A_1284 : i32 to index
        %get3A_1286 = arith.index_cast %scan3A_259 : i32 to index
        %get3A_1287 = arith.constant 608 : index
        %get3A_1288 = tpu.vector_load %arg10[%get3A_1285, %get3A_1286, %get3A_1287] {strides = array<i32>} : memref<2x16x768xf32, #tpu.memory_space<vmem>>, vector<1x1x16xf32>,
        %get3A_1289 = vector.shape_cast %get3A_1288 : vector<1x1x16xf32> to vector<16xf32>
        %get3A_1290 = arith.constant 0 : i32
        %get3A_1291 = arith.index_cast %get3A_1290 : i32 to index
        %get3A_1292 = arith.index_cast %scan3A_259 : i32 to index
        %get3A_1293 = arith.constant 608 : index
        %get3A_1294 = tpu.vector_load %arg11[%get3A_1291, %get3A_1292, %get3A_1293] {strides = array<i32>} : memref<2x16x768xf32, #tpu.memory_space<vmem>>, vector<1x1x16xf32>,
        %get3A_1295 = vector.shape_cast %get3A_1294 : vector<1x1x16xf32> to vector<16xf32>
        %add3A_1296 = arith.addf %get3A_1289, %get3A_1295 : vector<16xf32>
        %get3A_1297 = arith.constant 0 : i32
        %get3A_1298 = arith.index_cast %get3A_1297 : i32 to index
        %get3A_1299 = arith.index_cast %scan3A_259 : i32 to index
        %get3A_1300 = arith.constant 608 : index
        %get3A_1301 = tpu.vector_load %arg12[%get3A_1298, %get3A_1299, %get3A_1300] {strides = array<i32>} : memref<2x16x768xf32, #tpu.memory_space<vmem>>, vector<1x1x16xf32>,
        %get3A_1302 = vector.shape_cast %get3A_1301 : vector<1x1x16xf32> to vector<16xf32>
        %add3A_1303 = arith.addf %add3A_1296, %get3A_1302 : vector<16xf32>
        %swap3A_1304 = arith.constant 0 : i32
        %swap3A_1305 = arith.index_cast %swap3A_1304 : i32 to index
        %swap3A_1306 = arith.index_cast %scan3A_259 : i32 to index
        %swap3A_1307 = arith.constant 608 : index
        %swap3A_1308 = tpu.vector_load %arg13[%swap3A_1305, %swap3A_1306, %swap3A_1307] {strides = array<i32>} : memref<2x16x768xf32, #tpu.memory_space<vmem>>, vector<1x1x16xf32>,
        %swap3A_1309 = vector.shape_cast %swap3A_1308 : vector<1x1x16xf32> to vector<16xf32>
        %swap3A_1310 = vector.shape_cast %add3A_1303 : vector<16xf32> to vector<1x1x16xf32>
        tpu.vector_store %arg13[%swap3A_1305, %swap3A_1306, %swap3A_1307], %swap3A_1310 {strides = array<i32>} : memref<2x16x768xf32, #tpu.memory_space<vmem>>, vector<1x1x16xf32>,
        %get3A_1311 = arith.constant 0 : i32
        %get3A_1312 = arith.index_cast %get3A_1311 : i32 to index
        %get3A_1313 = arith.index_cast %scan3A_259 : i32 to index
        %get3A_1314 = arith.constant 624 : index
        %get3A_1315 = tpu.vector_load %arg10[%get3A_1312, %get3A_1313, %get3A_1314] {strides = array<i32>} : memref<2x16x768xf32, #tpu.memory_space<vmem>>, vector<1x1x16xf32>,
        %get3A_1316 = vector.shape_cast %get3A_1315 : vector<1x1x16xf32> to vector<16xf32>
        %get3A_1317 = arith.constant 0 : i32
        %get3A_1318 = arith.index_cast %get3A_1317 : i32 to index
        %get3A_1319 = arith.index_cast %scan3A_259 : i32 to index
        %get3A_1320 = arith.constant 624 : index
        %get3A_1321 = tpu.vector_load %arg11[%get3A_1318, %get3A_1319, %get3A_1320] {strides = array<i32>} : memref<2x16x768xf32, #tpu.memory_space<vmem>>, vector<1x1x16xf32>,
        %get3A_1322 = vector.shape_cast %get3A_1321 : vector<1x1x16xf32> to vector<16xf32>
        %add3A_1323 = arith.addf %get3A_1316, %get3A_1322 : vector<16xf32>
        %get3A_1324 = arith.constant 0 : i32
        %get3A_1325 = arith.index_cast %get3A_1324 : i32 to index
        %get3A_1326 = arith.index_cast %scan3A_259 : i32 to index
        %get3A_1327 = arith.constant 624 : index
        %get3A_1328 = tpu.vector_load %arg12[%get3A_1325, %get3A_1326, %get3A_1327] {strides = array<i32>} : memref<2x16x768xf32, #tpu.memory_space<vmem>>, vector<1x1x16xf32>,
        %get3A_1329 = vector.shape_cast %get3A_1328 : vector<1x1x16xf32> to vector<16xf32>
        %add3A_1330 = arith.addf %add3A_1323, %get3A_1329 : vector<16xf32>
        %swap3A_1331 = arith.constant 0 : i32
        %swap3A_1332 = arith.index_cast %swap3A_1331 : i32 to index
        %swap3A_1333 = arith.index_cast %scan3A_259 : i32 to index
        %swap3A_1334 = arith.constant 624 : index
        %swap3A_1335 = tpu.vector_load %arg13[%swap3A_1332, %swap3A_1333, %swap3A_1334] {strides = array<i32>} : memref<2x16x768xf32, #tpu.memory_space<vmem>>, vector<1x1x16xf32>,
        %swap3A_1336 = vector.shape_cast %swap3A_1335 : vector<1x1x16xf32> to vector<16xf32>
        %swap3A_1337 = vector.shape_cast %add3A_1330 : vector<16xf32> to vector<1x1x16xf32>
        tpu.vector_store %arg13[%swap3A_1332, %swap3A_1333, %swap3A_1334], %swap3A_1337 {strides = array<i32>} : memref<2x16x768xf32, #tpu.memory_space<vmem>>, vector<1x1x16xf32>,
        %get3A_1338 = arith.constant 0 : i32
        %get3A_1339 = arith.index_cast %get3A_1338 : i32 to index
        %get3A_1340 = arith.index_cast %scan3A_259 : i32 to index
        %get3A_1341 = arith.constant 640 : index
        %get3A_1342 = tpu.vector_load %arg10[%get3A_1339, %get3A_1340, %get3A_1341] {strides = array<i32>} : memref<2x16x768xf32, #tpu.memory_space<vmem>>, vector<1x1x16xf32>,
        %get3A_1343 = vector.shape_cast %get3A_1342 : vector<1x1x16xf32> to vector<16xf32>
        %get3A_1344 = arith.constant 0 : i32
        %get3A_1345 = arith.index_cast %get3A_1344 : i32 to index
        %get3A_1346 = arith.index_cast %scan3A_259 : i32 to index
        %get3A_1347 = arith.constant 640 : index
        %get3A_1348 = tpu.vector_load %arg11[%get3A_1345, %get3A_1346, %get3A_1347] {strides = array<i32>} : memref<2x16x768xf32, #tpu.memory_space<vmem>>, vector<1x1x16xf32>,
        %get3A_1349 = vector.shape_cast %get3A_1348 : vector<1x1x16xf32> to vector<16xf32>
        %add3A_1350 = arith.addf %get3A_1343, %get3A_1349 : vector<16xf32>
        %get3A_1351 = arith.constant 0 : i32
        %get3A_1352 = arith.index_cast %get3A_1351 : i32 to index
        %get3A_1353 = arith.index_cast %scan3A_259 : i32 to index
        %get3A_1354 = arith.constant 640 : index
        %get3A_1355 = tpu.vector_load %arg12[%get3A_1352, %get3A_1353, %get3A_1354] {strides = array<i32>} : memref<2x16x768xf32, #tpu.memory_space<vmem>>, vector<1x1x16xf32>,
        %get3A_1356 = vector.shape_cast %get3A_1355 : vector<1x1x16xf32> to vector<16xf32>
        %add3A_1357 = arith.addf %add3A_1350, %get3A_1356 : vector<16xf32>
        %swap3A_1358 = arith.constant 0 : i32
        %swap3A_1359 = arith.index_cast %swap3A_1358 : i32 to index
        %swap3A_1360 = arith.index_cast %scan3A_259 : i32 to index
        %swap3A_1361 = arith.constant 640 : index
        %swap3A_1362 = tpu.vector_load %arg13[%swap3A_1359, %swap3A_1360, %swap3A_1361] {strides = array<i32>} : memref<2x16x768xf32, #tpu.memory_space<vmem>>, vector<1x1x16xf32>,
        %swap3A_1363 = vector.shape_cast %swap3A_1362 : vector<1x1x16xf32> to vector<16xf32>
        %swap3A_1364 = vector.shape_cast %add3A_1357 : vector<16xf32> to vector<1x1x16xf32>
        tpu.vector_store %arg13[%swap3A_1359, %swap3A_1360, %swap3A_1361], %swap3A_1364 {strides = array<i32>} : memref<2x16x768xf32, #tpu.memory_space<vmem>>, vector<1x1x16xf32>,
        %get3A_1365 = arith.constant 0 : i32
        %get3A_1366 = arith.index_cast %get3A_1365 : i32 to index
        %get3A_1367 = arith.index_cast %scan3A_259 : i32 to index
        %get3A_1368 = arith.constant 656 : index
        %get3A_1369 = tpu.vector_load %arg10[%get3A_1366, %get3A_1367, %get3A_1368] {strides = array<i32>} : memref<2x16x768xf32, #tpu.memory_space<vmem>>, vector<1x1x16xf32>,
        %get3A_1370 = vector.shape_cast %get3A_1369 : vector<1x1x16xf32> to vector<16xf32>
        %get3A_1371 = arith.constant 0 : i32
        %get3A_1372 = arith.index_cast %get3A_1371 : i32 to index
        %get3A_1373 = arith.index_cast %scan3A_259 : i32 to index
        %get3A_1374 = arith.constant 656 : index
        %get3A_1375 = tpu.vector_load %arg11[%get3A_1372, %get3A_1373, %get3A_1374] {strides = array<i32>} : memref<2x16x768xf32, #tpu.memory_space<vmem>>, vector<1x1x16xf32>,
        %get3A_1376 = vector.shape_cast %get3A_1375 : vector<1x1x16xf32> to vector<16xf32>
        %add3A_1377 = arith.addf %get3A_1370, %get3A_1376 : vector<16xf32>
        %get3A_1378 = arith.constant 0 : i32
        %get3A_1379 = arith.index_cast %get3A_1378 : i32 to index
        %get3A_1380 = arith.index_cast %scan3A_259 : i32 to index
        %get3A_1381 = arith.constant 656 : index
        %get3A_1382 = tpu.vector_load %arg12[%get3A_1379, %get3A_1380, %get3A_1381] {strides = array<i32>} : memref<2x16x768xf32, #tpu.memory_space<vmem>>, vector<1x1x16xf32>,
        %get3A_1383 = vector.shape_cast %get3A_1382 : vector<1x1x16xf32> to vector<16xf32>
        %add3A_1384 = arith.addf %add3A_1377, %get3A_1383 : vector<16xf32>
        %swap3A_1385 = arith.constant 0 : i32
        %swap3A_1386 = arith.index_cast %swap3A_1385 : i32 to index
        %swap3A_1387 = arith.index_cast %scan3A_259 : i32 to index
        %swap3A_1388 = arith.constant 656 : index
        %swap3A_1389 = tpu.vector_load %arg13[%swap3A_1386, %swap3A_1387, %swap3A_1388] {strides = array<i32>} : memref<2x16x768xf32, #tpu.memory_space<vmem>>, vector<1x1x16xf32>,
        %swap3A_1390 = vector.shape_cast %swap3A_1389 : vector<1x1x16xf32> to vector<16xf32>
        %swap3A_1391 = vector.shape_cast %add3A_1384 : vector<16xf32> to vector<1x1x16xf32>
        tpu.vector_store %arg13[%swap3A_1386, %swap3A_1387, %swap3A_1388], %swap3A_1391 {strides = array<i32>} : memref<2x16x768xf32, #tpu.memory_space<vmem>>, vector<1x1x16xf32>,
        %get3A_1392 = arith.constant 0 : i32
        %get3A_1393 = arith.index_cast %get3A_1392 : i32 to index
        %get3A_1394 = arith.index_cast %scan3A_259 : i32 to index
        %get3A_1395 = arith.constant 672 : index
        %get3A_1396 = tpu.vector_load %arg10[%get3A_1393, %get3A_1394, %get3A_1395] {strides = array<i32>} : memref<2x16x768xf32, #tpu.memory_space<vmem>>, vector<1x1x16xf32>,
        %get3A_1397 = vector.shape_cast %get3A_1396 : vector<1x1x16xf32> to vector<16xf32>
        %get3A_1398 = arith.constant 0 : i32
        %get3A_1399 = arith.index_cast %get3A_1398 : i32 to index
        %get3A_1400 = arith.index_cast %scan3A_259 : i32 to index
        %get3A_1401 = arith.constant 672 : index
        %get3A_1402 = tpu.vector_load %arg11[%get3A_1399, %get3A_1400, %get3A_1401] {strides = array<i32>} : memref<2x16x768xf32, #tpu.memory_space<vmem>>, vector<1x1x16xf32>,
        %get3A_1403 = vector.shape_cast %get3A_1402 : vector<1x1x16xf32> to vector<16xf32>
        %add3A_1404 = arith.addf %get3A_1397, %get3A_1403 : vector<16xf32>
        %get3A_1405 = arith.constant 0 : i32
        %get3A_1406 = arith.index_cast %get3A_1405 : i32 to index
        %get3A_1407 = arith.index_cast %scan3A_259 : i32 to index
        %get3A_1408 = arith.constant 672 : index
        %get3A_1409 = tpu.vector_load %arg12[%get3A_1406, %get3A_1407, %get3A_1408] {strides = array<i32>} : memref<2x16x768xf32, #tpu.memory_space<vmem>>, vector<1x1x16xf32>,
        %get3A_1410 = vector.shape_cast %get3A_1409 : vector<1x1x16xf32> to vector<16xf32>
        %add3A_1411 = arith.addf %add3A_1404, %get3A_1410 : vector<16xf32>
        %swap3A_1412 = arith.constant 0 : i32
        %swap3A_1413 = arith.index_cast %swap3A_1412 : i32 to index
        %swap3A_1414 = arith.index_cast %scan3A_259 : i32 to index
        %swap3A_1415 = arith.constant 672 : index
        %swap3A_1416 = tpu.vector_load %arg13[%swap3A_1413, %swap3A_1414, %swap3A_1415] {strides = array<i32>} : memref<2x16x768xf32, #tpu.memory_space<vmem>>, vector<1x1x16xf32>,
        %swap3A_1417 = vector.shape_cast %swap3A_1416 : vector<1x1x16xf32> to vector<16xf32>
        %swap3A_1418 = vector.shape_cast %add3A_1411 : vector<16xf32> to vector<1x1x16xf32>
        tpu.vector_store %arg13[%swap3A_1413, %swap3A_1414, %swap3A_1415], %swap3A_1418 {strides = array<i32>} : memref<2x16x768xf32, #tpu.memory_space<vmem>>, vector<1x1x16xf32>,
        %get3A_1419 = arith.constant 0 : i32
        %get3A_1420 = arith.index_cast %get3A_1419 : i32 to index
        %get3A_1421 = arith.index_cast %scan3A_259 : i32 to index
        %get3A_1422 = arith.constant 688 : index
        %get3A_1423 = tpu.vector_load %arg10[%get3A_1420, %get3A_1421, %get3A_1422] {strides = array<i32>} : memref<2x16x768xf32, #tpu.memory_space<vmem>>, vector<1x1x16xf32>,
        %get3A_1424 = vector.shape_cast %get3A_1423 : vector<1x1x16xf32> to vector<16xf32>
        %get3A_1425 = arith.constant 0 : i32
        %get3A_1426 = arith.index_cast %get3A_1425 : i32 to index
        %get3A_1427 = arith.index_cast %scan3A_259 : i32 to index
        %get3A_1428 = arith.constant 688 : index
        %get3A_1429 = tpu.vector_load %arg11[%get3A_1426, %get3A_1427, %get3A_1428] {strides = array<i32>} : memref<2x16x768xf32, #tpu.memory_space<vmem>>, vector<1x1x16xf32>,
        %get3A_1430 = vector.shape_cast %get3A_1429 : vector<1x1x16xf32> to vector<16xf32>
        %add3A_1431 = arith.addf %get3A_1424, %get3A_1430 : vector<16xf32>
        %get3A_1432 = arith.constant 0 : i32
        %get3A_1433 = arith.index_cast %get3A_1432 : i32 to index
        %get3A_1434 = arith.index_cast %scan3A_259 : i32 to index
        %get3A_1435 = arith.constant 688 : index
        %get3A_1436 = tpu.vector_load %arg12[%get3A_1433, %get3A_1434, %get3A_1435] {strides = array<i32>} : memref<2x16x768xf32, #tpu.memory_space<vmem>>, vector<1x1x16xf32>,
        %get3A_1437 = vector.shape_cast %get3A_1436 : vector<1x1x16xf32> to vector<16xf32>
        %add3A_1438 = arith.addf %add3A_1431, %get3A_1437 : vector<16xf32>
        %swap3A_1439 = arith.constant 0 : i32
        %swap3A_1440 = arith.index_cast %swap3A_1439 : i32 to index
        %swap3A_1441 = arith.index_cast %scan3A_259 : i32 to index
        %swap3A_1442 = arith.constant 688 : index
        %swap3A_1443 = tpu.vector_load %arg13[%swap3A_1440, %swap3A_1441, %swap3A_1442] {strides = array<i32>} : memref<2x16x768xf32, #tpu.memory_space<vmem>>, vector<1x1x16xf32>,
        %swap3A_1444 = vector.shape_cast %swap3A_1443 : vector<1x1x16xf32> to vector<16xf32>
        %swap3A_1445 = vector.shape_cast %add3A_1438 : vector<16xf32> to vector<1x1x16xf32>
        tpu.vector_store %arg13[%swap3A_1440, %swap3A_1441, %swap3A_1442], %swap3A_1445 {strides = array<i32>} : memref<2x16x768xf32, #tpu.memory_space<vmem>>, vector<1x1x16xf32>,
        %get3A_1446 = arith.constant 0 : i32
        %get3A_1447 = arith.index_cast %get3A_1446 : i32 to index
        %get3A_1448 = arith.index_cast %scan3A_259 : i32 to index
        %get3A_1449 = arith.constant 704 : index
        %get3A_1450 = tpu.vector_load %arg10[%get3A_1447, %get3A_1448, %get3A_1449] {strides = array<i32>} : memref<2x16x768xf32, #tpu.memory_space<vmem>>, vector<1x1x16xf32>,
        %get3A_1451 = vector.shape_cast %get3A_1450 : vector<1x1x16xf32> to vector<16xf32>
        %get3A_1452 = arith.constant 0 : i32
        %get3A_1453 = arith.index_cast %get3A_1452 : i32 to index
        %get3A_1454 = arith.index_cast %scan3A_259 : i32 to index
        %get3A_1455 = arith.constant 704 : index
        %get3A_1456 = tpu.vector_load %arg11[%get3A_1453, %get3A_1454, %get3A_1455] {strides = array<i32>} : memref<2x16x768xf32, #tpu.memory_space<vmem>>, vector<1x1x16xf32>,
        %get3A_1457 = vector.shape_cast %get3A_1456 : vector<1x1x16xf32> to vector<16xf32>
        %add3A_1458 = arith.addf %get3A_1451, %get3A_1457 : vector<16xf32>
        %get3A_1459 = arith.constant 0 : i32
        %get3A_1460 = arith.index_cast %get3A_1459 : i32 to index
        %get3A_1461 = arith.index_cast %scan3A_259 : i32 to index
        %get3A_1462 = arith.constant 704 : index
        %get3A_1463 = tpu.vector_load %arg12[%get3A_1460, %get3A_1461, %get3A_1462] {strides = array<i32>} : memref<2x16x768xf32, #tpu.memory_space<vmem>>, vector<1x1x16xf32>,
        %get3A_1464 = vector.shape_cast %get3A_1463 : vector<1x1x16xf32> to vector<16xf32>
        %add3A_1465 = arith.addf %add3A_1458, %get3A_1464 : vector<16xf32>
        %swap3A_1466 = arith.constant 0 : i32
        %swap3A_1467 = arith.index_cast %swap3A_1466 : i32 to index
        %swap3A_1468 = arith.index_cast %scan3A_259 : i32 to index
        %swap3A_1469 = arith.constant 704 : index
        %swap3A_1470 = tpu.vector_load %arg13[%swap3A_1467, %swap3A_1468, %swap3A_1469] {strides = array<i32>} : memref<2x16x768xf32, #tpu.memory_space<vmem>>, vector<1x1x16xf32>,
        %swap3A_1471 = vector.shape_cast %swap3A_1470 : vector<1x1x16xf32> to vector<16xf32>
        %swap3A_1472 = vector.shape_cast %add3A_1465 : vector<16xf32> to vector<1x1x16xf32>
        tpu.vector_store %arg13[%swap3A_1467, %swap3A_1468, %swap3A_1469], %swap3A_1472 {strides = array<i32>} : memref<2x16x768xf32, #tpu.memory_space<vmem>>, vector<1x1x16xf32>,
        %get3A_1473 = arith.constant 0 : i32
        %get3A_1474 = arith.index_cast %get3A_1473 : i32 to index
        %get3A_1475 = arith.index_cast %scan3A_259 : i32 to index
        %get3A_1476 = arith.constant 720 : index
        %get3A_1477 = tpu.vector_load %arg10[%get3A_1474, %get3A_1475, %get3A_1476] {strides = array<i32>} : memref<2x16x768xf32, #tpu.memory_space<vmem>>, vector<1x1x16xf32>,
        %get3A_1478 = vector.shape_cast %get3A_1477 : vector<1x1x16xf32> to vector<16xf32>
        %get3A_1479 = arith.constant 0 : i32
        %get3A_1480 = arith.index_cast %get3A_1479 : i32 to index
        %get3A_1481 = arith.index_cast %scan3A_259 : i32 to index
        %get3A_1482 = arith.constant 720 : index
        %get3A_1483 = tpu.vector_load %arg11[%get3A_1480, %get3A_1481, %get3A_1482] {strides = array<i32>} : memref<2x16x768xf32, #tpu.memory_space<vmem>>, vector<1x1x16xf32>,
        %get3A_1484 = vector.shape_cast %get3A_1483 : vector<1x1x16xf32> to vector<16xf32>
        %add3A_1485 = arith.addf %get3A_1478, %get3A_1484 : vector<16xf32>
        %get3A_1486 = arith.constant 0 : i32
        %get3A_1487 = arith.index_cast %get3A_1486 : i32 to index
        %get3A_1488 = arith.index_cast %scan3A_259 : i32 to index
        %get3A_1489 = arith.constant 720 : index
        %get3A_1490 = tpu.vector_load %arg12[%get3A_1487, %get3A_1488, %get3A_1489] {strides = array<i32>} : memref<2x16x768xf32, #tpu.memory_space<vmem>>, vector<1x1x16xf32>,
        %get3A_1491 = vector.shape_cast %get3A_1490 : vector<1x1x16xf32> to vector<16xf32>
        %add3A_1492 = arith.addf %add3A_1485, %get3A_1491 : vector<16xf32>
        %swap3A_1493 = arith.constant 0 : i32
        %swap3A_1494 = arith.index_cast %swap3A_1493 : i32 to index
        %swap3A_1495 = arith.index_cast %scan3A_259 : i32 to index
        %swap3A_1496 = arith.constant 720 : index
        %swap3A_1497 = tpu.vector_load %arg13[%swap3A_1494, %swap3A_1495, %swap3A_1496] {strides = array<i32>} : memref<2x16x768xf32, #tpu.memory_space<vmem>>, vector<1x1x16xf32>,
        %swap3A_1498 = vector.shape_cast %swap3A_1497 : vector<1x1x16xf32> to vector<16xf32>
        %swap3A_1499 = vector.shape_cast %add3A_1492 : vector<16xf32> to vector<1x1x16xf32>
        tpu.vector_store %arg13[%swap3A_1494, %swap3A_1495, %swap3A_1496], %swap3A_1499 {strides = array<i32>} : memref<2x16x768xf32, #tpu.memory_space<vmem>>, vector<1x1x16xf32>,
        %get3A_1500 = arith.constant 0 : i32
        %get3A_1501 = arith.index_cast %get3A_1500 : i32 to index
        %get3A_1502 = arith.index_cast %scan3A_259 : i32 to index
        %get3A_1503 = arith.constant 736 : index
        %get3A_1504 = tpu.vector_load %arg10[%get3A_1501, %get3A_1502, %get3A_1503] {strides = array<i32>} : memref<2x16x768xf32, #tpu.memory_space<vmem>>, vector<1x1x16xf32>,
        %get3A_1505 = vector.shape_cast %get3A_1504 : vector<1x1x16xf32> to vector<16xf32>
        %get3A_1506 = arith.constant 0 : i32
        %get3A_1507 = arith.index_cast %get3A_1506 : i32 to index
        %get3A_1508 = arith.index_cast %scan3A_259 : i32 to index
        %get3A_1509 = arith.constant 736 : index
        %get3A_1510 = tpu.vector_load %arg11[%get3A_1507, %get3A_1508, %get3A_1509] {strides = array<i32>} : memref<2x16x768xf32, #tpu.memory_space<vmem>>, vector<1x1x16xf32>,
        %get3A_1511 = vector.shape_cast %get3A_1510 : vector<1x1x16xf32> to vector<16xf32>
        %add3A_1512 = arith.addf %get3A_1505, %get3A_1511 : vector<16xf32>
        %get3A_1513 = arith.constant 0 : i32
        %get3A_1514 = arith.index_cast %get3A_1513 : i32 to index
        %get3A_1515 = arith.index_cast %scan3A_259 : i32 to index
        %get3A_1516 = arith.constant 736 : index
        %get3A_1517 = tpu.vector_load %arg12[%get3A_1514, %get3A_1515, %get3A_1516] {strides = array<i32>} : memref<2x16x768xf32, #tpu.memory_space<vmem>>, vector<1x1x16xf32>,
        %get3A_1518 = vector.shape_cast %get3A_1517 : vector<1x1x16xf32> to vector<16xf32>
        %add3A_1519 = arith.addf %add3A_1512, %get3A_1518 : vector<16xf32>
        %swap3A_1520 = arith.constant 0 : i32
        %swap3A_1521 = arith.index_cast %swap3A_1520 : i32 to index
        %swap3A_1522 = arith.index_cast %scan3A_259 : i32 to index
        %swap3A_1523 = arith.constant 736 : index
        %swap3A_1524 = tpu.vector_load %arg13[%swap3A_1521, %swap3A_1522, %swap3A_1523] {strides = array<i32>} : memref<2x16x768xf32, #tpu.memory_space<vmem>>, vector<1x1x16xf32>,
        %swap3A_1525 = vector.shape_cast %swap3A_1524 : vector<1x1x16xf32> to vector<16xf32>
        %swap3A_1526 = vector.shape_cast %add3A_1519 : vector<16xf32> to vector<1x1x16xf32>
        tpu.vector_store %arg13[%swap3A_1521, %swap3A_1522, %swap3A_1523], %swap3A_1526 {strides = array<i32>} : memref<2x16x768xf32, #tpu.memory_space<vmem>>, vector<1x1x16xf32>,
        %get3A_1527 = arith.constant 0 : i32
        %get3A_1528 = arith.index_cast %get3A_1527 : i32 to index
        %get3A_1529 = arith.index_cast %scan3A_259 : i32 to index
        %get3A_1530 = arith.constant 752 : index
        %get3A_1531 = tpu.vector_load %arg10[%get3A_1528, %get3A_1529, %get3A_1530] {strides = array<i32>} : memref<2x16x768xf32, #tpu.memory_space<vmem>>, vector<1x1x16xf32>,
        %get3A_1532 = vector.shape_cast %get3A_1531 : vector<1x1x16xf32> to vector<16xf32>
        %get3A_1533 = arith.constant 0 : i32
        %get3A_1534 = arith.index_cast %get3A_1533 : i32 to index
        %get3A_1535 = arith.index_cast %scan3A_259 : i32 to index
        %get3A_1536 = arith.constant 752 : index
        %get3A_1537 = tpu.vector_load %arg11[%get3A_1534, %get3A_1535, %get3A_1536] {strides = array<i32>} : memref<2x16x768xf32, #tpu.memory_space<vmem>>, vector<1x1x16xf32>,
        %get3A_1538 = vector.shape_cast %get3A_1537 : vector<1x1x16xf32> to vector<16xf32>
        %add3A_1539 = arith.addf %get3A_1532, %get3A_1538 : vector<16xf32>
        %get3A_1540 = arith.constant 0 : i32
        %get3A_1541 = arith.index_cast %get3A_1540 : i32 to index
        %get3A_1542 = arith.index_cast %scan3A_259 : i32 to index
        %get3A_1543 = arith.constant 752 : index
        %get3A_1544 = tpu.vector_load %arg12[%get3A_1541, %get3A_1542, %get3A_1543] {strides = array<i32>} : memref<2x16x768xf32, #tpu.memory_space<vmem>>, vector<1x1x16xf32>,
        %get3A_1545 = vector.shape_cast %get3A_1544 : vector<1x1x16xf32> to vector<16xf32>
        %add3A_1546 = arith.addf %add3A_1539, %get3A_1545 : vector<16xf32>
        %swap3A_1547 = arith.constant 0 : i32
        %swap3A_1548 = arith.index_cast %swap3A_1547 : i32 to index
        %swap3A_1549 = arith.index_cast %scan3A_259 : i32 to index
        %swap3A_1550 = arith.constant 752 : index
        %swap3A_1551 = tpu.vector_load %arg13[%swap3A_1548, %swap3A_1549, %swap3A_1550] {strides = array<i32>} : memref<2x16x768xf32, #tpu.memory_space<vmem>>, vector<1x1x16xf32>,
        %swap3A_1552 = vector.shape_cast %swap3A_1551 : vector<1x1x16xf32> to vector<16xf32>
        %swap3A_1553 = vector.shape_cast %add3A_1546 : vector<16xf32> to vector<1x1x16xf32>
        tpu.vector_store %arg13[%swap3A_1548, %swap3A_1549, %swap3A_1550], %swap3A_1553 {strides = array<i32>} : memref<2x16x768xf32, #tpu.memory_space<vmem>>, vector<1x1x16xf32>,
      }
      %scan3A_164 = arith.constant 16 : i32
      %mul3A_165 = arith.constant 16 : i32
      %mul3A_166 = arith.muli %add3A_118, %mul3A_165 : i32
      %add3A_167 = arith.addi %mul3A_2, %mul3A_166 : i32
      %dma_start3A_168 = arith.constant 0 : i32
      %dma_start3A_169 = arith.constant 0 : i32
      %dma_start3A_170 = arith.constant 0 : i32
      %dma_start3A_171 = tpu.memref_slice %arg13[%dma_start3A_168, %dma_start3A_169, %dma_start3A_170] : memref<2x16x768xf32, #tpu.memory_space<vmem>> -> memref<1x16x768xf32, #tpu.memory_space<vmem>>
      %dma_start3A_172 = tpu.memref_squeeze %dma_start3A_171 : memref<1x16x768xf32, #tpu.memory_space<vmem>> -> memref<16x768xf32, #tpu.memory_space<vmem>>
      %dma_start3A_173 = arith.constant 0 : i32
      %dma_start3A_174 = tpu.memref_slice %arg7[%add3A_167, %dma_start3A_173] : memref<16384x768xf32, #tpu.memory_space<hbm>> -> memref<16x768xf32, #tpu.memory_space<hbm>>
      %dma_start3A_175 = arith.constant 0 : i32
      %dma_start3A_176 = tpu.memref_slice %arg7[%add3A_167, %dma_start3A_175] : memref<16384x768xf32, #tpu.memory_space<hbm>> -> memref<16x768xf32, #tpu.memory_space<hbm>>
      %dma_start3A_177 = arith.constant 0 : i32
      %dma_start3A_178 = arith.constant 0 : i32
      %dma_start3A_179 = tpu.memref_slice %arg13[%dma_start3A_168, %dma_start3A_177, %dma_start3A_178] : memref<2x16x768xf32, #tpu.memory_space<vmem>> -> memref<1x16x768xf32, #tpu.memory_space<vmem>>
      %dma_start3A_180 = tpu.memref_squeeze %dma_start3A_179 : memref<1x16x768xf32, #tpu.memory_space<vmem>> -> memref<16x768xf32, #tpu.memory_space<vmem>>
      tpu.enqueue_dma source(%dma_start3A_180 : memref<16x768xf32, #tpu.memory_space<vmem>>) target(%dma_start3A_176 : memref<16x768xf32, #tpu.memory_space<hbm>>) target_semaphore(%arg16 : memref<!tpu.dma_semaphore, #tpu.memory_space<semaphore_mem>>)
      %lt3A = arith.constant 5 : i32
      %lt3A_181 = arith.cmpi slt, %scan3A_114, %lt3A : i32
      %convert_element_type3A_182 = arith.extui %lt3A_181 : i1 to i32
      %cond3A_183 = arith.constant 0 : i32
      %cond3A_184 = arith.cmpi ne, %convert_element_type3A_182, %cond3A_183 : i32
      scf.if %cond3A_184 {
        %add3A_259 = arith.constant 2 : i32
        %add3A_260 = arith.addi %add3A_118, %add3A_259 : i32
        %mul3A_261 = arith.constant 16 : i32
        %mul3A_262 = arith.muli %add3A_260, %mul3A_261 : i32
        %add3A_263 = arith.addi %mul3A_2, %mul3A_262 : i32
        %dma_start3A_264 = arith.constant 0 : i32
        %dma_start3A_265 = arith.constant 0 : i32
        %dma_start3A_266 = arith.constant 0 : i32
        %dma_start3A_267 = tpu.memref_slice %arg10[%dma_start3A_264, %dma_start3A_265, %dma_start3A_266] : memref<2x16x768xf32, #tpu.memory_space<vmem>> -> memref<1x16x768xf32, #tpu.memory_space<vmem>>
        %dma_start3A_268 = tpu.memref_squeeze %dma_start3A_267 : memref<1x16x768xf32, #tpu.memory_space<vmem>> -> memref<16x768xf32, #tpu.memory_space<vmem>>
        %dma_start3A_269 = arith.constant 0 : i32
        %dma_start3A_270 = tpu.memref_slice %arg2[%add3A_263, %dma_start3A_269] : memref<16384x768xf32, #tpu.memory_space<hbm>> -> memref<16x768xf32, #tpu.memory_space<hbm>>
        %dma_start3A_271 = arith.constant 0 : i32
        %dma_start3A_272 = arith.constant 0 : i32
        %dma_start3A_273 = tpu.memref_slice %arg10[%dma_start3A_264, %dma_start3A_271, %dma_start3A_272] : memref<2x16x768xf32, #tpu.memory_space<vmem>> -> memref<1x16x768xf32, #tpu.memory_space<vmem>>
        %dma_start3A_274 = tpu.memref_squeeze %dma_start3A_273 : memref<1x16x768xf32, #tpu.memory_space<vmem>> -> memref<16x768xf32, #tpu.memory_space<vmem>>
        %dma_start3A_275 = arith.constant 0 : i32
        %dma_start3A_276 = tpu.memref_slice %arg2[%add3A_263, %dma_start3A_275] : memref<16384x768xf32, #tpu.memory_space<hbm>> -> memref<16x768xf32, #tpu.memory_space<hbm>>
        tpu.enqueue_dma source(%dma_start3A_276 : memref<16x768xf32, #tpu.memory_space<hbm>>) target(%dma_start3A_274 : memref<16x768xf32, #tpu.memory_space<vmem>>) target_semaphore(%arg14 : memref<!tpu.dma_semaphore, #tpu.memory_space<semaphore_mem>>)
        %dma_start3A_277 = arith.constant 0 : i32
        %dma_start3A_278 = arith.constant 0 : i32
        %dma_start3A_279 = arith.constant 0 : i32
        %dma_start3A_280 = tpu.memref_slice %arg11[%dma_start3A_277, %dma_start3A_278, %dma_start3A_279] : memref<2x16x768xf32, #tpu.memory_space<vmem>> -> memref<1x16x768xf32, #tpu.memory_space<vmem>>
        %dma_start3A_281 = tpu.memref_squeeze %dma_start3A_280 : memref<1x16x768xf32, #tpu.memory_space<vmem>> -> memref<16x768xf32, #tpu.memory_space<vmem>>
        %dma_start3A_282 = arith.constant 0 : i32
        %dma_start3A_283 = tpu.memref_slice %arg8[%add3A_260, %dma_start3A_282] : memref<12x16xi32, #tpu.memory_space<vmem>> -> memref<1x16xi32, #tpu.memory_space<vmem>>
        %dma_start3A_284 = tpu.memref_squeeze %dma_start3A_283 : memref<1x16xi32, #tpu.memory_space<vmem>> -> memref<16xi32, #tpu.memory_space<vmem>>
        %dma_start3A_285 = arith.constant 0 : i32
        %dma_start3A_286 = arith.constant 0 : i32
        %dma_start3A_287 = tpu.memref_slice %arg5[%dma_start3A_285, %dma_start3A_286] : memref<100x768xf32, #tpu.memory_space<hbm>> -> memref<100x768xf32, #tpu.memory_space<hbm>>
        tpu.enqueue_indirect_dma source(%dma_start3A_287 : memref<100x768xf32, #tpu.memory_space<hbm>>) target(%dma_start3A_281 : memref<16x768xf32, #tpu.memory_space<vmem>>) offsets(%dma_start3A_284 : memref<16xi32, #tpu.memory_space<vmem>>) semaphore(%arg14 : memref<!tpu.dma_semaphore, #tpu.memory_space<semaphore_mem>>)
        %dma_start3A_288 = arith.constant 0 : i32
        %dma_start3A_289 = arith.constant 0 : i32
        %dma_start3A_290 = arith.constant 0 : i32
        %dma_start3A_291 = tpu.memref_slice %arg12[%dma_start3A_288, %dma_start3A_289, %dma_start3A_290] : memref<2x16x768xf32, #tpu.memory_space<vmem>> -> memref<1x16x768xf32, #tpu.memory_space<vmem>>
        %dma_start3A_292 = tpu.memref_squeeze %dma_start3A_291 : memref<1x16x768xf32, #tpu.memory_space<vmem>> -> memref<16x768xf32, #tpu.memory_space<vmem>>
        %dma_start3A_293 = arith.constant 0 : i32
        %dma_start3A_294 = tpu.memref_slice %arg9[%add3A_260, %dma_start3A_293] : memref<12x16xi32, #tpu.memory_space<vmem>> -> memref<1x16xi32, #tpu.memory_space<vmem>>
        %dma_start3A_295 = tpu.memref_squeeze %dma_start3A_294 : memref<1x16xi32, #tpu.memory_space<vmem>> -> memref<16xi32, #tpu.memory_space<vmem>>
        %dma_start3A_296 = arith.constant 0 : i32
        %dma_start3A_297 = arith.constant 0 : i32
        %dma_start3A_298 = tpu.memref_slice %arg6[%dma_start3A_296, %dma_start3A_297] : memref<500x768xf32, #tpu.memory_space<hbm>> -> memref<500x768xf32, #tpu.memory_space<hbm>>
        tpu.enqueue_indirect_dma source(%dma_start3A_298 : memref<500x768xf32, #tpu.memory_space<hbm>>) target(%dma_start3A_292 : memref<16x768xf32, #tpu.memory_space<vmem>>) offsets(%dma_start3A_295 : memref<16xi32, #tpu.memory_space<vmem>>) semaphore(%arg14 : memref<!tpu.dma_semaphore, #tpu.memory_space<semaphore_mem>>)
      } else {
      }
      %mul3A_185 = arith.constant 2 : i32
      %mul3A_186 = arith.muli %scan3A_114, %mul3A_185 : i32
      %add3A_187 = arith.constant 1 : i32
      %add3A_188 = arith.addi %mul3A_186, %add3A_187 : i32
      %mul3A_189 = arith.constant 16 : i32
      %mul3A_190 = arith.muli %add3A_188, %mul3A_189 : i32
      %add3A_191 = arith.addi %mul3A_2, %mul3A_190 : i32
      %dma_wait3A_192 = arith.constant 1 : i32
      %dma_wait3A_193 = arith.constant 0 : i32
      %dma_wait3A_194 = arith.constant 0 : i32
      %dma_wait3A_195 = tpu.memref_slice %arg10[%dma_wait3A_192, %dma_wait3A_193, %dma_wait3A_194] : memref<2x16x768xf32, #tpu.memory_space<vmem>> -> memref<1x16x768xf32, #tpu.memory_space<vmem>>
      %dma_wait3A_196 = tpu.memref_squeeze %dma_wait3A_195 : memref<1x16x768xf32, #tpu.memory_space<vmem>> -> memref<16x768xf32, #tpu.memory_space<vmem>>
      %dma_wait3A_197 = arith.constant 0 : i32
      %dma_wait3A_198 = tpu.memref_slice %arg2[%add3A_191, %dma_wait3A_197] : memref<16384x768xf32, #tpu.memory_space<hbm>> -> memref<16x768xf32, #tpu.memory_space<hbm>>
      %dma_wait3A_199 = arith.constant 0 : i32
      %dma_wait3A_200 = arith.constant 0 : i32
      %dma_wait3A_201 = tpu.memref_slice %arg10[%dma_wait3A_192, %dma_wait3A_199, %dma_wait3A_200] : memref<2x16x768xf32, #tpu.memory_space<vmem>> -> memref<1x16x768xf32, #tpu.memory_space<vmem>>
      %dma_wait3A_202 = tpu.memref_squeeze %dma_wait3A_201 : memref<1x16x768xf32, #tpu.memory_space<vmem>> -> memref<16x768xf32, #tpu.memory_space<vmem>>
      %dma_wait3A_203 = arith.constant 0 : i32
      %dma_wait3A_204 = tpu.memref_slice %arg2[%add3A_191, %dma_wait3A_203] : memref<16384x768xf32, #tpu.memory_space<hbm>> -> memref<16x768xf32, #tpu.memory_space<hbm>>
      tpu.wait_dma2 semaphore(%arg15 : memref<!tpu.dma_semaphore, #tpu.memory_space<semaphore_mem>>) src(%dma_wait3A_204 : memref<16x768xf32, #tpu.memory_space<hbm>>) dst(%dma_wait3A_202 : memref<16x768xf32, #tpu.memory_space<vmem>>)
      %dma_wait3A_205 = arith.constant 1 : i32
      %dma_wait3A_206 = arith.constant 0 : i32
      %dma_wait3A_207 = arith.constant 0 : i32
      %dma_wait3A_208 = tpu.memref_slice %arg11[%dma_wait3A_205, %dma_wait3A_206, %dma_wait3A_207] : memref<2x16x768xf32, #tpu.memory_space<vmem>> -> memref<1x16x768xf32, #tpu.memory_space<vmem>>
      %dma_wait3A_209 = tpu.memref_squeeze %dma_wait3A_208 : memref<1x16x768xf32, #tpu.memory_space<vmem>> -> memref<16x768xf32, #tpu.memory_space<vmem>>
      %dma_wait3A_210 = arith.constant 0 : i32
      %dma_wait3A_211 = tpu.memref_slice %arg8[%add3A_188, %dma_wait3A_210] : memref<12x16xi32, #tpu.memory_space<vmem>> -> memref<1x16xi32, #tpu.memory_space<vmem>>
      %dma_wait3A_212 = tpu.memref_squeeze %dma_wait3A_211 : memref<1x16xi32, #tpu.memory_space<vmem>> -> memref<16xi32, #tpu.memory_space<vmem>>
      %dma_wait3A_213 = arith.constant 0 : i32
      %dma_wait3A_214 = arith.constant 0 : i32
      %dma_wait3A_215 = tpu.memref_slice %arg5[%dma_wait3A_213, %dma_wait3A_214] : memref<100x768xf32, #tpu.memory_space<hbm>> -> memref<100x768xf32, #tpu.memory_space<hbm>>
      tpu.wait_indirect_dma semaphore(%arg15 : memref<!tpu.dma_semaphore, #tpu.memory_space<semaphore_mem>>) src(%dma_wait3A_215 : memref<100x768xf32, #tpu.memory_space<hbm>>) dst(%dma_wait3A_209 : memref<16x768xf32, #tpu.memory_space<vmem>>)
      %dma_wait3A_216 = arith.constant 1 : i32
      %dma_wait3A_217 = arith.constant 0 : i32
      %dma_wait3A_218 = arith.constant 0 : i32
      %dma_wait3A_219 = tpu.memref_slice %arg12[%dma_wait3A_216, %dma_wait3A_217, %dma_wait3A_218] : memref<2x16x768xf32, #tpu.memory_space<vmem>> -> memref<1x16x768xf32, #tpu.memory_space<vmem>>
      %dma_wait3A_220 = tpu.memref_squeeze %dma_wait3A_219 : memref<1x16x768xf32, #tpu.memory_space<vmem>> -> memref<16x768xf32, #tpu.memory_space<vmem>>
      %dma_wait3A_221 = arith.constant 0 : i32
      %dma_wait3A_222 = tpu.memref_slice %arg9[%add3A_188, %dma_wait3A_221] : memref<12x16xi32, #tpu.memory_space<vmem>> -> memref<1x16xi32, #tpu.memory_space<vmem>>
      %dma_wait3A_223 = tpu.memref_squeeze %dma_wait3A_222 : memref<1x16xi32, #tpu.memory_space<vmem>> -> memref<16xi32, #tpu.memory_space<vmem>>
      %dma_wait3A_224 = arith.constant 0 : i32
      %dma_wait3A_225 = arith.constant 0 : i32
      %dma_wait3A_226 = tpu.memref_slice %arg6[%dma_wait3A_224, %dma_wait3A_225] : memref<500x768xf32, #tpu.memory_space<hbm>> -> memref<500x768xf32, #tpu.memory_space<hbm>>
      tpu.wait_indirect_dma semaphore(%arg15 : memref<!tpu.dma_semaphore, #tpu.memory_space<semaphore_mem>>) src(%dma_wait3A_226 : memref<500x768xf32, #tpu.memory_space<hbm>>) dst(%dma_wait3A_220 : memref<16x768xf32, #tpu.memory_space<vmem>>)
      %gt3A_227 = arith.constant 0 : i32
      %gt3A_228 = arith.cmpi sgt, %scan3A_114, %gt3A_227 : i32
      %convert_element_type3A_229 = arith.extui %gt3A_228 : i1 to i32
      %cond3A_230 = arith.constant 0 : i32
      %cond3A_231 = arith.cmpi ne, %convert_element_type3A_229, %cond3A_230 : i32
      scf.if %cond3A_231 {
        %sub3A = arith.constant 2 : i32
        %sub3A_259 = arith.subi %add3A_188, %sub3A : i32
        %mul3A_260 = arith.constant 16 : i32
        %mul3A_261 = arith.muli %sub3A_259, %mul3A_260 : i32
        %add3A_262 = arith.addi %mul3A_2, %mul3A_261 : i32
        %dma_wait3A_263 = arith.constant 1 : i32
        %dma_wait3A_264 = arith.constant 0 : i32
        %dma_wait3A_265 = arith.constant 0 : i32
        %dma_wait3A_266 = tpu.memref_slice %arg13[%dma_wait3A_263, %dma_wait3A_264, %dma_wait3A_265] : memref<2x16x768xf32, #tpu.memory_space<vmem>> -> memref<1x16x768xf32, #tpu.memory_space<vmem>>
        %dma_wait3A_267 = tpu.memref_squeeze %dma_wait3A_266 : memref<1x16x768xf32, #tpu.memory_space<vmem>> -> memref<16x768xf32, #tpu.memory_space<vmem>>
        %dma_wait3A_268 = arith.constant 0 : i32
        %dma_wait3A_269 = tpu.memref_slice %arg7[%add3A_262, %dma_wait3A_268] : memref<16384x768xf32, #tpu.memory_space<hbm>> -> memref<16x768xf32, #tpu.memory_space<hbm>>
        %dma_wait3A_270 = arith.constant 0 : i32
        %dma_wait3A_271 = tpu.memref_slice %arg7[%add3A_262, %dma_wait3A_270] : memref<16384x768xf32, #tpu.memory_space<hbm>> -> memref<16x768xf32, #tpu.memory_space<hbm>>
        %dma_wait3A_272 = arith.constant 0 : i32
        %dma_wait3A_273 = arith.constant 0 : i32
        %dma_wait3A_274 = tpu.memref_slice %arg13[%dma_wait3A_263, %dma_wait3A_272, %dma_wait3A_273] : memref<2x16x768xf32, #tpu.memory_space<vmem>> -> memref<1x16x768xf32, #tpu.memory_space<vmem>>
        %dma_wait3A_275 = tpu.memref_squeeze %dma_wait3A_274 : memref<1x16x768xf32, #tpu.memory_space<vmem>> -> memref<16x768xf32, #tpu.memory_space<vmem>>
        tpu.wait_dma2 semaphore(%arg17 : memref<!tpu.dma_semaphore, #tpu.memory_space<semaphore_mem>>) src(%dma_wait3A_275 : memref<16x768xf32, #tpu.memory_space<vmem>>) dst(%dma_wait3A_271 : memref<16x768xf32, #tpu.memory_space<hbm>>)
      } else {
      }
      %scan3A_232 = arith.constant 0 : i32
      %scan3A_233 = arith.constant 0 : i32
      %scan3A_234 = arith.constant 16 : i32
      %scan3A_235 = arith.addi %scan3A_233, %scan3A_234 : i32
      %scan3A_236 = arith.constant 1 : i32
      scf.for %scan3A_259 = %scan3A_233 to %scan3A_235 step %scan3A_236  : i32 {
        %get3A = arith.constant 1 : i32
        %get3A_260 = arith.index_cast %get3A : i32 to index
        %get3A_261 = arith.index_cast %scan3A_259 : i32 to index
        %get3A_262 = arith.constant 0 : index
        %get3A_263 = tpu.vector_load %arg10[%get3A_260, %get3A_261, %get3A_262] {strides = array<i32>} : memref<2x16x768xf32, #tpu.memory_space<vmem>>, vector<1x1x16xf32>,
        %get3A_264 = vector.shape_cast %get3A_263 : vector<1x1x16xf32> to vector<16xf32>
        %get3A_265 = arith.constant 1 : i32
        %get3A_266 = arith.index_cast %get3A_265 : i32 to index
        %get3A_267 = arith.index_cast %scan3A_259 : i32 to index
        %get3A_268 = arith.constant 0 : index
        %get3A_269 = tpu.vector_load %arg11[%get3A_266, %get3A_267, %get3A_268] {strides = array<i32>} : memref<2x16x768xf32, #tpu.memory_space<vmem>>, vector<1x1x16xf32>,
        %get3A_270 = vector.shape_cast %get3A_269 : vector<1x1x16xf32> to vector<16xf32>
        %add3A_271 = arith.addf %get3A_264, %get3A_270 : vector<16xf32>
        %get3A_272 = arith.constant 1 : i32
        %get3A_273 = arith.index_cast %get3A_272 : i32 to index
        %get3A_274 = arith.index_cast %scan3A_259 : i32 to index
        %get3A_275 = arith.constant 0 : index
        %get3A_276 = tpu.vector_load %arg12[%get3A_273, %get3A_274, %get3A_275] {strides = array<i32>} : memref<2x16x768xf32, #tpu.memory_space<vmem>>, vector<1x1x16xf32>,
        %get3A_277 = vector.shape_cast %get3A_276 : vector<1x1x16xf32> to vector<16xf32>
        %add3A_278 = arith.addf %add3A_271, %get3A_277 : vector<16xf32>
        %swap3A = arith.constant 1 : i32
        %swap3A_279 = arith.index_cast %swap3A : i32 to index
        %swap3A_280 = arith.index_cast %scan3A_259 : i32 to index
        %swap3A_281 = arith.constant 0 : index
        %swap3A_282 = tpu.vector_load %arg13[%swap3A_279, %swap3A_280, %swap3A_281] {strides = array<i32>} : memref<2x16x768xf32, #tpu.memory_space<vmem>>, vector<1x1x16xf32>,
        %swap3A_283 = vector.shape_cast %swap3A_282 : vector<1x1x16xf32> to vector<16xf32>
        %swap3A_284 = vector.shape_cast %add3A_278 : vector<16xf32> to vector<1x1x16xf32>
        tpu.vector_store %arg13[%swap3A_279, %swap3A_280, %swap3A_281], %swap3A_284 {strides = array<i32>} : memref<2x16x768xf32, #tpu.memory_space<vmem>>, vector<1x1x16xf32>,
        %get3A_285 = arith.constant 1 : i32
        %get3A_286 = arith.index_cast %get3A_285 : i32 to index
        %get3A_287 = arith.index_cast %scan3A_259 : i32 to index
        %get3A_288 = arith.constant 16 : index
        %get3A_289 = tpu.vector_load %arg10[%get3A_286, %get3A_287, %get3A_288] {strides = array<i32>} : memref<2x16x768xf32, #tpu.memory_space<vmem>>, vector<1x1x16xf32>,
        %get3A_290 = vector.shape_cast %get3A_289 : vector<1x1x16xf32> to vector<16xf32>
        %get3A_291 = arith.constant 1 : i32
        %get3A_292 = arith.index_cast %get3A_291 : i32 to index
        %get3A_293 = arith.index_cast %scan3A_259 : i32 to index
        %get3A_294 = arith.constant 16 : index
        %get3A_295 = tpu.vector_load %arg11[%get3A_292, %get3A_293, %get3A_294] {strides = array<i32>} : memref<2x16x768xf32, #tpu.memory_space<vmem>>, vector<1x1x16xf32>,
        %get3A_296 = vector.shape_cast %get3A_295 : vector<1x1x16xf32> to vector<16xf32>
        %add3A_297 = arith.addf %get3A_290, %get3A_296 : vector<16xf32>
        %get3A_298 = arith.constant 1 : i32
        %get3A_299 = arith.index_cast %get3A_298 : i32 to index
        %get3A_300 = arith.index_cast %scan3A_259 : i32 to index
        %get3A_301 = arith.constant 16 : index
        %get3A_302 = tpu.vector_load %arg12[%get3A_299, %get3A_300, %get3A_301] {strides = array<i32>} : memref<2x16x768xf32, #tpu.memory_space<vmem>>, vector<1x1x16xf32>,
        %get3A_303 = vector.shape_cast %get3A_302 : vector<1x1x16xf32> to vector<16xf32>
        %add3A_304 = arith.addf %add3A_297, %get3A_303 : vector<16xf32>
        %swap3A_305 = arith.constant 1 : i32
        %swap3A_306 = arith.index_cast %swap3A_305 : i32 to index
        %swap3A_307 = arith.index_cast %scan3A_259 : i32 to index
        %swap3A_308 = arith.constant 16 : index
        %swap3A_309 = tpu.vector_load %arg13[%swap3A_306, %swap3A_307, %swap3A_308] {strides = array<i32>} : memref<2x16x768xf32, #tpu.memory_space<vmem>>, vector<1x1x16xf32>,
        %swap3A_310 = vector.shape_cast %swap3A_309 : vector<1x1x16xf32> to vector<16xf32>
        %swap3A_311 = vector.shape_cast %add3A_304 : vector<16xf32> to vector<1x1x16xf32>
        tpu.vector_store %arg13[%swap3A_306, %swap3A_307, %swap3A_308], %swap3A_311 {strides = array<i32>} : memref<2x16x768xf32, #tpu.memory_space<vmem>>, vector<1x1x16xf32>,
        %get3A_312 = arith.constant 1 : i32
        %get3A_313 = arith.index_cast %get3A_312 : i32 to index
        %get3A_314 = arith.index_cast %scan3A_259 : i32 to index
        %get3A_315 = arith.constant 32 : index
        %get3A_316 = tpu.vector_load %arg10[%get3A_313, %get3A_314, %get3A_315] {strides = array<i32>} : memref<2x16x768xf32, #tpu.memory_space<vmem>>, vector<1x1x16xf32>,
        %get3A_317 = vector.shape_cast %get3A_316 : vector<1x1x16xf32> to vector<16xf32>
        %get3A_318 = arith.constant 1 : i32
        %get3A_319 = arith.index_cast %get3A_318 : i32 to index
        %get3A_320 = arith.index_cast %scan3A_259 : i32 to index
        %get3A_321 = arith.constant 32 : index
        %get3A_322 = tpu.vector_load %arg11[%get3A_319, %get3A_320, %get3A_321] {strides = array<i32>} : memref<2x16x768xf32, #tpu.memory_space<vmem>>, vector<1x1x16xf32>,
        %get3A_323 = vector.shape_cast %get3A_322 : vector<1x1x16xf32> to vector<16xf32>
        %add3A_324 = arith.addf %get3A_317, %get3A_323 : vector<16xf32>
        %get3A_325 = arith.constant 1 : i32
        %get3A_326 = arith.index_cast %get3A_325 : i32 to index
        %get3A_327 = arith.index_cast %scan3A_259 : i32 to index
        %get3A_328 = arith.constant 32 : index
        %get3A_329 = tpu.vector_load %arg12[%get3A_326, %get3A_327, %get3A_328] {strides = array<i32>} : memref<2x16x768xf32, #tpu.memory_space<vmem>>, vector<1x1x16xf32>,
        %get3A_330 = vector.shape_cast %get3A_329 : vector<1x1x16xf32> to vector<16xf32>
        %add3A_331 = arith.addf %add3A_324, %get3A_330 : vector<16xf32>
        %swap3A_332 = arith.constant 1 : i32
        %swap3A_333 = arith.index_cast %swap3A_332 : i32 to index
        %swap3A_334 = arith.index_cast %scan3A_259 : i32 to index
        %swap3A_335 = arith.constant 32 : index
        %swap3A_336 = tpu.vector_load %arg13[%swap3A_333, %swap3A_334, %swap3A_335] {strides = array<i32>} : memref<2x16x768xf32, #tpu.memory_space<vmem>>, vector<1x1x16xf32>,
        %swap3A_337 = vector.shape_cast %swap3A_336 : vector<1x1x16xf32> to vector<16xf32>
        %swap3A_338 = vector.shape_cast %add3A_331 : vector<16xf32> to vector<1x1x16xf32>
        tpu.vector_store %arg13[%swap3A_333, %swap3A_334, %swap3A_335], %swap3A_338 {strides = array<i32>} : memref<2x16x768xf32, #tpu.memory_space<vmem>>, vector<1x1x16xf32>,
        %get3A_339 = arith.constant 1 : i32
        %get3A_340 = arith.index_cast %get3A_339 : i32 to index
        %get3A_341 = arith.index_cast %scan3A_259 : i32 to index
        %get3A_342 = arith.constant 48 : index
        %get3A_343 = tpu.vector_load %arg10[%get3A_340, %get3A_341, %get3A_342] {strides = array<i32>} : memref<2x16x768xf32, #tpu.memory_space<vmem>>, vector<1x1x16xf32>,
        %get3A_344 = vector.shape_cast %get3A_343 : vector<1x1x16xf32> to vector<16xf32>
        %get3A_345 = arith.constant 1 : i32
        %get3A_346 = arith.index_cast %get3A_345 : i32 to index
        %get3A_347 = arith.index_cast %scan3A_259 : i32 to index
        %get3A_348 = arith.constant 48 : index
        %get3A_349 = tpu.vector_load %arg11[%get3A_346, %get3A_347, %get3A_348] {strides = array<i32>} : memref<2x16x768xf32, #tpu.memory_space<vmem>>, vector<1x1x16xf32>,
        %get3A_350 = vector.shape_cast %get3A_349 : vector<1x1x16xf32> to vector<16xf32>
        %add3A_351 = arith.addf %get3A_344, %get3A_350 : vector<16xf32>
        %get3A_352 = arith.constant 1 : i32
        %get3A_353 = arith.index_cast %get3A_352 : i32 to index
        %get3A_354 = arith.index_cast %scan3A_259 : i32 to index
        %get3A_355 = arith.constant 48 : index
        %get3A_356 = tpu.vector_load %arg12[%get3A_353, %get3A_354, %get3A_355] {strides = array<i32>} : memref<2x16x768xf32, #tpu.memory_space<vmem>>, vector<1x1x16xf32>,
        %get3A_357 = vector.shape_cast %get3A_356 : vector<1x1x16xf32> to vector<16xf32>
        %add3A_358 = arith.addf %add3A_351, %get3A_357 : vector<16xf32>
        %swap3A_359 = arith.constant 1 : i32
        %swap3A_360 = arith.index_cast %swap3A_359 : i32 to index
        %swap3A_361 = arith.index_cast %scan3A_259 : i32 to index
        %swap3A_362 = arith.constant 48 : index
        %swap3A_363 = tpu.vector_load %arg13[%swap3A_360, %swap3A_361, %swap3A_362] {strides = array<i32>} : memref<2x16x768xf32, #tpu.memory_space<vmem>>, vector<1x1x16xf32>,
        %swap3A_364 = vector.shape_cast %swap3A_363 : vector<1x1x16xf32> to vector<16xf32>
        %swap3A_365 = vector.shape_cast %add3A_358 : vector<16xf32> to vector<1x1x16xf32>
        tpu.vector_store %arg13[%swap3A_360, %swap3A_361, %swap3A_362], %swap3A_365 {strides = array<i32>} : memref<2x16x768xf32, #tpu.memory_space<vmem>>, vector<1x1x16xf32>,
        %get3A_366 = arith.constant 1 : i32
        %get3A_367 = arith.index_cast %get3A_366 : i32 to index
        %get3A_368 = arith.index_cast %scan3A_259 : i32 to index
        %get3A_369 = arith.constant 64 : index
        %get3A_370 = tpu.vector_load %arg10[%get3A_367, %get3A_368, %get3A_369] {strides = array<i32>} : memref<2x16x768xf32, #tpu.memory_space<vmem>>, vector<1x1x16xf32>,
        %get3A_371 = vector.shape_cast %get3A_370 : vector<1x1x16xf32> to vector<16xf32>
        %get3A_372 = arith.constant 1 : i32
        %get3A_373 = arith.index_cast %get3A_372 : i32 to index
        %get3A_374 = arith.index_cast %scan3A_259 : i32 to index
        %get3A_375 = arith.constant 64 : index
        %get3A_376 = tpu.vector_load %arg11[%get3A_373, %get3A_374, %get3A_375] {strides = array<i32>} : memref<2x16x768xf32, #tpu.memory_space<vmem>>, vector<1x1x16xf32>,
        %get3A_377 = vector.shape_cast %get3A_376 : vector<1x1x16xf32> to vector<16xf32>
        %add3A_378 = arith.addf %get3A_371, %get3A_377 : vector<16xf32>
        %get3A_379 = arith.constant 1 : i32
        %get3A_380 = arith.index_cast %get3A_379 : i32 to index
        %get3A_381 = arith.index_cast %scan3A_259 : i32 to index
        %get3A_382 = arith.constant 64 : index
        %get3A_383 = tpu.vector_load %arg12[%get3A_380, %get3A_381, %get3A_382] {strides = array<i32>} : memref<2x16x768xf32, #tpu.memory_space<vmem>>, vector<1x1x16xf32>,
        %get3A_384 = vector.shape_cast %get3A_383 : vector<1x1x16xf32> to vector<16xf32>
        %add3A_385 = arith.addf %add3A_378, %get3A_384 : vector<16xf32>
        %swap3A_386 = arith.constant 1 : i32
        %swap3A_387 = arith.index_cast %swap3A_386 : i32 to index
        %swap3A_388 = arith.index_cast %scan3A_259 : i32 to index
        %swap3A_389 = arith.constant 64 : index
        %swap3A_390 = tpu.vector_load %arg13[%swap3A_387, %swap3A_388, %swap3A_389] {strides = array<i32>} : memref<2x16x768xf32, #tpu.memory_space<vmem>>, vector<1x1x16xf32>,
        %swap3A_391 = vector.shape_cast %swap3A_390 : vector<1x1x16xf32> to vector<16xf32>
        %swap3A_392 = vector.shape_cast %add3A_385 : vector<16xf32> to vector<1x1x16xf32>
        tpu.vector_store %arg13[%swap3A_387, %swap3A_388, %swap3A_389], %swap3A_392 {strides = array<i32>} : memref<2x16x768xf32, #tpu.memory_space<vmem>>, vector<1x1x16xf32>,
        %get3A_393 = arith.constant 1 : i32
        %get3A_394 = arith.index_cast %get3A_393 : i32 to index
        %get3A_395 = arith.index_cast %scan3A_259 : i32 to index
        %get3A_396 = arith.constant 80 : index
        %get3A_397 = tpu.vector_load %arg10[%get3A_394, %get3A_395, %get3A_396] {strides = array<i32>} : memref<2x16x768xf32, #tpu.memory_space<vmem>>, vector<1x1x16xf32>,
        %get3A_398 = vector.shape_cast %get3A_397 : vector<1x1x16xf32> to vector<16xf32>
        %get3A_399 = arith.constant 1 : i32
        %get3A_400 = arith.index_cast %get3A_399 : i32 to index
        %get3A_401 = arith.index_cast %scan3A_259 : i32 to index
        %get3A_402 = arith.constant 80 : index
        %get3A_403 = tpu.vector_load %arg11[%get3A_400, %get3A_401, %get3A_402] {strides = array<i32>} : memref<2x16x768xf32, #tpu.memory_space<vmem>>, vector<1x1x16xf32>,
        %get3A_404 = vector.shape_cast %get3A_403 : vector<1x1x16xf32> to vector<16xf32>
        %add3A_405 = arith.addf %get3A_398, %get3A_404 : vector<16xf32>
        %get3A_406 = arith.constant 1 : i32
        %get3A_407 = arith.index_cast %get3A_406 : i32 to index
        %get3A_408 = arith.index_cast %scan3A_259 : i32 to index
        %get3A_409 = arith.constant 80 : index
        %get3A_410 = tpu.vector_load %arg12[%get3A_407, %get3A_408, %get3A_409] {strides = array<i32>} : memref<2x16x768xf32, #tpu.memory_space<vmem>>, vector<1x1x16xf32>,
        %get3A_411 = vector.shape_cast %get3A_410 : vector<1x1x16xf32> to vector<16xf32>
        %add3A_412 = arith.addf %add3A_405, %get3A_411 : vector<16xf32>
        %swap3A_413 = arith.constant 1 : i32
        %swap3A_414 = arith.index_cast %swap3A_413 : i32 to index
        %swap3A_415 = arith.index_cast %scan3A_259 : i32 to index
        %swap3A_416 = arith.constant 80 : index
        %swap3A_417 = tpu.vector_load %arg13[%swap3A_414, %swap3A_415, %swap3A_416] {strides = array<i32>} : memref<2x16x768xf32, #tpu.memory_space<vmem>>, vector<1x1x16xf32>,
        %swap3A_418 = vector.shape_cast %swap3A_417 : vector<1x1x16xf32> to vector<16xf32>
        %swap3A_419 = vector.shape_cast %add3A_412 : vector<16xf32> to vector<1x1x16xf32>
        tpu.vector_store %arg13[%swap3A_414, %swap3A_415, %swap3A_416], %swap3A_419 {strides = array<i32>} : memref<2x16x768xf32, #tpu.memory_space<vmem>>, vector<1x1x16xf32>,
        %get3A_420 = arith.constant 1 : i32
        %get3A_421 = arith.index_cast %get3A_420 : i32 to index
        %get3A_422 = arith.index_cast %scan3A_259 : i32 to index
        %get3A_423 = arith.constant 96 : index
        %get3A_424 = tpu.vector_load %arg10[%get3A_421, %get3A_422, %get3A_423] {strides = array<i32>} : memref<2x16x768xf32, #tpu.memory_space<vmem>>, vector<1x1x16xf32>,
        %get3A_425 = vector.shape_cast %get3A_424 : vector<1x1x16xf32> to vector<16xf32>
        %get3A_426 = arith.constant 1 : i32
        %get3A_427 = arith.index_cast %get3A_426 : i32 to index
        %get3A_428 = arith.index_cast %scan3A_259 : i32 to index
        %get3A_429 = arith.constant 96 : index
        %get3A_430 = tpu.vector_load %arg11[%get3A_427, %get3A_428, %get3A_429] {strides = array<i32>} : memref<2x16x768xf32, #tpu.memory_space<vmem>>, vector<1x1x16xf32>,
        %get3A_431 = vector.shape_cast %get3A_430 : vector<1x1x16xf32> to vector<16xf32>
        %add3A_432 = arith.addf %get3A_425, %get3A_431 : vector<16xf32>
        %get3A_433 = arith.constant 1 : i32
        %get3A_434 = arith.index_cast %get3A_433 : i32 to index
        %get3A_435 = arith.index_cast %scan3A_259 : i32 to index
        %get3A_436 = arith.constant 96 : index
        %get3A_437 = tpu.vector_load %arg12[%get3A_434, %get3A_435, %get3A_436] {strides = array<i32>} : memref<2x16x768xf32, #tpu.memory_space<vmem>>, vector<1x1x16xf32>,
        %get3A_438 = vector.shape_cast %get3A_437 : vector<1x1x16xf32> to vector<16xf32>
        %add3A_439 = arith.addf %add3A_432, %get3A_438 : vector<16xf32>
        %swap3A_440 = arith.constant 1 : i32
        %swap3A_441 = arith.index_cast %swap3A_440 : i32 to index
        %swap3A_442 = arith.index_cast %scan3A_259 : i32 to index
        %swap3A_443 = arith.constant 96 : index
        %swap3A_444 = tpu.vector_load %arg13[%swap3A_441, %swap3A_442, %swap3A_443] {strides = array<i32>} : memref<2x16x768xf32, #tpu.memory_space<vmem>>, vector<1x1x16xf32>,
        %swap3A_445 = vector.shape_cast %swap3A_444 : vector<1x1x16xf32> to vector<16xf32>
        %swap3A_446 = vector.shape_cast %add3A_439 : vector<16xf32> to vector<1x1x16xf32>
        tpu.vector_store %arg13[%swap3A_441, %swap3A_442, %swap3A_443], %swap3A_446 {strides = array<i32>} : memref<2x16x768xf32, #tpu.memory_space<vmem>>, vector<1x1x16xf32>,
        %get3A_447 = arith.constant 1 : i32
        %get3A_448 = arith.index_cast %get3A_447 : i32 to index
        %get3A_449 = arith.index_cast %scan3A_259 : i32 to index
        %get3A_450 = arith.constant 112 : index
        %get3A_451 = tpu.vector_load %arg10[%get3A_448, %get3A_449, %get3A_450] {strides = array<i32>} : memref<2x16x768xf32, #tpu.memory_space<vmem>>, vector<1x1x16xf32>,
        %get3A_452 = vector.shape_cast %get3A_451 : vector<1x1x16xf32> to vector<16xf32>
        %get3A_453 = arith.constant 1 : i32
        %get3A_454 = arith.index_cast %get3A_453 : i32 to index
        %get3A_455 = arith.index_cast %scan3A_259 : i32 to index
        %get3A_456 = arith.constant 112 : index
        %get3A_457 = tpu.vector_load %arg11[%get3A_454, %get3A_455, %get3A_456] {strides = array<i32>} : memref<2x16x768xf32, #tpu.memory_space<vmem>>, vector<1x1x16xf32>,
        %get3A_458 = vector.shape_cast %get3A_457 : vector<1x1x16xf32> to vector<16xf32>
        %add3A_459 = arith.addf %get3A_452, %get3A_458 : vector<16xf32>
        %get3A_460 = arith.constant 1 : i32
        %get3A_461 = arith.index_cast %get3A_460 : i32 to index
        %get3A_462 = arith.index_cast %scan3A_259 : i32 to index
        %get3A_463 = arith.constant 112 : index
        %get3A_464 = tpu.vector_load %arg12[%get3A_461, %get3A_462, %get3A_463] {strides = array<i32>} : memref<2x16x768xf32, #tpu.memory_space<vmem>>, vector<1x1x16xf32>,
        %get3A_465 = vector.shape_cast %get3A_464 : vector<1x1x16xf32> to vector<16xf32>
        %add3A_466 = arith.addf %add3A_459, %get3A_465 : vector<16xf32>
        %swap3A_467 = arith.constant 1 : i32
        %swap3A_468 = arith.index_cast %swap3A_467 : i32 to index
        %swap3A_469 = arith.index_cast %scan3A_259 : i32 to index
        %swap3A_470 = arith.constant 112 : index
        %swap3A_471 = tpu.vector_load %arg13[%swap3A_468, %swap3A_469, %swap3A_470] {strides = array<i32>} : memref<2x16x768xf32, #tpu.memory_space<vmem>>, vector<1x1x16xf32>,
        %swap3A_472 = vector.shape_cast %swap3A_471 : vector<1x1x16xf32> to vector<16xf32>
        %swap3A_473 = vector.shape_cast %add3A_466 : vector<16xf32> to vector<1x1x16xf32>
        tpu.vector_store %arg13[%swap3A_468, %swap3A_469, %swap3A_470], %swap3A_473 {strides = array<i32>} : memref<2x16x768xf32, #tpu.memory_space<vmem>>, vector<1x1x16xf32>,
        %get3A_474 = arith.constant 1 : i32
        %get3A_475 = arith.index_cast %get3A_474 : i32 to index
        %get3A_476 = arith.index_cast %scan3A_259 : i32 to index
        %get3A_477 = arith.constant 128 : index
        %get3A_478 = tpu.vector_load %arg10[%get3A_475, %get3A_476, %get3A_477] {strides = array<i32>} : memref<2x16x768xf32, #tpu.memory_space<vmem>>, vector<1x1x16xf32>,
        %get3A_479 = vector.shape_cast %get3A_478 : vector<1x1x16xf32> to vector<16xf32>
        %get3A_480 = arith.constant 1 : i32
        %get3A_481 = arith.index_cast %get3A_480 : i32 to index
        %get3A_482 = arith.index_cast %scan3A_259 : i32 to index
        %get3A_483 = arith.constant 128 : index
        %get3A_484 = tpu.vector_load %arg11[%get3A_481, %get3A_482, %get3A_483] {strides = array<i32>} : memref<2x16x768xf32, #tpu.memory_space<vmem>>, vector<1x1x16xf32>,
        %get3A_485 = vector.shape_cast %get3A_484 : vector<1x1x16xf32> to vector<16xf32>
        %add3A_486 = arith.addf %get3A_479, %get3A_485 : vector<16xf32>
        %get3A_487 = arith.constant 1 : i32
        %get3A_488 = arith.index_cast %get3A_487 : i32 to index
        %get3A_489 = arith.index_cast %scan3A_259 : i32 to index
        %get3A_490 = arith.constant 128 : index
        %get3A_491 = tpu.vector_load %arg12[%get3A_488, %get3A_489, %get3A_490] {strides = array<i32>} : memref<2x16x768xf32, #tpu.memory_space<vmem>>, vector<1x1x16xf32>,
        %get3A_492 = vector.shape_cast %get3A_491 : vector<1x1x16xf32> to vector<16xf32>
        %add3A_493 = arith.addf %add3A_486, %get3A_492 : vector<16xf32>
        %swap3A_494 = arith.constant 1 : i32
        %swap3A_495 = arith.index_cast %swap3A_494 : i32 to index
        %swap3A_496 = arith.index_cast %scan3A_259 : i32 to index
        %swap3A_497 = arith.constant 128 : index
        %swap3A_498 = tpu.vector_load %arg13[%swap3A_495, %swap3A_496, %swap3A_497] {strides = array<i32>} : memref<2x16x768xf32, #tpu.memory_space<vmem>>, vector<1x1x16xf32>,
        %swap3A_499 = vector.shape_cast %swap3A_498 : vector<1x1x16xf32> to vector<16xf32>
        %swap3A_500 = vector.shape_cast %add3A_493 : vector<16xf32> to vector<1x1x16xf32>
        tpu.vector_store %arg13[%swap3A_495, %swap3A_496, %swap3A_497], %swap3A_500 {strides = array<i32>} : memref<2x16x768xf32, #tpu.memory_space<vmem>>, vector<1x1x16xf32>,
        %get3A_501 = arith.constant 1 : i32
        %get3A_502 = arith.index_cast %get3A_501 : i32 to index
        %get3A_503 = arith.index_cast %scan3A_259 : i32 to index
        %get3A_504 = arith.constant 144 : index
        %get3A_505 = tpu.vector_load %arg10[%get3A_502, %get3A_503, %get3A_504] {strides = array<i32>} : memref<2x16x768xf32, #tpu.memory_space<vmem>>, vector<1x1x16xf32>,
        %get3A_506 = vector.shape_cast %get3A_505 : vector<1x1x16xf32> to vector<16xf32>
        %get3A_507 = arith.constant 1 : i32
        %get3A_508 = arith.index_cast %get3A_507 : i32 to index
        %get3A_509 = arith.index_cast %scan3A_259 : i32 to index
        %get3A_510 = arith.constant 144 : index
        %get3A_511 = tpu.vector_load %arg11[%get3A_508, %get3A_509, %get3A_510] {strides = array<i32>} : memref<2x16x768xf32, #tpu.memory_space<vmem>>, vector<1x1x16xf32>,
        %get3A_512 = vector.shape_cast %get3A_511 : vector<1x1x16xf32> to vector<16xf32>
        %add3A_513 = arith.addf %get3A_506, %get3A_512 : vector<16xf32>
        %get3A_514 = arith.constant 1 : i32
        %get3A_515 = arith.index_cast %get3A_514 : i32 to index
        %get3A_516 = arith.index_cast %scan3A_259 : i32 to index
        %get3A_517 = arith.constant 144 : index
        %get3A_518 = tpu.vector_load %arg12[%get3A_515, %get3A_516, %get3A_517] {strides = array<i32>} : memref<2x16x768xf32, #tpu.memory_space<vmem>>, vector<1x1x16xf32>,
        %get3A_519 = vector.shape_cast %get3A_518 : vector<1x1x16xf32> to vector<16xf32>
        %add3A_520 = arith.addf %add3A_513, %get3A_519 : vector<16xf32>
        %swap3A_521 = arith.constant 1 : i32
        %swap3A_522 = arith.index_cast %swap3A_521 : i32 to index
        %swap3A_523 = arith.index_cast %scan3A_259 : i32 to index
        %swap3A_524 = arith.constant 144 : index
        %swap3A_525 = tpu.vector_load %arg13[%swap3A_522, %swap3A_523, %swap3A_524] {strides = array<i32>} : memref<2x16x768xf32, #tpu.memory_space<vmem>>, vector<1x1x16xf32>,
        %swap3A_526 = vector.shape_cast %swap3A_525 : vector<1x1x16xf32> to vector<16xf32>
        %swap3A_527 = vector.shape_cast %add3A_520 : vector<16xf32> to vector<1x1x16xf32>
        tpu.vector_store %arg13[%swap3A_522, %swap3A_523, %swap3A_524], %swap3A_527 {strides = array<i32>} : memref<2x16x768xf32, #tpu.memory_space<vmem>>, vector<1x1x16xf32>,
        %get3A_528 = arith.constant 1 : i32
        %get3A_529 = arith.index_cast %get3A_528 : i32 to index
        %get3A_530 = arith.index_cast %scan3A_259 : i32 to index
        %get3A_531 = arith.constant 160 : index
        %get3A_532 = tpu.vector_load %arg10[%get3A_529, %get3A_530, %get3A_531] {strides = array<i32>} : memref<2x16x768xf32, #tpu.memory_space<vmem>>, vector<1x1x16xf32>,
        %get3A_533 = vector.shape_cast %get3A_532 : vector<1x1x16xf32> to vector<16xf32>
        %get3A_534 = arith.constant 1 : i32
        %get3A_535 = arith.index_cast %get3A_534 : i32 to index
        %get3A_536 = arith.index_cast %scan3A_259 : i32 to index
        %get3A_537 = arith.constant 160 : index
        %get3A_538 = tpu.vector_load %arg11[%get3A_535, %get3A_536, %get3A_537] {strides = array<i32>} : memref<2x16x768xf32, #tpu.memory_space<vmem>>, vector<1x1x16xf32>,
        %get3A_539 = vector.shape_cast %get3A_538 : vector<1x1x16xf32> to vector<16xf32>
        %add3A_540 = arith.addf %get3A_533, %get3A_539 : vector<16xf32>
        %get3A_541 = arith.constant 1 : i32
        %get3A_542 = arith.index_cast %get3A_541 : i32 to index
        %get3A_543 = arith.index_cast %scan3A_259 : i32 to index
        %get3A_544 = arith.constant 160 : index
        %get3A_545 = tpu.vector_load %arg12[%get3A_542, %get3A_543, %get3A_544] {strides = array<i32>} : memref<2x16x768xf32, #tpu.memory_space<vmem>>, vector<1x1x16xf32>,
        %get3A_546 = vector.shape_cast %get3A_545 : vector<1x1x16xf32> to vector<16xf32>
        %add3A_547 = arith.addf %add3A_540, %get3A_546 : vector<16xf32>
        %swap3A_548 = arith.constant 1 : i32
        %swap3A_549 = arith.index_cast %swap3A_548 : i32 to index
        %swap3A_550 = arith.index_cast %scan3A_259 : i32 to index
        %swap3A_551 = arith.constant 160 : index
        %swap3A_552 = tpu.vector_load %arg13[%swap3A_549, %swap3A_550, %swap3A_551] {strides = array<i32>} : memref<2x16x768xf32, #tpu.memory_space<vmem>>, vector<1x1x16xf32>,
        %swap3A_553 = vector.shape_cast %swap3A_552 : vector<1x1x16xf32> to vector<16xf32>
        %swap3A_554 = vector.shape_cast %add3A_547 : vector<16xf32> to vector<1x1x16xf32>
        tpu.vector_store %arg13[%swap3A_549, %swap3A_550, %swap3A_551], %swap3A_554 {strides = array<i32>} : memref<2x16x768xf32, #tpu.memory_space<vmem>>, vector<1x1x16xf32>,
        %get3A_555 = arith.constant 1 : i32
        %get3A_556 = arith.index_cast %get3A_555 : i32 to index
        %get3A_557 = arith.index_cast %scan3A_259 : i32 to index
        %get3A_558 = arith.constant 176 : index
        %get3A_559 = tpu.vector_load %arg10[%get3A_556, %get3A_557, %get3A_558] {strides = array<i32>} : memref<2x16x768xf32, #tpu.memory_space<vmem>>, vector<1x1x16xf32>,
        %get3A_560 = vector.shape_cast %get3A_559 : vector<1x1x16xf32> to vector<16xf32>
        %get3A_561 = arith.constant 1 : i32
        %get3A_562 = arith.index_cast %get3A_561 : i32 to index
        %get3A_563 = arith.index_cast %scan3A_259 : i32 to index
        %get3A_564 = arith.constant 176 : index
        %get3A_565 = tpu.vector_load %arg11[%get3A_562, %get3A_563, %get3A_564] {strides = array<i32>} : memref<2x16x768xf32, #tpu.memory_space<vmem>>, vector<1x1x16xf32>,
        %get3A_566 = vector.shape_cast %get3A_565 : vector<1x1x16xf32> to vector<16xf32>
        %add3A_567 = arith.addf %get3A_560, %get3A_566 : vector<16xf32>
        %get3A_568 = arith.constant 1 : i32
        %get3A_569 = arith.index_cast %get3A_568 : i32 to index
        %get3A_570 = arith.index_cast %scan3A_259 : i32 to index
        %get3A_571 = arith.constant 176 : index
        %get3A_572 = tpu.vector_load %arg12[%get3A_569, %get3A_570, %get3A_571] {strides = array<i32>} : memref<2x16x768xf32, #tpu.memory_space<vmem>>, vector<1x1x16xf32>,
        %get3A_573 = vector.shape_cast %get3A_572 : vector<1x1x16xf32> to vector<16xf32>
        %add3A_574 = arith.addf %add3A_567, %get3A_573 : vector<16xf32>
        %swap3A_575 = arith.constant 1 : i32
        %swap3A_576 = arith.index_cast %swap3A_575 : i32 to index
        %swap3A_577 = arith.index_cast %scan3A_259 : i32 to index
        %swap3A_578 = arith.constant 176 : index
        %swap3A_579 = tpu.vector_load %arg13[%swap3A_576, %swap3A_577, %swap3A_578] {strides = array<i32>} : memref<2x16x768xf32, #tpu.memory_space<vmem>>, vector<1x1x16xf32>,
        %swap3A_580 = vector.shape_cast %swap3A_579 : vector<1x1x16xf32> to vector<16xf32>
        %swap3A_581 = vector.shape_cast %add3A_574 : vector<16xf32> to vector<1x1x16xf32>
        tpu.vector_store %arg13[%swap3A_576, %swap3A_577, %swap3A_578], %swap3A_581 {strides = array<i32>} : memref<2x16x768xf32, #tpu.memory_space<vmem>>, vector<1x1x16xf32>,
        %get3A_582 = arith.constant 1 : i32
        %get3A_583 = arith.index_cast %get3A_582 : i32 to index
        %get3A_584 = arith.index_cast %scan3A_259 : i32 to index
        %get3A_585 = arith.constant 192 : index
        %get3A_586 = tpu.vector_load %arg10[%get3A_583, %get3A_584, %get3A_585] {strides = array<i32>} : memref<2x16x768xf32, #tpu.memory_space<vmem>>, vector<1x1x16xf32>,
        %get3A_587 = vector.shape_cast %get3A_586 : vector<1x1x16xf32> to vector<16xf32>
        %get3A_588 = arith.constant 1 : i32
        %get3A_589 = arith.index_cast %get3A_588 : i32 to index
        %get3A_590 = arith.index_cast %scan3A_259 : i32 to index
        %get3A_591 = arith.constant 192 : index
        %get3A_592 = tpu.vector_load %arg11[%get3A_589, %get3A_590, %get3A_591] {strides = array<i32>} : memref<2x16x768xf32, #tpu.memory_space<vmem>>, vector<1x1x16xf32>,
        %get3A_593 = vector.shape_cast %get3A_592 : vector<1x1x16xf32> to vector<16xf32>
        %add3A_594 = arith.addf %get3A_587, %get3A_593 : vector<16xf32>
        %get3A_595 = arith.constant 1 : i32
        %get3A_596 = arith.index_cast %get3A_595 : i32 to index
        %get3A_597 = arith.index_cast %scan3A_259 : i32 to index
        %get3A_598 = arith.constant 192 : index
        %get3A_599 = tpu.vector_load %arg12[%get3A_596, %get3A_597, %get3A_598] {strides = array<i32>} : memref<2x16x768xf32, #tpu.memory_space<vmem>>, vector<1x1x16xf32>,
        %get3A_600 = vector.shape_cast %get3A_599 : vector<1x1x16xf32> to vector<16xf32>
        %add3A_601 = arith.addf %add3A_594, %get3A_600 : vector<16xf32>
        %swap3A_602 = arith.constant 1 : i32
        %swap3A_603 = arith.index_cast %swap3A_602 : i32 to index
        %swap3A_604 = arith.index_cast %scan3A_259 : i32 to index
        %swap3A_605 = arith.constant 192 : index
        %swap3A_606 = tpu.vector_load %arg13[%swap3A_603, %swap3A_604, %swap3A_605] {strides = array<i32>} : memref<2x16x768xf32, #tpu.memory_space<vmem>>, vector<1x1x16xf32>,
        %swap3A_607 = vector.shape_cast %swap3A_606 : vector<1x1x16xf32> to vector<16xf32>
        %swap3A_608 = vector.shape_cast %add3A_601 : vector<16xf32> to vector<1x1x16xf32>
        tpu.vector_store %arg13[%swap3A_603, %swap3A_604, %swap3A_605], %swap3A_608 {strides = array<i32>} : memref<2x16x768xf32, #tpu.memory_space<vmem>>, vector<1x1x16xf32>,
        %get3A_609 = arith.constant 1 : i32
        %get3A_610 = arith.index_cast %get3A_609 : i32 to index
        %get3A_611 = arith.index_cast %scan3A_259 : i32 to index
        %get3A_612 = arith.constant 208 : index
        %get3A_613 = tpu.vector_load %arg10[%get3A_610, %get3A_611, %get3A_612] {strides = array<i32>} : memref<2x16x768xf32, #tpu.memory_space<vmem>>, vector<1x1x16xf32>,
        %get3A_614 = vector.shape_cast %get3A_613 : vector<1x1x16xf32> to vector<16xf32>
        %get3A_615 = arith.constant 1 : i32
        %get3A_616 = arith.index_cast %get3A_615 : i32 to index
        %get3A_617 = arith.index_cast %scan3A_259 : i32 to index
        %get3A_618 = arith.constant 208 : index
        %get3A_619 = tpu.vector_load %arg11[%get3A_616, %get3A_617, %get3A_618] {strides = array<i32>} : memref<2x16x768xf32, #tpu.memory_space<vmem>>, vector<1x1x16xf32>,
        %get3A_620 = vector.shape_cast %get3A_619 : vector<1x1x16xf32> to vector<16xf32>
        %add3A_621 = arith.addf %get3A_614, %get3A_620 : vector<16xf32>
        %get3A_622 = arith.constant 1 : i32
        %get3A_623 = arith.index_cast %get3A_622 : i32 to index
        %get3A_624 = arith.index_cast %scan3A_259 : i32 to index
        %get3A_625 = arith.constant 208 : index
        %get3A_626 = tpu.vector_load %arg12[%get3A_623, %get3A_624, %get3A_625] {strides = array<i32>} : memref<2x16x768xf32, #tpu.memory_space<vmem>>, vector<1x1x16xf32>,
        %get3A_627 = vector.shape_cast %get3A_626 : vector<1x1x16xf32> to vector<16xf32>
        %add3A_628 = arith.addf %add3A_621, %get3A_627 : vector<16xf32>
        %swap3A_629 = arith.constant 1 : i32
        %swap3A_630 = arith.index_cast %swap3A_629 : i32 to index
        %swap3A_631 = arith.index_cast %scan3A_259 : i32 to index
        %swap3A_632 = arith.constant 208 : index
        %swap3A_633 = tpu.vector_load %arg13[%swap3A_630, %swap3A_631, %swap3A_632] {strides = array<i32>} : memref<2x16x768xf32, #tpu.memory_space<vmem>>, vector<1x1x16xf32>,
        %swap3A_634 = vector.shape_cast %swap3A_633 : vector<1x1x16xf32> to vector<16xf32>
        %swap3A_635 = vector.shape_cast %add3A_628 : vector<16xf32> to vector<1x1x16xf32>
        tpu.vector_store %arg13[%swap3A_630, %swap3A_631, %swap3A_632], %swap3A_635 {strides = array<i32>} : memref<2x16x768xf32, #tpu.memory_space<vmem>>, vector<1x1x16xf32>,
        %get3A_636 = arith.constant 1 : i32
        %get3A_637 = arith.index_cast %get3A_636 : i32 to index
        %get3A_638 = arith.index_cast %scan3A_259 : i32 to index
        %get3A_639 = arith.constant 224 : index
        %get3A_640 = tpu.vector_load %arg10[%get3A_637, %get3A_638, %get3A_639] {strides = array<i32>} : memref<2x16x768xf32, #tpu.memory_space<vmem>>, vector<1x1x16xf32>,
        %get3A_641 = vector.shape_cast %get3A_640 : vector<1x1x16xf32> to vector<16xf32>
        %get3A_642 = arith.constant 1 : i32
        %get3A_643 = arith.index_cast %get3A_642 : i32 to index
        %get3A_644 = arith.index_cast %scan3A_259 : i32 to index
        %get3A_645 = arith.constant 224 : index
        %get3A_646 = tpu.vector_load %arg11[%get3A_643, %get3A_644, %get3A_645] {strides = array<i32>} : memref<2x16x768xf32, #tpu.memory_space<vmem>>, vector<1x1x16xf32>,
        %get3A_647 = vector.shape_cast %get3A_646 : vector<1x1x16xf32> to vector<16xf32>
        %add3A_648 = arith.addf %get3A_641, %get3A_647 : vector<16xf32>
        %get3A_649 = arith.constant 1 : i32
        %get3A_650 = arith.index_cast %get3A_649 : i32 to index
        %get3A_651 = arith.index_cast %scan3A_259 : i32 to index
        %get3A_652 = arith.constant 224 : index
        %get3A_653 = tpu.vector_load %arg12[%get3A_650, %get3A_651, %get3A_652] {strides = array<i32>} : memref<2x16x768xf32, #tpu.memory_space<vmem>>, vector<1x1x16xf32>,
        %get3A_654 = vector.shape_cast %get3A_653 : vector<1x1x16xf32> to vector<16xf32>
        %add3A_655 = arith.addf %add3A_648, %get3A_654 : vector<16xf32>
        %swap3A_656 = arith.constant 1 : i32
        %swap3A_657 = arith.index_cast %swap3A_656 : i32 to index
        %swap3A_658 = arith.index_cast %scan3A_259 : i32 to index
        %swap3A_659 = arith.constant 224 : index
        %swap3A_660 = tpu.vector_load %arg13[%swap3A_657, %swap3A_658, %swap3A_659] {strides = array<i32>} : memref<2x16x768xf32, #tpu.memory_space<vmem>>, vector<1x1x16xf32>,
        %swap3A_661 = vector.shape_cast %swap3A_660 : vector<1x1x16xf32> to vector<16xf32>
        %swap3A_662 = vector.shape_cast %add3A_655 : vector<16xf32> to vector<1x1x16xf32>
        tpu.vector_store %arg13[%swap3A_657, %swap3A_658, %swap3A_659], %swap3A_662 {strides = array<i32>} : memref<2x16x768xf32, #tpu.memory_space<vmem>>, vector<1x1x16xf32>,
        %get3A_663 = arith.constant 1 : i32
        %get3A_664 = arith.index_cast %get3A_663 : i32 to index
        %get3A_665 = arith.index_cast %scan3A_259 : i32 to index
        %get3A_666 = arith.constant 240 : index
        %get3A_667 = tpu.vector_load %arg10[%get3A_664, %get3A_665, %get3A_666] {strides = array<i32>} : memref<2x16x768xf32, #tpu.memory_space<vmem>>, vector<1x1x16xf32>,
        %get3A_668 = vector.shape_cast %get3A_667 : vector<1x1x16xf32> to vector<16xf32>
        %get3A_669 = arith.constant 1 : i32
        %get3A_670 = arith.index_cast %get3A_669 : i32 to index
        %get3A_671 = arith.index_cast %scan3A_259 : i32 to index
        %get3A_672 = arith.constant 240 : index
        %get3A_673 = tpu.vector_load %arg11[%get3A_670, %get3A_671, %get3A_672] {strides = array<i32>} : memref<2x16x768xf32, #tpu.memory_space<vmem>>, vector<1x1x16xf32>,
        %get3A_674 = vector.shape_cast %get3A_673 : vector<1x1x16xf32> to vector<16xf32>
        %add3A_675 = arith.addf %get3A_668, %get3A_674 : vector<16xf32>
        %get3A_676 = arith.constant 1 : i32
        %get3A_677 = arith.index_cast %get3A_676 : i32 to index
        %get3A_678 = arith.index_cast %scan3A_259 : i32 to index
        %get3A_679 = arith.constant 240 : index
        %get3A_680 = tpu.vector_load %arg12[%get3A_677, %get3A_678, %get3A_679] {strides = array<i32>} : memref<2x16x768xf32, #tpu.memory_space<vmem>>, vector<1x1x16xf32>,
        %get3A_681 = vector.shape_cast %get3A_680 : vector<1x1x16xf32> to vector<16xf32>
        %add3A_682 = arith.addf %add3A_675, %get3A_681 : vector<16xf32>
        %swap3A_683 = arith.constant 1 : i32
        %swap3A_684 = arith.index_cast %swap3A_683 : i32 to index
        %swap3A_685 = arith.index_cast %scan3A_259 : i32 to index
        %swap3A_686 = arith.constant 240 : index
        %swap3A_687 = tpu.vector_load %arg13[%swap3A_684, %swap3A_685, %swap3A_686] {strides = array<i32>} : memref<2x16x768xf32, #tpu.memory_space<vmem>>, vector<1x1x16xf32>,
        %swap3A_688 = vector.shape_cast %swap3A_687 : vector<1x1x16xf32> to vector<16xf32>
        %swap3A_689 = vector.shape_cast %add3A_682 : vector<16xf32> to vector<1x1x16xf32>
        tpu.vector_store %arg13[%swap3A_684, %swap3A_685, %swap3A_686], %swap3A_689 {strides = array<i32>} : memref<2x16x768xf32, #tpu.memory_space<vmem>>, vector<1x1x16xf32>,
        %get3A_690 = arith.constant 1 : i32
        %get3A_691 = arith.index_cast %get3A_690 : i32 to index
        %get3A_692 = arith.index_cast %scan3A_259 : i32 to index
        %get3A_693 = arith.constant 256 : index
        %get3A_694 = tpu.vector_load %arg10[%get3A_691, %get3A_692, %get3A_693] {strides = array<i32>} : memref<2x16x768xf32, #tpu.memory_space<vmem>>, vector<1x1x16xf32>,
        %get3A_695 = vector.shape_cast %get3A_694 : vector<1x1x16xf32> to vector<16xf32>
        %get3A_696 = arith.constant 1 : i32
        %get3A_697 = arith.index_cast %get3A_696 : i32 to index
        %get3A_698 = arith.index_cast %scan3A_259 : i32 to index
        %get3A_699 = arith.constant 256 : index
        %get3A_700 = tpu.vector_load %arg11[%get3A_697, %get3A_698, %get3A_699] {strides = array<i32>} : memref<2x16x768xf32, #tpu.memory_space<vmem>>, vector<1x1x16xf32>,
        %get3A_701 = vector.shape_cast %get3A_700 : vector<1x1x16xf32> to vector<16xf32>
        %add3A_702 = arith.addf %get3A_695, %get3A_701 : vector<16xf32>
        %get3A_703 = arith.constant 1 : i32
        %get3A_704 = arith.index_cast %get3A_703 : i32 to index
        %get3A_705 = arith.index_cast %scan3A_259 : i32 to index
        %get3A_706 = arith.constant 256 : index
        %get3A_707 = tpu.vector_load %arg12[%get3A_704, %get3A_705, %get3A_706] {strides = array<i32>} : memref<2x16x768xf32, #tpu.memory_space<vmem>>, vector<1x1x16xf32>,
        %get3A_708 = vector.shape_cast %get3A_707 : vector<1x1x16xf32> to vector<16xf32>
        %add3A_709 = arith.addf %add3A_702, %get3A_708 : vector<16xf32>
        %swap3A_710 = arith.constant 1 : i32
        %swap3A_711 = arith.index_cast %swap3A_710 : i32 to index
        %swap3A_712 = arith.index_cast %scan3A_259 : i32 to index
        %swap3A_713 = arith.constant 256 : index
        %swap3A_714 = tpu.vector_load %arg13[%swap3A_711, %swap3A_712, %swap3A_713] {strides = array<i32>} : memref<2x16x768xf32, #tpu.memory_space<vmem>>, vector<1x1x16xf32>,
        %swap3A_715 = vector.shape_cast %swap3A_714 : vector<1x1x16xf32> to vector<16xf32>
        %swap3A_716 = vector.shape_cast %add3A_709 : vector<16xf32> to vector<1x1x16xf32>
        tpu.vector_store %arg13[%swap3A_711, %swap3A_712, %swap3A_713], %swap3A_716 {strides = array<i32>} : memref<2x16x768xf32, #tpu.memory_space<vmem>>, vector<1x1x16xf32>,
        %get3A_717 = arith.constant 1 : i32
        %get3A_718 = arith.index_cast %get3A_717 : i32 to index
        %get3A_719 = arith.index_cast %scan3A_259 : i32 to index
        %get3A_720 = arith.constant 272 : index
        %get3A_721 = tpu.vector_load %arg10[%get3A_718, %get3A_719, %get3A_720] {strides = array<i32>} : memref<2x16x768xf32, #tpu.memory_space<vmem>>, vector<1x1x16xf32>,
        %get3A_722 = vector.shape_cast %get3A_721 : vector<1x1x16xf32> to vector<16xf32>
        %get3A_723 = arith.constant 1 : i32
        %get3A_724 = arith.index_cast %get3A_723 : i32 to index
        %get3A_725 = arith.index_cast %scan3A_259 : i32 to index
        %get3A_726 = arith.constant 272 : index
        %get3A_727 = tpu.vector_load %arg11[%get3A_724, %get3A_725, %get3A_726] {strides = array<i32>} : memref<2x16x768xf32, #tpu.memory_space<vmem>>, vector<1x1x16xf32>,
        %get3A_728 = vector.shape_cast %get3A_727 : vector<1x1x16xf32> to vector<16xf32>
        %add3A_729 = arith.addf %get3A_722, %get3A_728 : vector<16xf32>
        %get3A_730 = arith.constant 1 : i32
        %get3A_731 = arith.index_cast %get3A_730 : i32 to index
        %get3A_732 = arith.index_cast %scan3A_259 : i32 to index
        %get3A_733 = arith.constant 272 : index
        %get3A_734 = tpu.vector_load %arg12[%get3A_731, %get3A_732, %get3A_733] {strides = array<i32>} : memref<2x16x768xf32, #tpu.memory_space<vmem>>, vector<1x1x16xf32>,
        %get3A_735 = vector.shape_cast %get3A_734 : vector<1x1x16xf32> to vector<16xf32>
        %add3A_736 = arith.addf %add3A_729, %get3A_735 : vector<16xf32>
        %swap3A_737 = arith.constant 1 : i32
        %swap3A_738 = arith.index_cast %swap3A_737 : i32 to index
        %swap3A_739 = arith.index_cast %scan3A_259 : i32 to index
        %swap3A_740 = arith.constant 272 : index
        %swap3A_741 = tpu.vector_load %arg13[%swap3A_738, %swap3A_739, %swap3A_740] {strides = array<i32>} : memref<2x16x768xf32, #tpu.memory_space<vmem>>, vector<1x1x16xf32>,
        %swap3A_742 = vector.shape_cast %swap3A_741 : vector<1x1x16xf32> to vector<16xf32>
        %swap3A_743 = vector.shape_cast %add3A_736 : vector<16xf32> to vector<1x1x16xf32>
        tpu.vector_store %arg13[%swap3A_738, %swap3A_739, %swap3A_740], %swap3A_743 {strides = array<i32>} : memref<2x16x768xf32, #tpu.memory_space<vmem>>, vector<1x1x16xf32>,
        %get3A_744 = arith.constant 1 : i32
        %get3A_745 = arith.index_cast %get3A_744 : i32 to index
        %get3A_746 = arith.index_cast %scan3A_259 : i32 to index
        %get3A_747 = arith.constant 288 : index
        %get3A_748 = tpu.vector_load %arg10[%get3A_745, %get3A_746, %get3A_747] {strides = array<i32>} : memref<2x16x768xf32, #tpu.memory_space<vmem>>, vector<1x1x16xf32>,
        %get3A_749 = vector.shape_cast %get3A_748 : vector<1x1x16xf32> to vector<16xf32>
        %get3A_750 = arith.constant 1 : i32
        %get3A_751 = arith.index_cast %get3A_750 : i32 to index
        %get3A_752 = arith.index_cast %scan3A_259 : i32 to index
        %get3A_753 = arith.constant 288 : index
        %get3A_754 = tpu.vector_load %arg11[%get3A_751, %get3A_752, %get3A_753] {strides = array<i32>} : memref<2x16x768xf32, #tpu.memory_space<vmem>>, vector<1x1x16xf32>,
        %get3A_755 = vector.shape_cast %get3A_754 : vector<1x1x16xf32> to vector<16xf32>
        %add3A_756 = arith.addf %get3A_749, %get3A_755 : vector<16xf32>
        %get3A_757 = arith.constant 1 : i32
        %get3A_758 = arith.index_cast %get3A_757 : i32 to index
        %get3A_759 = arith.index_cast %scan3A_259 : i32 to index
        %get3A_760 = arith.constant 288 : index
        %get3A_761 = tpu.vector_load %arg12[%get3A_758, %get3A_759, %get3A_760] {strides = array<i32>} : memref<2x16x768xf32, #tpu.memory_space<vmem>>, vector<1x1x16xf32>,
        %get3A_762 = vector.shape_cast %get3A_761 : vector<1x1x16xf32> to vector<16xf32>
        %add3A_763 = arith.addf %add3A_756, %get3A_762 : vector<16xf32>
        %swap3A_764 = arith.constant 1 : i32
        %swap3A_765 = arith.index_cast %swap3A_764 : i32 to index
        %swap3A_766 = arith.index_cast %scan3A_259 : i32 to index
        %swap3A_767 = arith.constant 288 : index
        %swap3A_768 = tpu.vector_load %arg13[%swap3A_765, %swap3A_766, %swap3A_767] {strides = array<i32>} : memref<2x16x768xf32, #tpu.memory_space<vmem>>, vector<1x1x16xf32>,
        %swap3A_769 = vector.shape_cast %swap3A_768 : vector<1x1x16xf32> to vector<16xf32>
        %swap3A_770 = vector.shape_cast %add3A_763 : vector<16xf32> to vector<1x1x16xf32>
        tpu.vector_store %arg13[%swap3A_765, %swap3A_766, %swap3A_767], %swap3A_770 {strides = array<i32>} : memref<2x16x768xf32, #tpu.memory_space<vmem>>, vector<1x1x16xf32>,
        %get3A_771 = arith.constant 1 : i32
        %get3A_772 = arith.index_cast %get3A_771 : i32 to index
        %get3A_773 = arith.index_cast %scan3A_259 : i32 to index
        %get3A_774 = arith.constant 304 : index
        %get3A_775 = tpu.vector_load %arg10[%get3A_772, %get3A_773, %get3A_774] {strides = array<i32>} : memref<2x16x768xf32, #tpu.memory_space<vmem>>, vector<1x1x16xf32>,
        %get3A_776 = vector.shape_cast %get3A_775 : vector<1x1x16xf32> to vector<16xf32>
        %get3A_777 = arith.constant 1 : i32
        %get3A_778 = arith.index_cast %get3A_777 : i32 to index
        %get3A_779 = arith.index_cast %scan3A_259 : i32 to index
        %get3A_780 = arith.constant 304 : index
        %get3A_781 = tpu.vector_load %arg11[%get3A_778, %get3A_779, %get3A_780] {strides = array<i32>} : memref<2x16x768xf32, #tpu.memory_space<vmem>>, vector<1x1x16xf32>,
        %get3A_782 = vector.shape_cast %get3A_781 : vector<1x1x16xf32> to vector<16xf32>
        %add3A_783 = arith.addf %get3A_776, %get3A_782 : vector<16xf32>
        %get3A_784 = arith.constant 1 : i32
        %get3A_785 = arith.index_cast %get3A_784 : i32 to index
        %get3A_786 = arith.index_cast %scan3A_259 : i32 to index
        %get3A_787 = arith.constant 304 : index
        %get3A_788 = tpu.vector_load %arg12[%get3A_785, %get3A_786, %get3A_787] {strides = array<i32>} : memref<2x16x768xf32, #tpu.memory_space<vmem>>, vector<1x1x16xf32>,
        %get3A_789 = vector.shape_cast %get3A_788 : vector<1x1x16xf32> to vector<16xf32>
        %add3A_790 = arith.addf %add3A_783, %get3A_789 : vector<16xf32>
        %swap3A_791 = arith.constant 1 : i32
        %swap3A_792 = arith.index_cast %swap3A_791 : i32 to index
        %swap3A_793 = arith.index_cast %scan3A_259 : i32 to index
        %swap3A_794 = arith.constant 304 : index
        %swap3A_795 = tpu.vector_load %arg13[%swap3A_792, %swap3A_793, %swap3A_794] {strides = array<i32>} : memref<2x16x768xf32, #tpu.memory_space<vmem>>, vector<1x1x16xf32>,
        %swap3A_796 = vector.shape_cast %swap3A_795 : vector<1x1x16xf32> to vector<16xf32>
        %swap3A_797 = vector.shape_cast %add3A_790 : vector<16xf32> to vector<1x1x16xf32>
        tpu.vector_store %arg13[%swap3A_792, %swap3A_793, %swap3A_794], %swap3A_797 {strides = array<i32>} : memref<2x16x768xf32, #tpu.memory_space<vmem>>, vector<1x1x16xf32>,
        %get3A_798 = arith.constant 1 : i32
        %get3A_799 = arith.index_cast %get3A_798 : i32 to index
        %get3A_800 = arith.index_cast %scan3A_259 : i32 to index
        %get3A_801 = arith.constant 320 : index
        %get3A_802 = tpu.vector_load %arg10[%get3A_799, %get3A_800, %get3A_801] {strides = array<i32>} : memref<2x16x768xf32, #tpu.memory_space<vmem>>, vector<1x1x16xf32>,
        %get3A_803 = vector.shape_cast %get3A_802 : vector<1x1x16xf32> to vector<16xf32>
        %get3A_804 = arith.constant 1 : i32
        %get3A_805 = arith.index_cast %get3A_804 : i32 to index
        %get3A_806 = arith.index_cast %scan3A_259 : i32 to index
        %get3A_807 = arith.constant 320 : index
        %get3A_808 = tpu.vector_load %arg11[%get3A_805, %get3A_806, %get3A_807] {strides = array<i32>} : memref<2x16x768xf32, #tpu.memory_space<vmem>>, vector<1x1x16xf32>,
        %get3A_809 = vector.shape_cast %get3A_808 : vector<1x1x16xf32> to vector<16xf32>
        %add3A_810 = arith.addf %get3A_803, %get3A_809 : vector<16xf32>
        %get3A_811 = arith.constant 1 : i32
        %get3A_812 = arith.index_cast %get3A_811 : i32 to index
        %get3A_813 = arith.index_cast %scan3A_259 : i32 to index
        %get3A_814 = arith.constant 320 : index
        %get3A_815 = tpu.vector_load %arg12[%get3A_812, %get3A_813, %get3A_814] {strides = array<i32>} : memref<2x16x768xf32, #tpu.memory_space<vmem>>, vector<1x1x16xf32>,
        %get3A_816 = vector.shape_cast %get3A_815 : vector<1x1x16xf32> to vector<16xf32>
        %add3A_817 = arith.addf %add3A_810, %get3A_816 : vector<16xf32>
        %swap3A_818 = arith.constant 1 : i32
        %swap3A_819 = arith.index_cast %swap3A_818 : i32 to index
        %swap3A_820 = arith.index_cast %scan3A_259 : i32 to index
        %swap3A_821 = arith.constant 320 : index
        %swap3A_822 = tpu.vector_load %arg13[%swap3A_819, %swap3A_820, %swap3A_821] {strides = array<i32>} : memref<2x16x768xf32, #tpu.memory_space<vmem>>, vector<1x1x16xf32>,
        %swap3A_823 = vector.shape_cast %swap3A_822 : vector<1x1x16xf32> to vector<16xf32>
        %swap3A_824 = vector.shape_cast %add3A_817 : vector<16xf32> to vector<1x1x16xf32>
        tpu.vector_store %arg13[%swap3A_819, %swap3A_820, %swap3A_821], %swap3A_824 {strides = array<i32>} : memref<2x16x768xf32, #tpu.memory_space<vmem>>, vector<1x1x16xf32>,
        %get3A_825 = arith.constant 1 : i32
        %get3A_826 = arith.index_cast %get3A_825 : i32 to index
        %get3A_827 = arith.index_cast %scan3A_259 : i32 to index
        %get3A_828 = arith.constant 336 : index
        %get3A_829 = tpu.vector_load %arg10[%get3A_826, %get3A_827, %get3A_828] {strides = array<i32>} : memref<2x16x768xf32, #tpu.memory_space<vmem>>, vector<1x1x16xf32>,
        %get3A_830 = vector.shape_cast %get3A_829 : vector<1x1x16xf32> to vector<16xf32>
        %get3A_831 = arith.constant 1 : i32
        %get3A_832 = arith.index_cast %get3A_831 : i32 to index
        %get3A_833 = arith.index_cast %scan3A_259 : i32 to index
        %get3A_834 = arith.constant 336 : index
        %get3A_835 = tpu.vector_load %arg11[%get3A_832, %get3A_833, %get3A_834] {strides = array<i32>} : memref<2x16x768xf32, #tpu.memory_space<vmem>>, vector<1x1x16xf32>,
        %get3A_836 = vector.shape_cast %get3A_835 : vector<1x1x16xf32> to vector<16xf32>
        %add3A_837 = arith.addf %get3A_830, %get3A_836 : vector<16xf32>
        %get3A_838 = arith.constant 1 : i32
        %get3A_839 = arith.index_cast %get3A_838 : i32 to index
        %get3A_840 = arith.index_cast %scan3A_259 : i32 to index
        %get3A_841 = arith.constant 336 : index
        %get3A_842 = tpu.vector_load %arg12[%get3A_839, %get3A_840, %get3A_841] {strides = array<i32>} : memref<2x16x768xf32, #tpu.memory_space<vmem>>, vector<1x1x16xf32>,
        %get3A_843 = vector.shape_cast %get3A_842 : vector<1x1x16xf32> to vector<16xf32>
        %add3A_844 = arith.addf %add3A_837, %get3A_843 : vector<16xf32>
        %swap3A_845 = arith.constant 1 : i32
        %swap3A_846 = arith.index_cast %swap3A_845 : i32 to index
        %swap3A_847 = arith.index_cast %scan3A_259 : i32 to index
        %swap3A_848 = arith.constant 336 : index
        %swap3A_849 = tpu.vector_load %arg13[%swap3A_846, %swap3A_847, %swap3A_848] {strides = array<i32>} : memref<2x16x768xf32, #tpu.memory_space<vmem>>, vector<1x1x16xf32>,
        %swap3A_850 = vector.shape_cast %swap3A_849 : vector<1x1x16xf32> to vector<16xf32>
        %swap3A_851 = vector.shape_cast %add3A_844 : vector<16xf32> to vector<1x1x16xf32>
        tpu.vector_store %arg13[%swap3A_846, %swap3A_847, %swap3A_848], %swap3A_851 {strides = array<i32>} : memref<2x16x768xf32, #tpu.memory_space<vmem>>, vector<1x1x16xf32>,
        %get3A_852 = arith.constant 1 : i32
        %get3A_853 = arith.index_cast %get3A_852 : i32 to index
        %get3A_854 = arith.index_cast %scan3A_259 : i32 to index
        %get3A_855 = arith.constant 352 : index
        %get3A_856 = tpu.vector_load %arg10[%get3A_853, %get3A_854, %get3A_855] {strides = array<i32>} : memref<2x16x768xf32, #tpu.memory_space<vmem>>, vector<1x1x16xf32>,
        %get3A_857 = vector.shape_cast %get3A_856 : vector<1x1x16xf32> to vector<16xf32>
        %get3A_858 = arith.constant 1 : i32
        %get3A_859 = arith.index_cast %get3A_858 : i32 to index
        %get3A_860 = arith.index_cast %scan3A_259 : i32 to index
        %get3A_861 = arith.constant 352 : index
        %get3A_862 = tpu.vector_load %arg11[%get3A_859, %get3A_860, %get3A_861] {strides = array<i32>} : memref<2x16x768xf32, #tpu.memory_space<vmem>>, vector<1x1x16xf32>,
        %get3A_863 = vector.shape_cast %get3A_862 : vector<1x1x16xf32> to vector<16xf32>
        %add3A_864 = arith.addf %get3A_857, %get3A_863 : vector<16xf32>
        %get3A_865 = arith.constant 1 : i32
        %get3A_866 = arith.index_cast %get3A_865 : i32 to index
        %get3A_867 = arith.index_cast %scan3A_259 : i32 to index
        %get3A_868 = arith.constant 352 : index
        %get3A_869 = tpu.vector_load %arg12[%get3A_866, %get3A_867, %get3A_868] {strides = array<i32>} : memref<2x16x768xf32, #tpu.memory_space<vmem>>, vector<1x1x16xf32>,
        %get3A_870 = vector.shape_cast %get3A_869 : vector<1x1x16xf32> to vector<16xf32>
        %add3A_871 = arith.addf %add3A_864, %get3A_870 : vector<16xf32>
        %swap3A_872 = arith.constant 1 : i32
        %swap3A_873 = arith.index_cast %swap3A_872 : i32 to index
        %swap3A_874 = arith.index_cast %scan3A_259 : i32 to index
        %swap3A_875 = arith.constant 352 : index
        %swap3A_876 = tpu.vector_load %arg13[%swap3A_873, %swap3A_874, %swap3A_875] {strides = array<i32>} : memref<2x16x768xf32, #tpu.memory_space<vmem>>, vector<1x1x16xf32>,
        %swap3A_877 = vector.shape_cast %swap3A_876 : vector<1x1x16xf32> to vector<16xf32>
        %swap3A_878 = vector.shape_cast %add3A_871 : vector<16xf32> to vector<1x1x16xf32>
        tpu.vector_store %arg13[%swap3A_873, %swap3A_874, %swap3A_875], %swap3A_878 {strides = array<i32>} : memref<2x16x768xf32, #tpu.memory_space<vmem>>, vector<1x1x16xf32>,
        %get3A_879 = arith.constant 1 : i32
        %get3A_880 = arith.index_cast %get3A_879 : i32 to index
        %get3A_881 = arith.index_cast %scan3A_259 : i32 to index
        %get3A_882 = arith.constant 368 : index
        %get3A_883 = tpu.vector_load %arg10[%get3A_880, %get3A_881, %get3A_882] {strides = array<i32>} : memref<2x16x768xf32, #tpu.memory_space<vmem>>, vector<1x1x16xf32>,
        %get3A_884 = vector.shape_cast %get3A_883 : vector<1x1x16xf32> to vector<16xf32>
        %get3A_885 = arith.constant 1 : i32
        %get3A_886 = arith.index_cast %get3A_885 : i32 to index
        %get3A_887 = arith.index_cast %scan3A_259 : i32 to index
        %get3A_888 = arith.constant 368 : index
        %get3A_889 = tpu.vector_load %arg11[%get3A_886, %get3A_887, %get3A_888] {strides = array<i32>} : memref<2x16x768xf32, #tpu.memory_space<vmem>>, vector<1x1x16xf32>,
        %get3A_890 = vector.shape_cast %get3A_889 : vector<1x1x16xf32> to vector<16xf32>
        %add3A_891 = arith.addf %get3A_884, %get3A_890 : vector<16xf32>
        %get3A_892 = arith.constant 1 : i32
        %get3A_893 = arith.index_cast %get3A_892 : i32 to index
        %get3A_894 = arith.index_cast %scan3A_259 : i32 to index
        %get3A_895 = arith.constant 368 : index
        %get3A_896 = tpu.vector_load %arg12[%get3A_893, %get3A_894, %get3A_895] {strides = array<i32>} : memref<2x16x768xf32, #tpu.memory_space<vmem>>, vector<1x1x16xf32>,
        %get3A_897 = vector.shape_cast %get3A_896 : vector<1x1x16xf32> to vector<16xf32>
        %add3A_898 = arith.addf %add3A_891, %get3A_897 : vector<16xf32>
        %swap3A_899 = arith.constant 1 : i32
        %swap3A_900 = arith.index_cast %swap3A_899 : i32 to index
        %swap3A_901 = arith.index_cast %scan3A_259 : i32 to index
        %swap3A_902 = arith.constant 368 : index
        %swap3A_903 = tpu.vector_load %arg13[%swap3A_900, %swap3A_901, %swap3A_902] {strides = array<i32>} : memref<2x16x768xf32, #tpu.memory_space<vmem>>, vector<1x1x16xf32>,
        %swap3A_904 = vector.shape_cast %swap3A_903 : vector<1x1x16xf32> to vector<16xf32>
        %swap3A_905 = vector.shape_cast %add3A_898 : vector<16xf32> to vector<1x1x16xf32>
        tpu.vector_store %arg13[%swap3A_900, %swap3A_901, %swap3A_902], %swap3A_905 {strides = array<i32>} : memref<2x16x768xf32, #tpu.memory_space<vmem>>, vector<1x1x16xf32>,
        %get3A_906 = arith.constant 1 : i32
        %get3A_907 = arith.index_cast %get3A_906 : i32 to index
        %get3A_908 = arith.index_cast %scan3A_259 : i32 to index
        %get3A_909 = arith.constant 384 : index
        %get3A_910 = tpu.vector_load %arg10[%get3A_907, %get3A_908, %get3A_909] {strides = array<i32>} : memref<2x16x768xf32, #tpu.memory_space<vmem>>, vector<1x1x16xf32>,
        %get3A_911 = vector.shape_cast %get3A_910 : vector<1x1x16xf32> to vector<16xf32>
        %get3A_912 = arith.constant 1 : i32
        %get3A_913 = arith.index_cast %get3A_912 : i32 to index
        %get3A_914 = arith.index_cast %scan3A_259 : i32 to index
        %get3A_915 = arith.constant 384 : index
        %get3A_916 = tpu.vector_load %arg11[%get3A_913, %get3A_914, %get3A_915] {strides = array<i32>} : memref<2x16x768xf32, #tpu.memory_space<vmem>>, vector<1x1x16xf32>,
        %get3A_917 = vector.shape_cast %get3A_916 : vector<1x1x16xf32> to vector<16xf32>
        %add3A_918 = arith.addf %get3A_911, %get3A_917 : vector<16xf32>
        %get3A_919 = arith.constant 1 : i32
        %get3A_920 = arith.index_cast %get3A_919 : i32 to index
        %get3A_921 = arith.index_cast %scan3A_259 : i32 to index
        %get3A_922 = arith.constant 384 : index
        %get3A_923 = tpu.vector_load %arg12[%get3A_920, %get3A_921, %get3A_922] {strides = array<i32>} : memref<2x16x768xf32, #tpu.memory_space<vmem>>, vector<1x1x16xf32>,
        %get3A_924 = vector.shape_cast %get3A_923 : vector<1x1x16xf32> to vector<16xf32>
        %add3A_925 = arith.addf %add3A_918, %get3A_924 : vector<16xf32>
        %swap3A_926 = arith.constant 1 : i32
        %swap3A_927 = arith.index_cast %swap3A_926 : i32 to index
        %swap3A_928 = arith.index_cast %scan3A_259 : i32 to index
        %swap3A_929 = arith.constant 384 : index
        %swap3A_930 = tpu.vector_load %arg13[%swap3A_927, %swap3A_928, %swap3A_929] {strides = array<i32>} : memref<2x16x768xf32, #tpu.memory_space<vmem>>, vector<1x1x16xf32>,
        %swap3A_931 = vector.shape_cast %swap3A_930 : vector<1x1x16xf32> to vector<16xf32>
        %swap3A_932 = vector.shape_cast %add3A_925 : vector<16xf32> to vector<1x1x16xf32>
        tpu.vector_store %arg13[%swap3A_927, %swap3A_928, %swap3A_929], %swap3A_932 {strides = array<i32>} : memref<2x16x768xf32, #tpu.memory_space<vmem>>, vector<1x1x16xf32>,
        %get3A_933 = arith.constant 1 : i32
        %get3A_934 = arith.index_cast %get3A_933 : i32 to index
        %get3A_935 = arith.index_cast %scan3A_259 : i32 to index
        %get3A_936 = arith.constant 400 : index
        %get3A_937 = tpu.vector_load %arg10[%get3A_934, %get3A_935, %get3A_936] {strides = array<i32>} : memref<2x16x768xf32, #tpu.memory_space<vmem>>, vector<1x1x16xf32>,
        %get3A_938 = vector.shape_cast %get3A_937 : vector<1x1x16xf32> to vector<16xf32>
        %get3A_939 = arith.constant 1 : i32
        %get3A_940 = arith.index_cast %get3A_939 : i32 to index
        %get3A_941 = arith.index_cast %scan3A_259 : i32 to index
        %get3A_942 = arith.constant 400 : index
        %get3A_943 = tpu.vector_load %arg11[%get3A_940, %get3A_941, %get3A_942] {strides = array<i32>} : memref<2x16x768xf32, #tpu.memory_space<vmem>>, vector<1x1x16xf32>,
        %get3A_944 = vector.shape_cast %get3A_943 : vector<1x1x16xf32> to vector<16xf32>
        %add3A_945 = arith.addf %get3A_938, %get3A_944 : vector<16xf32>
        %get3A_946 = arith.constant 1 : i32
        %get3A_947 = arith.index_cast %get3A_946 : i32 to index
        %get3A_948 = arith.index_cast %scan3A_259 : i32 to index
        %get3A_949 = arith.constant 400 : index
        %get3A_950 = tpu.vector_load %arg12[%get3A_947, %get3A_948, %get3A_949] {strides = array<i32>} : memref<2x16x768xf32, #tpu.memory_space<vmem>>, vector<1x1x16xf32>,
        %get3A_951 = vector.shape_cast %get3A_950 : vector<1x1x16xf32> to vector<16xf32>
        %add3A_952 = arith.addf %add3A_945, %get3A_951 : vector<16xf32>
        %swap3A_953 = arith.constant 1 : i32
        %swap3A_954 = arith.index_cast %swap3A_953 : i32 to index
        %swap3A_955 = arith.index_cast %scan3A_259 : i32 to index
        %swap3A_956 = arith.constant 400 : index
        %swap3A_957 = tpu.vector_load %arg13[%swap3A_954, %swap3A_955, %swap3A_956] {strides = array<i32>} : memref<2x16x768xf32, #tpu.memory_space<vmem>>, vector<1x1x16xf32>,
        %swap3A_958 = vector.shape_cast %swap3A_957 : vector<1x1x16xf32> to vector<16xf32>
        %swap3A_959 = vector.shape_cast %add3A_952 : vector<16xf32> to vector<1x1x16xf32>
        tpu.vector_store %arg13[%swap3A_954, %swap3A_955, %swap3A_956], %swap3A_959 {strides = array<i32>} : memref<2x16x768xf32, #tpu.memory_space<vmem>>, vector<1x1x16xf32>,
        %get3A_960 = arith.constant 1 : i32
        %get3A_961 = arith.index_cast %get3A_960 : i32 to index
        %get3A_962 = arith.index_cast %scan3A_259 : i32 to index
        %get3A_963 = arith.constant 416 : index
        %get3A_964 = tpu.vector_load %arg10[%get3A_961, %get3A_962, %get3A_963] {strides = array<i32>} : memref<2x16x768xf32, #tpu.memory_space<vmem>>, vector<1x1x16xf32>,
        %get3A_965 = vector.shape_cast %get3A_964 : vector<1x1x16xf32> to vector<16xf32>
        %get3A_966 = arith.constant 1 : i32
        %get3A_967 = arith.index_cast %get3A_966 : i32 to index
        %get3A_968 = arith.index_cast %scan3A_259 : i32 to index
        %get3A_969 = arith.constant 416 : index
        %get3A_970 = tpu.vector_load %arg11[%get3A_967, %get3A_968, %get3A_969] {strides = array<i32>} : memref<2x16x768xf32, #tpu.memory_space<vmem>>, vector<1x1x16xf32>,
        %get3A_971 = vector.shape_cast %get3A_970 : vector<1x1x16xf32> to vector<16xf32>
        %add3A_972 = arith.addf %get3A_965, %get3A_971 : vector<16xf32>
        %get3A_973 = arith.constant 1 : i32
        %get3A_974 = arith.index_cast %get3A_973 : i32 to index
        %get3A_975 = arith.index_cast %scan3A_259 : i32 to index
        %get3A_976 = arith.constant 416 : index
        %get3A_977 = tpu.vector_load %arg12[%get3A_974, %get3A_975, %get3A_976] {strides = array<i32>} : memref<2x16x768xf32, #tpu.memory_space<vmem>>, vector<1x1x16xf32>,
        %get3A_978 = vector.shape_cast %get3A_977 : vector<1x1x16xf32> to vector<16xf32>
        %add3A_979 = arith.addf %add3A_972, %get3A_978 : vector<16xf32>
        %swap3A_980 = arith.constant 1 : i32
        %swap3A_981 = arith.index_cast %swap3A_980 : i32 to index
        %swap3A_982 = arith.index_cast %scan3A_259 : i32 to index
        %swap3A_983 = arith.constant 416 : index
        %swap3A_984 = tpu.vector_load %arg13[%swap3A_981, %swap3A_982, %swap3A_983] {strides = array<i32>} : memref<2x16x768xf32, #tpu.memory_space<vmem>>, vector<1x1x16xf32>,
        %swap3A_985 = vector.shape_cast %swap3A_984 : vector<1x1x16xf32> to vector<16xf32>
        %swap3A_986 = vector.shape_cast %add3A_979 : vector<16xf32> to vector<1x1x16xf32>
        tpu.vector_store %arg13[%swap3A_981, %swap3A_982, %swap3A_983], %swap3A_986 {strides = array<i32>} : memref<2x16x768xf32, #tpu.memory_space<vmem>>, vector<1x1x16xf32>,
        %get3A_987 = arith.constant 1 : i32
        %get3A_988 = arith.index_cast %get3A_987 : i32 to index
        %get3A_989 = arith.index_cast %scan3A_259 : i32 to index
        %get3A_990 = arith.constant 432 : index
        %get3A_991 = tpu.vector_load %arg10[%get3A_988, %get3A_989, %get3A_990] {strides = array<i32>} : memref<2x16x768xf32, #tpu.memory_space<vmem>>, vector<1x1x16xf32>,
        %get3A_992 = vector.shape_cast %get3A_991 : vector<1x1x16xf32> to vector<16xf32>
        %get3A_993 = arith.constant 1 : i32
        %get3A_994 = arith.index_cast %get3A_993 : i32 to index
        %get3A_995 = arith.index_cast %scan3A_259 : i32 to index
        %get3A_996 = arith.constant 432 : index
        %get3A_997 = tpu.vector_load %arg11[%get3A_994, %get3A_995, %get3A_996] {strides = array<i32>} : memref<2x16x768xf32, #tpu.memory_space<vmem>>, vector<1x1x16xf32>,
        %get3A_998 = vector.shape_cast %get3A_997 : vector<1x1x16xf32> to vector<16xf32>
        %add3A_999 = arith.addf %get3A_992, %get3A_998 : vector<16xf32>
        %get3A_1000 = arith.constant 1 : i32
        %get3A_1001 = arith.index_cast %get3A_1000 : i32 to index
        %get3A_1002 = arith.index_cast %scan3A_259 : i32 to index
        %get3A_1003 = arith.constant 432 : index
        %get3A_1004 = tpu.vector_load %arg12[%get3A_1001, %get3A_1002, %get3A_1003] {strides = array<i32>} : memref<2x16x768xf32, #tpu.memory_space<vmem>>, vector<1x1x16xf32>,
        %get3A_1005 = vector.shape_cast %get3A_1004 : vector<1x1x16xf32> to vector<16xf32>
        %add3A_1006 = arith.addf %add3A_999, %get3A_1005 : vector<16xf32>
        %swap3A_1007 = arith.constant 1 : i32
        %swap3A_1008 = arith.index_cast %swap3A_1007 : i32 to index
        %swap3A_1009 = arith.index_cast %scan3A_259 : i32 to index
        %swap3A_1010 = arith.constant 432 : index
        %swap3A_1011 = tpu.vector_load %arg13[%swap3A_1008, %swap3A_1009, %swap3A_1010] {strides = array<i32>} : memref<2x16x768xf32, #tpu.memory_space<vmem>>, vector<1x1x16xf32>,
        %swap3A_1012 = vector.shape_cast %swap3A_1011 : vector<1x1x16xf32> to vector<16xf32>
        %swap3A_1013 = vector.shape_cast %add3A_1006 : vector<16xf32> to vector<1x1x16xf32>
        tpu.vector_store %arg13[%swap3A_1008, %swap3A_1009, %swap3A_1010], %swap3A_1013 {strides = array<i32>} : memref<2x16x768xf32, #tpu.memory_space<vmem>>, vector<1x1x16xf32>,
        %get3A_1014 = arith.constant 1 : i32
        %get3A_1015 = arith.index_cast %get3A_1014 : i32 to index
        %get3A_1016 = arith.index_cast %scan3A_259 : i32 to index
        %get3A_1017 = arith.constant 448 : index
        %get3A_1018 = tpu.vector_load %arg10[%get3A_1015, %get3A_1016, %get3A_1017] {strides = array<i32>} : memref<2x16x768xf32, #tpu.memory_space<vmem>>, vector<1x1x16xf32>,
        %get3A_1019 = vector.shape_cast %get3A_1018 : vector<1x1x16xf32> to vector<16xf32>
        %get3A_1020 = arith.constant 1 : i32
        %get3A_1021 = arith.index_cast %get3A_1020 : i32 to index
        %get3A_1022 = arith.index_cast %scan3A_259 : i32 to index
        %get3A_1023 = arith.constant 448 : index
        %get3A_1024 = tpu.vector_load %arg11[%get3A_1021, %get3A_1022, %get3A_1023] {strides = array<i32>} : memref<2x16x768xf32, #tpu.memory_space<vmem>>, vector<1x1x16xf32>,
        %get3A_1025 = vector.shape_cast %get3A_1024 : vector<1x1x16xf32> to vector<16xf32>
        %add3A_1026 = arith.addf %get3A_1019, %get3A_1025 : vector<16xf32>
        %get3A_1027 = arith.constant 1 : i32
        %get3A_1028 = arith.index_cast %get3A_1027 : i32 to index
        %get3A_1029 = arith.index_cast %scan3A_259 : i32 to index
        %get3A_1030 = arith.constant 448 : index
        %get3A_1031 = tpu.vector_load %arg12[%get3A_1028, %get3A_1029, %get3A_1030] {strides = array<i32>} : memref<2x16x768xf32, #tpu.memory_space<vmem>>, vector<1x1x16xf32>,
        %get3A_1032 = vector.shape_cast %get3A_1031 : vector<1x1x16xf32> to vector<16xf32>
        %add3A_1033 = arith.addf %add3A_1026, %get3A_1032 : vector<16xf32>
        %swap3A_1034 = arith.constant 1 : i32
        %swap3A_1035 = arith.index_cast %swap3A_1034 : i32 to index
        %swap3A_1036 = arith.index_cast %scan3A_259 : i32 to index
        %swap3A_1037 = arith.constant 448 : index
        %swap3A_1038 = tpu.vector_load %arg13[%swap3A_1035, %swap3A_1036, %swap3A_1037] {strides = array<i32>} : memref<2x16x768xf32, #tpu.memory_space<vmem>>, vector<1x1x16xf32>,
        %swap3A_1039 = vector.shape_cast %swap3A_1038 : vector<1x1x16xf32> to vector<16xf32>
        %swap3A_1040 = vector.shape_cast %add3A_1033 : vector<16xf32> to vector<1x1x16xf32>
        tpu.vector_store %arg13[%swap3A_1035, %swap3A_1036, %swap3A_1037], %swap3A_1040 {strides = array<i32>} : memref<2x16x768xf32, #tpu.memory_space<vmem>>, vector<1x1x16xf32>,
        %get3A_1041 = arith.constant 1 : i32
        %get3A_1042 = arith.index_cast %get3A_1041 : i32 to index
        %get3A_1043 = arith.index_cast %scan3A_259 : i32 to index
        %get3A_1044 = arith.constant 464 : index
        %get3A_1045 = tpu.vector_load %arg10[%get3A_1042, %get3A_1043, %get3A_1044] {strides = array<i32>} : memref<2x16x768xf32, #tpu.memory_space<vmem>>, vector<1x1x16xf32>,
        %get3A_1046 = vector.shape_cast %get3A_1045 : vector<1x1x16xf32> to vector<16xf32>
        %get3A_1047 = arith.constant 1 : i32
        %get3A_1048 = arith.index_cast %get3A_1047 : i32 to index
        %get3A_1049 = arith.index_cast %scan3A_259 : i32 to index
        %get3A_1050 = arith.constant 464 : index
        %get3A_1051 = tpu.vector_load %arg11[%get3A_1048, %get3A_1049, %get3A_1050] {strides = array<i32>} : memref<2x16x768xf32, #tpu.memory_space<vmem>>, vector<1x1x16xf32>,
        %get3A_1052 = vector.shape_cast %get3A_1051 : vector<1x1x16xf32> to vector<16xf32>
        %add3A_1053 = arith.addf %get3A_1046, %get3A_1052 : vector<16xf32>
        %get3A_1054 = arith.constant 1 : i32
        %get3A_1055 = arith.index_cast %get3A_1054 : i32 to index
        %get3A_1056 = arith.index_cast %scan3A_259 : i32 to index
        %get3A_1057 = arith.constant 464 : index
        %get3A_1058 = tpu.vector_load %arg12[%get3A_1055, %get3A_1056, %get3A_1057] {strides = array<i32>} : memref<2x16x768xf32, #tpu.memory_space<vmem>>, vector<1x1x16xf32>,
        %get3A_1059 = vector.shape_cast %get3A_1058 : vector<1x1x16xf32> to vector<16xf32>
        %add3A_1060 = arith.addf %add3A_1053, %get3A_1059 : vector<16xf32>
        %swap3A_1061 = arith.constant 1 : i32
        %swap3A_1062 = arith.index_cast %swap3A_1061 : i32 to index
        %swap3A_1063 = arith.index_cast %scan3A_259 : i32 to index
        %swap3A_1064 = arith.constant 464 : index
        %swap3A_1065 = tpu.vector_load %arg13[%swap3A_1062, %swap3A_1063, %swap3A_1064] {strides = array<i32>} : memref<2x16x768xf32, #tpu.memory_space<vmem>>, vector<1x1x16xf32>,
        %swap3A_1066 = vector.shape_cast %swap3A_1065 : vector<1x1x16xf32> to vector<16xf32>
        %swap3A_1067 = vector.shape_cast %add3A_1060 : vector<16xf32> to vector<1x1x16xf32>
        tpu.vector_store %arg13[%swap3A_1062, %swap3A_1063, %swap3A_1064], %swap3A_1067 {strides = array<i32>} : memref<2x16x768xf32, #tpu.memory_space<vmem>>, vector<1x1x16xf32>,
        %get3A_1068 = arith.constant 1 : i32
        %get3A_1069 = arith.index_cast %get3A_1068 : i32 to index
        %get3A_1070 = arith.index_cast %scan3A_259 : i32 to index
        %get3A_1071 = arith.constant 480 : index
        %get3A_1072 = tpu.vector_load %arg10[%get3A_1069, %get3A_1070, %get3A_1071] {strides = array<i32>} : memref<2x16x768xf32, #tpu.memory_space<vmem>>, vector<1x1x16xf32>,
        %get3A_1073 = vector.shape_cast %get3A_1072 : vector<1x1x16xf32> to vector<16xf32>
        %get3A_1074 = arith.constant 1 : i32
        %get3A_1075 = arith.index_cast %get3A_1074 : i32 to index
        %get3A_1076 = arith.index_cast %scan3A_259 : i32 to index
        %get3A_1077 = arith.constant 480 : index
        %get3A_1078 = tpu.vector_load %arg11[%get3A_1075, %get3A_1076, %get3A_1077] {strides = array<i32>} : memref<2x16x768xf32, #tpu.memory_space<vmem>>, vector<1x1x16xf32>,
        %get3A_1079 = vector.shape_cast %get3A_1078 : vector<1x1x16xf32> to vector<16xf32>
        %add3A_1080 = arith.addf %get3A_1073, %get3A_1079 : vector<16xf32>
        %get3A_1081 = arith.constant 1 : i32
        %get3A_1082 = arith.index_cast %get3A_1081 : i32 to index
        %get3A_1083 = arith.index_cast %scan3A_259 : i32 to index
        %get3A_1084 = arith.constant 480 : index
        %get3A_1085 = tpu.vector_load %arg12[%get3A_1082, %get3A_1083, %get3A_1084] {strides = array<i32>} : memref<2x16x768xf32, #tpu.memory_space<vmem>>, vector<1x1x16xf32>,
        %get3A_1086 = vector.shape_cast %get3A_1085 : vector<1x1x16xf32> to vector<16xf32>
        %add3A_1087 = arith.addf %add3A_1080, %get3A_1086 : vector<16xf32>
        %swap3A_1088 = arith.constant 1 : i32
        %swap3A_1089 = arith.index_cast %swap3A_1088 : i32 to index
        %swap3A_1090 = arith.index_cast %scan3A_259 : i32 to index
        %swap3A_1091 = arith.constant 480 : index
        %swap3A_1092 = tpu.vector_load %arg13[%swap3A_1089, %swap3A_1090, %swap3A_1091] {strides = array<i32>} : memref<2x16x768xf32, #tpu.memory_space<vmem>>, vector<1x1x16xf32>,
        %swap3A_1093 = vector.shape_cast %swap3A_1092 : vector<1x1x16xf32> to vector<16xf32>
        %swap3A_1094 = vector.shape_cast %add3A_1087 : vector<16xf32> to vector<1x1x16xf32>
        tpu.vector_store %arg13[%swap3A_1089, %swap3A_1090, %swap3A_1091], %swap3A_1094 {strides = array<i32>} : memref<2x16x768xf32, #tpu.memory_space<vmem>>, vector<1x1x16xf32>,
        %get3A_1095 = arith.constant 1 : i32
        %get3A_1096 = arith.index_cast %get3A_1095 : i32 to index
        %get3A_1097 = arith.index_cast %scan3A_259 : i32 to index
        %get3A_1098 = arith.constant 496 : index
        %get3A_1099 = tpu.vector_load %arg10[%get3A_1096, %get3A_1097, %get3A_1098] {strides = array<i32>} : memref<2x16x768xf32, #tpu.memory_space<vmem>>, vector<1x1x16xf32>,
        %get3A_1100 = vector.shape_cast %get3A_1099 : vector<1x1x16xf32> to vector<16xf32>
        %get3A_1101 = arith.constant 1 : i32
        %get3A_1102 = arith.index_cast %get3A_1101 : i32 to index
        %get3A_1103 = arith.index_cast %scan3A_259 : i32 to index
        %get3A_1104 = arith.constant 496 : index
        %get3A_1105 = tpu.vector_load %arg11[%get3A_1102, %get3A_1103, %get3A_1104] {strides = array<i32>} : memref<2x16x768xf32, #tpu.memory_space<vmem>>, vector<1x1x16xf32>,
        %get3A_1106 = vector.shape_cast %get3A_1105 : vector<1x1x16xf32> to vector<16xf32>
        %add3A_1107 = arith.addf %get3A_1100, %get3A_1106 : vector<16xf32>
        %get3A_1108 = arith.constant 1 : i32
        %get3A_1109 = arith.index_cast %get3A_1108 : i32 to index
        %get3A_1110 = arith.index_cast %scan3A_259 : i32 to index
        %get3A_1111 = arith.constant 496 : index
        %get3A_1112 = tpu.vector_load %arg12[%get3A_1109, %get3A_1110, %get3A_1111] {strides = array<i32>} : memref<2x16x768xf32, #tpu.memory_space<vmem>>, vector<1x1x16xf32>,
        %get3A_1113 = vector.shape_cast %get3A_1112 : vector<1x1x16xf32> to vector<16xf32>
        %add3A_1114 = arith.addf %add3A_1107, %get3A_1113 : vector<16xf32>
        %swap3A_1115 = arith.constant 1 : i32
        %swap3A_1116 = arith.index_cast %swap3A_1115 : i32 to index
        %swap3A_1117 = arith.index_cast %scan3A_259 : i32 to index
        %swap3A_1118 = arith.constant 496 : index
        %swap3A_1119 = tpu.vector_load %arg13[%swap3A_1116, %swap3A_1117, %swap3A_1118] {strides = array<i32>} : memref<2x16x768xf32, #tpu.memory_space<vmem>>, vector<1x1x16xf32>,
        %swap3A_1120 = vector.shape_cast %swap3A_1119 : vector<1x1x16xf32> to vector<16xf32>
        %swap3A_1121 = vector.shape_cast %add3A_1114 : vector<16xf32> to vector<1x1x16xf32>
        tpu.vector_store %arg13[%swap3A_1116, %swap3A_1117, %swap3A_1118], %swap3A_1121 {strides = array<i32>} : memref<2x16x768xf32, #tpu.memory_space<vmem>>, vector<1x1x16xf32>,
        %get3A_1122 = arith.constant 1 : i32
        %get3A_1123 = arith.index_cast %get3A_1122 : i32 to index
        %get3A_1124 = arith.index_cast %scan3A_259 : i32 to index
        %get3A_1125 = arith.constant 512 : index
        %get3A_1126 = tpu.vector_load %arg10[%get3A_1123, %get3A_1124, %get3A_1125] {strides = array<i32>} : memref<2x16x768xf32, #tpu.memory_space<vmem>>, vector<1x1x16xf32>,
        %get3A_1127 = vector.shape_cast %get3A_1126 : vector<1x1x16xf32> to vector<16xf32>
        %get3A_1128 = arith.constant 1 : i32
        %get3A_1129 = arith.index_cast %get3A_1128 : i32 to index
        %get3A_1130 = arith.index_cast %scan3A_259 : i32 to index
        %get3A_1131 = arith.constant 512 : index
        %get3A_1132 = tpu.vector_load %arg11[%get3A_1129, %get3A_1130, %get3A_1131] {strides = array<i32>} : memref<2x16x768xf32, #tpu.memory_space<vmem>>, vector<1x1x16xf32>,
        %get3A_1133 = vector.shape_cast %get3A_1132 : vector<1x1x16xf32> to vector<16xf32>
        %add3A_1134 = arith.addf %get3A_1127, %get3A_1133 : vector<16xf32>
        %get3A_1135 = arith.constant 1 : i32
        %get3A_1136 = arith.index_cast %get3A_1135 : i32 to index
        %get3A_1137 = arith.index_cast %scan3A_259 : i32 to index
        %get3A_1138 = arith.constant 512 : index
        %get3A_1139 = tpu.vector_load %arg12[%get3A_1136, %get3A_1137, %get3A_1138] {strides = array<i32>} : memref<2x16x768xf32, #tpu.memory_space<vmem>>, vector<1x1x16xf32>,
        %get3A_1140 = vector.shape_cast %get3A_1139 : vector<1x1x16xf32> to vector<16xf32>
        %add3A_1141 = arith.addf %add3A_1134, %get3A_1140 : vector<16xf32>
        %swap3A_1142 = arith.constant 1 : i32
        %swap3A_1143 = arith.index_cast %swap3A_1142 : i32 to index
        %swap3A_1144 = arith.index_cast %scan3A_259 : i32 to index
        %swap3A_1145 = arith.constant 512 : index
        %swap3A_1146 = tpu.vector_load %arg13[%swap3A_1143, %swap3A_1144, %swap3A_1145] {strides = array<i32>} : memref<2x16x768xf32, #tpu.memory_space<vmem>>, vector<1x1x16xf32>,
        %swap3A_1147 = vector.shape_cast %swap3A_1146 : vector<1x1x16xf32> to vector<16xf32>
        %swap3A_1148 = vector.shape_cast %add3A_1141 : vector<16xf32> to vector<1x1x16xf32>
        tpu.vector_store %arg13[%swap3A_1143, %swap3A_1144, %swap3A_1145], %swap3A_1148 {strides = array<i32>} : memref<2x16x768xf32, #tpu.memory_space<vmem>>, vector<1x1x16xf32>,
        %get3A_1149 = arith.constant 1 : i32
        %get3A_1150 = arith.index_cast %get3A_1149 : i32 to index
        %get3A_1151 = arith.index_cast %scan3A_259 : i32 to index
        %get3A_1152 = arith.constant 528 : index
        %get3A_1153 = tpu.vector_load %arg10[%get3A_1150, %get3A_1151, %get3A_1152] {strides = array<i32>} : memref<2x16x768xf32, #tpu.memory_space<vmem>>, vector<1x1x16xf32>,
        %get3A_1154 = vector.shape_cast %get3A_1153 : vector<1x1x16xf32> to vector<16xf32>
        %get3A_1155 = arith.constant 1 : i32
        %get3A_1156 = arith.index_cast %get3A_1155 : i32 to index
        %get3A_1157 = arith.index_cast %scan3A_259 : i32 to index
        %get3A_1158 = arith.constant 528 : index
        %get3A_1159 = tpu.vector_load %arg11[%get3A_1156, %get3A_1157, %get3A_1158] {strides = array<i32>} : memref<2x16x768xf32, #tpu.memory_space<vmem>>, vector<1x1x16xf32>,
        %get3A_1160 = vector.shape_cast %get3A_1159 : vector<1x1x16xf32> to vector<16xf32>
        %add3A_1161 = arith.addf %get3A_1154, %get3A_1160 : vector<16xf32>
        %get3A_1162 = arith.constant 1 : i32
        %get3A_1163 = arith.index_cast %get3A_1162 : i32 to index
        %get3A_1164 = arith.index_cast %scan3A_259 : i32 to index
        %get3A_1165 = arith.constant 528 : index
        %get3A_1166 = tpu.vector_load %arg12[%get3A_1163, %get3A_1164, %get3A_1165] {strides = array<i32>} : memref<2x16x768xf32, #tpu.memory_space<vmem>>, vector<1x1x16xf32>,
        %get3A_1167 = vector.shape_cast %get3A_1166 : vector<1x1x16xf32> to vector<16xf32>
        %add3A_1168 = arith.addf %add3A_1161, %get3A_1167 : vector<16xf32>
        %swap3A_1169 = arith.constant 1 : i32
        %swap3A_1170 = arith.index_cast %swap3A_1169 : i32 to index
        %swap3A_1171 = arith.index_cast %scan3A_259 : i32 to index
        %swap3A_1172 = arith.constant 528 : index
        %swap3A_1173 = tpu.vector_load %arg13[%swap3A_1170, %swap3A_1171, %swap3A_1172] {strides = array<i32>} : memref<2x16x768xf32, #tpu.memory_space<vmem>>, vector<1x1x16xf32>,
        %swap3A_1174 = vector.shape_cast %swap3A_1173 : vector<1x1x16xf32> to vector<16xf32>
        %swap3A_1175 = vector.shape_cast %add3A_1168 : vector<16xf32> to vector<1x1x16xf32>
        tpu.vector_store %arg13[%swap3A_1170, %swap3A_1171, %swap3A_1172], %swap3A_1175 {strides = array<i32>} : memref<2x16x768xf32, #tpu.memory_space<vmem>>, vector<1x1x16xf32>,
        %get3A_1176 = arith.constant 1 : i32
        %get3A_1177 = arith.index_cast %get3A_1176 : i32 to index
        %get3A_1178 = arith.index_cast %scan3A_259 : i32 to index
        %get3A_1179 = arith.constant 544 : index
        %get3A_1180 = tpu.vector_load %arg10[%get3A_1177, %get3A_1178, %get3A_1179] {strides = array<i32>} : memref<2x16x768xf32, #tpu.memory_space<vmem>>, vector<1x1x16xf32>,
        %get3A_1181 = vector.shape_cast %get3A_1180 : vector<1x1x16xf32> to vector<16xf32>
        %get3A_1182 = arith.constant 1 : i32
        %get3A_1183 = arith.index_cast %get3A_1182 : i32 to index
        %get3A_1184 = arith.index_cast %scan3A_259 : i32 to index
        %get3A_1185 = arith.constant 544 : index
        %get3A_1186 = tpu.vector_load %arg11[%get3A_1183, %get3A_1184, %get3A_1185] {strides = array<i32>} : memref<2x16x768xf32, #tpu.memory_space<vmem>>, vector<1x1x16xf32>,
        %get3A_1187 = vector.shape_cast %get3A_1186 : vector<1x1x16xf32> to vector<16xf32>
        %add3A_1188 = arith.addf %get3A_1181, %get3A_1187 : vector<16xf32>
        %get3A_1189 = arith.constant 1 : i32
        %get3A_1190 = arith.index_cast %get3A_1189 : i32 to index
        %get3A_1191 = arith.index_cast %scan3A_259 : i32 to index
        %get3A_1192 = arith.constant 544 : index
        %get3A_1193 = tpu.vector_load %arg12[%get3A_1190, %get3A_1191, %get3A_1192] {strides = array<i32>} : memref<2x16x768xf32, #tpu.memory_space<vmem>>, vector<1x1x16xf32>,
        %get3A_1194 = vector.shape_cast %get3A_1193 : vector<1x1x16xf32> to vector<16xf32>
        %add3A_1195 = arith.addf %add3A_1188, %get3A_1194 : vector<16xf32>
        %swap3A_1196 = arith.constant 1 : i32
        %swap3A_1197 = arith.index_cast %swap3A_1196 : i32 to index
        %swap3A_1198 = arith.index_cast %scan3A_259 : i32 to index
        %swap3A_1199 = arith.constant 544 : index
        %swap3A_1200 = tpu.vector_load %arg13[%swap3A_1197, %swap3A_1198, %swap3A_1199] {strides = array<i32>} : memref<2x16x768xf32, #tpu.memory_space<vmem>>, vector<1x1x16xf32>,
        %swap3A_1201 = vector.shape_cast %swap3A_1200 : vector<1x1x16xf32> to vector<16xf32>
        %swap3A_1202 = vector.shape_cast %add3A_1195 : vector<16xf32> to vector<1x1x16xf32>
        tpu.vector_store %arg13[%swap3A_1197, %swap3A_1198, %swap3A_1199], %swap3A_1202 {strides = array<i32>} : memref<2x16x768xf32, #tpu.memory_space<vmem>>, vector<1x1x16xf32>,
        %get3A_1203 = arith.constant 1 : i32
        %get3A_1204 = arith.index_cast %get3A_1203 : i32 to index
        %get3A_1205 = arith.index_cast %scan3A_259 : i32 to index
        %get3A_1206 = arith.constant 560 : index
        %get3A_1207 = tpu.vector_load %arg10[%get3A_1204, %get3A_1205, %get3A_1206] {strides = array<i32>} : memref<2x16x768xf32, #tpu.memory_space<vmem>>, vector<1x1x16xf32>,
        %get3A_1208 = vector.shape_cast %get3A_1207 : vector<1x1x16xf32> to vector<16xf32>
        %get3A_1209 = arith.constant 1 : i32
        %get3A_1210 = arith.index_cast %get3A_1209 : i32 to index
        %get3A_1211 = arith.index_cast %scan3A_259 : i32 to index
        %get3A_1212 = arith.constant 560 : index
        %get3A_1213 = tpu.vector_load %arg11[%get3A_1210, %get3A_1211, %get3A_1212] {strides = array<i32>} : memref<2x16x768xf32, #tpu.memory_space<vmem>>, vector<1x1x16xf32>,
        %get3A_1214 = vector.shape_cast %get3A_1213 : vector<1x1x16xf32> to vector<16xf32>
        %add3A_1215 = arith.addf %get3A_1208, %get3A_1214 : vector<16xf32>
        %get3A_1216 = arith.constant 1 : i32
        %get3A_1217 = arith.index_cast %get3A_1216 : i32 to index
        %get3A_1218 = arith.index_cast %scan3A_259 : i32 to index
        %get3A_1219 = arith.constant 560 : index
        %get3A_1220 = tpu.vector_load %arg12[%get3A_1217, %get3A_1218, %get3A_1219] {strides = array<i32>} : memref<2x16x768xf32, #tpu.memory_space<vmem>>, vector<1x1x16xf32>,
        %get3A_1221 = vector.shape_cast %get3A_1220 : vector<1x1x16xf32> to vector<16xf32>
        %add3A_1222 = arith.addf %add3A_1215, %get3A_1221 : vector<16xf32>
        %swap3A_1223 = arith.constant 1 : i32
        %swap3A_1224 = arith.index_cast %swap3A_1223 : i32 to index
        %swap3A_1225 = arith.index_cast %scan3A_259 : i32 to index
        %swap3A_1226 = arith.constant 560 : index
        %swap3A_1227 = tpu.vector_load %arg13[%swap3A_1224, %swap3A_1225, %swap3A_1226] {strides = array<i32>} : memref<2x16x768xf32, #tpu.memory_space<vmem>>, vector<1x1x16xf32>,
        %swap3A_1228 = vector.shape_cast %swap3A_1227 : vector<1x1x16xf32> to vector<16xf32>
        %swap3A_1229 = vector.shape_cast %add3A_1222 : vector<16xf32> to vector<1x1x16xf32>
        tpu.vector_store %arg13[%swap3A_1224, %swap3A_1225, %swap3A_1226], %swap3A_1229 {strides = array<i32>} : memref<2x16x768xf32, #tpu.memory_space<vmem>>, vector<1x1x16xf32>,
        %get3A_1230 = arith.constant 1 : i32
        %get3A_1231 = arith.index_cast %get3A_1230 : i32 to index
        %get3A_1232 = arith.index_cast %scan3A_259 : i32 to index
        %get3A_1233 = arith.constant 576 : index
        %get3A_1234 = tpu.vector_load %arg10[%get3A_1231, %get3A_1232, %get3A_1233] {strides = array<i32>} : memref<2x16x768xf32, #tpu.memory_space<vmem>>, vector<1x1x16xf32>,
        %get3A_1235 = vector.shape_cast %get3A_1234 : vector<1x1x16xf32> to vector<16xf32>
        %get3A_1236 = arith.constant 1 : i32
        %get3A_1237 = arith.index_cast %get3A_1236 : i32 to index
        %get3A_1238 = arith.index_cast %scan3A_259 : i32 to index
        %get3A_1239 = arith.constant 576 : index
        %get3A_1240 = tpu.vector_load %arg11[%get3A_1237, %get3A_1238, %get3A_1239] {strides = array<i32>} : memref<2x16x768xf32, #tpu.memory_space<vmem>>, vector<1x1x16xf32>,
        %get3A_1241 = vector.shape_cast %get3A_1240 : vector<1x1x16xf32> to vector<16xf32>
        %add3A_1242 = arith.addf %get3A_1235, %get3A_1241 : vector<16xf32>
        %get3A_1243 = arith.constant 1 : i32
        %get3A_1244 = arith.index_cast %get3A_1243 : i32 to index
        %get3A_1245 = arith.index_cast %scan3A_259 : i32 to index
        %get3A_1246 = arith.constant 576 : index
        %get3A_1247 = tpu.vector_load %arg12[%get3A_1244, %get3A_1245, %get3A_1246] {strides = array<i32>} : memref<2x16x768xf32, #tpu.memory_space<vmem>>, vector<1x1x16xf32>,
        %get3A_1248 = vector.shape_cast %get3A_1247 : vector<1x1x16xf32> to vector<16xf32>
        %add3A_1249 = arith.addf %add3A_1242, %get3A_1248 : vector<16xf32>
        %swap3A_1250 = arith.constant 1 : i32
        %swap3A_1251 = arith.index_cast %swap3A_1250 : i32 to index
        %swap3A_1252 = arith.index_cast %scan3A_259 : i32 to index
        %swap3A_1253 = arith.constant 576 : index
        %swap3A_1254 = tpu.vector_load %arg13[%swap3A_1251, %swap3A_1252, %swap3A_1253] {strides = array<i32>} : memref<2x16x768xf32, #tpu.memory_space<vmem>>, vector<1x1x16xf32>,
        %swap3A_1255 = vector.shape_cast %swap3A_1254 : vector<1x1x16xf32> to vector<16xf32>
        %swap3A_1256 = vector.shape_cast %add3A_1249 : vector<16xf32> to vector<1x1x16xf32>
        tpu.vector_store %arg13[%swap3A_1251, %swap3A_1252, %swap3A_1253], %swap3A_1256 {strides = array<i32>} : memref<2x16x768xf32, #tpu.memory_space<vmem>>, vector<1x1x16xf32>,
        %get3A_1257 = arith.constant 1 : i32
        %get3A_1258 = arith.index_cast %get3A_1257 : i32 to index
        %get3A_1259 = arith.index_cast %scan3A_259 : i32 to index
        %get3A_1260 = arith.constant 592 : index
        %get3A_1261 = tpu.vector_load %arg10[%get3A_1258, %get3A_1259, %get3A_1260] {strides = array<i32>} : memref<2x16x768xf32, #tpu.memory_space<vmem>>, vector<1x1x16xf32>,
        %get3A_1262 = vector.shape_cast %get3A_1261 : vector<1x1x16xf32> to vector<16xf32>
        %get3A_1263 = arith.constant 1 : i32
        %get3A_1264 = arith.index_cast %get3A_1263 : i32 to index
        %get3A_1265 = arith.index_cast %scan3A_259 : i32 to index
        %get3A_1266 = arith.constant 592 : index
        %get3A_1267 = tpu.vector_load %arg11[%get3A_1264, %get3A_1265, %get3A_1266] {strides = array<i32>} : memref<2x16x768xf32, #tpu.memory_space<vmem>>, vector<1x1x16xf32>,
        %get3A_1268 = vector.shape_cast %get3A_1267 : vector<1x1x16xf32> to vector<16xf32>
        %add3A_1269 = arith.addf %get3A_1262, %get3A_1268 : vector<16xf32>
        %get3A_1270 = arith.constant 1 : i32
        %get3A_1271 = arith.index_cast %get3A_1270 : i32 to index
        %get3A_1272 = arith.index_cast %scan3A_259 : i32 to index
        %get3A_1273 = arith.constant 592 : index
        %get3A_1274 = tpu.vector_load %arg12[%get3A_1271, %get3A_1272, %get3A_1273] {strides = array<i32>} : memref<2x16x768xf32, #tpu.memory_space<vmem>>, vector<1x1x16xf32>,
        %get3A_1275 = vector.shape_cast %get3A_1274 : vector<1x1x16xf32> to vector<16xf32>
        %add3A_1276 = arith.addf %add3A_1269, %get3A_1275 : vector<16xf32>
        %swap3A_1277 = arith.constant 1 : i32
        %swap3A_1278 = arith.index_cast %swap3A_1277 : i32 to index
        %swap3A_1279 = arith.index_cast %scan3A_259 : i32 to index
        %swap3A_1280 = arith.constant 592 : index
        %swap3A_1281 = tpu.vector_load %arg13[%swap3A_1278, %swap3A_1279, %swap3A_1280] {strides = array<i32>} : memref<2x16x768xf32, #tpu.memory_space<vmem>>, vector<1x1x16xf32>,
        %swap3A_1282 = vector.shape_cast %swap3A_1281 : vector<1x1x16xf32> to vector<16xf32>
        %swap3A_1283 = vector.shape_cast %add3A_1276 : vector<16xf32> to vector<1x1x16xf32>
        tpu.vector_store %arg13[%swap3A_1278, %swap3A_1279, %swap3A_1280], %swap3A_1283 {strides = array<i32>} : memref<2x16x768xf32, #tpu.memory_space<vmem>>, vector<1x1x16xf32>,
        %get3A_1284 = arith.constant 1 : i32
        %get3A_1285 = arith.index_cast %get3A_1284 : i32 to index
        %get3A_1286 = arith.index_cast %scan3A_259 : i32 to index
        %get3A_1287 = arith.constant 608 : index
        %get3A_1288 = tpu.vector_load %arg10[%get3A_1285, %get3A_1286, %get3A_1287] {strides = array<i32>} : memref<2x16x768xf32, #tpu.memory_space<vmem>>, vector<1x1x16xf32>,
        %get3A_1289 = vector.shape_cast %get3A_1288 : vector<1x1x16xf32> to vector<16xf32>
        %get3A_1290 = arith.constant 1 : i32
        %get3A_1291 = arith.index_cast %get3A_1290 : i32 to index
        %get3A_1292 = arith.index_cast %scan3A_259 : i32 to index
        %get3A_1293 = arith.constant 608 : index
        %get3A_1294 = tpu.vector_load %arg11[%get3A_1291, %get3A_1292, %get3A_1293] {strides = array<i32>} : memref<2x16x768xf32, #tpu.memory_space<vmem>>, vector<1x1x16xf32>,
        %get3A_1295 = vector.shape_cast %get3A_1294 : vector<1x1x16xf32> to vector<16xf32>
        %add3A_1296 = arith.addf %get3A_1289, %get3A_1295 : vector<16xf32>
        %get3A_1297 = arith.constant 1 : i32
        %get3A_1298 = arith.index_cast %get3A_1297 : i32 to index
        %get3A_1299 = arith.index_cast %scan3A_259 : i32 to index
        %get3A_1300 = arith.constant 608 : index
        %get3A_1301 = tpu.vector_load %arg12[%get3A_1298, %get3A_1299, %get3A_1300] {strides = array<i32>} : memref<2x16x768xf32, #tpu.memory_space<vmem>>, vector<1x1x16xf32>,
        %get3A_1302 = vector.shape_cast %get3A_1301 : vector<1x1x16xf32> to vector<16xf32>
        %add3A_1303 = arith.addf %add3A_1296, %get3A_1302 : vector<16xf32>
        %swap3A_1304 = arith.constant 1 : i32
        %swap3A_1305 = arith.index_cast %swap3A_1304 : i32 to index
        %swap3A_1306 = arith.index_cast %scan3A_259 : i32 to index
        %swap3A_1307 = arith.constant 608 : index
        %swap3A_1308 = tpu.vector_load %arg13[%swap3A_1305, %swap3A_1306, %swap3A_1307] {strides = array<i32>} : memref<2x16x768xf32, #tpu.memory_space<vmem>>, vector<1x1x16xf32>,
        %swap3A_1309 = vector.shape_cast %swap3A_1308 : vector<1x1x16xf32> to vector<16xf32>
        %swap3A_1310 = vector.shape_cast %add3A_1303 : vector<16xf32> to vector<1x1x16xf32>
        tpu.vector_store %arg13[%swap3A_1305, %swap3A_1306, %swap3A_1307], %swap3A_1310 {strides = array<i32>} : memref<2x16x768xf32, #tpu.memory_space<vmem>>, vector<1x1x16xf32>,
        %get3A_1311 = arith.constant 1 : i32
        %get3A_1312 = arith.index_cast %get3A_1311 : i32 to index
        %get3A_1313 = arith.index_cast %scan3A_259 : i32 to index
        %get3A_1314 = arith.constant 624 : index
        %get3A_1315 = tpu.vector_load %arg10[%get3A_1312, %get3A_1313, %get3A_1314] {strides = array<i32>} : memref<2x16x768xf32, #tpu.memory_space<vmem>>, vector<1x1x16xf32>,
        %get3A_1316 = vector.shape_cast %get3A_1315 : vector<1x1x16xf32> to vector<16xf32>
        %get3A_1317 = arith.constant 1 : i32
        %get3A_1318 = arith.index_cast %get3A_1317 : i32 to index
        %get3A_1319 = arith.index_cast %scan3A_259 : i32 to index
        %get3A_1320 = arith.constant 624 : index
        %get3A_1321 = tpu.vector_load %arg11[%get3A_1318, %get3A_1319, %get3A_1320] {strides = array<i32>} : memref<2x16x768xf32, #tpu.memory_space<vmem>>, vector<1x1x16xf32>,
        %get3A_1322 = vector.shape_cast %get3A_1321 : vector<1x1x16xf32> to vector<16xf32>
        %add3A_1323 = arith.addf %get3A_1316, %get3A_1322 : vector<16xf32>
        %get3A_1324 = arith.constant 1 : i32
        %get3A_1325 = arith.index_cast %get3A_1324 : i32 to index
        %get3A_1326 = arith.index_cast %scan3A_259 : i32 to index
        %get3A_1327 = arith.constant 624 : index
        %get3A_1328 = tpu.vector_load %arg12[%get3A_1325, %get3A_1326, %get3A_1327] {strides = array<i32>} : memref<2x16x768xf32, #tpu.memory_space<vmem>>, vector<1x1x16xf32>,
        %get3A_1329 = vector.shape_cast %get3A_1328 : vector<1x1x16xf32> to vector<16xf32>
        %add3A_1330 = arith.addf %add3A_1323, %get3A_1329 : vector<16xf32>
        %swap3A_1331 = arith.constant 1 : i32
        %swap3A_1332 = arith.index_cast %swap3A_1331 : i32 to index
        %swap3A_1333 = arith.index_cast %scan3A_259 : i32 to index
        %swap3A_1334 = arith.constant 624 : index
        %swap3A_1335 = tpu.vector_load %arg13[%swap3A_1332, %swap3A_1333, %swap3A_1334] {strides = array<i32>} : memref<2x16x768xf32, #tpu.memory_space<vmem>>, vector<1x1x16xf32>,
        %swap3A_1336 = vector.shape_cast %swap3A_1335 : vector<1x1x16xf32> to vector<16xf32>
        %swap3A_1337 = vector.shape_cast %add3A_1330 : vector<16xf32> to vector<1x1x16xf32>
        tpu.vector_store %arg13[%swap3A_1332, %swap3A_1333, %swap3A_1334], %swap3A_1337 {strides = array<i32>} : memref<2x16x768xf32, #tpu.memory_space<vmem>>, vector<1x1x16xf32>,
        %get3A_1338 = arith.constant 1 : i32
        %get3A_1339 = arith.index_cast %get3A_1338 : i32 to index
        %get3A_1340 = arith.index_cast %scan3A_259 : i32 to index
        %get3A_1341 = arith.constant 640 : index
        %get3A_1342 = tpu.vector_load %arg10[%get3A_1339, %get3A_1340, %get3A_1341] {strides = array<i32>} : memref<2x16x768xf32, #tpu.memory_space<vmem>>, vector<1x1x16xf32>,
        %get3A_1343 = vector.shape_cast %get3A_1342 : vector<1x1x16xf32> to vector<16xf32>
        %get3A_1344 = arith.constant 1 : i32
        %get3A_1345 = arith.index_cast %get3A_1344 : i32 to index
        %get3A_1346 = arith.index_cast %scan3A_259 : i32 to index
        %get3A_1347 = arith.constant 640 : index
        %get3A_1348 = tpu.vector_load %arg11[%get3A_1345, %get3A_1346, %get3A_1347] {strides = array<i32>} : memref<2x16x768xf32, #tpu.memory_space<vmem>>, vector<1x1x16xf32>,
        %get3A_1349 = vector.shape_cast %get3A_1348 : vector<1x1x16xf32> to vector<16xf32>
        %add3A_1350 = arith.addf %get3A_1343, %get3A_1349 : vector<16xf32>
        %get3A_1351 = arith.constant 1 : i32
        %get3A_1352 = arith.index_cast %get3A_1351 : i32 to index
        %get3A_1353 = arith.index_cast %scan3A_259 : i32 to index
        %get3A_1354 = arith.constant 640 : index
        %get3A_1355 = tpu.vector_load %arg12[%get3A_1352, %get3A_1353, %get3A_1354] {strides = array<i32>} : memref<2x16x768xf32, #tpu.memory_space<vmem>>, vector<1x1x16xf32>,
        %get3A_1356 = vector.shape_cast %get3A_1355 : vector<1x1x16xf32> to vector<16xf32>
        %add3A_1357 = arith.addf %add3A_1350, %get3A_1356 : vector<16xf32>
        %swap3A_1358 = arith.constant 1 : i32
        %swap3A_1359 = arith.index_cast %swap3A_1358 : i32 to index
        %swap3A_1360 = arith.index_cast %scan3A_259 : i32 to index
        %swap3A_1361 = arith.constant 640 : index
        %swap3A_1362 = tpu.vector_load %arg13[%swap3A_1359, %swap3A_1360, %swap3A_1361] {strides = array<i32>} : memref<2x16x768xf32, #tpu.memory_space<vmem>>, vector<1x1x16xf32>,
        %swap3A_1363 = vector.shape_cast %swap3A_1362 : vector<1x1x16xf32> to vector<16xf32>
        %swap3A_1364 = vector.shape_cast %add3A_1357 : vector<16xf32> to vector<1x1x16xf32>
        tpu.vector_store %arg13[%swap3A_1359, %swap3A_1360, %swap3A_1361], %swap3A_1364 {strides = array<i32>} : memref<2x16x768xf32, #tpu.memory_space<vmem>>, vector<1x1x16xf32>,
        %get3A_1365 = arith.constant 1 : i32
        %get3A_1366 = arith.index_cast %get3A_1365 : i32 to index
        %get3A_1367 = arith.index_cast %scan3A_259 : i32 to index
        %get3A_1368 = arith.constant 656 : index
        %get3A_1369 = tpu.vector_load %arg10[%get3A_1366, %get3A_1367, %get3A_1368] {strides = array<i32>} : memref<2x16x768xf32, #tpu.memory_space<vmem>>, vector<1x1x16xf32>,
        %get3A_1370 = vector.shape_cast %get3A_1369 : vector<1x1x16xf32> to vector<16xf32>
        %get3A_1371 = arith.constant 1 : i32
        %get3A_1372 = arith.index_cast %get3A_1371 : i32 to index
        %get3A_1373 = arith.index_cast %scan3A_259 : i32 to index
        %get3A_1374 = arith.constant 656 : index
        %get3A_1375 = tpu.vector_load %arg11[%get3A_1372, %get3A_1373, %get3A_1374] {strides = array<i32>} : memref<2x16x768xf32, #tpu.memory_space<vmem>>, vector<1x1x16xf32>,
        %get3A_1376 = vector.shape_cast %get3A_1375 : vector<1x1x16xf32> to vector<16xf32>
        %add3A_1377 = arith.addf %get3A_1370, %get3A_1376 : vector<16xf32>
        %get3A_1378 = arith.constant 1 : i32
        %get3A_1379 = arith.index_cast %get3A_1378 : i32 to index
        %get3A_1380 = arith.index_cast %scan3A_259 : i32 to index
        %get3A_1381 = arith.constant 656 : index
        %get3A_1382 = tpu.vector_load %arg12[%get3A_1379, %get3A_1380, %get3A_1381] {strides = array<i32>} : memref<2x16x768xf32, #tpu.memory_space<vmem>>, vector<1x1x16xf32>,
        %get3A_1383 = vector.shape_cast %get3A_1382 : vector<1x1x16xf32> to vector<16xf32>
        %add3A_1384 = arith.addf %add3A_1377, %get3A_1383 : vector<16xf32>
        %swap3A_1385 = arith.constant 1 : i32
        %swap3A_1386 = arith.index_cast %swap3A_1385 : i32 to index
        %swap3A_1387 = arith.index_cast %scan3A_259 : i32 to index
        %swap3A_1388 = arith.constant 656 : index
        %swap3A_1389 = tpu.vector_load %arg13[%swap3A_1386, %swap3A_1387, %swap3A_1388] {strides = array<i32>} : memref<2x16x768xf32, #tpu.memory_space<vmem>>, vector<1x1x16xf32>,
        %swap3A_1390 = vector.shape_cast %swap3A_1389 : vector<1x1x16xf32> to vector<16xf32>
        %swap3A_1391 = vector.shape_cast %add3A_1384 : vector<16xf32> to vector<1x1x16xf32>
        tpu.vector_store %arg13[%swap3A_1386, %swap3A_1387, %swap3A_1388], %swap3A_1391 {strides = array<i32>} : memref<2x16x768xf32, #tpu.memory_space<vmem>>, vector<1x1x16xf32>,
        %get3A_1392 = arith.constant 1 : i32
        %get3A_1393 = arith.index_cast %get3A_1392 : i32 to index
        %get3A_1394 = arith.index_cast %scan3A_259 : i32 to index
        %get3A_1395 = arith.constant 672 : index
        %get3A_1396 = tpu.vector_load %arg10[%get3A_1393, %get3A_1394, %get3A_1395] {strides = array<i32>} : memref<2x16x768xf32, #tpu.memory_space<vmem>>, vector<1x1x16xf32>,
        %get3A_1397 = vector.shape_cast %get3A_1396 : vector<1x1x16xf32> to vector<16xf32>
        %get3A_1398 = arith.constant 1 : i32
        %get3A_1399 = arith.index_cast %get3A_1398 : i32 to index
        %get3A_1400 = arith.index_cast %scan3A_259 : i32 to index
        %get3A_1401 = arith.constant 672 : index
        %get3A_1402 = tpu.vector_load %arg11[%get3A_1399, %get3A_1400, %get3A_1401] {strides = array<i32>} : memref<2x16x768xf32, #tpu.memory_space<vmem>>, vector<1x1x16xf32>,
        %get3A_1403 = vector.shape_cast %get3A_1402 : vector<1x1x16xf32> to vector<16xf32>
        %add3A_1404 = arith.addf %get3A_1397, %get3A_1403 : vector<16xf32>
        %get3A_1405 = arith.constant 1 : i32
        %get3A_1406 = arith.index_cast %get3A_1405 : i32 to index
        %get3A_1407 = arith.index_cast %scan3A_259 : i32 to index
        %get3A_1408 = arith.constant 672 : index
        %get3A_1409 = tpu.vector_load %arg12[%get3A_1406, %get3A_1407, %get3A_1408] {strides = array<i32>} : memref<2x16x768xf32, #tpu.memory_space<vmem>>, vector<1x1x16xf32>,
        %get3A_1410 = vector.shape_cast %get3A_1409 : vector<1x1x16xf32> to vector<16xf32>
        %add3A_1411 = arith.addf %add3A_1404, %get3A_1410 : vector<16xf32>
        %swap3A_1412 = arith.constant 1 : i32
        %swap3A_1413 = arith.index_cast %swap3A_1412 : i32 to index
        %swap3A_1414 = arith.index_cast %scan3A_259 : i32 to index
        %swap3A_1415 = arith.constant 672 : index
        %swap3A_1416 = tpu.vector_load %arg13[%swap3A_1413, %swap3A_1414, %swap3A_1415] {strides = array<i32>} : memref<2x16x768xf32, #tpu.memory_space<vmem>>, vector<1x1x16xf32>,
        %swap3A_1417 = vector.shape_cast %swap3A_1416 : vector<1x1x16xf32> to vector<16xf32>
        %swap3A_1418 = vector.shape_cast %add3A_1411 : vector<16xf32> to vector<1x1x16xf32>
        tpu.vector_store %arg13[%swap3A_1413, %swap3A_1414, %swap3A_1415], %swap3A_1418 {strides = array<i32>} : memref<2x16x768xf32, #tpu.memory_space<vmem>>, vector<1x1x16xf32>,
        %get3A_1419 = arith.constant 1 : i32
        %get3A_1420 = arith.index_cast %get3A_1419 : i32 to index
        %get3A_1421 = arith.index_cast %scan3A_259 : i32 to index
        %get3A_1422 = arith.constant 688 : index
        %get3A_1423 = tpu.vector_load %arg10[%get3A_1420, %get3A_1421, %get3A_1422] {strides = array<i32>} : memref<2x16x768xf32, #tpu.memory_space<vmem>>, vector<1x1x16xf32>,
        %get3A_1424 = vector.shape_cast %get3A_1423 : vector<1x1x16xf32> to vector<16xf32>
        %get3A_1425 = arith.constant 1 : i32
        %get3A_1426 = arith.index_cast %get3A_1425 : i32 to index
        %get3A_1427 = arith.index_cast %scan3A_259 : i32 to index
        %get3A_1428 = arith.constant 688 : index
        %get3A_1429 = tpu.vector_load %arg11[%get3A_1426, %get3A_1427, %get3A_1428] {strides = array<i32>} : memref<2x16x768xf32, #tpu.memory_space<vmem>>, vector<1x1x16xf32>,
        %get3A_1430 = vector.shape_cast %get3A_1429 : vector<1x1x16xf32> to vector<16xf32>
        %add3A_1431 = arith.addf %get3A_1424, %get3A_1430 : vector<16xf32>
        %get3A_1432 = arith.constant 1 : i32
        %get3A_1433 = arith.index_cast %get3A_1432 : i32 to index
        %get3A_1434 = arith.index_cast %scan3A_259 : i32 to index
        %get3A_1435 = arith.constant 688 : index
        %get3A_1436 = tpu.vector_load %arg12[%get3A_1433, %get3A_1434, %get3A_1435] {strides = array<i32>} : memref<2x16x768xf32, #tpu.memory_space<vmem>>, vector<1x1x16xf32>,
        %get3A_1437 = vector.shape_cast %get3A_1436 : vector<1x1x16xf32> to vector<16xf32>
        %add3A_1438 = arith.addf %add3A_1431, %get3A_1437 : vector<16xf32>
        %swap3A_1439 = arith.constant 1 : i32
        %swap3A_1440 = arith.index_cast %swap3A_1439 : i32 to index
        %swap3A_1441 = arith.index_cast %scan3A_259 : i32 to index
        %swap3A_1442 = arith.constant 688 : index
        %swap3A_1443 = tpu.vector_load %arg13[%swap3A_1440, %swap3A_1441, %swap3A_1442] {strides = array<i32>} : memref<2x16x768xf32, #tpu.memory_space<vmem>>, vector<1x1x16xf32>,
        %swap3A_1444 = vector.shape_cast %swap3A_1443 : vector<1x1x16xf32> to vector<16xf32>
        %swap3A_1445 = vector.shape_cast %add3A_1438 : vector<16xf32> to vector<1x1x16xf32>
        tpu.vector_store %arg13[%swap3A_1440, %swap3A_1441, %swap3A_1442], %swap3A_1445 {strides = array<i32>} : memref<2x16x768xf32, #tpu.memory_space<vmem>>, vector<1x1x16xf32>,
        %get3A_1446 = arith.constant 1 : i32
        %get3A_1447 = arith.index_cast %get3A_1446 : i32 to index
        %get3A_1448 = arith.index_cast %scan3A_259 : i32 to index
        %get3A_1449 = arith.constant 704 : index
        %get3A_1450 = tpu.vector_load %arg10[%get3A_1447, %get3A_1448, %get3A_1449] {strides = array<i32>} : memref<2x16x768xf32, #tpu.memory_space<vmem>>, vector<1x1x16xf32>,
        %get3A_1451 = vector.shape_cast %get3A_1450 : vector<1x1x16xf32> to vector<16xf32>
        %get3A_1452 = arith.constant 1 : i32
        %get3A_1453 = arith.index_cast %get3A_1452 : i32 to index
        %get3A_1454 = arith.index_cast %scan3A_259 : i32 to index
        %get3A_1455 = arith.constant 704 : index
        %get3A_1456 = tpu.vector_load %arg11[%get3A_1453, %get3A_1454, %get3A_1455] {strides = array<i32>} : memref<2x16x768xf32, #tpu.memory_space<vmem>>, vector<1x1x16xf32>,
        %get3A_1457 = vector.shape_cast %get3A_1456 : vector<1x1x16xf32> to vector<16xf32>
        %add3A_1458 = arith.addf %get3A_1451, %get3A_1457 : vector<16xf32>
        %get3A_1459 = arith.constant 1 : i32
        %get3A_1460 = arith.index_cast %get3A_1459 : i32 to index
        %get3A_1461 = arith.index_cast %scan3A_259 : i32 to index
        %get3A_1462 = arith.constant 704 : index
        %get3A_1463 = tpu.vector_load %arg12[%get3A_1460, %get3A_1461, %get3A_1462] {strides = array<i32>} : memref<2x16x768xf32, #tpu.memory_space<vmem>>, vector<1x1x16xf32>,
        %get3A_1464 = vector.shape_cast %get3A_1463 : vector<1x1x16xf32> to vector<16xf32>
        %add3A_1465 = arith.addf %add3A_1458, %get3A_1464 : vector<16xf32>
        %swap3A_1466 = arith.constant 1 : i32
        %swap3A_1467 = arith.index_cast %swap3A_1466 : i32 to index
        %swap3A_1468 = arith.index_cast %scan3A_259 : i32 to index
        %swap3A_1469 = arith.constant 704 : index
        %swap3A_1470 = tpu.vector_load %arg13[%swap3A_1467, %swap3A_1468, %swap3A_1469] {strides = array<i32>} : memref<2x16x768xf32, #tpu.memory_space<vmem>>, vector<1x1x16xf32>,
        %swap3A_1471 = vector.shape_cast %swap3A_1470 : vector<1x1x16xf32> to vector<16xf32>
        %swap3A_1472 = vector.shape_cast %add3A_1465 : vector<16xf32> to vector<1x1x16xf32>
        tpu.vector_store %arg13[%swap3A_1467, %swap3A_1468, %swap3A_1469], %swap3A_1472 {strides = array<i32>} : memref<2x16x768xf32, #tpu.memory_space<vmem>>, vector<1x1x16xf32>,
        %get3A_1473 = arith.constant 1 : i32
        %get3A_1474 = arith.index_cast %get3A_1473 : i32 to index
        %get3A_1475 = arith.index_cast %scan3A_259 : i32 to index
        %get3A_1476 = arith.constant 720 : index
        %get3A_1477 = tpu.vector_load %arg10[%get3A_1474, %get3A_1475, %get3A_1476] {strides = array<i32>} : memref<2x16x768xf32, #tpu.memory_space<vmem>>, vector<1x1x16xf32>,
        %get3A_1478 = vector.shape_cast %get3A_1477 : vector<1x1x16xf32> to vector<16xf32>
        %get3A_1479 = arith.constant 1 : i32
        %get3A_1480 = arith.index_cast %get3A_1479 : i32 to index
        %get3A_1481 = arith.index_cast %scan3A_259 : i32 to index
        %get3A_1482 = arith.constant 720 : index
        %get3A_1483 = tpu.vector_load %arg11[%get3A_1480, %get3A_1481, %get3A_1482] {strides = array<i32>} : memref<2x16x768xf32, #tpu.memory_space<vmem>>, vector<1x1x16xf32>,
        %get3A_1484 = vector.shape_cast %get3A_1483 : vector<1x1x16xf32> to vector<16xf32>
        %add3A_1485 = arith.addf %get3A_1478, %get3A_1484 : vector<16xf32>
        %get3A_1486 = arith.constant 1 : i32
        %get3A_1487 = arith.index_cast %get3A_1486 : i32 to index
        %get3A_1488 = arith.index_cast %scan3A_259 : i32 to index
        %get3A_1489 = arith.constant 720 : index
        %get3A_1490 = tpu.vector_load %arg12[%get3A_1487, %get3A_1488, %get3A_1489] {strides = array<i32>} : memref<2x16x768xf32, #tpu.memory_space<vmem>>, vector<1x1x16xf32>,
        %get3A_1491 = vector.shape_cast %get3A_1490 : vector<1x1x16xf32> to vector<16xf32>
        %add3A_1492 = arith.addf %add3A_1485, %get3A_1491 : vector<16xf32>
        %swap3A_1493 = arith.constant 1 : i32
        %swap3A_1494 = arith.index_cast %swap3A_1493 : i32 to index
        %swap3A_1495 = arith.index_cast %scan3A_259 : i32 to index
        %swap3A_1496 = arith.constant 720 : index
        %swap3A_1497 = tpu.vector_load %arg13[%swap3A_1494, %swap3A_1495, %swap3A_1496] {strides = array<i32>} : memref<2x16x768xf32, #tpu.memory_space<vmem>>, vector<1x1x16xf32>,
        %swap3A_1498 = vector.shape_cast %swap3A_1497 : vector<1x1x16xf32> to vector<16xf32>
        %swap3A_1499 = vector.shape_cast %add3A_1492 : vector<16xf32> to vector<1x1x16xf32>
        tpu.vector_store %arg13[%swap3A_1494, %swap3A_1495, %swap3A_1496], %swap3A_1499 {strides = array<i32>} : memref<2x16x768xf32, #tpu.memory_space<vmem>>, vector<1x1x16xf32>,
        %get3A_1500 = arith.constant 1 : i32
        %get3A_1501 = arith.index_cast %get3A_1500 : i32 to index
        %get3A_1502 = arith.index_cast %scan3A_259 : i32 to index
        %get3A_1503 = arith.constant 736 : index
        %get3A_1504 = tpu.vector_load %arg10[%get3A_1501, %get3A_1502, %get3A_1503] {strides = array<i32>} : memref<2x16x768xf32, #tpu.memory_space<vmem>>, vector<1x1x16xf32>,
        %get3A_1505 = vector.shape_cast %get3A_1504 : vector<1x1x16xf32> to vector<16xf32>
        %get3A_1506 = arith.constant 1 : i32
        %get3A_1507 = arith.index_cast %get3A_1506 : i32 to index
        %get3A_1508 = arith.index_cast %scan3A_259 : i32 to index
        %get3A_1509 = arith.constant 736 : index
        %get3A_1510 = tpu.vector_load %arg11[%get3A_1507, %get3A_1508, %get3A_1509] {strides = array<i32>} : memref<2x16x768xf32, #tpu.memory_space<vmem>>, vector<1x1x16xf32>,
        %get3A_1511 = vector.shape_cast %get3A_1510 : vector<1x1x16xf32> to vector<16xf32>
        %add3A_1512 = arith.addf %get3A_1505, %get3A_1511 : vector<16xf32>
        %get3A_1513 = arith.constant 1 : i32
        %get3A_1514 = arith.index_cast %get3A_1513 : i32 to index
        %get3A_1515 = arith.index_cast %scan3A_259 : i32 to index
        %get3A_1516 = arith.constant 736 : index
        %get3A_1517 = tpu.vector_load %arg12[%get3A_1514, %get3A_1515, %get3A_1516] {strides = array<i32>} : memref<2x16x768xf32, #tpu.memory_space<vmem>>, vector<1x1x16xf32>,
        %get3A_1518 = vector.shape_cast %get3A_1517 : vector<1x1x16xf32> to vector<16xf32>
        %add3A_1519 = arith.addf %add3A_1512, %get3A_1518 : vector<16xf32>
        %swap3A_1520 = arith.constant 1 : i32
        %swap3A_1521 = arith.index_cast %swap3A_1520 : i32 to index
        %swap3A_1522 = arith.index_cast %scan3A_259 : i32 to index
        %swap3A_1523 = arith.constant 736 : index
        %swap3A_1524 = tpu.vector_load %arg13[%swap3A_1521, %swap3A_1522, %swap3A_1523] {strides = array<i32>} : memref<2x16x768xf32, #tpu.memory_space<vmem>>, vector<1x1x16xf32>,
        %swap3A_1525 = vector.shape_cast %swap3A_1524 : vector<1x1x16xf32> to vector<16xf32>
        %swap3A_1526 = vector.shape_cast %add3A_1519 : vector<16xf32> to vector<1x1x16xf32>
        tpu.vector_store %arg13[%swap3A_1521, %swap3A_1522, %swap3A_1523], %swap3A_1526 {strides = array<i32>} : memref<2x16x768xf32, #tpu.memory_space<vmem>>, vector<1x1x16xf32>,
        %get3A_1527 = arith.constant 1 : i32
        %get3A_1528 = arith.index_cast %get3A_1527 : i32 to index
        %get3A_1529 = arith.index_cast %scan3A_259 : i32 to index
        %get3A_1530 = arith.constant 752 : index
        %get3A_1531 = tpu.vector_load %arg10[%get3A_1528, %get3A_1529, %get3A_1530] {strides = array<i32>} : memref<2x16x768xf32, #tpu.memory_space<vmem>>, vector<1x1x16xf32>,
        %get3A_1532 = vector.shape_cast %get3A_1531 : vector<1x1x16xf32> to vector<16xf32>
        %get3A_1533 = arith.constant 1 : i32
        %get3A_1534 = arith.index_cast %get3A_1533 : i32 to index
        %get3A_1535 = arith.index_cast %scan3A_259 : i32 to index
        %get3A_1536 = arith.constant 752 : index
        %get3A_1537 = tpu.vector_load %arg11[%get3A_1534, %get3A_1535, %get3A_1536] {strides = array<i32>} : memref<2x16x768xf32, #tpu.memory_space<vmem>>, vector<1x1x16xf32>,
        %get3A_1538 = vector.shape_cast %get3A_1537 : vector<1x1x16xf32> to vector<16xf32>
        %add3A_1539 = arith.addf %get3A_1532, %get3A_1538 : vector<16xf32>
        %get3A_1540 = arith.constant 1 : i32
        %get3A_1541 = arith.index_cast %get3A_1540 : i32 to index
        %get3A_1542 = arith.index_cast %scan3A_259 : i32 to index
        %get3A_1543 = arith.constant 752 : index
        %get3A_1544 = tpu.vector_load %arg12[%get3A_1541, %get3A_1542, %get3A_1543] {strides = array<i32>} : memref<2x16x768xf32, #tpu.memory_space<vmem>>, vector<1x1x16xf32>,
        %get3A_1545 = vector.shape_cast %get3A_1544 : vector<1x1x16xf32> to vector<16xf32>
        %add3A_1546 = arith.addf %add3A_1539, %get3A_1545 : vector<16xf32>
        %swap3A_1547 = arith.constant 1 : i32
        %swap3A_1548 = arith.index_cast %swap3A_1547 : i32 to index
        %swap3A_1549 = arith.index_cast %scan3A_259 : i32 to index
        %swap3A_1550 = arith.constant 752 : index
        %swap3A_1551 = tpu.vector_load %arg13[%swap3A_1548, %swap3A_1549, %swap3A_1550] {strides = array<i32>} : memref<2x16x768xf32, #tpu.memory_space<vmem>>, vector<1x1x16xf32>,
        %swap3A_1552 = vector.shape_cast %swap3A_1551 : vector<1x1x16xf32> to vector<16xf32>
        %swap3A_1553 = vector.shape_cast %add3A_1546 : vector<16xf32> to vector<1x1x16xf32>
        tpu.vector_store %arg13[%swap3A_1548, %swap3A_1549, %swap3A_1550], %swap3A_1553 {strides = array<i32>} : memref<2x16x768xf32, #tpu.memory_space<vmem>>, vector<1x1x16xf32>,
      }
      %scan3A_237 = arith.constant 16 : i32
      %mul3A_238 = arith.constant 16 : i32
      %mul3A_239 = arith.muli %add3A_188, %mul3A_238 : i32
      %add3A_240 = arith.addi %mul3A_2, %mul3A_239 : i32
      %dma_start3A_241 = arith.constant 1 : i32
      %dma_start3A_242 = arith.constant 0 : i32
      %dma_start3A_243 = arith.constant 0 : i32
      %dma_start3A_244 = tpu.memref_slice %arg13[%dma_start3A_241, %dma_start3A_242, %dma_start3A_243] : memref<2x16x768xf32, #tpu.memory_space<vmem>> -> memref<1x16x768xf32, #tpu.memory_space<vmem>>
      %dma_start3A_245 = tpu.memref_squeeze %dma_start3A_244 : memref<1x16x768xf32, #tpu.memory_space<vmem>> -> memref<16x768xf32, #tpu.memory_space<vmem>>
      %dma_start3A_246 = arith.constant 0 : i32
      %dma_start3A_247 = tpu.memref_slice %arg7[%add3A_240, %dma_start3A_246] : memref<16384x768xf32, #tpu.memory_space<hbm>> -> memref<16x768xf32, #tpu.memory_space<hbm>>
      %dma_start3A_248 = arith.constant 0 : i32
      %dma_start3A_249 = tpu.memref_slice %arg7[%add3A_240, %dma_start3A_248] : memref<16384x768xf32, #tpu.memory_space<hbm>> -> memref<16x768xf32, #tpu.memory_space<hbm>>
      %dma_start3A_250 = arith.constant 0 : i32
      %dma_start3A_251 = arith.constant 0 : i32
      %dma_start3A_252 = tpu.memref_slice %arg13[%dma_start3A_241, %dma_start3A_250, %dma_start3A_251] : memref<2x16x768xf32, #tpu.memory_space<vmem>> -> memref<1x16x768xf32, #tpu.memory_space<vmem>>
      %dma_start3A_253 = tpu.memref_squeeze %dma_start3A_252 : memref<1x16x768xf32, #tpu.memory_space<vmem>> -> memref<16x768xf32, #tpu.memory_space<vmem>>
      tpu.enqueue_dma source(%dma_start3A_253 : memref<16x768xf32, #tpu.memory_space<vmem>>) target(%dma_start3A_249 : memref<16x768xf32, #tpu.memory_space<hbm>>) target_semaphore(%arg17 : memref<!tpu.dma_semaphore, #tpu.memory_space<semaphore_mem>>)
      %lt3A_254 = arith.constant 5 : i32
      %lt3A_255 = arith.cmpi slt, %scan3A_114, %lt3A_254 : i32
      %convert_element_type3A_256 = arith.extui %lt3A_255 : i1 to i32
      %cond3A_257 = arith.constant 0 : i32
      %cond3A_258 = arith.cmpi ne, %convert_element_type3A_256, %cond3A_257 : i32
      scf.if %cond3A_258 {
        %add3A_259 = arith.constant 2 : i32
        %add3A_260 = arith.addi %add3A_188, %add3A_259 : i32
        %mul3A_261 = arith.constant 16 : i32
        %mul3A_262 = arith.muli %add3A_260, %mul3A_261 : i32
        %add3A_263 = arith.addi %mul3A_2, %mul3A_262 : i32
        %dma_start3A_264 = arith.constant 1 : i32
        %dma_start3A_265 = arith.constant 0 : i32
        %dma_start3A_266 = arith.constant 0 : i32
        %dma_start3A_267 = tpu.memref_slice %arg10[%dma_start3A_264, %dma_start3A_265, %dma_start3A_266] : memref<2x16x768xf32, #tpu.memory_space<vmem>> -> memref<1x16x768xf32, #tpu.memory_space<vmem>>
        %dma_start3A_268 = tpu.memref_squeeze %dma_start3A_267 : memref<1x16x768xf32, #tpu.memory_space<vmem>> -> memref<16x768xf32, #tpu.memory_space<vmem>>
        %dma_start3A_269 = arith.constant 0 : i32
        %dma_start3A_270 = tpu.memref_slice %arg2[%add3A_263, %dma_start3A_269] : memref<16384x768xf32, #tpu.memory_space<hbm>> -> memref<16x768xf32, #tpu.memory_space<hbm>>
        %dma_start3A_271 = arith.constant 0 : i32
        %dma_start3A_272 = arith.constant 0 : i32
        %dma_start3A_273 = tpu.memref_slice %arg10[%dma_start3A_264, %dma_start3A_271, %dma_start3A_272] : memref<2x16x768xf32, #tpu.memory_space<vmem>> -> memref<1x16x768xf32, #tpu.memory_space<vmem>>
        %dma_start3A_274 = tpu.memref_squeeze %dma_start3A_273 : memref<1x16x768xf32, #tpu.memory_space<vmem>> -> memref<16x768xf32, #tpu.memory_space<vmem>>
        %dma_start3A_275 = arith.constant 0 : i32
        %dma_start3A_276 = tpu.memref_slice %arg2[%add3A_263, %dma_start3A_275] : memref<16384x768xf32, #tpu.memory_space<hbm>> -> memref<16x768xf32, #tpu.memory_space<hbm>>
        tpu.enqueue_dma source(%dma_start3A_276 : memref<16x768xf32, #tpu.memory_space<hbm>>) target(%dma_start3A_274 : memref<16x768xf32, #tpu.memory_space<vmem>>) target_semaphore(%arg15 : memref<!tpu.dma_semaphore, #tpu.memory_space<semaphore_mem>>)
        %dma_start3A_277 = arith.constant 1 : i32
        %dma_start3A_278 = arith.constant 0 : i32
        %dma_start3A_279 = arith.constant 0 : i32
        %dma_start3A_280 = tpu.memref_slice %arg11[%dma_start3A_277, %dma_start3A_278, %dma_start3A_279] : memref<2x16x768xf32, #tpu.memory_space<vmem>> -> memref<1x16x768xf32, #tpu.memory_space<vmem>>
        %dma_start3A_281 = tpu.memref_squeeze %dma_start3A_280 : memref<1x16x768xf32, #tpu.memory_space<vmem>> -> memref<16x768xf32, #tpu.memory_space<vmem>>
        %dma_start3A_282 = arith.constant 0 : i32
        %dma_start3A_283 = tpu.memref_slice %arg8[%add3A_260, %dma_start3A_282] : memref<12x16xi32, #tpu.memory_space<vmem>> -> memref<1x16xi32, #tpu.memory_space<vmem>>
        %dma_start3A_284 = tpu.memref_squeeze %dma_start3A_283 : memref<1x16xi32, #tpu.memory_space<vmem>> -> memref<16xi32, #tpu.memory_space<vmem>>
        %dma_start3A_285 = arith.constant 0 : i32
        %dma_start3A_286 = arith.constant 0 : i32
        %dma_start3A_287 = tpu.memref_slice %arg5[%dma_start3A_285, %dma_start3A_286] : memref<100x768xf32, #tpu.memory_space<hbm>> -> memref<100x768xf32, #tpu.memory_space<hbm>>
        tpu.enqueue_indirect_dma source(%dma_start3A_287 : memref<100x768xf32, #tpu.memory_space<hbm>>) target(%dma_start3A_281 : memref<16x768xf32, #tpu.memory_space<vmem>>) offsets(%dma_start3A_284 : memref<16xi32, #tpu.memory_space<vmem>>) semaphore(%arg15 : memref<!tpu.dma_semaphore, #tpu.memory_space<semaphore_mem>>)
        %dma_start3A_288 = arith.constant 1 : i32
        %dma_start3A_289 = arith.constant 0 : i32
        %dma_start3A_290 = arith.constant 0 : i32
        %dma_start3A_291 = tpu.memref_slice %arg12[%dma_start3A_288, %dma_start3A_289, %dma_start3A_290] : memref<2x16x768xf32, #tpu.memory_space<vmem>> -> memref<1x16x768xf32, #tpu.memory_space<vmem>>
        %dma_start3A_292 = tpu.memref_squeeze %dma_start3A_291 : memref<1x16x768xf32, #tpu.memory_space<vmem>> -> memref<16x768xf32, #tpu.memory_space<vmem>>
        %dma_start3A_293 = arith.constant 0 : i32
        %dma_start3A_294 = tpu.memref_slice %arg9[%add3A_260, %dma_start3A_293] : memref<12x16xi32, #tpu.memory_space<vmem>> -> memref<1x16xi32, #tpu.memory_space<vmem>>
        %dma_start3A_295 = tpu.memref_squeeze %dma_start3A_294 : memref<1x16xi32, #tpu.memory_space<vmem>> -> memref<16xi32, #tpu.memory_space<vmem>>
        %dma_start3A_296 = arith.constant 0 : i32
        %dma_start3A_297 = arith.constant 0 : i32
        %dma_start3A_298 = tpu.memref_slice %arg6[%dma_start3A_296, %dma_start3A_297] : memref<500x768xf32, #tpu.memory_space<hbm>> -> memref<500x768xf32, #tpu.memory_space<hbm>>
        tpu.enqueue_indirect_dma source(%dma_start3A_298 : memref<500x768xf32, #tpu.memory_space<hbm>>) target(%dma_start3A_292 : memref<16x768xf32, #tpu.memory_space<vmem>>) offsets(%dma_start3A_295 : memref<16xi32, #tpu.memory_space<vmem>>) semaphore(%arg15 : memref<!tpu.dma_semaphore, #tpu.memory_space<semaphore_mem>>)
      } else {
      }
    }
    %scan3A_84 = arith.constant 6 : i32
    %add3A_85 = arith.constant 160 : i32
    %add3A_86 = arith.addi %mul3A_2, %add3A_85 : i32
    %dma_wait3A = arith.constant 0 : i32
    %dma_wait3A_87 = arith.constant 0 : i32
    %dma_wait3A_88 = arith.constant 0 : i32
    %dma_wait3A_89 = tpu.memref_slice %arg13[%dma_wait3A, %dma_wait3A_87, %dma_wait3A_88] : memref<2x16x768xf32, #tpu.memory_space<vmem>> -> memref<1x16x768xf32, #tpu.memory_space<vmem>>
    %dma_wait3A_90 = tpu.memref_squeeze %dma_wait3A_89 : memref<1x16x768xf32, #tpu.memory_space<vmem>> -> memref<16x768xf32, #tpu.memory_space<vmem>>
    %dma_wait3A_91 = arith.constant 0 : i32
    %dma_wait3A_92 = tpu.memref_slice %arg7[%add3A_86, %dma_wait3A_91] : memref<16384x768xf32, #tpu.memory_space<hbm>> -> memref<16x768xf32, #tpu.memory_space<hbm>>
    %dma_wait3A_93 = arith.constant 0 : i32
    %dma_wait3A_94 = tpu.memref_slice %arg7[%add3A_86, %dma_wait3A_93] : memref<16384x768xf32, #tpu.memory_space<hbm>> -> memref<16x768xf32, #tpu.memory_space<hbm>>
    %dma_wait3A_95 = arith.constant 0 : i32
    %dma_wait3A_96 = arith.constant 0 : i32
    %dma_wait3A_97 = tpu.memref_slice %arg13[%dma_wait3A, %dma_wait3A_95, %dma_wait3A_96] : memref<2x16x768xf32, #tpu.memory_space<vmem>> -> memref<1x16x768xf32, #tpu.memory_space<vmem>>
    %dma_wait3A_98 = tpu.memref_squeeze %dma_wait3A_97 : memref<1x16x768xf32, #tpu.memory_space<vmem>> -> memref<16x768xf32, #tpu.memory_space<vmem>>
    tpu.wait_dma2 semaphore(%arg16 : memref<!tpu.dma_semaphore, #tpu.memory_space<semaphore_mem>>) src(%dma_wait3A_98 : memref<16x768xf32, #tpu.memory_space<vmem>>) dst(%dma_wait3A_94 : memref<16x768xf32, #tpu.memory_space<hbm>>)
    %add3A_99 = arith.constant 176 : i32
    %add3A_100 = arith.addi %mul3A_2, %add3A_99 : i32
    %dma_wait3A_101 = arith.constant 1 : i32
    %dma_wait3A_102 = arith.constant 0 : i32
    %dma_wait3A_103 = arith.constant 0 : i32
    %dma_wait3A_104 = tpu.memref_slice %arg13[%dma_wait3A_101, %dma_wait3A_102, %dma_wait3A_103] : memref<2x16x768xf32, #tpu.memory_space<vmem>> -> memref<1x16x768xf32, #tpu.memory_space<vmem>>
    %dma_wait3A_105 = tpu.memref_squeeze %dma_wait3A_104 : memref<1x16x768xf32, #tpu.memory_space<vmem>> -> memref<16x768xf32, #tpu.memory_space<vmem>>
    %dma_wait3A_106 = arith.constant 0 : i32
    %dma_wait3A_107 = tpu.memref_slice %arg7[%add3A_100, %dma_wait3A_106] : memref<16384x768xf32, #tpu.memory_space<hbm>> -> memref<16x768xf32, #tpu.memory_space<hbm>>
    %dma_wait3A_108 = arith.constant 0 : i32
    %dma_wait3A_109 = tpu.memref_slice %arg7[%add3A_100, %dma_wait3A_108] : memref<16384x768xf32, #tpu.memory_space<hbm>> -> memref<16x768xf32, #tpu.memory_space<hbm>>
    %dma_wait3A_110 = arith.constant 0 : i32
    %dma_wait3A_111 = arith.constant 0 : i32
    %dma_wait3A_112 = tpu.memref_slice %arg13[%dma_wait3A_101, %dma_wait3A_110, %dma_wait3A_111] : memref<2x16x768xf32, #tpu.memory_space<vmem>> -> memref<1x16x768xf32, #tpu.memory_space<vmem>>
    %dma_wait3A_113 = tpu.memref_squeeze %dma_wait3A_112 : memref<1x16x768xf32, #tpu.memory_space<vmem>> -> memref<16x768xf32, #tpu.memory_space<vmem>>
    tpu.wait_dma2 semaphore(%arg17 : memref<!tpu.dma_semaphore, #tpu.memory_space<semaphore_mem>>) src(%dma_wait3A_113 : memref<16x768xf32, #tpu.memory_space<vmem>>) dst(%dma_wait3A_109 : memref<16x768xf32, #tpu.memory_space<hbm>>)
    return
  }
}

module attributes {stable_mosaic.version = 14 : i64} {
  func.func @_tc_body(%arg0: i32, %arg1: memref<16384x768xf32, #tpu.memory_space<any>>, %arg2: memref<1024x768xf32, #tpu.memory_space<vmem>>, %arg3: memref<1x1x1024xi32, #tpu.memory_space<vmem>>, %arg4: memref<1x1x1024xi32, #tpu.memory_space<vmem>>, %arg5: memref<128x768xbf16, #tpu.memory_space<vmem>>, %arg6: memref<512x768xbf16, #tpu.memory_space<vmem>>, %arg7: memref<1024x768xf32, #tpu.memory_space<vmem>>) attributes {dimension_semantics = [#tpu.dimension_semantics<arbitrary>], iteration_bounds = array<i64: 10>, scalar_prefetch = 0 : i64, scratch_operands = 0 : i64, tpu.core_type = #tpu.core_type<tc>, window_params = [{}, {transform_indices = @transform_1, window_bounds = array<i64: 1024, 768>}, {transform_indices = @transform_2, window_bounds = array<i64: 1, 1, 1024>}, {transform_indices = @transform_3, window_bounds = array<i64: 1, 1, 1024>}, {pipeline_mode = #tpu.pipeline_mode<synchronous>, transform_indices = @transform_4, window_bounds = array<i64: 128, 768>}, {pipeline_mode = #tpu.pipeline_mode<synchronous>, transform_indices = @transform_5, window_bounds = array<i64: 512, 768>}, {transform_indices = @transform_6, window_bounds = array<i64: 1024, 768>}]} {
    %get3A = arith.constant 0 : index
    %get3A_0 = arith.constant 0 : index
    %get3A_1 = arith.constant 0 : index
    %get3A_2 = vector.load %arg3[%get3A, %get3A_0, %get3A_1] : memref<1x1x1024xi32, #tpu.memory_space<vmem>>, vector<1x1x1024xi32>
    %get3A_3 = vector.shape_cast %get3A_2 : vector<1x1x1024xi32> to vector<1024xi32>
    %get3A_4 = arith.constant 0 : index
    %get3A_5 = arith.constant 0 : index
    %get3A_6 = arith.constant 0 : index
    %get3A_7 = vector.load %arg4[%get3A_4, %get3A_5, %get3A_6] : memref<1x1x1024xi32, #tpu.memory_space<vmem>>, vector<1x1x1024xi32>
    %get3A_8 = vector.shape_cast %get3A_7 : vector<1x1x1024xi32> to vector<1024xi32>
    %broadcast_in_dim3A = vector.shape_cast %get3A_3 : vector<1024xi32> to vector<1024x1xi32>
    %iota3A = tpu.iota {dimensions = array<i32: 1>} : vector<1024x128xi32>
    %eq3A = vector.broadcast %broadcast_in_dim3A : vector<1024x1xi32> to vector<1024x128xi32>
    %eq3A_9 = arith.cmpi eq, %eq3A, %iota3A : vector<1024x128xi32>
    %broadcast_in_dim3A_10 = vector.shape_cast %get3A_8 : vector<1024xi32> to vector<1024x1xi32>
    %iota3A_11 = tpu.iota {dimensions = array<i32: 1>} : vector<1024x512xi32>
    %eq3A_12 = vector.broadcast %broadcast_in_dim3A_10 : vector<1024x1xi32> to vector<1024x512xi32>
    %eq3A_13 = arith.cmpi eq, %eq3A_12, %iota3A_11 : vector<1024x512xi32>
    %convert_element_type3A = arith.extui %eq3A_9 : vector<1024x128xi1> to vector<1024x128xi32>
    %convert_element_type3A_14 = arith.sitofp %convert_element_type3A : vector<1024x128xi32> to vector<1024x128xf32>
    %convert_element_type3A_15 = arith.truncf %convert_element_type3A_14 : vector<1024x128xf32> to vector<1024x128xbf16>
    %get3A_16 = arith.constant 0 : index
    %get3A_17 = arith.constant 0 : index
    %get3A_18 = vector.load %arg5[%get3A_16, %get3A_17] : memref<128x768xbf16, #tpu.memory_space<vmem>>, vector<128x768xbf16>
    %dot_general3A = arith.constant dense<0.000000e+00> : vector<1024x768xf32>
    %dot_general3A_19 = tpu.matmul %convert_element_type3A_15, %get3A_18, %dot_general3A {dimension_numbers = #tpu.dot_dimension_numbers<[1], [0], [0], [1], [0, 0, 1, 1], [], []>, transpose_lhs_hint = false} : vector<1024x128xbf16>, vector<128x768xbf16>, vector<1024x768xf32> -> vector<1024x768xf32>
    %convert_element_type3A_20 = arith.extui %eq3A_13 : vector<1024x512xi1> to vector<1024x512xi32>
    %convert_element_type3A_21 = arith.sitofp %convert_element_type3A_20 : vector<1024x512xi32> to vector<1024x512xf32>
    %convert_element_type3A_22 = arith.truncf %convert_element_type3A_21 : vector<1024x512xf32> to vector<1024x512xbf16>
    %get3A_23 = arith.constant 0 : index
    %get3A_24 = arith.constant 0 : index
    %get3A_25 = vector.load %arg6[%get3A_23, %get3A_24] : memref<512x768xbf16, #tpu.memory_space<vmem>>, vector<512x768xbf16>
    %dot_general3A_26 = arith.constant dense<0.000000e+00> : vector<1024x768xf32>
    %dot_general3A_27 = tpu.matmul %convert_element_type3A_22, %get3A_25, %dot_general3A_26 {dimension_numbers = #tpu.dot_dimension_numbers<[1], [0], [0], [1], [0, 0, 1, 1], [], []>, transpose_lhs_hint = false} : vector<1024x512xbf16>, vector<512x768xbf16>, vector<1024x768xf32> -> vector<1024x768xf32>
    %get3A_28 = arith.constant 0 : index
    %get3A_29 = arith.constant 0 : index
    %get3A_30 = vector.load %arg2[%get3A_28, %get3A_29] : memref<1024x768xf32, #tpu.memory_space<vmem>>, vector<1024x768xf32>
    %add3A = arith.addf %get3A_30, %dot_general3A_19 : vector<1024x768xf32>
    %add3A_31 = arith.addf %add3A, %dot_general3A_27 : vector<1024x768xf32>
    %swap3A = arith.constant 0 : index
    %swap3A_32 = arith.constant 0 : index
    %swap3A_33 = vector.load %arg7[%swap3A, %swap3A_32] : memref<1024x768xf32, #tpu.memory_space<vmem>>, vector<1024x768xf32>
    tpu.vector_store %arg7[%swap3A, %swap3A_32], %add3A_31 {strides = array<i32>} : memref<1024x768xf32, #tpu.memory_space<vmem>>, vector<1024x768xf32>,
    return
  }
  func.func @transform_1(%arg0: i32) -> (i32, i32) {
    %add3A = arith.constant 6 : i32
    %add3A_0 = arith.addi %add3A, %arg0 : i32
    %c0_i32 = arith.constant 0 : i32
    %c0_i32_1 = arith.constant 0 : i32
    return %add3A_0, %c0_i32 : i32, i32
  }
  func.func @transform_2(%arg0: i32) -> (i32, i32, i32) {
    %add3A = arith.constant 6 : i32
    %add3A_0 = arith.addi %add3A, %arg0 : i32
    %c0_i32 = arith.constant 0 : i32
    %c0_i32_1 = arith.constant 0 : i32
    %c0_i32_2 = arith.constant 0 : i32
    return %add3A_0, %c0_i32, %c0_i32_1 : i32, i32, i32
  }
  func.func @transform_3(%arg0: i32) -> (i32, i32, i32) {
    %add3A = arith.constant 6 : i32
    %add3A_0 = arith.addi %add3A, %arg0 : i32
    %c0_i32 = arith.constant 0 : i32
    %c0_i32_1 = arith.constant 0 : i32
    %c0_i32_2 = arith.constant 0 : i32
    return %add3A_0, %c0_i32, %c0_i32_1 : i32, i32, i32
  }
  func.func @transform_4(%arg0: i32) -> (i32, i32) {
    %c0_i32 = arith.constant 0 : i32
    %c0_i32_0 = arith.constant 0 : i32
    %c0_i32_1 = arith.constant 0 : i32
    return %c0_i32, %c0_i32_0 : i32, i32
  }
  func.func @transform_5(%arg0: i32) -> (i32, i32) {
    %c0_i32 = arith.constant 0 : i32
    %c0_i32_0 = arith.constant 0 : i32
    %c0_i32_1 = arith.constant 0 : i32
    return %c0_i32, %c0_i32_0 : i32, i32
  }
  func.func @transform_6(%arg0: i32) -> (i32, i32) {
    %add3A = arith.constant 6 : i32
    %add3A_0 = arith.addi %add3A, %arg0 : i32
    %c0_i32 = arith.constant 0 : i32
    %c0_i32_1 = arith.constant 0 : i32
    return %add3A_0, %c0_i32 : i32, i32
  }
}

</mosaic_0001>

<sc_bundles>
// kernel: kernel.4.cloned.1.call-start
scs
__scs_entry_jumppad:
0x0: {  	(pc) =	sbr.rel $0x88, $3  }
0x1: {  	(tag) =	ssettag $0x0;
	lr =	simm.s32 $0x1  }
0x2: {  	[smem:$0x3F9C] =	sst lr;
	_ =	strace $0xD0000000  }
0x3: {  	_ = 	snop  }
0x4: {  	_ = 	snop  }
0x5: {  	_ = 	snop  }
0x6: {  	_ = 	snop  }
0x7: {  	_ = 	snop  }
__scs_overlays_trampoline_lowered:
0x8: {  	[smem:$0x3FAB] =	sst s0  }
0x9: {  	[smem:$0x3FAC] =	sst s1  }
0xa: {  	[smem:$0x3FAD] =	sst s2  }
0xb: {  	[smem:$0x3FAE] =	sst s3  }
0xc: {  	[smem:$0x3FAF] =	sst s4  }
0xd: {  	[smem:$0x3FB0] =	sst s5  }
0xe: {  	[smem:$0x3FB1] =	sst s6  }
0xf: {  	[smem:$0x3FB2] =	sst s7  }
0x10: {  	[smem:$0x3FB3] =	sst s8  }
0x11: {  	[smem:$0x3FB4] =	sst s9;
	s0 =	simm.s32 @!p0 $0x0  }
0x12: {  	s1 =	sld [smem:$0x3F9A];
	s0 =	simm.s32 @p0 $0x1  }
0x13: {  	[smem:$0x3FB5] =	sst s0;
	s0 =	simm.s32 @!p1 $0x0  }
0x14: {  	s2 =	sld [smem:$0x3F99];
	s0 =	simm.s32 @p1 $0x1  }
0x15: {  	[smem:$0x3FB6] =	sst s0;
	s0 =	simm.s32 @!p2 $0x0  }
0x16: {  	s3 =	sld [smem:$0x3FDB];
	s0 =	simm.s32 @p2 $0x1  }
0x17: {  	s4 =	simm.s32 $0x1BF5;
	[smem:$0x3FB8] =	sst s0  }
0x18: {  	s0 =	sld [smem:$0x3F9B];
	_ =	swait.ge [sflag:s4], $0x0  }
0x19: {  	s7 =	sld [smem:$0x3F9C]  }
0x1a: {  	s8 =	sadd.s32 $0xFFFFE003, lr  }
0x1b: {  	s9 =	sadd.s32 $0xFFFFFEF7, lr;
	s5 =	simm.s32 $0xFFFFFFFF;
	p2 =	slt.u32 s8, $0xFFFFF086  }
0x1c: {  	p1 =	slt.u32 s9, $0xF7A;
	s5 =	simm.s32 @!p2 $0x0  }
0x1d: {  	s5 =	simm.s32 @p1 $0x1;
	p0 =	seq.s32 s7, s2  }
0x1e: {  	s7 =	smul.u32 @!p0 $0xF7A, s2;
	p2 =	seq.s32 @!p0 s5, $0x0  }
0x1f: {  	s9 =	smul.u32 $0xF7A, s1;
	s8 =	simm.s32 @!p0 $0x1BF5;
	p2 =	por !p2, p0  }
0x20: {  	[sflag:s8] =	ssyncset.s32 @!p0 $0xFFFFF086;
	s6 =	sadd.s32 @!p0 s3, s7;
	s7 =	simm.s32 @!p0 $0x108  }
0x21: {  	s3 =	sadd.s32 s3, s9;
	s6 =	sadd.s32 @!p0 $0x88, s6;
	s7 =	simm.s32 @p2 $0x1082  }
0x22: {  	[simem:s7], [sflag:s8] =	dma.local @!p0 [hbm:s6], $0xF7A  }
0x23: {  	s9 =	sor.u32 $0xD0000000, s2;
	s6 =	simm.s32 $0x108;
	_ =	swait.ge @!p0 [sflag:s8], $0x0  }
0x24: {  	s3 =	sadd.s32 $0x88, s3;
	s6 =	simm.s32 @!p1 $0x1082;
	[sflag:s4] =	ssyncset.s32 $0xFFFFF086  }
0x25: {  	[simem:s6], [sflag:s4] =	dma.local [hbm:s3], $0xF7A  }
0x26: {  	[smem:$0x3F9C] =	sst s1;
	(tag) =	ssettag s2;
	_ =	strace s9  }
0x27: {  	s1 =	sld [smem:$0x3FAC]  }
0x28: {  	s2 =	sld [smem:$0x3FAD]  }
0x29: {  	s4 =	sld [smem:$0x3FAF]  }
0x2a: {  	p0 =	seq.s32 s5, $0x0;
	s5 =	sld [smem:$0x3FB0]  }
0x2b: {  	s6 =	sld [smem:$0x3FB1]  }
0x2c: {  	s7 =	sld [smem:$0x3FB2]  }
0x2d: {  	s3 =	simm.s32 $0x108;
	s8 =	sld [smem:$0x3FB3]  }
0x2e: {  	s3 =	simm.s32 @!p0 $0x1082;
	s9 =	sld [smem:$0x3FB4]  }
0x2f: {  	lr =	sadd.s32 s0, s3;
	s0 =	sld [smem:$0x3FAB]  }
0x30: {  	s3 =	sld [smem:$0x3FAE]  }
0x31: {  	[smem:$0x3FB7] =	sst s10  }
0x32: {  	s10 =	sld [smem:$0x3FB5];
	_ =	sdelay $0x3  }
0x33: {  	p0 =	seq.s32 s10, $0x1;
	s10 =	sld [smem:$0x3FB7];
	_ =	sdelay $0x3  }
0x34: {  	[smem:$0x3FB7] =	sst s10  }
0x35: {  	s10 =	sld [smem:$0x3FB6];
	_ =	sdelay $0x3  }
0x36: {  	p1 =	seq.s32 s10, $0x1;
	s10 =	sld [smem:$0x3FB7];
	_ =	sdelay $0x3  }
0x37: {  	[smem:$0x3FB7] =	sst s10  }
0x38: {  	s10 =	sld [smem:$0x3FB8]  }
0x39: {  	_ = 	snop;
	(pc) =	sbr.ind lr, $3  }
0x3a: {  	_ = 	snop  }
0x3b: {  	_ = 	snop  }
0x3c: {  	p2 =	seq.s32 s10, $0x1;
	s10 =	sld [smem:$0x3FB7]  }
0x3d: {  	_ =	shalt  }
0x3e: {  	_ =	shalt  }
0x3f: {  	_ =	shalt  }
0x40: {  	_ =	shalt  }
0x41: {  	_ =	shalt  }
0x42: {  	_ =	shalt  }
0x43: {  	_ =	shalt  }
0x44: {  	_ =	shalt  }
0x45: {  	_ =	shalt  }
0x46: {  	_ =	shalt  }
0x47: {  	_ =	shalt  }
0x48: {  	_ =	shalt  }
0x49: {  	_ =	shalt  }
0x4a: {  	_ =	shalt  }
0x4b: {  	_ =	shalt  }
0x4c: {  	_ =	shalt  }
0x4d: {  	_ =	shalt  }
0x4e: {  	_ =	shalt  }
0x4f: {  	_ =	shalt  }
0x50: {  	_ =	shalt  }
0x51: {  	_ =	shalt  }
0x52: {  	_ =	shalt  }
0x53: {  	_ =	shalt  }
0x54: {  	_ =	shalt  }
0x55: {  	_ =	shalt  }
0x56: {  	_ =	shalt  }
0x57: {  	_ =	shalt  }
0x58: {  	_ =	shalt  }
0x59: {  	_ =	shalt  }
0x5a: {  	_ =	shalt  }
0x5b: {  	_ =	shalt  }
0x5c: {  	_ =	shalt  }
0x5d: {  	_ =	shalt  }
0x5e: {  	_ =	shalt  }
0x5f: {  	_ =	shalt  }
0x60: {  	_ =	shalt  }
0x61: {  	_ =	shalt  }
0x62: {  	_ =	shalt  }
0x63: {  	_ =	shalt  }
0x64: {  	_ =	shalt  }
0x65: {  	_ =	shalt  }
0x66: {  	_ =	shalt  }
0x67: {  	_ =	shalt  }
0x68: {  	_ =	shalt  }
0x69: {  	_ =	shalt  }
0x6a: {  	_ =	shalt  }
0x6b: {  	_ =	shalt  }
0x6c: {  	_ =	shalt  }
0x6d: {  	_ =	shalt  }
0x6e: {  	_ =	shalt  }
0x6f: {  	_ =	shalt  }
0x70: {  	_ =	shalt  }
0x71: {  	_ =	shalt  }
0x72: {  	_ =	shalt  }
0x73: {  	_ =	shalt  }
0x74: {  	_ =	shalt  }
0x75: {  	_ =	shalt  }
0x76: {  	_ =	shalt  }
0x77: {  	_ =	shalt  }
0x78: {  	_ =	shalt  }
0x79: {  	_ =	shalt  }
0x7a: {  	_ =	shalt  }
0x7b: {  	_ =	shalt  }
0x7c: {  	_ =	shalt  }
0x7d: {  	_ =	shalt  }
0x7e: {  	_ =	shalt  }
0x7f: {  	_ =	shalt  }
0x80: {  	_ =	shalt  }
0x81: {  	_ =	shalt  }
0x82: {  	_ =	shalt  }
0x83: {  	_ =	shalt  }
0x84: {  	_ =	shalt  }
0x85: {  	_ =	shalt  }
0x86: {  	_ =	shalt  }
0x87: {  	_ =	shalt  }
.Lfunc_end0:
.L_simem_size_0:
called_computation_lowered:
.L_overlay_start_0:
0x88: {  	s2 =	sld [smem:$0x3FD9]  }
0x89: {  	s3 =	sld [smem:$0x3FFE];
	_ =	sdelay $0x1  }
0x8a: {  	s1 =	srdreg.scid  }
0x8b: {  	s0 =	sand.u32 $0x1, s1  }
0x8c: {  	s17 =	sshll.u32 s0, $0xA;
	s2 =	sadd.s32 s3, s2  }
0x8d: {  	s2 =	sadd.s32 s2, s17  }
0x8e: {  	[smem:$0x3FC3] =	sst s2  }
0x8f: {  	_ = 	snop  }
0x90: {  	s2 =	sld [smem:$0x3FC9]  }
0x91: {  	s18 =	sld [smem:$0x3FC6]  }
0x92: {  	s4 =	sld [smem:$0x3FC5]  }
0x93: {  	s5 =	sld [smem:$0x3FD0];
	(tm) =	ssettm $0x1  }
0x94: {  	s6 =	sld [smem:$0x3FFB];
	_ =	sdelay $0x3  }
0x95: {  	_ =	strace s6  }
0x96: {  	s6 =	sld [smem:$0x3FFC];
	_ =	sdelay $0x3  }
0x97: {  	_ =	strace s6  }
0x98: {  	s6 =	sld [smem:$0x3FFD];
	_ =	sdelay $0x3  }
0x99: {  	_ =	strace s6  }
0x9a: {  	_ =	strace $0x8FFFFFFF  }
0x9b: {  	s19 =	sld [smem:$0x3FDB];
	_ =	sdelay $0x1  }
0x9c: {  	s7 =	simm.s32 $_scs_section_size  }
0x9d: {  	s8 =	simm.s32 $_size__tile_overlayer_lowered;
	s9 =	simm.s32 $_tile_overlayer_lowered  }
0x9e: {  	s22 =	simm.s32 $0x1BFF;
	s21 =	sshll.u32 s9, $0x1;
	s6 =	sadd.s32 s7, s19  }
0x9f: {  	s10 =	simm.s32 $0x0;
	s20 =	sshll.u32 s8, $0x1;
	s8 =	sadd.s32 s21, s6  }
0xa0: {  	[timem:s10], [sflag:s22] =	dma.local [hbm:s8], s20  }
0xa1: {  	_ =	swait.ge [sflag:s22], s20  }
0xa2: {  	s7 =	ssub.s32 $0x0, s20;
	[sflag:s22] =	ssyncset.done $0x0  }
0xa3: {  	[sflag:s22] =	ssyncadd.s32 s7;
	_ =	sdelay $0x1  }
0xa4: {  	s23 =	simm.s32 $0x1B8B  }
0xa5: {  	_ =	swait.ge [sflag:s23], $0x1  }
0xa6: {  	[sflag:s23] =	ssyncset.done $0x0  }
0xa7: {  	s25 =	simm.s32 $0x1B8E;
	s24 =	sld [smem:$0x3FFE];
	[sflag:s23] =	ssyncadd.s32 $0xFFFFFFFF  }
0xa8: {  	s26 =	simm.s32 $execute0_lowered;
	[smem:$0x3FD2] =	sst s25  }
0xa9: {  	s8 =	sshll.u32 s26, $0x1;
	_ =	strace $0x80000046;
	[dreg:$0x1] =	wrdreg $0xFFFFFFFF  }
0xaa: {  	s28 =	simm.s32 $_size_execute0_lowered;
	s6 =	sadd.s32 s6, s8;
	[dreg:$0x0] =	wrdreg $0x0  }
0xab: {  	s8 =	sshll.u32 s28, $0x1;
	[dreg:$0x2] =	wrdreg s6  }
0xac: {  	[dreg:$0x3] =	wrdreg s8  }
0xad: {  	[dreg:$0x4] =	wrdreg $0xC0  }
0xae: {  	_ =	task [dreg:s10], $0x5FFFF  }
0xaf: {  	[dreg:$0x1] =	wrdreg $0xFFFFFFFF  }
0xb0: {  	[dreg:$0x0] =	wrdreg $0x60  }
0xb1: {  	[dreg:$0x2] =	wrdreg s2  }
0xb2: {  	[dreg:$0x3] =	wrdreg s24  }
0xb3: {  	[dreg:$0x4] =	wrdreg s18  }
0xb4: {  	[dreg:$0x5] =	wrdreg s4  }
0xb5: {  	[dreg:$0x6] =	wrdreg s5  }
0xb6: {  	[dreg:$0x7] =	wrdreg $0x9  }
0xb7: {  	_ =	task.clear_ibuf [dreg:s10], $0x8FFFF;
	_ =	strace $0x90000046  }
0xb8: {  	s29 =	simm.s32 $0x9;
	_ =	strace $0x80000048  }
0xb9: {  	_ =	swait.ge [sflag:s29], $0x1  }
0xba: {  	[sflag:s29] =	ssyncadd.s32 $0xFFFFFFFF  }
0xbb: {  	_ =	strace $0x90000048  }
0xbc: {  	_ =	sfence  }
0xbd: {  	s30 =	sld [smem:$0x0];
	_ =	sdelay $0x2  }
0xbe: {  	s31 =	sshll.u32 s1, $0xD;
	s1 =	sshrl.u32 s1, $0x2  }
0xbf: {  	s3 =	sand.u32 $0x4000, s31;
	s1 =	sadd.s32 s1, s30  }
0xc0: {  	s0 =	sor.u32 s3, s0;
	s1 =	sshll.u32 s1, $0x11  }
0xc1: {  	s0 =	sor.u32 s1, s0  }
0xc2: {  	s0 =	sadd.s32 $0x8F2B, s0  }
0xc3: {  	[sflag:s0] =	ssyncadd.remote.s32 $0x1  }
0xc4: {  	_ =	sfence.sel $0xFFFF  }
0xc5: {  	[dreg:$0x0] =	wrdreg $0xFFFFFFFF;
	(pc) =	sbr.abs _section_cstart, $3  }
0xc6: {  	[dreg:$0x1] =	wrdreg $0xFFFFFFFF  }
0xc7: {  	_ =	task.clear_ibuf [dreg:s10], $0x2FFFF;
	_ =	strace $0x9FFFFFFF  }
0xc8: {  	(tm) =	ssettm $0x7FFFFFFF  }
0xc9: {  	_ =	shalt  }
tec
execute0_lowered:
.L_overlay_start_1:
0x0: {  	(tag) =	ssettag $0x1  }
0x1: {  	s1 =	rddreg [dreg:$0x0]  }
0x2: {  	s0 =	rddreg [dreg:$0x1]  }
0x3: {  	s3 =	srdreg.scid;
	s4 =	stileid.u32  }
0x4: {  	s2 =	rddreg [dreg:$0x2];
	s7 =	simm.s32 $0x0;
	s28 =	simm.s32 $0x10800  }
0x5: {  	s29 =	simm.s32 $0x11000;
	s30 =	simm.s32 $0x11800;
	s31 =	simm.s32 $0x12000  }
0x6: {  	s15 =	simm.s32 $0x16000;
	s5 =	sshll.u32 s4, $0x1;
	s4 =	rddreg [dreg:$0x3]  }
0x7: {  	s18 =	simm.s32 $0x0;
	s3 =	sand.u32 $0x1, s3;
	[smem:$0x7FF] =	sst s7  }
0x8: {  	s11 =	sadd.s32 $0x100, s2;
	s12 =	sadd.s32 $0x200, s2;
	s8 =	sor.u32 s3, s5  }
0x9: {  	s5 =	rddreg [dreg:$0x4];
	s3 =	ssub.s32 $0x2, s3;
	_ =	strace $0x80000047  }
0xa: {  	s13 =	sadd.s32 $0x100, s4;
	s6 =	smul.u32 $0xC0, s8;
	s8 =	sshll.u32 s8, $0x8  }
0xb: {  	s14 =	sadd.s32 $0x200, s4;
	s10 =	sshrl.u32 s3, $0x1;
	s0 =	sadd.s32 s8, s0  }
0xc: {  	s3 =	ssub.s32 s3, s10;
	s9 =	sshrl.u32 s6, $0x3;
	s8 =	sadd.s32 $0xC00, s0  }
0xd: {  	s0 =	sadd.s32 $0x2C00, s0;
	s9 =	smul.u32 $0x300, s9;
	[dreg:$0x6] =	wrdreg s8  }
.Ltmp0:
0xe: {  	v2 =	vlaneseq.u32;
	s26 =	smax.u32 s3, $0x1;
	[dreg:$0x7] =	wrdreg s0;
	(pc) =	sbr.rel .LBB2_1-.Ltmp0, $4  }
0xf: {  	v0 =	vand.u32 $0x7, v2;
	v1 =	vshrl.u32 v2, $0x3;
	s16 =	sor.u32 $0x10, s6;
	s3 =	simm.s32 $0x12800;
	[dreg:$0xa] =	wrdreg s26  }
0x10: {  	v63 =	vor.u32 $0x8, v2;
	[tilespmem:$0x1FFD0] =	vst v0;
	v62 =	vmul.u32 $0x8, v1;
	s26 =	simm.s32 $0x10000;
	s8 =	simm.s32 $0x13000;
	s25 =	sadd.s32 s1, s9  }
0x11: {  	[tilespmem:$0x1FFF0] =	vst v63;
	s9 =	simm.s32 $0x2;
	[dreg:$0x8] =	wrdreg s25;
	s0 =	sadd.s32 $0x600, s25  }
0x12: {  	vm0 =	vmmov $0xffff;
	[tilespmem:$0x1FFE0] =	vst v62;
	s25 =	simm.s32 $0xC800;
	[dreg:$0x9] =	wrdreg s0;
	s0 =	simm.s32 $0x1  }
.LBB2_8:
0x13: {  	s10 =	simm.s32 $0x3  }
0x14: {  	_ =	swait.ge [sflag:s10], $0x3000  }
0x15: {  	[sflag:s10] =	ssyncset.done $0x0  }
0x16: {  	s17 =	simm.s32 $0x4;
	[sflag:s10] =	ssyncadd.s32 $0xFFFFD000  }
0x17: {  	_ =	swait.ge [sflag:s17], $0x3000  }
0x18: {  	s18 =	rddreg [dreg:$0xb]  }
0x19: {  	s24 =	rddreg [dreg:$0xa];
	s18 =	sadd.s32 $0x1, s18  }
0x1a: {  	p0 =	sne.s32 s18, s24  }
.Ltmp1:
0x1b: {  	_ = 	snop;
	(pc) =	sbr.rel @!p0 .LBB2_9-.Ltmp1, $3  }
0x1c: {  	_ =	sdelay $0x1  }
0x1d: {  	[sflag:s17] =	ssyncset.done $0x0  }
0x1e: {  	[sflag:s17] =	ssyncadd.s32 $0xFFFFD000  }
.LBB2_1:
0x1f: {  	[dreg:$0xb] =	wrdreg s18  }
0x20: {  	s10 =	rddreg [dreg:$0x6];
	s17 =	simm.s32 $0x5  }
0x21: {  	[tilespmem:s7], [sflag:$0x5] =	stream.linear.gather [hbm4b:s10+s7], $0x600, $0x38;
	[tilespmem:$0x19000] =	vst v63  }
0x22: {  	_ =	swait.ge [sflag:s17], $0x600  }
0x23: {  	[sflag:s17] =	ssyncset.done $0x0  }
0x24: {  	s19 =	simm.s32 $0x800;
	s18 =	rddreg [dreg:$0x7];
	[sflag:s17] =	ssyncadd.s32 $0xFFFFFA00  }
0x25: {  	[tilespmem:s19], [sflag:$0x5] =	stream.linear.gather [hbm4b:s18+s7], $0x600, $0x38;
	[tilespmem:$0x19000] =	vst v63  }
0x26: {  	_ =	swait.ge [sflag:s17], $0x600  }
0x27: {  	[sflag:s17] =	ssyncset.done $0x0  }
0x28: {  	s21 =	simm.s32 $0x1000;
	s20 =	rddreg [dreg:$0x8];
	[sflag:s17] =	ssyncadd.s32 $0xFFFFFA00  }
0x29: {  	[tilespmem:s21], [sflag:$0x1] =	stream.linear.gather [hbm4b:s20+s7], $0x3000, $0x38;
	[tilespmem:$0x19000] =	vst v63  }
0x2a: {  	v3 =	vld [tilespmem:$0x0];
	_ =	sdelay $0x3  }
0x2b: {  	v0 =	vld [tilespmem:$0x1FFD0]  }
0x2c: {  	v4 =	vshrl.u32 v3, $0x3  }
0x2d: {  	v1 =	vld [tilespmem:$0x1FFE0];
	v4 =	vmul.u32 $0x30, v4  }
0x2e: {  	v3 =	vand.u32 $0x7, v3  }
0x2f: {  	v3 =	vor.u32 v3, v4  }
0x30: {  	v4 =	vperm.xlane v3, v0  }
0x31: {  	v2 =	vld [tilespmem:$0x1FFF0]  }
0x32: {  	v4 =	vadd.s32 v1, v4;
	_ =	sdelay $0x3  }
0x33: {  	s22 =	simm.s32 $0x7000;
	v3 =	vperm.xlane v3, v2  }
0x34: {  	[tilespmem:s22], [sflag:$0x1] =	stream.indirect_vreg.gather [hbm4b:s2+s7], $0x80, v4, vm0, $0xb8;
	[tilespmem:$0x19000] =	vst v63  }
0x35: {  	s23 =	simm.s32 $0x7800;
	v3 =	vadd.s32 v1, v3  }
0x36: {  	[tilespmem:s23], [sflag:$0x1] =	stream.indirect_vreg.gather [hbm4b:s11+s7], $0x80, v4, vm0, $0xb8;
	[tilespmem:$0x19000] =	vst v63  }
0x37: {  	s24 =	simm.s32 $0x8000  }
0x38: {  	[tilespmem:s24], [sflag:$0x1] =	stream.indirect_vreg.gather [hbm4b:s12+s7], $0x80, v4, vm0, $0xb8;
	[tilespmem:$0x19000] =	vst v63  }
0x39: {  	s17 =	simm.s32 $0x8800  }
0x3a: {  	[tilespmem:s17], [sflag:$0x1] =	stream.indirect_vreg.gather [hbm4b:s2+s7], $0x80, v3, vm0, $0xb8;
	[tilespmem:$0x19000] =	vst v63  }
0x3b: {  	s18 =	simm.s32 $0x9000  }
0x3c: {  	[tilespmem:s18], [sflag:$0x1] =	stream.indirect_vreg.gather [hbm4b:s11+s7], $0x80, v3, vm0, $0xb8;
	[tilespmem:$0x19000] =	vst v63  }
0x3d: {  	s19 =	simm.s32 $0x9800  }
0x3e: {  	[tilespmem:s19], [sflag:$0x1] =	stream.indirect_vreg.gather [hbm4b:s12+s7], $0x80, v3, vm0, $0xb8;
	[tilespmem:$0x19000] =	vst v63  }
0x3f: {  	v3 =	vld [tilespmem:$0x800];
	_ =	sdelay $0x4  }
0x40: {  	v61 =	vshrl.u32 v3, $0x3  }
0x41: {  	v4 =	vmul.u32 $0x30, v61  }
0x42: {  	v3 =	vand.u32 $0x7, v3  }
0x43: {  	v3 =	vor.u32 v3, v4  }
0x44: {  	v4 =	vperm.xlane v3, v0;
	_ =	sdelay $0x1  }
0x45: {  	v4 =	vadd.s32 v1, v4;
	_ =	sdelay $0x3  }
0x46: {  	s20 =	simm.s32 $0xD000;
	v3 =	vperm.xlane v3, v2  }
0x47: {  	[tilespmem:s20], [sflag:$0x1] =	stream.indirect_vreg.gather [hbm4b:s4+s7], $0x80, v4, vm0, $0xb8;
	[tilespmem:$0x19000] =	vst v63  }
0x48: {  	s21 =	simm.s32 $0xD800;
	v3 =	vadd.s32 v1, v3  }
0x49: {  	[tilespmem:s21], [sflag:$0x1] =	stream.indirect_vreg.gather [hbm4b:s13+s7], $0x80, v4, vm0, $0xb8;
	[tilespmem:$0x19000] =	vst v63  }
0x4a: {  	s22 =	simm.s32 $0xE000  }
0x4b: {  	[tilespmem:s22], [sflag:$0x1] =	stream.indirect_vreg.gather [hbm4b:s14+s7], $0x80, v4, vm0, $0xb8;
	[tilespmem:$0x19000] =	vst v63  }
0x4c: {  	s23 =	simm.s32 $0xE800  }
0x4d: {  	[tilespmem:s23], [sflag:$0x1] =	stream.indirect_vreg.gather [hbm4b:s4+s7], $0x80, v3, vm0, $0xb8;
	[tilespmem:$0x19000] =	vst v63  }
0x4e: {  	s24 =	simm.s32 $0xF000  }
0x4f: {  	[tilespmem:s24], [sflag:$0x1] =	stream.indirect_vreg.gather [hbm4b:s13+s7], $0x80, v3, vm0, $0xb8;
	[tilespmem:$0x19000] =	vst v63  }
0x50: {  	s17 =	simm.s32 $0xF800  }
0x51: {  	[tilespmem:s17], [sflag:$0x1] =	stream.indirect_vreg.gather [hbm4b:s14+s7], $0x80, v3, vm0, $0xb8;
	[tilespmem:$0x19000] =	vst v63  }
0x52: {  	s18 =	rddreg [dreg:$0x9];
	s19 =	simm.s32 $0x4000  }
0x53: {  	[tilespmem:s19], [sflag:$0x2] =	stream.linear.gather [hbm4b:s18+s7], $0x3000, $0x38;
	[tilespmem:$0x19000] =	vst v63  }
0x54: {  	v3 =	vld [tilespmem:$0x80];
	_ =	sdelay $0x4  }
0x55: {  	v62 =	vshrl.u32 v3, $0x3  }
0x56: {  	v4 =	vmul.u32 $0x30, v62  }
0x57: {  	v3 =	vand.u32 $0x7, v3  }
0x58: {  	v3 =	vor.u32 v3, v4  }
0x59: {  	v4 =	vperm.xlane v3, v0;
	_ =	sdelay $0x1  }
0x5a: {  	v4 =	vadd.s32 v1, v4;
	_ =	sdelay $0x3  }
0x5b: {  	s20 =	simm.s32 $0xA000;
	v3 =	vperm.xlane v3, v2  }
0x5c: {  	[tilespmem:s20], [sflag:$0x2] =	stream.indirect_vreg.gather [hbm4b:s2+s7], $0x80, v4, vm0, $0xb8;
	[tilespmem:$0x19000] =	vst v63  }
0x5d: {  	s21 =	simm.s32 $0xA800;
	v3 =	vadd.s32 v1, v3  }
0x5e: {  	[tilespmem:s21], [sflag:$0x2] =	stream.indirect_vreg.gather [hbm4b:s11+s7], $0x80, v4, vm0, $0xb8;
	[tilespmem:$0x19000] =	vst v63  }
0x5f: {  	s22 =	simm.s32 $0xB000  }
0x60: {  	[tilespmem:s22], [sflag:$0x2] =	stream.indirect_vreg.gather [hbm4b:s12+s7], $0x80, v4, vm0, $0xb8;
	[tilespmem:$0x19000] =	vst v63  }
0x61: {  	s23 =	simm.s32 $0xB800  }
0x62: {  	[tilespmem:s23], [sflag:$0x2] =	stream.indirect_vreg.gather [hbm4b:s2+s7], $0x80, v3, vm0, $0xb8;
	[tilespmem:$0x19000] =	vst v63  }
0x63: {  	s24 =	simm.s32 $0xC000  }
0x64: {  	[tilespmem:s24], [sflag:$0x2] =	stream.indirect_vreg.gather [hbm4b:s11+s7], $0x80, v3, vm0, $0xb8;
	[tilespmem:$0x19000] =	vst v63  }
0x65: {  	_ = 	snop  }
0x66: {  	[tilespmem:s25], [sflag:$0x2] =	stream.indirect_vreg.gather [hbm4b:s12+s7], $0x80, v3, vm0, $0xb8;
	[tilespmem:$0x19000] =	vst v63  }
0x67: {  	v3 =	vld [tilespmem:$0x880];
	_ =	sdelay $0x4  }
0x68: {  	v63 =	vshrl.u32 v3, $0x3  }
0x69: {  	v4 =	vmul.u32 $0x30, v63  }
0x6a: {  	v3 =	vand.u32 $0x7, v3  }
0x6b: {  	v3 =	vor.u32 v3, v4  }
0x6c: {  	v4 =	vperm.xlane v3, v0;
	_ =	sdelay $0x1  }
0x6d: {  	v4 =	vadd.s32 v1, v4;
	_ =	sdelay $0x3  }
0x6e: {  	v3 =	vperm.xlane v3, v2  }
0x6f: {  	[tilespmem:s26], [sflag:$0x2] =	stream.indirect_vreg.gather [hbm4b:s4+s7], $0x80, v4, vm0, $0xb8;
	[tilespmem:$0x19000] =	vst v63  }
0x70: {  	v3 =	vadd.s32 v1, v3  }
0x71: {  	[tilespmem:s28], [sflag:$0x2] =	stream.indirect_vreg.gather [hbm4b:s13+s7], $0x80, v4, vm0, $0xb8;
	[tilespmem:$0x19000] =	vst v63  }
0x72: {  	_ = 	snop  }
0x73: {  	[tilespmem:s29], [sflag:$0x2] =	stream.indirect_vreg.gather [hbm4b:s14+s7], $0x80, v4, vm0, $0xb8;
	[tilespmem:$0x19000] =	vst v63  }
0x74: {  	_ = 	snop  }
0x75: {  	[tilespmem:s30], [sflag:$0x2] =	stream.indirect_vreg.gather [hbm4b:s4+s7], $0x80, v3, vm0, $0xb8;
	[tilespmem:$0x19000] =	vst v63  }
0x76: {  	_ = 	snop  }
0x77: {  	[tilespmem:s31], [sflag:$0x2] =	stream.indirect_vreg.gather [hbm4b:s13+s7], $0x80, v3, vm0, $0xb8;
	[tilespmem:$0x19000] =	vst v63  }
0x78: {  	s10 =	simm.s32 $0x0  }
0x79: {  	[tilespmem:s3], [sflag:$0x2] =	stream.indirect_vreg.gather [hbm4b:s14+s7], $0x80, v3, vm0, $0xb8;
	[tilespmem:$0x19000] =	vst v63  }
.LBB2_2:
0x7a: {  	_ =	swait.ge [sflag:s0], $0x3000  }
0x7b: {  	[sflag:s0] =	ssyncset.done $0x0  }
0x7c: {  	[sflag:s0] =	ssyncadd.s32 $0xFFFFD000  }
0x7d: {  	_ =	swait.ge [sflag:s0], $0x3000  }
0x7e: {  	[sflag:s0] =	ssyncset.done $0x0  }
0x7f: {  	[sflag:s0] =	ssyncadd.s32 $0xFFFFD000  }
0x80: {  	_ =	swait.ge [sflag:s0], $0x3000  }
0x81: {  	p0 =	seq.s32 s10, $0x0;
	[sflag:s0] =	ssyncset.done $0x0  }
0x82: {  	s18 =	simm.s32 $0x0;
	s17 =	simm.s32 @!p0 $0x3;
	[sflag:s0] =	ssyncadd.s32 $0xFFFFD000  }
0x83: {  	s19 =	simm.s32 $0x0;
	s18 =	smul.u32 $0x1800, s18;
	_ =	swait.ge @!p0 [sflag:s17], $0x3000  }
0x84: {  	s19 =	sand.u32 $0x380, s19;
	[sflag:s17] =	ssyncset.done @!p0 $0x0  }
0x85: {  	s20 =	sor.u32 s19, s18;
	[sflag:s17] =	ssyncadd.s32 @!p0 $0xFFFFD000  }
0x86: {  	v0 =	vld [tilespmem:s20+$0x1C60];
	_ =	sdelay $0x4  }
0x87: {  	[tilespmem:$0x1FDB0] =	vst v0;
	v0 =	vld [tilespmem:s20+$0x7C60];
	_ =	sdelay $0x4  }
0x88: {  	[tilespmem:$0x1FDC0] =	vst v0;
	v0 =	vld [tilespmem:s20+$0x1C70];
	_ =	sdelay $0x4  }
0x89: {  	[tilespmem:$0x1FDD0] =	vst v0;
	v0 =	vld [tilespmem:s20+$0x7C70];
	_ =	sdelay $0x4  }
0x8a: {  	[tilespmem:$0x1FDE0] =	vst v0;
	v0 =	vld [tilespmem:s20+$0x2000];
	_ =	sdelay $0x4  }
0x8b: {  	[tilespmem:$0x1FDF0] =	vst v0;
	v0 =	vld [tilespmem:s20+$0x8000];
	_ =	sdelay $0x4  }
0x8c: {  	[tilespmem:$0x1FE00] =	vst v0;
	v0 =	vld [tilespmem:s20+$0x2010];
	_ =	sdelay $0x4  }
0x8d: {  	[tilespmem:$0x1FE10] =	vst v0;
	v0 =	vld [tilespmem:s20+$0x8010];
	_ =	sdelay $0x4  }
0x8e: {  	[tilespmem:$0x1FE20] =	vst v0;
	v0 =	vld [tilespmem:s20+$0x2020];
	_ =	sdelay $0x4  }
0x8f: {  	[tilespmem:$0x1FE30] =	vst v0;
	v0 =	vld [tilespmem:s20+$0x8020];
	_ =	sdelay $0x4  }
0x90: {  	[tilespmem:$0x1FE40] =	vst v0;
	v0 =	vld [tilespmem:s20+$0x2030];
	_ =	sdelay $0x4  }
0x91: {  	[tilespmem:$0x1FE50] =	vst v0;
	v0 =	vld [tilespmem:s20+$0x8030];
	_ =	sdelay $0x4  }
0x92: {  	[tilespmem:$0x1FE60] =	vst v0;
	v0 =	vld [tilespmem:s20+$0x2040];
	_ =	sdelay $0x4  }
0x93: {  	[tilespmem:$0x1FE70] =	vst v0;
	v0 =	vld [tilespmem:s20+$0x8040];
	_ =	sdelay $0x4  }
0x94: {  	[tilespmem:$0x1FE80] =	vst v0;
	v0 =	vld [tilespmem:s20+$0x2050];
	_ =	sdelay $0x4  }
0x95: {  	[tilespmem:$0x1FE90] =	vst v0;
	v0 =	vld [tilespmem:s20+$0x8050];
	_ =	sdelay $0x4  }
0x96: {  	[tilespmem:$0x1FEA0] =	vst v0;
	v0 =	vld [tilespmem:s20+$0x2060];
	_ =	sdelay $0x4  }
0x97: {  	[tilespmem:$0x1FEB0] =	vst v0;
	v0 =	vld [tilespmem:s20+$0x8060];
	_ =	sdelay $0x4  }
0x98: {  	[tilespmem:$0x1FEC0] =	vst v0;
	v0 =	vld [tilespmem:s20+$0x2070];
	_ =	sdelay $0x3  }
0x99: {  	v3 =	vld [tilespmem:s20+$0x2470]  }
0x9a: {  	[tilespmem:$0x1FED0] =	vst v0;
	v0 =	vld [tilespmem:s20+$0x8070]  }
0x9b: {  	v4 =	vld [tilespmem:s20+$0x8470]  }
0x9c: {  	v63 =	vld [tilespmem:s20+$0x1000]  }
0x9d: {  	v5 =	vld [tilespmem:s20+$0xE470]  }
0x9e: {  	v6 =	vld [tilespmem:s20+$0x7000]  }
0x9f: {  	[tilespmem:$0x1FEE0] =	vst v0;
	v0 =	vld [tilespmem:s20+$0x2400]  }
0xa0: {  	v8 =	vld [tilespmem:s20+$0x1010]  }
0xa1: {  	v7 =	vld [tilespmem:s20+$0x7010]  }
0xa2: {  	v9 =	vld [tilespmem:s20+$0x1020]  }
0xa3: {  	v10 =	vld [tilespmem:s20+$0x1030]  }
0xa4: {  	[tilespmem:$0x1FEF0] =	vst v0;
	v0 =	vld [tilespmem:s20+$0x8400]  }
0xa5: {  	v12 =	vld [tilespmem:s20+$0x1040]  }
0xa6: {  	v11 =	vld [tilespmem:s20+$0x7040]  }
0xa7: {  	v14 =	vld [tilespmem:s20+$0x1050]  }
0xa8: {  	v13 =	vld [tilespmem:s20+$0x7050]  }
0xa9: {  	[tilespmem:$0x1FF00] =	vst v0;
	v0 =	vld [tilespmem:s20+$0x2410]  }
0xaa: {  	v16 =	vld [tilespmem:s20+$0x1060]  }
0xab: {  	v15 =	vld [tilespmem:s20+$0x7060]  }
0xac: {  	v18 =	vld [tilespmem:s20+$0x1070]  }
0xad: {  	v17 =	vld [tilespmem:s20+$0x7070]  }
0xae: {  	[tilespmem:$0x1FF10] =	vst v0;
	v0 =	vld [tilespmem:s20+$0x8410]  }
0xaf: {  	v20 =	vld [tilespmem:s20+$0x1400]  }
0xb0: {  	v19 =	vld [tilespmem:s20+$0x7400]  }
0xb1: {  	v22 =	vld [tilespmem:s20+$0x1410]  }
0xb2: {  	v21 =	vld [tilespmem:s20+$0x7410]  }
0xb3: {  	[tilespmem:$0x1FF20] =	vst v0;
	v0 =	vld [tilespmem:s20+$0x2420]  }
0xb4: {  	v24 =	vld [tilespmem:s20+$0x1420]  }
0xb5: {  	v23 =	vld [tilespmem:s20+$0x7420]  }
0xb6: {  	v26 =	vld [tilespmem:s20+$0x1430]  }
0xb7: {  	v25 =	vld [tilespmem:s20+$0x7430]  }
0xb8: {  	[tilespmem:$0x1FF30] =	vst v0;
	v0 =	vld [tilespmem:s20+$0x8420]  }
0xb9: {  	v28 =	vld [tilespmem:s20+$0x1440]  }
0xba: {  	v27 =	vld [tilespmem:s20+$0x7440]  }
0xbb: {  	v30 =	vld [tilespmem:s20+$0x1450]  }
0xbc: {  	v29 =	vld [tilespmem:s20+$0x7450]  }
0xbd: {  	[tilespmem:$0x1FF40] =	vst v0;
	v0 =	vld [tilespmem:s20+$0x2430]  }
0xbe: {  	v32 =	vld [tilespmem:s20+$0x1460]  }
0xbf: {  	v31 =	vld [tilespmem:s20+$0x7460]  }
0xc0: {  	v34 =	vld [tilespmem:s20+$0x1470]  }
0xc1: {  	v33 =	vld [tilespmem:s20+$0x7470]  }
0xc2: {  	[tilespmem:$0x1FF50] =	vst v0;
	v0 =	vld [tilespmem:s20+$0x8430]  }
0xc3: {  	v36 =	vld [tilespmem:s20+$0x1800]  }
0xc4: {  	v35 =	vld [tilespmem:s20+$0x7800]  }
0xc5: {  	v61 =	vld [tilespmem:s20+$0x1810]  }
0xc6: {  	v62 =	vld [tilespmem:s20+$0x7810]  }
0xc7: {  	[tilespmem:$0x1FF60] =	vst v0;
	v0 =	vld [tilespmem:s20+$0x2440]  }
0xc8: {  	v59 =	vld [tilespmem:s20+$0x1820]  }
0xc9: {  	v60 =	vld [tilespmem:s20+$0x7820]  }
0xca: {  	v57 =	vld [tilespmem:s20+$0x1830]  }
0xcb: {  	v58 =	vld [tilespmem:s20+$0x7830]  }
0xcc: {  	[tilespmem:$0x1FF70] =	vst v0;
	v0 =	vld [tilespmem:s20+$0x8440]  }
0xcd: {  	v55 =	vld [tilespmem:s20+$0x1840]  }
0xce: {  	v56 =	vld [tilespmem:s20+$0x7840]  }
0xcf: {  	v53 =	vld [tilespmem:s20+$0x1850]  }
0xd0: {  	v54 =	vld [tilespmem:s20+$0x7850]  }
0xd1: {  	[tilespmem:$0x1FF80] =	vst v0;
	v0 =	vld [tilespmem:s20+$0x2450]  }
0xd2: {  	v51 =	vld [tilespmem:s20+$0x1860]  }
0xd3: {  	v52 =	vld [tilespmem:s20+$0x7860]  }
0xd4: {  	v49 =	vld [tilespmem:s20+$0x1870]  }
0xd5: {  	v50 =	vld [tilespmem:s20+$0x7870]  }
0xd6: {  	[tilespmem:$0x1FF90] =	vst v0;
	v0 =	vld [tilespmem:s20+$0x8450]  }
0xd7: {  	v47 =	vld [tilespmem:s20+$0x1C00]  }
0xd8: {  	v48 =	vld [tilespmem:s20+$0x7C00]  }
0xd9: {  	v45 =	vld [tilespmem:s20+$0x1C10]  }
0xda: {  	v46 =	vld [tilespmem:s20+$0x7C10]  }
0xdb: {  	[tilespmem:$0x1FFA0] =	vst v0;
	v0 =	vld [tilespmem:s20+$0x2460]  }
0xdc: {  	v43 =	vld [tilespmem:s20+$0x1C20]  }
0xdd: {  	v44 =	vld [tilespmem:s20+$0x7C20]  }
0xde: {  	v41 =	vld [tilespmem:s20+$0x1C30]  }
0xdf: {  	v42 =	vld [tilespmem:s20+$0x7C30]  }
0xe0: {  	[tilespmem:$0x1FFB0] =	vst v0;
	v0 =	vld [tilespmem:s20+$0x8460]  }
0xe1: {  	v39 =	vld [tilespmem:s20+$0x1C40]  }
0xe2: {  	v1 =	vld [tilespmem:s20+$0xD010];
	v3 =	vadd.f32 v4, v3  }
0xe3: {  	v4 =	vld [tilespmem:s20+$0x7020]  }
0xe4: {  	v3 =	vadd.f32 v5, v3;
	v5 =	vld [tilespmem:s20+$0x7030]  }
0xe5: {  	[tilespmem:$0x1FFC0] =	vst v0;
	v0 =	vld [tilespmem:s20+$0xD000]  }
0xe6: {  	v2 =	vld [tilespmem:s20+$0xD020]  }
0xe7: {  	v6 =	vadd.f32 v6, v63;
	v63 =	vld [tilespmem:s20+$0xD030];
	v7 =	vadd.f32 v7, v8  }
0xe8: {  	v40 =	vld [tilespmem:s20+$0x7C40]  }
0xe9: {  	v1 =	vadd.f32 v1, v7;
	[tilespmem:s20+$0x14470] =	vst v3;
	v3 =	vld [tilespmem:s20+$0xD040];
	v4 =	vadd.f32 v4, v9  }
0xea: {  	v5 =	vadd.f32 v5, v10;
	v0 =	vadd.f32 v0, v6;
	v6 =	vld [tilespmem:s20+$0xD050]  }
0xeb: {  	v8 =	vld [tilespmem:s20+$0xD060];
	[tilespmem:s20+$0x13010] =	vst v1;
	v2 =	vadd.f32 v2, v4  }
0xec: {  	v4 =	vadd.f32 v11, v12;
	v5 =	vadd.f32 v63, v5;
	[tilespmem:s20+$0x13000] =	vst v0;
	v0 =	vld [tilespmem:s20+$0xD070]  }
0xed: {  	v7 =	vadd.f32 v13, v14;
	v1 =	vld [tilespmem:s20+$0xD400];
	[tilespmem:s20+$0x13020] =	vst v2  }
0xee: {  	v2 =	vld [tilespmem:s20+$0xD410];
	v3 =	vadd.f32 v3, v4;
	[tilespmem:s20+$0x13030] =	vst v5;
	v5 =	vadd.f32 v15, v16  }
0xef: {  	v4 =	vld [tilespmem:s20+$0xD420];
	v6 =	vadd.f32 v6, v7;
	v7 =	vadd.f32 v17, v18  }
0xf0: {  	[tilespmem:s20+$0x13040] =	vst v3;
	v3 =	vld [tilespmem:s20+$0xD430];
	v5 =	vadd.f32 v8, v5;
	v8 =	vadd.f32 v19, v20  }
0xf1: {  	[tilespmem:s20+$0x13050] =	vst v6;
	v6 =	vld [tilespmem:s20+$0xD440];
	v0 =	vadd.f32 v0, v7;
	v7 =	vadd.f32 v21, v22  }
0xf2: {  	[tilespmem:s20+$0x13060] =	vst v5;
	v5 =	vld [tilespmem:s20+$0xD450];
	v1 =	vadd.f32 v1, v8;
	v8 =	vadd.f32 v23, v24  }
0xf3: {  	[tilespmem:s20+$0x13070] =	vst v0;
	v0 =	vld [tilespmem:s20+$0xD460];
	v2 =	vadd.f32 v2, v7;
	v7 =	vadd.f32 v25, v26  }
0xf4: {  	[tilespmem:s20+$0x13400] =	vst v1;
	v1 =	vld [tilespmem:s20+$0xD470];
	v4 =	vadd.f32 v4, v8;
	v8 =	vadd.f32 v27, v28  }
0xf5: {  	[tilespmem:s20+$0x13410] =	vst v2;
	v2 =	vld [tilespmem:s20+$0xD800];
	v3 =	vadd.f32 v3, v7;
	v7 =	vadd.f32 v29, v30  }
0xf6: {  	[tilespmem:s20+$0x13420] =	vst v4;
	v4 =	vld [tilespmem:s20+$0xD810];
	v6 =	vadd.f32 v6, v8;
	v8 =	vadd.f32 v31, v32  }
0xf7: {  	[tilespmem:s20+$0x13430] =	vst v3;
	v3 =	vld [tilespmem:s20+$0xD820];
	v5 =	vadd.f32 v5, v7;
	v7 =	vadd.f32 v33, v34  }
0xf8: {  	[tilespmem:s20+$0x13440] =	vst v6;
	v6 =	vld [tilespmem:s20+$0xD830];
	v0 =	vadd.f32 v0, v8;
	v8 =	vadd.f32 v35, v36  }
0xf9: {  	[tilespmem:s20+$0x13450] =	vst v5;
	v5 =	vld [tilespmem:s20+$0xD840];
	v1 =	vadd.f32 v1, v7;
	v7 =	vadd.f32 v62, v61  }
0xfa: {  	[tilespmem:s20+$0x13460] =	vst v0;
	v0 =	vld [tilespmem:s20+$0xD850];
	v2 =	vadd.f32 v2, v8;
	v8 =	vadd.f32 v60, v59  }
0xfb: {  	[tilespmem:s20+$0x13470] =	vst v1;
	v1 =	vld [tilespmem:s20+$0xD860];
	v4 =	vadd.f32 v4, v7;
	v7 =	vadd.f32 v58, v57  }
0xfc: {  	v37 =	vld [tilespmem:s20+$0x1C50];
	v3 =	vadd.f32 v3, v8;
	v8 =	vadd.f32 v56, v55  }
0xfd: {  	[tilespmem:s20+$0x13810] =	vst v4;
	v4 =	vld [tilespmem:s20+$0xDC00];
	v6 =	vadd.f32 v6, v7;
	v7 =	vadd.f32 v54, v53  }
0xfe: {  	[tilespmem:s20+$0x13800] =	vst v2;
	v2 =	vld [tilespmem:s20+$0xD870];
	v5 =	vadd.f32 v5, v8;
	v8 =	vadd.f32 v52, v51  }
0xff: {  	[tilespmem:s20+$0x13830] =	vst v6;
	v6 =	vld [tilespmem:s20+$0xDC20];
	v0 =	vadd.f32 v0, v7  }
0x100: {  	[tilespmem:s20+$0x13820] =	vst v3;
	v3 =	vld [tilespmem:s20+$0xDC10];
	v1 =	vadd.f32 v1, v8;
	v8 =	vadd.f32 v48, v47  }
0x101: {  	v7 =	vadd.f32 v50, v49;
	[tilespmem:s20+$0x13850] =	vst v0;
	v0 =	vld [tilespmem:s20+$0xDC40]  }
0x102: {  	v38 =	vld [tilespmem:s20+$0x7C50];
	v4 =	vadd.f32 v4, v8;
	v8 =	vadd.f32 v44, v43  }
0x103: {  	[tilespmem:s20+$0x13840] =	vst v5;
	v5 =	vld [tilespmem:s20+$0xDC30];
	v2 =	vadd.f32 v2, v7;
	v7 =	vadd.f32 v46, v45  }
0x104: {  	v9 =	vld [tilespmem:$0x1FDC0];
	v6 =	vadd.f32 v6, v8;
	v8 =	vadd.f32 v40, v39  }
0x105: {  	[tilespmem:s20+$0x13860] =	vst v1;
	v1 =	vld [tilespmem:s20+$0xDC50];
	v3 =	vadd.f32 v3, v7  }
0x106: {  	v7 =	vadd.f32 v42, v41;
	v0 =	vadd.f32 v0, v8;
	v8 =	vld [tilespmem:$0x1FDB0];
	_ =	sdelay $0x1  }
0x107: {  	v5 =	vadd.f32 v5, v7;
	v7 =	vadd.f32 v38, v37  }
0x108: {  	[tilespmem:s20+$0x13870] =	vst v2;
	v2 =	vld [tilespmem:s20+$0xDC60]  }
0x109: {  	v1 =	vadd.f32 v1, v7;
	v7 =	vld [tilespmem:$0x1FDD0]  }
0x10a: {  	v8 =	vadd.f32 v9, v8;
	v9 =	vld [tilespmem:$0x1FDE0];
	_ =	sdelay $0x2  }
0x10b: {  	[tilespmem:s20+$0x13C00] =	vst v4;
	v4 =	vld [tilespmem:s20+$0xDC70]  }
0x10c: {  	v2 =	vadd.f32 v2, v8;
	v8 =	vld [tilespmem:$0x1FDF0]  }
0x10d: {  	v7 =	vadd.f32 v9, v7;
	v9 =	vld [tilespmem:$0x1FE00];
	_ =	sdelay $0x1  }
0x10e: {  	[tilespmem:s20+$0x13C10] =	vst v3;
	v3 =	vld [tilespmem:s20+$0xE000]  }
0x10f: {  	v4 =	vadd.f32 v4, v7  }
0x110: {  	v7 =	vld [tilespmem:$0x1FE10]  }
0x111: {  	[tilespmem:s20+$0x13C70] =	vst v4;
	v4 =	vld [tilespmem:$0x1FE30];
	v8 =	vadd.f32 v9, v8  }
0x112: {  	v9 =	vld [tilespmem:$0x1FE20]  }
0x113: {  	v3 =	vadd.f32 v3, v8;
	v8 =	vld [tilespmem:$0x1FE40]  }
0x114: {  	[tilespmem:s20+$0x13C20] =	vst v6;
	v6 =	vld [tilespmem:s20+$0xE010]  }
0x115: {  	[tilespmem:s20+$0x13C30] =	vst v5;
	v5 =	vld [tilespmem:s20+$0xE020];
	_ =	sdelay $0x1  }
0x116: {  	v7 =	vadd.f32 v9, v7  }
0x117: {  	v4 =	vadd.f32 v8, v4  }
0x118: {  	v6 =	vadd.f32 v6, v7  }
0x119: {  	v4 =	vadd.f32 v5, v4;
	v5 =	vld [tilespmem:$0x1FE70]  }
0x11a: {  	[tilespmem:s20+$0x14010] =	vst v6;
	v6 =	vld [tilespmem:$0x1FE80]  }
0x11b: {  	[tilespmem:s20+$0x13C40] =	vst v0;
	v0 =	vld [tilespmem:s20+$0xE030]  }
0x11c: {  	v7 =	vld [tilespmem:$0x1FE50]  }
0x11d: {  	v8 =	vld [tilespmem:$0x1FE60]  }
0x11e: {  	[tilespmem:s20+$0x14020] =	vst v4;
	v4 =	vld [tilespmem:$0x1FE90]  }
0x11f: {  	v5 =	vadd.f32 v6, v5;
	v6 =	vld [tilespmem:$0x1FEA0];
	_ =	sdelay $0x2  }
0x120: {  	v7 =	vadd.f32 v8, v7;
	_ =	sdelay $0x1  }
0x121: {  	v0 =	vadd.f32 v0, v7;
	v7 =	vadd.f32 v6, v4;
	v4 =	vld [tilespmem:$0x1FEB0]  }
0x122: {  	v6 =	vld [tilespmem:$0x1FEC0];
	_ =	sdelay $0x4  }
0x123: {  	v16 =	vadd.f32 v6, v4;
	v4 =	vld [tilespmem:$0x1FED0]  }
0x124: {  	v6 =	vld [tilespmem:$0x1FEE0];
	_ =	sdelay $0x3  }
0x125: {  	[tilespmem:s20+$0x14030] =	vst v0;
	v0 =	vld [tilespmem:$0x1FEF0]  }
0x126: {  	v17 =	vadd.f32 v6, v4;
	v4 =	vld [tilespmem:$0x1FF00];
	_ =	sdelay $0x4  }
0x127: {  	v13 =	vadd.f32 v4, v0;
	v0 =	vld [tilespmem:$0x1FF10]  }
0x128: {  	v4 =	vld [tilespmem:$0x1FF20];
	_ =	sdelay $0x2  }
0x129: {  	[tilespmem:s20+$0x13C50] =	vst v1;
	v1 =	vld [tilespmem:s20+$0xE040]  }
0x12a: {  	[tilespmem:s20+$0x13C60] =	vst v2;
	v2 =	vld [tilespmem:s20+$0xE050]  }
0x12b: {  	v6 =	vadd.f32 v4, v0;
	v0 =	vld [tilespmem:$0x1FF30]  }
0x12c: {  	v4 =	vld [tilespmem:$0x1FF40];
	_ =	sdelay $0x1  }
0x12d: {  	v1 =	vadd.f32 v1, v5;
	_ =	sdelay $0x1  }
0x12e: {  	[tilespmem:s20+$0x14040] =	vst v1;
	v1 =	vld [tilespmem:$0x1FF50]  }
0x12f: {  	v4 =	vadd.f32 v4, v0;
	v0 =	vadd.f32 v2, v7;
	v2 =	vld [tilespmem:$0x1FF60];
	_ =	sdelay $0x4  }
0x130: {  	v8 =	vadd.f32 v2, v1;
	v1 =	vld [tilespmem:$0x1FF70]  }
0x131: {  	v2 =	vld [tilespmem:$0x1FF80];
	_ =	sdelay $0x4  }
0x132: {  	v9 =	vadd.f32 v2, v1;
	v1 =	vld [tilespmem:$0x1FF90]  }
0x133: {  	v2 =	vld [tilespmem:$0x1FFA0];
	_ =	sdelay $0x2  }
0x134: {  	v10 =	vld [tilespmem:s20+$0xE060]  }
0x135: {  	[tilespmem:s20+$0x14000] =	vst v3;
	v3 =	vld [tilespmem:s20+$0xE070]  }
0x136: {  	v14 =	vadd.f32 v2, v1;
	v1 =	vld [tilespmem:$0x1FFB0]  }
0x137: {  	v2 =	vld [tilespmem:$0x1FFC0]  }
0x138: {  	v25 =	vld [tilespmem:s20+$0xE400]  }
0x139: {  	v12 =	vld [tilespmem:s20+$0xE410]  }
0x13a: {  	s21 =	simm.s32 $0x0;
	v15 =	vld [tilespmem:s20+$0xE420]  }
0x13b: {  	s22 =	simm.s32 $0x2;
	s23 =	smul.u32 $0x1800, s21;
	s17 =	sshll.u32 s10, $0x5;
	v5 =	vld [tilespmem:s20+$0xE430];
	v7 =	vadd.f32 v10, v16  }
0x13c: {  	s21 =	simm.s32 $0x80;
	s18 =	sshll.u32 s10, $0x1;
	s19 =	sadd.s32 s6, s17;
	v10 =	vadd.f32 v3, v17;
	v3 =	vld [tilespmem:s20+$0xE440];
	[tilespmem:s20+$0x14050] =	vst v0;
	v11 =	vadd.f32 v2, v1  }
.LBB2_3:
0x13d: {  	p1 =	sne.s32 s22, $0xF;
	s24 =	sand.u32 $0x380, s21;
	[tilespmem:s20+$0x14060] =	vst v7;
	v0 =	vadd.f32 v25, v13;
	v1 =	vld [tilespmem:s20+$0xE450]  }
0x13e: {  	s23 =	sor.u32 s24, s23;
	[tilespmem:s20+$0x14070] =	vst v10;
	v2 =	vadd.f32 v12, v6;
	v6 =	vld [tilespmem:s20+$0xE460]  }
0x13f: {  	v7 =	vld [tilespmem:s23+$0x2470];
	[tilespmem:s20+$0x14400] =	vst v0;
	v0 =	vadd.f32 v15, v4  }
0x140: {  	v4 =	vld [tilespmem:s23+$0x8470];
	[tilespmem:s20+$0x14410] =	vst v2;
	v2 =	vadd.f32 v5, v8  }
0x141: {  	v5 =	vld [tilespmem:s23+$0x1000];
	[tilespmem:s20+$0x14420] =	vst v0;
	v0 =	vadd.f32 v3, v9  }
0x142: {  	v3 =	vld [tilespmem:s23+$0xE470];
	[tilespmem:s20+$0x14430] =	vst v2;
	v1 =	vadd.f32 v1, v14  }
0x143: {  	v2 =	vld [tilespmem:s23+$0x7000];
	[tilespmem:s20+$0x14440] =	vst v0;
	v0 =	vadd.f32 v6, v11  }
0x144: {  	v6 =	vld [tilespmem:s23+$0x1010];
	[tilespmem:s20+$0x14450] =	vst v1  }
0x145: {  	v1 =	vld [tilespmem:s23+$0x7010];
	v4 =	vadd.f32 v4, v7;
	[tilespmem:s20+$0x14460] =	vst v0;
	s20 =	smov.u32 s23  }
0x146: {  	v0 =	vld [tilespmem:s20+$0x1020]  }
0x147: {  	v7 =	vld [tilespmem:s20+$0x7020];
	v4 =	vadd.f32 v3, v4  }
0x148: {  	v3 =	vadd.f32 v2, v5;
	v2 =	vld [tilespmem:s20+$0x1030]  }
0x149: {  	v8 =	vld [tilespmem:s20+$0x7030];
	[tilespmem:s20+$0x14470] =	vst v4  }
0x14a: {  	v5 =	vadd.f32 v1, v6;
	v1 =	vld [tilespmem:s20+$0x1040]  }
0x14b: {  	v4 =	vld [tilespmem:s20+$0x7040]  }
0x14c: {  	v7 =	vadd.f32 v7, v0;
	v0 =	vld [tilespmem:s20+$0x1050]  }
0x14d: {  	v6 =	vld [tilespmem:s20+$0x7050]  }
0x14e: {  	v10 =	vadd.f32 v8, v2;
	v2 =	vld [tilespmem:s20+$0x1060]  }
0x14f: {  	v8 =	vld [tilespmem:s20+$0x7060]  }
0x150: {  	v12 =	vadd.f32 v4, v1;
	v1 =	vld [tilespmem:s20+$0x1070]  }
0x151: {  	v4 =	vld [tilespmem:s20+$0x7070]  }
0x152: {  	v15 =	vadd.f32 v6, v0;
	v0 =	vld [tilespmem:s20+$0x1400]  }
0x153: {  	v6 =	vld [tilespmem:s20+$0x7400]  }
0x154: {  	v16 =	vadd.f32 v8, v2;
	v2 =	vld [tilespmem:s20+$0x1410]  }
0x155: {  	v8 =	vld [tilespmem:s20+$0x7410]  }
0x156: {  	v17 =	vadd.f32 v4, v1;
	v1 =	vld [tilespmem:s20+$0x1420]  }
0x157: {  	v4 =	vld [tilespmem:s20+$0x7420]  }
0x158: {  	v18 =	vadd.f32 v6, v0;
	v0 =	vld [tilespmem:s20+$0x1430]  }
0x159: {  	v6 =	vld [tilespmem:s20+$0x7430]  }
0x15a: {  	v19 =	vadd.f32 v8, v2;
	v2 =	vld [tilespmem:s20+$0x1440]  }
0x15b: {  	v8 =	vld [tilespmem:s20+$0x7440]  }
0x15c: {  	v20 =	vadd.f32 v4, v1;
	v1 =	vld [tilespmem:s20+$0x1450]  }
0x15d: {  	v4 =	vld [tilespmem:s20+$0x7450]  }
0x15e: {  	v21 =	vadd.f32 v6, v0;
	v0 =	vld [tilespmem:s20+$0x1460]  }
0x15f: {  	v6 =	vld [tilespmem:s20+$0x7460]  }
0x160: {  	v22 =	vadd.f32 v8, v2;
	v2 =	vld [tilespmem:s20+$0x1470]  }
0x161: {  	v8 =	vld [tilespmem:s20+$0x7470]  }
0x162: {  	v23 =	vadd.f32 v4, v1;
	v1 =	vld [tilespmem:s20+$0x1800]  }
0x163: {  	v4 =	vld [tilespmem:s20+$0x7800]  }
0x164: {  	v24 =	vadd.f32 v6, v0;
	v0 =	vld [tilespmem:s20+$0x1810]  }
0x165: {  	v6 =	vld [tilespmem:s20+$0x7810]  }
0x166: {  	v25 =	vadd.f32 v8, v2;
	v2 =	vld [tilespmem:s20+$0x1820]  }
0x167: {  	v8 =	vld [tilespmem:s20+$0x7820]  }
0x168: {  	v26 =	vadd.f32 v4, v1;
	v1 =	vld [tilespmem:s20+$0x1830]  }
0x169: {  	v4 =	vld [tilespmem:s20+$0x7830]  }
0x16a: {  	v27 =	vadd.f32 v6, v0;
	v0 =	vld [tilespmem:s20+$0x1840]  }
0x16b: {  	v6 =	vld [tilespmem:s20+$0x7840]  }
0x16c: {  	v28 =	vadd.f32 v8, v2;
	v2 =	vld [tilespmem:s20+$0x1850]  }
0x16d: {  	v8 =	vld [tilespmem:s20+$0x7850]  }
0x16e: {  	v29 =	vadd.f32 v4, v1;
	v1 =	vld [tilespmem:s20+$0x1860]  }
0x16f: {  	v4 =	vld [tilespmem:s20+$0x7860]  }
0x170: {  	v30 =	vadd.f32 v6, v0;
	v0 =	vld [tilespmem:s20+$0x1870]  }
0x171: {  	v6 =	vld [tilespmem:s20+$0x7870]  }
0x172: {  	v31 =	vadd.f32 v8, v2;
	v2 =	vld [tilespmem:s20+$0x1C00]  }
0x173: {  	v8 =	vld [tilespmem:s20+$0x7C00]  }
0x174: {  	v32 =	vadd.f32 v4, v1;
	v1 =	vld [tilespmem:s20+$0x1C10]  }
0x175: {  	v4 =	vld [tilespmem:s20+$0x7C10]  }
0x176: {  	v33 =	vadd.f32 v6, v0;
	v0 =	vld [tilespmem:s20+$0x1C20]  }
0x177: {  	v6 =	vld [tilespmem:s20+$0x7C20]  }
0x178: {  	v34 =	vadd.f32 v8, v2;
	v2 =	vld [tilespmem:s20+$0x1C30]  }
0x179: {  	v8 =	vld [tilespmem:s20+$0x7C30]  }
0x17a: {  	v35 =	vadd.f32 v4, v1;
	v1 =	vld [tilespmem:s20+$0x1C40]  }
0x17b: {  	v4 =	vld [tilespmem:s20+$0x7C40]  }
0x17c: {  	v36 =	vadd.f32 v6, v0;
	v0 =	vld [tilespmem:s20+$0x1C50]  }
0x17d: {  	v6 =	vld [tilespmem:s20+$0x7C50]  }
0x17e: {  	v37 =	vadd.f32 v8, v2;
	v2 =	vld [tilespmem:s20+$0x1C60]  }
0x17f: {  	v8 =	vld [tilespmem:s20+$0x7C60]  }
0x180: {  	v38 =	vadd.f32 v4, v1;
	v1 =	vld [tilespmem:s20+$0x1C70]  }
0x181: {  	v4 =	vld [tilespmem:s20+$0x7C70]  }
0x182: {  	v39 =	vadd.f32 v6, v0;
	v0 =	vld [tilespmem:s20+$0x2000]  }
0x183: {  	v6 =	vld [tilespmem:s20+$0x8000]  }
0x184: {  	v40 =	vadd.f32 v8, v2;
	v2 =	vld [tilespmem:s20+$0x2010]  }
0x185: {  	v8 =	vld [tilespmem:s20+$0x8010]  }
0x186: {  	v41 =	vadd.f32 v4, v1;
	v1 =	vld [tilespmem:s20+$0x2020]  }
0x187: {  	v4 =	vld [tilespmem:s20+$0x8020]  }
0x188: {  	v42 =	vadd.f32 v6, v0;
	v0 =	vld [tilespmem:s20+$0x2030]  }
0x189: {  	v6 =	vld [tilespmem:s20+$0x8030]  }
0x18a: {  	v43 =	vadd.f32 v8, v2;
	v2 =	vld [tilespmem:s20+$0x2040]  }
0x18b: {  	v8 =	vld [tilespmem:s20+$0x8040]  }
0x18c: {  	v44 =	vadd.f32 v4, v1;
	v1 =	vld [tilespmem:s20+$0x2050]  }
0x18d: {  	v4 =	vld [tilespmem:s20+$0x8050]  }
0x18e: {  	v45 =	vadd.f32 v6, v0;
	v0 =	vld [tilespmem:s20+$0x2060]  }
0x18f: {  	v6 =	vld [tilespmem:s20+$0x8060]  }
0x190: {  	v46 =	vadd.f32 v8, v2;
	v2 =	vld [tilespmem:s20+$0x2070]  }
0x191: {  	v8 =	vld [tilespmem:s20+$0x8070]  }
0x192: {  	v48 =	vadd.f32 v4, v1;
	v1 =	vld [tilespmem:s20+$0x2400]  }
0x193: {  	v4 =	vld [tilespmem:s20+$0x8400]  }
0x194: {  	v49 =	vadd.f32 v6, v0;
	v0 =	vld [tilespmem:s20+$0x2410]  }
0x195: {  	v6 =	vld [tilespmem:s20+$0x8410]  }
0x196: {  	v47 =	vadd.f32 v8, v2;
	v2 =	vld [tilespmem:s20+$0x2420]  }
0x197: {  	v8 =	vld [tilespmem:s20+$0x8420]  }
0x198: {  	v13 =	vadd.f32 v4, v1;
	v1 =	vld [tilespmem:s20+$0x2430]  }
0x199: {  	v9 =	vld [tilespmem:s20+$0x8430]  }
0x19a: {  	v6 =	vadd.f32 v6, v0;
	v0 =	vld [tilespmem:s20+$0x2440]  }
0x19b: {  	v11 =	vld [tilespmem:s20+$0x8440]  }
0x19c: {  	v4 =	vadd.f32 v8, v2;
	v2 =	vld [tilespmem:s20+$0x2450]  }
0x19d: {  	v14 =	vld [tilespmem:s20+$0x8450]  }
0x19e: {  	v8 =	vadd.f32 v9, v1;
	v1 =	vld [tilespmem:s20+$0x2460]  }
0x19f: {  	v50 =	vld [tilespmem:s20+$0x8460]  }
0x1a0: {  	v51 =	vld [tilespmem:s20+$0xD000];
	v9 =	vadd.f32 v11, v0  }
0x1a1: {  	v0 =	vld [tilespmem:s20+$0xD010]  }
0x1a2: {  	v52 =	vld [tilespmem:s20+$0xD020];
	v14 =	vadd.f32 v14, v2  }
0x1a3: {  	v2 =	vld [tilespmem:s20+$0xD030]  }
0x1a4: {  	v53 =	vld [tilespmem:s20+$0xD040];
	v11 =	vadd.f32 v50, v1  }
0x1a5: {  	v1 =	vadd.f32 v51, v3;
	v3 =	vld [tilespmem:s20+$0xD050]  }
0x1a6: {  	v0 =	vadd.f32 v0, v5;
	v5 =	vld [tilespmem:s20+$0xD060]  }
0x1a7: {  	[tilespmem:s20+$0x13000] =	vst v1;
	v1 =	vadd.f32 v52, v7;
	v7 =	vld [tilespmem:s20+$0xD070]  }
0x1a8: {  	[tilespmem:s20+$0x13010] =	vst v0;
	v0 =	vadd.f32 v2, v10;
	v2 =	vld [tilespmem:s20+$0xD400]  }
0x1a9: {  	[tilespmem:s20+$0x13020] =	vst v1;
	v1 =	vadd.f32 v53, v12;
	v10 =	vld [tilespmem:s20+$0xD410]  }
0x1aa: {  	[tilespmem:s20+$0x13030] =	vst v0;
	v0 =	vadd.f32 v3, v15;
	v3 =	vld [tilespmem:s20+$0xD420]  }
0x1ab: {  	[tilespmem:s20+$0x13040] =	vst v1;
	v1 =	vadd.f32 v5, v16;
	v5 =	vld [tilespmem:s20+$0xD430]  }
0x1ac: {  	[tilespmem:s20+$0x13050] =	vst v0;
	v0 =	vadd.f32 v7, v17;
	v7 =	vld [tilespmem:s20+$0xD440]  }
0x1ad: {  	[tilespmem:s20+$0x13060] =	vst v1;
	v1 =	vadd.f32 v2, v18;
	v2 =	vld [tilespmem:s20+$0xD450]  }
0x1ae: {  	[tilespmem:s20+$0x13070] =	vst v0;
	v0 =	vadd.f32 v10, v19;
	v10 =	vld [tilespmem:s20+$0xD460]  }
0x1af: {  	[tilespmem:s20+$0x13400] =	vst v1;
	v1 =	vadd.f32 v3, v20;
	v3 =	vld [tilespmem:s20+$0xD470]  }
0x1b0: {  	[tilespmem:s20+$0x13410] =	vst v0;
	v0 =	vadd.f32 v5, v21;
	v5 =	vld [tilespmem:s20+$0xD800]  }
0x1b1: {  	[tilespmem:s20+$0x13420] =	vst v1;
	v1 =	vadd.f32 v7, v22;
	v7 =	vld [tilespmem:s20+$0xD810]  }
0x1b2: {  	[tilespmem:s20+$0x13430] =	vst v0;
	v0 =	vadd.f32 v2, v23;
	v2 =	vld [tilespmem:s20+$0xD820]  }
0x1b3: {  	[tilespmem:s20+$0x13440] =	vst v1;
	v1 =	vadd.f32 v10, v24;
	v10 =	vld [tilespmem:s20+$0xD830]  }
0x1b4: {  	[tilespmem:s20+$0x13450] =	vst v0;
	v0 =	vadd.f32 v3, v25;
	v3 =	vld [tilespmem:s20+$0xD840]  }
0x1b5: {  	[tilespmem:s20+$0x13460] =	vst v1;
	v1 =	vadd.f32 v5, v26;
	v5 =	vld [tilespmem:s20+$0xD850]  }
0x1b6: {  	[tilespmem:s20+$0x13470] =	vst v0;
	v0 =	vadd.f32 v7, v27;
	v7 =	vld [tilespmem:s20+$0xD860]  }
0x1b7: {  	[tilespmem:s20+$0x13800] =	vst v1;
	v1 =	vadd.f32 v2, v28;
	v2 =	vld [tilespmem:s20+$0xD870]  }
0x1b8: {  	[tilespmem:s20+$0x13810] =	vst v0;
	v0 =	vadd.f32 v10, v29;
	v10 =	vld [tilespmem:s20+$0xDC00]  }
0x1b9: {  	[tilespmem:s20+$0x13820] =	vst v1;
	v1 =	vadd.f32 v3, v30;
	v3 =	vld [tilespmem:s20+$0xDC10]  }
0x1ba: {  	[tilespmem:s20+$0x13830] =	vst v0;
	v0 =	vadd.f32 v5, v31;
	v5 =	vld [tilespmem:s20+$0xDC20]  }
0x1bb: {  	[tilespmem:s20+$0x13840] =	vst v1;
	v1 =	vadd.f32 v7, v32;
	v7 =	vld [tilespmem:s20+$0xDC30]  }
0x1bc: {  	[tilespmem:s20+$0x13850] =	vst v0;
	v0 =	vadd.f32 v2, v33;
	v2 =	vld [tilespmem:s20+$0xDC40]  }
0x1bd: {  	[tilespmem:s20+$0x13860] =	vst v1;
	v1 =	vadd.f32 v10, v34;
	v10 =	vld [tilespmem:s20+$0xDC50]  }
0x1be: {  	[tilespmem:s20+$0x13870] =	vst v0;
	v0 =	vadd.f32 v3, v35;
	v3 =	vld [tilespmem:s20+$0xDC60]  }
0x1bf: {  	[tilespmem:s20+$0x13C00] =	vst v1;
	v1 =	vadd.f32 v5, v36;
	v5 =	vld [tilespmem:s20+$0xDC70]  }
0x1c0: {  	[tilespmem:s20+$0x13C10] =	vst v0;
	v0 =	vadd.f32 v7, v37;
	v7 =	vld [tilespmem:s20+$0xE000]  }
0x1c1: {  	[tilespmem:s20+$0x13C20] =	vst v1;
	v1 =	vadd.f32 v2, v38;
	v2 =	vld [tilespmem:s20+$0xE010]  }
0x1c2: {  	[tilespmem:s20+$0x13C30] =	vst v0;
	v0 =	vadd.f32 v10, v39;
	v10 =	vld [tilespmem:s20+$0xE020]  }
0x1c3: {  	[tilespmem:s20+$0x13C40] =	vst v1;
	v1 =	vadd.f32 v3, v40;
	v3 =	vld [tilespmem:s20+$0xE030]  }
0x1c4: {  	[tilespmem:s20+$0x13C50] =	vst v0;
	v0 =	vadd.f32 v5, v41;
	v5 =	vld [tilespmem:s20+$0xE040]  }
0x1c5: {  	[tilespmem:s20+$0x13C60] =	vst v1;
	v1 =	vadd.f32 v7, v42;
	v7 =	vld [tilespmem:s20+$0xE050]  }
0x1c6: {  	[tilespmem:s20+$0x13C70] =	vst v0;
	v0 =	vadd.f32 v2, v43;
	v2 =	vld [tilespmem:s20+$0xE060]  }
0x1c7: {  	[tilespmem:s20+$0x14000] =	vst v1;
	v1 =	vadd.f32 v10, v44;
	v10 =	vld [tilespmem:s20+$0xE070]  }
.Ltmp2:
0x1c8: {  	[tilespmem:s20+$0x14010] =	vst v0;
	v0 =	vadd.f32 v3, v45;
	v25 =	vld [tilespmem:s20+$0xE400];
	(pc) =	sbr.rel @p1 .LBB2_3-.Ltmp2, $4  }
0x1c9: {  	[tilespmem:s20+$0x14020] =	vst v1;
	v1 =	vadd.f32 v5, v46;
	v12 =	vld [tilespmem:s20+$0xE410]  }
0x1ca: {  	[tilespmem:s20+$0x14030] =	vst v0;
	v0 =	vadd.f32 v7, v48;
	v15 =	vld [tilespmem:s20+$0xE420]  }
0x1cb: {  	s23 =	sshrl.u32 s22, $0x3;
	[tilespmem:s20+$0x14040] =	vst v1;
	v7 =	vadd.f32 v2, v49;
	v5 =	vld [tilespmem:s20+$0xE430]  }
0x1cc: {  	s21 =	sadd.s32 $0x80, s21;
	s22 =	sadd.s32 $0x1, s22;
	s23 =	smul.u32 $0x1800, s23;
	[tilespmem:s20+$0x14050] =	vst v0;
	v10 =	vadd.f32 v10, v47;
	v3 =	vld [tilespmem:s20+$0xE440]  }
0x1cd: {  	[tilespmem:s20+$0x14060] =	vst v7;
	v0 =	vld [tilespmem:s20+$0xE450];
	s21 =	sand.u32 $0x380, s21;
	v1 =	vadd.f32 v25, v13  }
0x1ce: {  	v2 =	vld [tilespmem:s20+$0xE460];
	[tilespmem:s20+$0x14070] =	vst v10;
	s21 =	sor.u32 s21, s23;
	v6 =	vadd.f32 v12, v6  }
0x1cf: {  	v61 =	vld [tilespmem:s21+$0x2470];
	[tilespmem:s20+$0x14400] =	vst v1;
	v4 =	vadd.f32 v15, v4  }
0x1d0: {  	v18 =	vld [tilespmem:s21+$0x8470];
	[tilespmem:s20+$0x14410] =	vst v6;
	v5 =	vadd.f32 v5, v8  }
0x1d1: {  	v62 =	vld [tilespmem:s21+$0x1000];
	[tilespmem:s20+$0x14420] =	vst v4;
	v3 =	vadd.f32 v3, v9  }
0x1d2: {  	v63 =	vld [tilespmem:s21+$0xE470];
	[tilespmem:s20+$0x14430] =	vst v5;
	v0 =	vadd.f32 v0, v14  }
0x1d3: {  	v2 =	vadd.f32 v2, v11;
	v9 =	vld [tilespmem:s21+$0x7000];
	[tilespmem:s20+$0x14440] =	vst v3  }
0x1d4: {  	v8 =	vld [tilespmem:s21+$0x1010];
	[tilespmem:s20+$0x14450] =	vst v0  }
0x1d5: {  	v3 =	vld [tilespmem:s21+$0x7010];
	[tilespmem:s20+$0x14460] =	vst v2  }
0x1d6: {  	v0 =	vld [tilespmem:s21+$0x1C50];
	_ =	sdelay $0x4  }
0x1d7: {  	[tilespmem:$0x1FB80] =	vst v0;
	v0 =	vld [tilespmem:s21+$0x1C60];
	_ =	sdelay $0x4  }
0x1d8: {  	[tilespmem:$0x1FB90] =	vst v0;
	v0 =	vld [tilespmem:s21+$0x7C60];
	_ =	sdelay $0x4  }
0x1d9: {  	[tilespmem:$0x1FBA0] =	vst v0;
	v0 =	vld [tilespmem:s21+$0x1C70];
	_ =	sdelay $0x4  }
0x1da: {  	[tilespmem:$0x1FBB0] =	vst v0;
	v0 =	vld [tilespmem:s21+$0x7C70];
	_ =	sdelay $0x4  }
0x1db: {  	[tilespmem:$0x1FBC0] =	vst v0;
	v0 =	vld [tilespmem:s21+$0x2000];
	_ =	sdelay $0x4  }
0x1dc: {  	[tilespmem:$0x1FBD0] =	vst v0;
	v0 =	vld [tilespmem:s21+$0x8000];
	_ =	sdelay $0x4  }
0x1dd: {  	[tilespmem:$0x1FBE0] =	vst v0;
	v0 =	vld [tilespmem:s21+$0x2010];
	_ =	sdelay $0x4  }
0x1de: {  	[tilespmem:$0x1FBF0] =	vst v0;
	v0 =	vld [tilespmem:s21+$0x8010];
	_ =	sdelay $0x4  }
0x1df: {  	[tilespmem:$0x1FC00] =	vst v0;
	v0 =	vld [tilespmem:s21+$0x2020];
	_ =	sdelay $0x4  }
0x1e0: {  	[tilespmem:$0x1FC10] =	vst v0;
	v0 =	vld [tilespmem:s21+$0x8020];
	_ =	sdelay $0x4  }
0x1e1: {  	[tilespmem:$0x1FC20] =	vst v0;
	v0 =	vld [tilespmem:s21+$0x2030];
	_ =	sdelay $0x4  }
0x1e2: {  	[tilespmem:$0x1FC30] =	vst v0;
	v0 =	vld [tilespmem:s21+$0x8030];
	_ =	sdelay $0x4  }
0x1e3: {  	[tilespmem:$0x1FC40] =	vst v0;
	v0 =	vld [tilespmem:s21+$0x2040];
	_ =	sdelay $0x4  }
0x1e4: {  	[tilespmem:$0x1FC50] =	vst v0;
	v0 =	vld [tilespmem:s21+$0x8040];
	_ =	sdelay $0x4  }
0x1e5: {  	[tilespmem:$0x1FC60] =	vst v0;
	v0 =	vld [tilespmem:s21+$0x2050];
	_ =	sdelay $0x4  }
0x1e6: {  	[tilespmem:$0x1FC70] =	vst v0;
	v0 =	vld [tilespmem:s21+$0x8050]  }
0x1e7: {  	v4 =	vld [tilespmem:s21+$0x1020]  }
0x1e8: {  	v2 =	vld [tilespmem:s21+$0x7020]  }
0x1e9: {  	v6 =	vld [tilespmem:s21+$0x1030]  }
0x1ea: {  	v5 =	vld [tilespmem:s21+$0x7030]  }
0x1eb: {  	[tilespmem:$0x1FC80] =	vst v0;
	v0 =	vld [tilespmem:s21+$0x2060]  }
0x1ec: {  	v10 =	vld [tilespmem:s21+$0x1040]  }
0x1ed: {  	v7 =	vld [tilespmem:s21+$0x7040]  }
0x1ee: {  	v12 =	vld [tilespmem:s21+$0x1050]  }
0x1ef: {  	v11 =	vld [tilespmem:s21+$0x7050]  }
0x1f0: {  	[tilespmem:$0x1FC90] =	vst v0;
	v0 =	vld [tilespmem:s21+$0x8060]  }
0x1f1: {  	v14 =	vld [tilespmem:s21+$0x1060]  }
0x1f2: {  	v13 =	vld [tilespmem:s21+$0x7060]  }
0x1f3: {  	v16 =	vld [tilespmem:s21+$0x1070]  }
0x1f4: {  	v15 =	vld [tilespmem:s21+$0x7070]  }
0x1f5: {  	[tilespmem:$0x1FCA0] =	vst v0;
	v0 =	vld [tilespmem:s21+$0x2070]  }
0x1f6: {  	v19 =	vld [tilespmem:s21+$0x1400]  }
0x1f7: {  	v17 =	vld [tilespmem:s21+$0x7400]  }
0x1f8: {  	v21 =	vld [tilespmem:s21+$0x1410]  }
0x1f9: {  	v20 =	vld [tilespmem:s21+$0x7410]  }
0x1fa: {  	[tilespmem:$0x1FCB0] =	vst v0;
	v0 =	vld [tilespmem:s21+$0x8070]  }
0x1fb: {  	v23 =	vld [tilespmem:s21+$0x1420]  }
0x1fc: {  	v22 =	vld [tilespmem:s21+$0x7420]  }
0x1fd: {  	v25 =	vld [tilespmem:s21+$0x1430]  }
0x1fe: {  	v24 =	vld [tilespmem:s21+$0x7430]  }
0x1ff: {  	[tilespmem:$0x1FCC0] =	vst v0;
	v0 =	vld [tilespmem:s21+$0x2400]  }
0x200: {  	v27 =	vld [tilespmem:s21+$0x1440]  }
0x201: {  	v26 =	vld [tilespmem:s21+$0x7440]  }
0x202: {  	v29 =	vld [tilespmem:s21+$0x1450]  }
0x203: {  	v28 =	vld [tilespmem:s21+$0x7450]  }
0x204: {  	[tilespmem:$0x1FCD0] =	vst v0;
	v0 =	vld [tilespmem:s21+$0x8400]  }
0x205: {  	v31 =	vld [tilespmem:s21+$0x1460]  }
0x206: {  	v30 =	vld [tilespmem:s21+$0x7460]  }
0x207: {  	v33 =	vld [tilespmem:s21+$0x1470]  }
0x208: {  	v32 =	vld [tilespmem:s21+$0x7470]  }
0x209: {  	[tilespmem:$0x1FCE0] =	vst v0;
	v0 =	vld [tilespmem:s21+$0x2410]  }
0x20a: {  	v35 =	vld [tilespmem:s21+$0x1800]  }
0x20b: {  	v34 =	vld [tilespmem:s21+$0x7800]  }
0x20c: {  	v37 =	vld [tilespmem:s21+$0x1810]  }
0x20d: {  	v36 =	vld [tilespmem:s21+$0x7810]  }
0x20e: {  	[tilespmem:$0x1FCF0] =	vst v0;
	v0 =	vld [tilespmem:s21+$0x8410]  }
0x20f: {  	v59 =	vld [tilespmem:s21+$0x1820]  }
0x210: {  	v60 =	vld [tilespmem:s21+$0x7820]  }
0x211: {  	v57 =	vld [tilespmem:s21+$0x1830]  }
0x212: {  	v58 =	vld [tilespmem:s21+$0x7830]  }
0x213: {  	[tilespmem:$0x1FD00] =	vst v0;
	v0 =	vld [tilespmem:s21+$0x2420]  }
0x214: {  	v55 =	vld [tilespmem:s21+$0x1840]  }
0x215: {  	v56 =	vld [tilespmem:s21+$0x7840]  }
0x216: {  	v53 =	vld [tilespmem:s21+$0x1850]  }
0x217: {  	v54 =	vld [tilespmem:s21+$0x7850]  }
0x218: {  	[tilespmem:$0x1FD10] =	vst v0;
	v0 =	vld [tilespmem:s21+$0x8420]  }
0x219: {  	v51 =	vld [tilespmem:s21+$0x1860]  }
0x21a: {  	v52 =	vld [tilespmem:s21+$0x7860]  }
0x21b: {  	v49 =	vld [tilespmem:s21+$0x1870]  }
0x21c: {  	v50 =	vld [tilespmem:s21+$0x7870]  }
0x21d: {  	[tilespmem:$0x1FD20] =	vst v0;
	v0 =	vld [tilespmem:s21+$0x2430]  }
0x21e: {  	v47 =	vld [tilespmem:s21+$0x1C00]  }
0x21f: {  	v48 =	vld [tilespmem:s21+$0x7C00]  }
0x220: {  	v45 =	vld [tilespmem:s21+$0x1C10]  }
0x221: {  	v46 =	vld [tilespmem:s21+$0x7C10]  }
0x222: {  	[tilespmem:$0x1FD30] =	vst v0;
	v0 =	vld [tilespmem:s21+$0x8430]  }
0x223: {  	v43 =	vld [tilespmem:s21+$0x1C20]  }
0x224: {  	v44 =	vld [tilespmem:s21+$0x7C20]  }
0x225: {  	v41 =	vld [tilespmem:s21+$0x1C30]  }
0x226: {  	v42 =	vld [tilespmem:s21+$0x7C30]  }
0x227: {  	[tilespmem:$0x1FD40] =	vst v0;
	v0 =	vld [tilespmem:s21+$0x2440]  }
0x228: {  	v39 =	vld [tilespmem:s21+$0x1C40]  }
0x229: {  	v40 =	vld [tilespmem:s21+$0x7C40]  }
0x22a: {  	v38 =	vld [tilespmem:s21+$0x7C50]  }
0x22b: {  	v1 =	vld [tilespmem:s21+$0xD010]  }
0x22c: {  	[tilespmem:$0x1FD50] =	vst v0;
	v0 =	vld [tilespmem:s21+$0x8440]  }
0x22d: {  	v18 =	vadd.f32 v18, v61;
	v61 =	vld [tilespmem:s21+$0xD020]  }
0x22e: {  	v9 =	vadd.f32 v9, v62;
	v62 =	vld [tilespmem:s21+$0xD030]  }
0x22f: {  	v3 =	vadd.f32 v3, v8;
	v8 =	vld [tilespmem:s21+$0xD040]  }
0x230: {  	v2 =	vadd.f32 v2, v4;
	v4 =	vld [tilespmem:s21+$0xD050]  }
0x231: {  	v18 =	vadd.f32 v63, v18;
	[tilespmem:$0x1FD60] =	vst v0;
	v0 =	vld [tilespmem:s21+$0x2450]  }
0x232: {  	v13 =	vadd.f32 v13, v14;
	v14 =	vld [tilespmem:s21+$0xD410]  }
0x233: {  	[tilespmem:s21+$0x14470] =	vst v18;
	v17 =	vadd.f32 v17, v19;
	v18 =	vadd.f32 v20, v21;
	v21 =	vld [tilespmem:s21+$0xD460]  }
0x234: {  	v19 =	vadd.f32 v22, v23;
	v22 =	vadd.f32 v26, v27;
	v27 =	vld [tilespmem:s21+$0xD830]  }
0x235: {  	v20 =	vadd.f32 v24, v25;
	v25 =	vadd.f32 v32, v33;
	v33 =	vld [tilespmem:s21+$0xDC00]  }
0x236: {  	v23 =	vadd.f32 v28, v29;
	[tilespmem:$0x1FD70] =	vst v0;
	v0 =	vld [tilespmem:s21+$0x8450]  }
0x237: {  	v28 =	vadd.f32 v36, v37;
	v37 =	vadd.f32 v46, v45;
	v46 =	vld [tilespmem:s21+$0xDC50]  }
0x238: {  	v32 =	vadd.f32 v54, v53;
	v54 =	vld [tilespmem:s21+$0xE020];
	v1 =	vadd.f32 v1, v3  }
0x239: {  	v5 =	vadd.f32 v5, v6;
	v3 =	vld [tilespmem:s21+$0xD060]  }
0x23a: {  	v26 =	vadd.f32 v34, v35;
	v35 =	vadd.f32 v50, v49;
	v49 =	vld [tilespmem:$0x1FB80];
	[tilespmem:s21+$0x13010] =	vst v1  }
0x23b: {  	v12 =	vadd.f32 v11, v12;
	v1 =	vadd.f32 v62, v5;
	[tilespmem:$0x1FD80] =	vst v0;
	v0 =	vld [tilespmem:s21+$0x2460]  }
0x23c: {  	v5 =	vld [tilespmem:s21+$0xD400]  }
0x23d: {  	[tilespmem:s21+$0x13030] =	vst v1;
	v1 =	vadd.f32 v4, v12;
	v4 =	vld [tilespmem:s21+$0xD420]  }
0x23e: {  	v50 =	vld [tilespmem:$0x1FB90]  }
0x23f: {  	v34 =	vadd.f32 v52, v51;
	v51 =	vld [tilespmem:$0x1FBA0]  }
0x240: {  	[tilespmem:$0x1FD90] =	vst v0;
	v0 =	vld [tilespmem:s21+$0x8460]  }
0x241: {  	v52 =	vld [tilespmem:$0x1FBB0]  }
0x242: {  	v53 =	vld [tilespmem:$0x1FBC0]  }
0x243: {  	v24 =	vadd.f32 v30, v31;
	v31 =	vadd.f32 v56, v55;
	v55 =	vld [tilespmem:$0x1FBD0]  }
0x244: {  	v56 =	vld [tilespmem:$0x1FBE0]  }
0x245: {  	[tilespmem:$0x1FDA0] =	vst v0;
	v0 =	vld [tilespmem:s21+$0xD000]  }
0x246: {  	v30 =	vadd.f32 v58, v57;
	v57 =	vld [tilespmem:$0x1FBF0]  }
0x247: {  	v58 =	vld [tilespmem:$0x1FC00]  }
0x248: {  	v29 =	vadd.f32 v60, v59;
	v59 =	vld [tilespmem:$0x1FC10]  }
0x249: {  	v60 =	vld [tilespmem:$0x1FC20]  }
0x24a: {  	v62 =	vld [tilespmem:$0x1FC40];
	v0 =	vadd.f32 v0, v9  }
0x24b: {  	v63 =	vadd.f32 v7, v10;
	v12 =	vld [tilespmem:$0x1FC60]  }
0x24c: {  	v16 =	vadd.f32 v15, v16;
	v15 =	vld [tilespmem:$0x1FC80];
	[tilespmem:s21+$0x13000] =	vst v0;
	v0 =	vadd.f32 v61, v2  }
0x24d: {  	v2 =	vld [tilespmem:s21+$0xD070]  }
0x24e: {  	v61 =	vld [tilespmem:$0x1FC30];
	[tilespmem:s21+$0x13020] =	vst v0;
	v0 =	vadd.f32 v8, v63  }
0x24f: {  	v63 =	vld [tilespmem:$0x1FC50]  }
0x250: {  	[tilespmem:s21+$0x13040] =	vst v0;
	v0 =	vadd.f32 v3, v13;
	v3 =	vld [tilespmem:s21+$0xD430]  }
0x251: {  	v13 =	vld [tilespmem:s21+$0xE070]  }
0x252: {  	[tilespmem:s21+$0x13050] =	vst v1;
	v1 =	vadd.f32 v2, v16;
	v2 =	vld [tilespmem:s21+$0xD440]  }
0x253: {  	v16 =	vld [tilespmem:$0x1FC90]  }
0x254: {  	[tilespmem:s21+$0x13060] =	vst v0;
	v0 =	vadd.f32 v5, v17;
	v5 =	vld [tilespmem:s21+$0xD450]  }
0x255: {  	v17 =	vld [tilespmem:$0x1FCA0]  }
0x256: {  	[tilespmem:s21+$0x13070] =	vst v1;
	v1 =	vadd.f32 v14, v18;
	v14 =	vld [tilespmem:$0x1FC70]  }
0x257: {  	v18 =	vld [tilespmem:$0x1FCB0]  }
0x258: {  	[tilespmem:s21+$0x13400] =	vst v0;
	v0 =	vadd.f32 v4, v19;
	v4 =	vld [tilespmem:s21+$0xD470]  }
0x259: {  	v19 =	vld [tilespmem:$0x1FCC0]  }
0x25a: {  	[tilespmem:s21+$0x13410] =	vst v1;
	v1 =	vadd.f32 v3, v20;
	v3 =	vld [tilespmem:s21+$0xD800]  }
0x25b: {  	v20 =	vld [tilespmem:$0x1FCD0]  }
0x25c: {  	[tilespmem:s21+$0x13420] =	vst v0;
	v0 =	vadd.f32 v2, v22;
	v2 =	vld [tilespmem:s21+$0xD810]  }
0x25d: {  	v22 =	vld [tilespmem:$0x1FCF0]  }
0x25e: {  	[tilespmem:s21+$0x13430] =	vst v1;
	v1 =	vadd.f32 v5, v23;
	v5 =	vld [tilespmem:s21+$0xD820]  }
0x25f: {  	v23 =	vld [tilespmem:$0x1FD00]  }
0x260: {  	[tilespmem:s21+$0x13440] =	vst v0;
	v0 =	vadd.f32 v21, v24;
	v21 =	vld [tilespmem:$0x1FCE0]  }
0x261: {  	v24 =	vld [tilespmem:s21+$0xE440]  }
0x262: {  	[tilespmem:s21+$0x13450] =	vst v1;
	v1 =	vadd.f32 v4, v25;
	v4 =	vld [tilespmem:s21+$0xD840]  }
0x263: {  	v25 =	vld [tilespmem:$0x1FD10]  }
0x264: {  	[tilespmem:s21+$0x13460] =	vst v0;
	v0 =	vadd.f32 v3, v26;
	v3 =	vld [tilespmem:s21+$0xD850]  }
0x265: {  	[tilespmem:s21+$0x13470] =	vst v1;
	v1 =	vadd.f32 v2, v28;
	v2 =	vld [tilespmem:s21+$0xD860]  }
0x266: {  	[tilespmem:s21+$0x13800] =	vst v0;
	v0 =	vadd.f32 v5, v29;
	v5 =	vld [tilespmem:s21+$0xD870]  }
0x267: {  	v26 =	vld [tilespmem:$0x1FD20];
	[tilespmem:s21+$0x13810] =	vst v1;
	v1 =	vadd.f32 v27, v30  }
0x268: {  	[tilespmem:s21+$0x13820] =	vst v0;
	v0 =	vadd.f32 v4, v31;
	v4 =	vld [tilespmem:s21+$0xDC10]  }
0x269: {  	[tilespmem:s21+$0x13830] =	vst v1;
	v1 =	vadd.f32 v3, v32;
	v3 =	vld [tilespmem:s21+$0xDC20]  }
0x26a: {  	v36 =	vadd.f32 v48, v47;
	[tilespmem:s21+$0x13840] =	vst v0;
	v0 =	vadd.f32 v2, v34;
	v2 =	vld [tilespmem:s21+$0xDC30]  }
0x26b: {  	[tilespmem:s21+$0x13850] =	vst v1;
	v1 =	vadd.f32 v5, v35;
	v5 =	vld [tilespmem:s21+$0xDC40]  }
0x26c: {  	v45 =	vadd.f32 v44, v43;
	v28 =	vld [tilespmem:$0x1FD40];
	[tilespmem:s21+$0x13860] =	vst v0;
	v0 =	vadd.f32 v33, v36  }
0x26d: {  	v47 =	vadd.f32 v42, v41;
	[tilespmem:s21+$0x13870] =	vst v1;
	v1 =	vadd.f32 v4, v37;
	v4 =	vld [tilespmem:s21+$0xDC60]  }
0x26e: {  	v48 =	vadd.f32 v40, v39;
	[tilespmem:s21+$0x13C00] =	vst v0;
	v0 =	vadd.f32 v3, v45;
	v3 =	vld [tilespmem:s21+$0xDC70]  }
0x26f: {  	v7 =	vadd.f32 v38, v49;
	[tilespmem:s21+$0x13C10] =	vst v1;
	v1 =	vadd.f32 v2, v47;
	v2 =	vld [tilespmem:s21+$0xE000]  }
0x270: {  	v9 =	vadd.f32 v51, v50;
	[tilespmem:s21+$0x13C20] =	vst v0;
	v0 =	vadd.f32 v5, v48;
	v5 =	vld [tilespmem:s21+$0xE010]  }
0x271: {  	v8 =	vadd.f32 v53, v52;
	v29 =	vld [tilespmem:$0x1FD50];
	[tilespmem:s21+$0x13C30] =	vst v1;
	v1 =	vadd.f32 v46, v7  }
0x272: {  	v7 =	vadd.f32 v56, v55;
	[tilespmem:s21+$0x13C40] =	vst v0;
	v0 =	vadd.f32 v4, v9;
	v4 =	vld [tilespmem:s21+$0xE030]  }
0x273: {  	v9 =	vadd.f32 v58, v57;
	[tilespmem:s21+$0x13C50] =	vst v1;
	v1 =	vadd.f32 v3, v8;
	v3 =	vld [tilespmem:s21+$0xE040]  }
0x274: {  	v8 =	vadd.f32 v60, v59;
	[tilespmem:s21+$0x13C60] =	vst v0;
	v0 =	vadd.f32 v2, v7;
	v2 =	vld [tilespmem:s21+$0xE050]  }
0x275: {  	v7 =	vadd.f32 v62, v61;
	[tilespmem:s21+$0x13C70] =	vst v1;
	v1 =	vadd.f32 v5, v9;
	v5 =	vld [tilespmem:s21+$0xE060]  }
0x276: {  	v27 =	vld [tilespmem:$0x1FD30];
	v9 =	vadd.f32 v12, v63;
	[tilespmem:s21+$0x14000] =	vst v0;
	v0 =	vadd.f32 v54, v8  }
0x277: {  	v8 =	vadd.f32 v15, v14;
	[tilespmem:s21+$0x14010] =	vst v1;
	v1 =	vadd.f32 v4, v7;
	v4 =	vld [tilespmem:s21+$0xE400]  }
0x278: {  	v7 =	vadd.f32 v17, v16;
	[tilespmem:s21+$0x14020] =	vst v0;
	v0 =	vadd.f32 v3, v9;
	v3 =	vld [tilespmem:s21+$0xE410]  }
0x279: {  	v9 =	vadd.f32 v19, v18;
	[tilespmem:s21+$0x14030] =	vst v1;
	v1 =	vadd.f32 v2, v8;
	v2 =	vld [tilespmem:s21+$0xE420]  }
0x27a: {  	v8 =	vadd.f32 v21, v20;
	[tilespmem:s21+$0x14040] =	vst v0;
	v0 =	vadd.f32 v5, v7;
	v5 =	vld [tilespmem:s21+$0xE430]  }
0x27b: {  	v30 =	vld [tilespmem:$0x1FD60];
	v7 =	vadd.f32 v23, v22;
	[tilespmem:s21+$0x14050] =	vst v1;
	v1 =	vadd.f32 v13, v9  }
0x27c: {  	v31 =	vld [tilespmem:$0x1FD80];
	v9 =	vadd.f32 v26, v25;
	[tilespmem:s21+$0x14060] =	vst v0;
	v0 =	vadd.f32 v4, v8  }
0x27d: {  	v32 =	vld [tilespmem:$0x1FDA0];
	v8 =	vadd.f32 v28, v27;
	[tilespmem:s21+$0x14070] =	vst v1;
	v1 =	vadd.f32 v3, v7  }
0x27e: {  	[tilespmem:s21+$0x14400] =	vst v0;
	v0 =	vadd.f32 v2, v9;
	v2 =	vld [tilespmem:$0x1FD70]  }
0x27f: {  	[tilespmem:s21+$0x14410] =	vst v1;
	v1 =	vadd.f32 v5, v8;
	v5 =	vld [tilespmem:$0x1FD90]  }
0x280: {  	v4 =	vld [tilespmem:s21+$0xE450]  }
0x281: {  	v3 =	vld [tilespmem:s21+$0xE460]  }
0x282: {  	v7 =	vadd.f32 v30, v29  }
0x283: {  	p1 =	seq.s32 s10, $0x5;
	v2 =	vadd.f32 v31, v2  }
0x284: {  	s20 =	sadd.s32 @!p1 $0x2, s18;
	[tilespmem:s21+$0x14420] =	vst v0;
	v0 =	vadd.f32 v24, v7;
	v5 =	vadd.f32 v32, v5  }
0x285: {  	s19 =	sshrl.u32 s19, $0x3;
	s22 =	sshll.u32 @!p1 s20, $0x4;
	[tilespmem:s21+$0x14430] =	vst v1;
	v1 =	vadd.f32 v4, v2  }
0x286: {  	s19 =	smul.u32 $0x300, s19;
	s22 =	sadd.s32 @!p1 s6, s22;
	[tilespmem:s21+$0x14440] =	vst v0;
	v0 =	vadd.f32 v3, v5  }
0x287: {  	s22 =	sshrl.u32 @!p1 s22, $0x3;
	[tilespmem:s21+$0x14450] =	vst v1  }
0x288: {  	s19 =	sadd.s32 s5, s19;
	[tilespmem:s21+$0x14460] =	vst v0;
	s21 =	smul.u32 @!p1 $0x300, s22  }
0x289: {  	[hbm4b:s19+s7] =	stream.linear.scatter [tilespmem:s8], [sflag:$0x3], $0x3000, $0x38;
	[tilespmem:$0x19000] =	vst v63  }
0x28a: {  	s22 =	simm.s32 @!p1 $0x1000;
	s19 =	sadd.s32 @!p1 s1, s21;
	s21 =	simm.s32 @!p1 $0x0  }
0x28b: {  	[tilespmem:s22], [sflag:$0x1] =	stream.linear.gather @!p1 [hbm4b:s19+s21], $0x3000, $0x38;
	[tilespmem:$0x19000] =	vst v63  }
0x28c: {  	s19 =	sshll.u32 @!p1 s20, $0x7  }
0x28d: {  	v0 =	vld @!p1 [tilespmem:s19+$0x0];
	_ =	sdelay $0x4  }
0x28e: {  	v1 =	vshrl.u32 @!p1 v0, $0x3  }
0x28f: {  	v1 =	vmul.u32 @!p1 $0x30, v1  }
0x290: {  	v2 =	vlaneseq.u32 @!p1;
	v0 =	vand.u32 @!p1 $0x7, v0  }
0x291: {  	v3 =	vshrl.u32 @!p1 v2, $0x3;
	v0 =	vor.u32 @!p1 v0, v1;
	v1 =	vand.u32 @!p1 $0x7, v2  }
0x292: {  	v3 =	vmul.u32 @!p1 $0x8, v3;
	v4 =	vperm.xlane @!p1 v0, v1;
	_ =	sdelay $0x1  }
0x293: {  	v4 =	vadd.s32 @!p1 v3, v4;
	_ =	sdelay $0x2  }
0x294: {  	v2 =	vor.u32 @!p1 $0x8, v2  }
0x295: {  	vm1 =	vmmov @!p1 $0xffff;
	s20 =	simm.s32 @!p1 $0x7000;
	v0 =	vperm.xlane @!p1 v0, v2  }
0x296: {  	[tilespmem:s20], [sflag:$0x1] =	stream.indirect_vreg.gather @!p1 [hbm4b:s2+s21], $0x80, v4, vm1, $0xb8;
	[tilespmem:$0x19000] =	vst v63  }
0x297: {  	v0 =	vadd.s32 @!p1 v3, v0;
	s20 =	simm.s32 @!p1 $0x7800  }
0x298: {  	[tilespmem:s20], [sflag:$0x1] =	stream.indirect_vreg.gather @!p1 [hbm4b:s11+s21], $0x80, v4, vm1, $0xb8;
	[tilespmem:$0x19000] =	vst v63  }
0x299: {  	s20 =	simm.s32 @!p1 $0x8000  }
0x29a: {  	[tilespmem:s20], [sflag:$0x1] =	stream.indirect_vreg.gather @!p1 [hbm4b:s12+s21], $0x80, v4, vm1, $0xb8;
	[tilespmem:$0x19000] =	vst v63  }
0x29b: {  	s20 =	simm.s32 @!p1 $0x8800  }
0x29c: {  	[tilespmem:s20], [sflag:$0x1] =	stream.indirect_vreg.gather @!p1 [hbm4b:s2+s21], $0x80, v0, vm1, $0xb8;
	[tilespmem:$0x19000] =	vst v63  }
0x29d: {  	s20 =	simm.s32 @!p1 $0x9000  }
0x29e: {  	[tilespmem:s20], [sflag:$0x1] =	stream.indirect_vreg.gather @!p1 [hbm4b:s11+s21], $0x80, v0, vm1, $0xb8;
	[tilespmem:$0x19000] =	vst v63  }
0x29f: {  	s20 =	simm.s32 @!p1 $0x9800  }
0x2a0: {  	[tilespmem:s20], [sflag:$0x1] =	stream.indirect_vreg.gather @!p1 [hbm4b:s12+s21], $0x80, v0, vm1, $0xb8;
	[tilespmem:$0x19000] =	vst v63  }
0x2a1: {  	v0 =	vld @!p1 [tilespmem:s19+$0x800];
	_ =	sdelay $0x4  }
0x2a2: {  	v4 =	vshrl.u32 @!p1 v0, $0x3  }
0x2a3: {  	v4 =	vmul.u32 @!p1 $0x30, v4  }
0x2a4: {  	v0 =	vand.u32 @!p1 $0x7, v0  }
0x2a5: {  	v0 =	vor.u32 @!p1 v0, v4  }
0x2a6: {  	v1 =	vperm.xlane @!p1 v0, v1;
	_ =	sdelay $0x1  }
0x2a7: {  	v1 =	vadd.s32 @!p1 v3, v1;
	_ =	sdelay $0x3  }
0x2a8: {  	s19 =	simm.s32 @!p1 $0xD000;
	v0 =	vperm.xlane @!p1 v0, v2  }
0x2a9: {  	[tilespmem:s19], [sflag:$0x1] =	stream.indirect_vreg.gather @!p1 [hbm4b:s4+s21], $0x80, v1, vm1, $0xb8;
	[tilespmem:$0x19000] =	vst v63  }
0x2aa: {  	v0 =	vadd.s32 @!p1 v3, v0;
	s19 =	simm.s32 @!p1 $0xD800  }
0x2ab: {  	[tilespmem:s19], [sflag:$0x1] =	stream.indirect_vreg.gather @!p1 [hbm4b:s13+s21], $0x80, v1, vm1, $0xb8;
	[tilespmem:$0x19000] =	vst v63  }
0x2ac: {  	s19 =	simm.s32 @!p1 $0xE000  }
0x2ad: {  	[tilespmem:s19], [sflag:$0x1] =	stream.indirect_vreg.gather @!p1 [hbm4b:s14+s21], $0x80, v1, vm1, $0xb8;
	[tilespmem:$0x19000] =	vst v63  }
0x2ae: {  	s19 =	simm.s32 @!p1 $0xE800  }
0x2af: {  	[tilespmem:s19], [sflag:$0x1] =	stream.indirect_vreg.gather @!p1 [hbm4b:s4+s21], $0x80, v0, vm1, $0xb8;
	[tilespmem:$0x19000] =	vst v63  }
0x2b0: {  	s19 =	simm.s32 @!p1 $0xF000  }
0x2b1: {  	[tilespmem:s19], [sflag:$0x1] =	stream.indirect_vreg.gather @!p1 [hbm4b:s13+s21], $0x80, v0, vm1, $0xb8;
	[tilespmem:$0x19000] =	vst v63  }
0x2b2: {  	s19 =	simm.s32 @!p1 $0xF800  }
0x2b3: {  	[tilespmem:s19], [sflag:$0x1] =	stream.indirect_vreg.gather @!p1 [hbm4b:s14+s21], $0x80, v0, vm1, $0xb8;
	[tilespmem:$0x19000] =	vst v63  }
0x2b4: {  	_ =	swait.ge [sflag:s9], $0x3000  }
0x2b5: {  	[sflag:s9] =	ssyncset.done $0x0  }
0x2b6: {  	[sflag:s9] =	ssyncadd.s32 $0xFFFFD000  }
0x2b7: {  	_ =	swait.ge [sflag:s9], $0x3000  }
0x2b8: {  	[sflag:s9] =	ssyncset.done $0x0  }
0x2b9: {  	[sflag:s9] =	ssyncadd.s32 $0xFFFFD000  }
0x2ba: {  	_ =	swait.ge [sflag:s9], $0x3000  }
0x2bb: {  	[sflag:s9] =	ssyncset.done $0x0  }
0x2bc: {  	s22 =	simm.s32 $0x0;
	s21 =	simm.s32 @!p0 $0x4;
	[sflag:s9] =	ssyncadd.s32 $0xFFFFD000  }
0x2bd: {  	s20 =	smul.u32 $0x1800, s22;
	s19 =	simm.s32 $0x0;
	_ =	swait.ge @!p0 [sflag:s21], $0x3000  }
0x2be: {  	s23 =	sand.u32 $0x380, s19;
	[sflag:s21] =	ssyncset.done @!p0 $0x0  }
0x2bf: {  	[sflag:s21] =	ssyncadd.s32 @!p0 $0xFFFFD000;
	s21 =	sor.u32 s23, s20  }
0x2c0: {  	v0 =	vld [tilespmem:s21+$0x4000]  }
0x2c1: {  	v1 =	vld [tilespmem:s21+$0xA000]  }
0x2c2: {  	s22 =	sadd.s32 $0x3000, s21  }
0x2c3: {  	v2 =	vld [tilespmem:s22+$0xD000];
	_ =	sdelay $0x2  }
0x2c4: {  	v0 =	vadd.f32 v1, v0;
	_ =	sdelay $0x1  }
0x2c5: {  	v1 =	vld [tilespmem:s21+$0xA010];
	v0 =	vadd.f32 v2, v0  }
0x2c6: {  	v2 =	vld [tilespmem:s21+$0x4010]  }
0x2c7: {  	[tilespmem:s21+$0x16000] =	vst v0  }
0x2c8: {  	v0 =	vld [tilespmem:s22+$0xD010];
	_ =	sdelay $0x2  }
0x2c9: {  	v1 =	vadd.f32 v1, v2;
	_ =	sdelay $0x1  }
0x2ca: {  	v2 =	vld [tilespmem:s21+$0xA020];
	v0 =	vadd.f32 v0, v1  }
0x2cb: {  	v1 =	vld [tilespmem:s21+$0x4020]  }
0x2cc: {  	[tilespmem:s21+$0x16010] =	vst v0  }
0x2cd: {  	v0 =	vld [tilespmem:s22+$0xD020];
	_ =	sdelay $0x2  }
0x2ce: {  	v1 =	vadd.f32 v2, v1;
	_ =	sdelay $0x1  }
0x2cf: {  	v2 =	vld [tilespmem:s21+$0xA030];
	v0 =	vadd.f32 v0, v1  }
0x2d0: {  	v1 =	vld [tilespmem:s21+$0x4030]  }
0x2d1: {  	[tilespmem:s21+$0x16020] =	vst v0  }
0x2d2: {  	v0 =	vld [tilespmem:s22+$0xD030];
	_ =	sdelay $0x2  }
0x2d3: {  	v1 =	vadd.f32 v2, v1;
	_ =	sdelay $0x1  }
0x2d4: {  	v2 =	vld [tilespmem:s21+$0xA040];
	v0 =	vadd.f32 v0, v1  }
0x2d5: {  	v1 =	vld [tilespmem:s21+$0x4040]  }
0x2d6: {  	[tilespmem:s21+$0x16030] =	vst v0  }
0x2d7: {  	v0 =	vld [tilespmem:s22+$0xD040];
	_ =	sdelay $0x2  }
0x2d8: {  	v1 =	vadd.f32 v2, v1;
	_ =	sdelay $0x1  }
0x2d9: {  	v2 =	vld [tilespmem:s21+$0xA050];
	v0 =	vadd.f32 v0, v1  }
0x2da: {  	v1 =	vld [tilespmem:s21+$0x4050]  }
0x2db: {  	[tilespmem:s21+$0x16040] =	vst v0  }
0x2dc: {  	v0 =	vld [tilespmem:s22+$0xD050];
	_ =	sdelay $0x2  }
0x2dd: {  	v1 =	vadd.f32 v2, v1;
	_ =	sdelay $0x1  }
0x2de: {  	v2 =	vld [tilespmem:s21+$0xA060];
	v0 =	vadd.f32 v0, v1  }
0x2df: {  	v1 =	vld [tilespmem:s21+$0x4060]  }
0x2e0: {  	[tilespmem:s21+$0x16050] =	vst v0  }
0x2e1: {  	v0 =	vld [tilespmem:s22+$0xD060];
	_ =	sdelay $0x2  }
0x2e2: {  	v1 =	vadd.f32 v2, v1;
	_ =	sdelay $0x1  }
0x2e3: {  	v2 =	vld [tilespmem:s21+$0xA070];
	v0 =	vadd.f32 v0, v1  }
0x2e4: {  	v1 =	vld [tilespmem:s21+$0x4070]  }
0x2e5: {  	[tilespmem:s21+$0x16060] =	vst v0  }
0x2e6: {  	v0 =	vld [tilespmem:s22+$0xD070];
	_ =	sdelay $0x2  }
0x2e7: {  	v1 =	vadd.f32 v2, v1;
	_ =	sdelay $0x1  }
0x2e8: {  	v2 =	vld [tilespmem:s21+$0xA400];
	v0 =	vadd.f32 v0, v1  }
0x2e9: {  	v1 =	vld [tilespmem:s21+$0x4400]  }
0x2ea: {  	s24 =	sadd.s32 $0x3400, s21;
	[tilespmem:s21+$0x16070] =	vst v0  }
0x2eb: {  	v0 =	vld [tilespmem:s24+$0xD000];
	_ =	sdelay $0x2  }
0x2ec: {  	v1 =	vadd.f32 v2, v1;
	_ =	sdelay $0x1  }
0x2ed: {  	v2 =	vld [tilespmem:s21+$0xA410];
	v0 =	vadd.f32 v0, v1  }
0x2ee: {  	v1 =	vld [tilespmem:s21+$0x4410]  }
0x2ef: {  	[tilespmem:s21+$0x16400] =	vst v0  }
0x2f0: {  	v0 =	vld [tilespmem:s24+$0xD010];
	_ =	sdelay $0x2  }
0x2f1: {  	v1 =	vadd.f32 v2, v1;
	_ =	sdelay $0x1  }
0x2f2: {  	v2 =	vld [tilespmem:s21+$0xA420];
	v0 =	vadd.f32 v0, v1  }
0x2f3: {  	v1 =	vld [tilespmem:s21+$0x4420]  }
0x2f4: {  	[tilespmem:s21+$0x16410] =	vst v0  }
0x2f5: {  	v0 =	vld [tilespmem:s24+$0xD020];
	_ =	sdelay $0x2  }
0x2f6: {  	v1 =	vadd.f32 v2, v1;
	_ =	sdelay $0x1  }
0x2f7: {  	v2 =	vld [tilespmem:s21+$0xA430];
	v0 =	vadd.f32 v0, v1  }
0x2f8: {  	v1 =	vld [tilespmem:s21+$0x4430]  }
0x2f9: {  	[tilespmem:s21+$0x16420] =	vst v0  }
0x2fa: {  	v0 =	vld [tilespmem:s24+$0xD030];
	_ =	sdelay $0x2  }
0x2fb: {  	v1 =	vadd.f32 v2, v1;
	_ =	sdelay $0x1  }
0x2fc: {  	v2 =	vld [tilespmem:s21+$0xA440];
	v0 =	vadd.f32 v0, v1  }
0x2fd: {  	v1 =	vld [tilespmem:s21+$0x4440]  }
0x2fe: {  	[tilespmem:s21+$0x16430] =	vst v0  }
0x2ff: {  	v0 =	vld [tilespmem:s24+$0xD040];
	_ =	sdelay $0x2  }
0x300: {  	v1 =	vadd.f32 v2, v1;
	_ =	sdelay $0x1  }
0x301: {  	v2 =	vld [tilespmem:s21+$0xA450];
	v0 =	vadd.f32 v0, v1  }
0x302: {  	v1 =	vld [tilespmem:s21+$0x4450]  }
0x303: {  	[tilespmem:s21+$0x16440] =	vst v0  }
0x304: {  	v0 =	vld [tilespmem:s24+$0xD050];
	_ =	sdelay $0x2  }
0x305: {  	v1 =	vadd.f32 v2, v1;
	_ =	sdelay $0x1  }
0x306: {  	v2 =	vld [tilespmem:s21+$0xA460];
	v0 =	vadd.f32 v0, v1  }
0x307: {  	v1 =	vld [tilespmem:s21+$0x4460]  }
0x308: {  	[tilespmem:s21+$0x16450] =	vst v0  }
0x309: {  	v0 =	vld [tilespmem:s24+$0xD060];
	_ =	sdelay $0x2  }
0x30a: {  	v1 =	vadd.f32 v2, v1;
	_ =	sdelay $0x1  }
0x30b: {  	v2 =	vld [tilespmem:s21+$0xA470];
	v0 =	vadd.f32 v0, v1  }
0x30c: {  	v1 =	vld [tilespmem:s21+$0x4470]  }
0x30d: {  	[tilespmem:s21+$0x16460] =	vst v0  }
0x30e: {  	v0 =	vld [tilespmem:s24+$0xD070];
	_ =	sdelay $0x2  }
0x30f: {  	v1 =	vadd.f32 v2, v1;
	_ =	sdelay $0x1  }
0x310: {  	v2 =	vld [tilespmem:s21+$0xA800];
	v0 =	vadd.f32 v0, v1  }
0x311: {  	v1 =	vld [tilespmem:s21+$0x4800]  }
0x312: {  	s23 =	sadd.s32 $0x3800, s21;
	[tilespmem:s21+$0x16470] =	vst v0  }
0x313: {  	v0 =	vld [tilespmem:s23+$0xD000];
	_ =	sdelay $0x2  }
0x314: {  	v1 =	vadd.f32 v2, v1;
	_ =	sdelay $0x1  }
0x315: {  	v2 =	vld [tilespmem:s21+$0xA810];
	v0 =	vadd.f32 v0, v1  }
0x316: {  	v1 =	vld [tilespmem:s21+$0x4810]  }
0x317: {  	[tilespmem:s21+$0x16800] =	vst v0  }
0x318: {  	v0 =	vld [tilespmem:s23+$0xD010];
	_ =	sdelay $0x2  }
0x319: {  	v1 =	vadd.f32 v2, v1;
	_ =	sdelay $0x1  }
0x31a: {  	v2 =	vld [tilespmem:s21+$0xA820];
	v0 =	vadd.f32 v0, v1  }
0x31b: {  	v1 =	vld [tilespmem:s21+$0x4820]  }
0x31c: {  	[tilespmem:s21+$0x16810] =	vst v0  }
0x31d: {  	v0 =	vld [tilespmem:s23+$0xD020];
	_ =	sdelay $0x2  }
0x31e: {  	v1 =	vadd.f32 v2, v1;
	_ =	sdelay $0x1  }
0x31f: {  	v2 =	vld [tilespmem:s21+$0xA830];
	v0 =	vadd.f32 v0, v1  }
0x320: {  	v1 =	vld [tilespmem:s21+$0x4830]  }
0x321: {  	[tilespmem:s21+$0x16820] =	vst v0  }
0x322: {  	v0 =	vld [tilespmem:s23+$0xD030];
	_ =	sdelay $0x2  }
0x323: {  	v1 =	vadd.f32 v2, v1;
	_ =	sdelay $0x1  }
0x324: {  	v2 =	vld [tilespmem:s21+$0xA840];
	v0 =	vadd.f32 v0, v1  }
0x325: {  	v1 =	vld [tilespmem:s21+$0x4840]  }
0x326: {  	[tilespmem:s21+$0x16830] =	vst v0  }
0x327: {  	v0 =	vld [tilespmem:s23+$0xD040];
	_ =	sdelay $0x2  }
0x328: {  	v1 =	vadd.f32 v2, v1;
	_ =	sdelay $0x1  }
0x329: {  	v2 =	vld [tilespmem:s21+$0xA850];
	v0 =	vadd.f32 v0, v1  }
0x32a: {  	v1 =	vld [tilespmem:s21+$0x4850]  }
0x32b: {  	[tilespmem:s21+$0x16840] =	vst v0  }
0x32c: {  	v0 =	vld [tilespmem:s23+$0xD050];
	_ =	sdelay $0x2  }
0x32d: {  	v1 =	vadd.f32 v2, v1;
	_ =	sdelay $0x1  }
0x32e: {  	v2 =	vld [tilespmem:s21+$0xA860];
	v0 =	vadd.f32 v0, v1  }
0x32f: {  	v1 =	vld [tilespmem:s21+$0x4860]  }
0x330: {  	[tilespmem:s21+$0x16850] =	vst v0  }
0x331: {  	v0 =	vld [tilespmem:s23+$0xD060];
	_ =	sdelay $0x2  }
0x332: {  	v1 =	vadd.f32 v2, v1;
	_ =	sdelay $0x1  }
0x333: {  	v2 =	vld [tilespmem:s21+$0xA870];
	v0 =	vadd.f32 v0, v1  }
0x334: {  	v1 =	vld [tilespmem:s21+$0x4870]  }
0x335: {  	[tilespmem:s21+$0x16860] =	vst v0  }
0x336: {  	v0 =	vld [tilespmem:s23+$0xD070];
	_ =	sdelay $0x2  }
0x337: {  	v1 =	vadd.f32 v2, v1;
	_ =	sdelay $0x1  }
0x338: {  	v2 =	vld [tilespmem:s21+$0xAC00];
	v0 =	vadd.f32 v0, v1  }
0x339: {  	v1 =	vld [tilespmem:s21+$0x4C00]  }
0x33a: {  	s24 =	sadd.s32 $0x3C00, s21;
	[tilespmem:s21+$0x16870] =	vst v0  }
0x33b: {  	v0 =	vld [tilespmem:s24+$0xD000];
	_ =	sdelay $0x2  }
0x33c: {  	v1 =	vadd.f32 v2, v1;
	_ =	sdelay $0x1  }
0x33d: {  	v2 =	vld [tilespmem:s21+$0xAC10];
	v0 =	vadd.f32 v0, v1  }
0x33e: {  	v1 =	vld [tilespmem:s21+$0x4C10]  }
0x33f: {  	[tilespmem:s21+$0x16C00] =	vst v0  }
0x340: {  	v0 =	vld [tilespmem:s24+$0xD010];
	_ =	sdelay $0x2  }
0x341: {  	v1 =	vadd.f32 v2, v1;
	_ =	sdelay $0x1  }
0x342: {  	v2 =	vld [tilespmem:s21+$0xAC20];
	v0 =	vadd.f32 v0, v1  }
0x343: {  	v1 =	vld [tilespmem:s21+$0x4C20]  }
0x344: {  	[tilespmem:s21+$0x16C10] =	vst v0  }
0x345: {  	v0 =	vld [tilespmem:s24+$0xD020];
	_ =	sdelay $0x1  }
0x346: {  	v3 =	vld [tilespmem:s21+$0xAC30]  }
0x347: {  	v4 =	vld [tilespmem:s21+$0x5060];
	v1 =	vadd.f32 v2, v1  }
0x348: {  	v33 =	vld [tilespmem:s21+$0x11020]  }
0x349: {  	v34 =	vld [tilespmem:s21+$0xB000];
	v0 =	vadd.f32 v0, v1  }
0x34a: {  	v1 =	vld [tilespmem:s21+$0x4C30]  }
0x34b: {  	v35 =	vld [tilespmem:s21+$0xAC40];
	[tilespmem:s21+$0x16C20] =	vst v0  }
0x34c: {  	v5 =	vld [tilespmem:s24+$0xD030]  }
0x34d: {  	v36 =	vld [tilespmem:s21+$0xAC70]  }
0x34e: {  	v38 =	vld [tilespmem:s21+$0xB010]  }
0x34f: {  	v39 =	vld [tilespmem:s21+$0x11040];
	v1 =	vadd.f32 v3, v1  }
0x350: {  	v40 =	vld [tilespmem:s21+$0xB020]  }
0x351: {  	v41 =	vld [tilespmem:s21+$0xAC50];
	v1 =	vadd.f32 v5, v1  }
0x352: {  	v5 =	vld [tilespmem:s21+$0x4C40]  }
0x353: {  	v42 =	vld [tilespmem:s21+$0x4C50];
	[tilespmem:s21+$0x16C30] =	vst v1  }
0x354: {  	v37 =	vld [tilespmem:s24+$0xD040]  }
0x355: {  	v43 =	vld [tilespmem:s21+$0x11050]  }
0x356: {  	v45 =	vld [tilespmem:s21+$0x11070]  }
0x357: {  	v46 =	vld [tilespmem:s21+$0xB040];
	v5 =	vadd.f32 v35, v5  }
0x358: {  	v47 =	vld [tilespmem:s21+$0xB050]  }
0x359: {  	v48 =	vld [tilespmem:s21+$0xAC60];
	v5 =	vadd.f32 v37, v5  }
0x35a: {  	v49 =	vld [tilespmem:s21+$0x4C60]  }
0x35b: {  	v50 =	vld [tilespmem:s21+$0xB070];
	[tilespmem:s21+$0x16C40] =	vst v5  }
0x35c: {  	v44 =	vld [tilespmem:s24+$0xD050]  }
0x35d: {  	v51 =	vld [tilespmem:s21+$0x5070]  }
0x35e: {  	v53 =	vld [tilespmem:s21+$0x5050]  }
0x35f: {  	v54 =	vld [tilespmem:s21+$0x5040];
	v10 =	vadd.f32 v41, v42  }
0x360: {  	v55 =	vld [tilespmem:s21+$0x5030]  }
0x361: {  	v56 =	vld [tilespmem:s21+$0x5020];
	v10 =	vadd.f32 v44, v10  }
0x362: {  	v57 =	vld [tilespmem:s21+$0x5010]  }
0x363: {  	v5 =	vld [tilespmem:s21+$0xB030];
	[tilespmem:s21+$0x16C50] =	vst v10  }
0x364: {  	v52 =	vld [tilespmem:s24+$0xD060]  }
0x365: {  	v58 =	vld [tilespmem:s21+$0x4C70]  }
0x366: {  	v1 =	vld [tilespmem:s21+$0x11030]  }
0x367: {  	v59 =	vld [tilespmem:s21+$0x11010];
	v15 =	vadd.f32 v48, v49  }
0x368: {  	v13 =	vadd.f32 v47, v53;
	v3 =	vld [tilespmem:s21+$0x5000];
	v10 =	vadd.f32 v50, v51  }
0x369: {  	v2 =	vld [tilespmem:s21+$0xB060];
	v5 =	vadd.f32 v5, v55;
	v15 =	vadd.f32 v52, v15  }
0x36a: {  	v17 =	vadd.f32 v46, v54;
	v0 =	vld [tilespmem:s21+$0x11000];
	v10 =	vadd.f32 v45, v10  }
0x36b: {  	v13 =	vadd.f32 v43, v13;
	v1 =	vadd.f32 v1, v5;
	v5 =	vld [tilespmem:s21+$0x11060];
	[tilespmem:s21+$0x16C60] =	vst v15  }
0x36c: {  	v8 =	vadd.f32 v40, v56;
	v12 =	vadd.f32 v39, v17;
	v60 =	vld [tilespmem:s24+$0xD070];
	[tilespmem:s21+$0x17070] =	vst v10  }
0x36d: {  	v3 =	vadd.f32 v34, v3;
	[tilespmem:s21+$0x17050] =	vst v13  }
0x36e: {  	v61 =	vadd.f32 v38, v57;
	v6 =	vadd.f32 v33, v8;
	[tilespmem:s21+$0x17040] =	vst v12  }
0x36f: {  	v0 =	vadd.f32 v0, v3;
	[tilespmem:s21+$0x17030] =	vst v1;
	v1 =	vadd.f32 v2, v4  }
0x370: {  	v62 =	vadd.f32 v36, v58;
	v63 =	vadd.f32 v59, v61;
	[tilespmem:s21+$0x17020] =	vst v6  }
0x371: {  	[tilespmem:s21+$0x17000] =	vst v0;
	v0 =	vadd.f32 v5, v1  }
0x372: {  	[tilespmem:s21+$0x17010] =	vst v63;
	v2 =	vadd.f32 v60, v62  }
0x373: {  	s20 =	sadd.s32 $0x0, s20;
	[tilespmem:s21+$0x17060] =	vst v0  }
0x374: {  	s22 =	sor.u32 $0x4400, s20;
	[tilespmem:s21+$0x16C70] =	vst v2  }
0x375: {  	v0 =	vld [tilespmem:s22+$0x1000]  }
0x376: {  	v1 =	vld [tilespmem:s22+$0x7000];
	_ =	sdelay $0x1  }
0x377: {  	v2 =	vld [tilespmem:s22+$0xD000];
	_ =	sdelay $0x2  }
0x378: {  	v0 =	vadd.f32 v1, v0;
	_ =	sdelay $0x1  }
0x379: {  	v0 =	vadd.f32 v2, v0;
	_ =	sdelay $0x1  }
0x37a: {  	s23 =	sor.u32 $0x4410, s20;
	[tilespmem:s22+$0x13000] =	vst v0  }
0x37b: {  	v0 =	vld [tilespmem:s23+$0x1000]  }
0x37c: {  	v1 =	vld [tilespmem:s23+$0x7000];
	_ =	sdelay $0x1  }
0x37d: {  	v2 =	vld [tilespmem:s23+$0xD000];
	_ =	sdelay $0x2  }
0x37e: {  	v0 =	vadd.f32 v1, v0;
	_ =	sdelay $0x1  }
0x37f: {  	v0 =	vadd.f32 v2, v0;
	_ =	sdelay $0x1  }
0x380: {  	s24 =	sor.u32 $0x4420, s20;
	[tilespmem:s23+$0x13000] =	vst v0  }
0x381: {  	v0 =	vld [tilespmem:s24+$0x1000]  }
0x382: {  	v1 =	vld [tilespmem:s24+$0x7000];
	_ =	sdelay $0x1  }
0x383: {  	v2 =	vld [tilespmem:s24+$0xD000];
	_ =	sdelay $0x2  }
0x384: {  	v0 =	vadd.f32 v1, v0;
	_ =	sdelay $0x1  }
0x385: {  	v0 =	vadd.f32 v2, v0;
	_ =	sdelay $0x1  }
0x386: {  	s22 =	sor.u32 $0x4430, s20;
	[tilespmem:s24+$0x13000] =	vst v0  }
0x387: {  	v0 =	vld [tilespmem:s22+$0x1000]  }
0x388: {  	v1 =	vld [tilespmem:s22+$0x7000];
	_ =	sdelay $0x1  }
0x389: {  	v2 =	vld [tilespmem:s22+$0xD000];
	_ =	sdelay $0x2  }
0x38a: {  	v0 =	vadd.f32 v1, v0;
	_ =	sdelay $0x1  }
0x38b: {  	v0 =	vadd.f32 v2, v0;
	_ =	sdelay $0x1  }
0x38c: {  	s23 =	sor.u32 $0x4440, s20;
	[tilespmem:s22+$0x13000] =	vst v0  }
0x38d: {  	v0 =	vld [tilespmem:s23+$0x1000]  }
0x38e: {  	v1 =	vld [tilespmem:s23+$0x7000];
	_ =	sdelay $0x1  }
0x38f: {  	v2 =	vld [tilespmem:s23+$0xD000];
	_ =	sdelay $0x2  }
0x390: {  	v0 =	vadd.f32 v1, v0;
	_ =	sdelay $0x1  }
0x391: {  	v0 =	vadd.f32 v2, v0;
	_ =	sdelay $0x1  }
0x392: {  	s24 =	sor.u32 $0x4450, s20;
	[tilespmem:s23+$0x13000] =	vst v0  }
0x393: {  	v0 =	vld [tilespmem:s24+$0x1000]  }
0x394: {  	v1 =	vld [tilespmem:s24+$0x7000];
	_ =	sdelay $0x1  }
0x395: {  	v2 =	vld [tilespmem:s24+$0xD000];
	_ =	sdelay $0x2  }
0x396: {  	v0 =	vadd.f32 v1, v0;
	_ =	sdelay $0x1  }
0x397: {  	v0 =	vadd.f32 v2, v0;
	_ =	sdelay $0x1  }
0x398: {  	s22 =	sor.u32 $0x4460, s20;
	[tilespmem:s24+$0x13000] =	vst v0  }
0x399: {  	v0 =	vld [tilespmem:s22+$0x1000]  }
0x39a: {  	v1 =	vld [tilespmem:s22+$0x7000];
	_ =	sdelay $0x1  }
0x39b: {  	v2 =	vld [tilespmem:s22+$0xD000];
	_ =	sdelay $0x2  }
0x39c: {  	v0 =	vadd.f32 v1, v0;
	_ =	sdelay $0x1  }
0x39d: {  	s17 =	sadd.s32 s17, s16;
	s21 =	simm.s32 $0x1;
	s20 =	sor.u32 $0x4470, s20;
	v3 =	vadd.f32 v2, v0  }
.LBB2_5:
0x39e: {  	p0 =	sne.s32 s21, $0xF  }
0x39f: {  	s19 =	sadd.s32 $0x80, s19;
	[tilespmem:s22+$0x13000] =	vst v3;
	s22 =	smov.u32 s21;
	s21 =	sadd.s32 $0x1, s21  }
0x3a0: {  	v0 =	vld [tilespmem:s20+$0x1000]  }
0x3a1: {  	v1 =	vld [tilespmem:s20+$0x7000]  }
0x3a2: {  	v2 =	vld [tilespmem:s20+$0xD000];
	_ =	sdelay $0x3  }
0x3a3: {  	v0 =	vadd.f32 v1, v0  }
0x3a4: {  	s22 =	sshrl.u32 s22, $0x3  }
0x3a5: {  	s23 =	smul.u32 $0x1800, s22;
	v0 =	vadd.f32 v2, v0  }
0x3a6: {  	s24 =	sand.u32 $0x380, s19  }
0x3a7: {  	s22 =	sadd.s32 s23, s19;
	s23 =	sor.u32 s24, s23;
	[tilespmem:s20+$0x13000] =	vst v0  }
0x3a8: {  	s20 =	sor.u32 $0x4470, s22;
	v0 =	vld [tilespmem:s23+$0x4000]  }
0x3a9: {  	v1 =	vld [tilespmem:s23+$0xA000]  }
0x3aa: {  	s24 =	sadd.s32 $0x3000, s23  }
0x3ab: {  	v2 =	vld [tilespmem:s24+$0xD000];
	_ =	sdelay $0x2  }
0x3ac: {  	v0 =	vadd.f32 v1, v0  }
0x3ad: {  	v1 =	vld [tilespmem:s23+$0xA010]  }
0x3ae: {  	v0 =	vadd.f32 v2, v0;
	v2 =	vld [tilespmem:s23+$0x4010];
	_ =	sdelay $0x1  }
0x3af: {  	[tilespmem:s23+$0x16000] =	vst v0  }
0x3b0: {  	v0 =	vld [tilespmem:s24+$0xD010];
	_ =	sdelay $0x1  }
0x3b1: {  	v1 =	vadd.f32 v1, v2;
	_ =	sdelay $0x1  }
0x3b2: {  	v2 =	vld [tilespmem:s23+$0xA020]  }
0x3b3: {  	v0 =	vadd.f32 v0, v1;
	v1 =	vld [tilespmem:s23+$0x4020];
	_ =	sdelay $0x1  }
0x3b4: {  	[tilespmem:s23+$0x16010] =	vst v0  }
0x3b5: {  	v0 =	vld [tilespmem:s24+$0xD020];
	_ =	sdelay $0x1  }
0x3b6: {  	v1 =	vadd.f32 v2, v1;
	_ =	sdelay $0x1  }
0x3b7: {  	v2 =	vld [tilespmem:s23+$0xA030]  }
0x3b8: {  	v0 =	vadd.f32 v0, v1;
	v1 =	vld [tilespmem:s23+$0x4030];
	_ =	sdelay $0x1  }
0x3b9: {  	[tilespmem:s23+$0x16020] =	vst v0  }
0x3ba: {  	v0 =	vld [tilespmem:s24+$0xD030];
	_ =	sdelay $0x1  }
0x3bb: {  	v1 =	vadd.f32 v2, v1;
	_ =	sdelay $0x1  }
0x3bc: {  	v2 =	vld [tilespmem:s23+$0xA040]  }
0x3bd: {  	v0 =	vadd.f32 v0, v1;
	v1 =	vld [tilespmem:s23+$0x4040];
	_ =	sdelay $0x1  }
0x3be: {  	[tilespmem:s23+$0x16030] =	vst v0  }
0x3bf: {  	v0 =	vld [tilespmem:s24+$0xD040];
	_ =	sdelay $0x1  }
0x3c0: {  	v1 =	vadd.f32 v2, v1;
	_ =	sdelay $0x1  }
0x3c1: {  	v2 =	vld [tilespmem:s23+$0xA050]  }
0x3c2: {  	v0 =	vadd.f32 v0, v1;
	v1 =	vld [tilespmem:s23+$0x4050];
	_ =	sdelay $0x1  }
0x3c3: {  	[tilespmem:s23+$0x16040] =	vst v0  }
0x3c4: {  	v0 =	vld [tilespmem:s24+$0xD050];
	_ =	sdelay $0x1  }
0x3c5: {  	v1 =	vadd.f32 v2, v1;
	_ =	sdelay $0x1  }
0x3c6: {  	v2 =	vld [tilespmem:s23+$0xA060]  }
0x3c7: {  	v0 =	vadd.f32 v0, v1;
	v1 =	vld [tilespmem:s23+$0x4060];
	_ =	sdelay $0x1  }
0x3c8: {  	[tilespmem:s23+$0x16050] =	vst v0  }
0x3c9: {  	v0 =	vld [tilespmem:s24+$0xD060];
	_ =	sdelay $0x1  }
0x3ca: {  	v1 =	vadd.f32 v2, v1;
	_ =	sdelay $0x1  }
0x3cb: {  	v2 =	vld [tilespmem:s23+$0xA070]  }
0x3cc: {  	v0 =	vadd.f32 v0, v1;
	v1 =	vld [tilespmem:s23+$0x4070];
	_ =	sdelay $0x1  }
0x3cd: {  	[tilespmem:s23+$0x16060] =	vst v0  }
0x3ce: {  	v0 =	vld [tilespmem:s24+$0xD070];
	_ =	sdelay $0x1  }
0x3cf: {  	v1 =	vadd.f32 v2, v1;
	_ =	sdelay $0x1  }
0x3d0: {  	v2 =	vld [tilespmem:s23+$0xA400]  }
0x3d1: {  	v0 =	vadd.f32 v0, v1;
	v1 =	vld [tilespmem:s23+$0x4400]  }
0x3d2: {  	s24 =	sadd.s32 $0x3400, s23  }
0x3d3: {  	[tilespmem:s23+$0x16070] =	vst v0  }
0x3d4: {  	v0 =	vld [tilespmem:s24+$0xD000];
	_ =	sdelay $0x1  }
0x3d5: {  	v1 =	vadd.f32 v2, v1;
	_ =	sdelay $0x1  }
0x3d6: {  	v2 =	vld [tilespmem:s23+$0xA410]  }
0x3d7: {  	v0 =	vadd.f32 v0, v1;
	v1 =	vld [tilespmem:s23+$0x4410];
	_ =	sdelay $0x1  }
0x3d8: {  	[tilespmem:s23+$0x16400] =	vst v0  }
0x3d9: {  	v0 =	vld [tilespmem:s24+$0xD010];
	_ =	sdelay $0x1  }
0x3da: {  	v1 =	vadd.f32 v2, v1;
	_ =	sdelay $0x1  }
0x3db: {  	v2 =	vld [tilespmem:s23+$0xA420]  }
0x3dc: {  	v0 =	vadd.f32 v0, v1;
	v1 =	vld [tilespmem:s23+$0x4420];
	_ =	sdelay $0x1  }
0x3dd: {  	[tilespmem:s23+$0x16410] =	vst v0  }
0x3de: {  	v0 =	vld [tilespmem:s24+$0xD020];
	_ =	sdelay $0x1  }
0x3df: {  	v1 =	vadd.f32 v2, v1;
	_ =	sdelay $0x1  }
0x3e0: {  	v2 =	vld [tilespmem:s23+$0xA430]  }
0x3e1: {  	v0 =	vadd.f32 v0, v1;
	v1 =	vld [tilespmem:s23+$0x4430];
	_ =	sdelay $0x1  }
0x3e2: {  	[tilespmem:s23+$0x16420] =	vst v0  }
0x3e3: {  	v0 =	vld [tilespmem:s24+$0xD030];
	_ =	sdelay $0x1  }
0x3e4: {  	v1 =	vadd.f32 v2, v1;
	_ =	sdelay $0x1  }
0x3e5: {  	v2 =	vld [tilespmem:s23+$0xA440]  }
0x3e6: {  	v0 =	vadd.f32 v0, v1;
	v1 =	vld [tilespmem:s23+$0x4440];
	_ =	sdelay $0x1  }
0x3e7: {  	[tilespmem:s23+$0x16430] =	vst v0  }
0x3e8: {  	v0 =	vld [tilespmem:s24+$0xD040];
	_ =	sdelay $0x1  }
0x3e9: {  	v1 =	vadd.f32 v2, v1;
	_ =	sdelay $0x1  }
0x3ea: {  	v2 =	vld [tilespmem:s23+$0xA450]  }
0x3eb: {  	v0 =	vadd.f32 v0, v1;
	v1 =	vld [tilespmem:s23+$0x4450];
	_ =	sdelay $0x1  }
0x3ec: {  	[tilespmem:s23+$0x16440] =	vst v0  }
0x3ed: {  	v0 =	vld [tilespmem:s24+$0xD050];
	_ =	sdelay $0x1  }
0x3ee: {  	v1 =	vadd.f32 v2, v1;
	_ =	sdelay $0x1  }
0x3ef: {  	v2 =	vld [tilespmem:s23+$0xA460]  }
0x3f0: {  	v0 =	vadd.f32 v0, v1;
	v1 =	vld [tilespmem:s23+$0x4460];
	_ =	sdelay $0x1  }
0x3f1: {  	[tilespmem:s23+$0x16450] =	vst v0  }
0x3f2: {  	v0 =	vld [tilespmem:s24+$0xD060];
	_ =	sdelay $0x1  }
0x3f3: {  	v1 =	vadd.f32 v2, v1;
	_ =	sdelay $0x1  }
0x3f4: {  	v2 =	vld [tilespmem:s23+$0xA470]  }
0x3f5: {  	v0 =	vadd.f32 v0, v1;
	v1 =	vld [tilespmem:s23+$0x4470];
	_ =	sdelay $0x1  }
0x3f6: {  	[tilespmem:s23+$0x16460] =	vst v0  }
0x3f7: {  	v0 =	vld [tilespmem:s24+$0xD070];
	_ =	sdelay $0x1  }
0x3f8: {  	v1 =	vadd.f32 v2, v1;
	_ =	sdelay $0x1  }
0x3f9: {  	v2 =	vld [tilespmem:s23+$0xA800]  }
0x3fa: {  	v0 =	vadd.f32 v0, v1;
	v1 =	vld [tilespmem:s23+$0x4800]  }
0x3fb: {  	s24 =	sadd.s32 $0x3800, s23  }
0x3fc: {  	[tilespmem:s23+$0x16470] =	vst v0  }
0x3fd: {  	v0 =	vld [tilespmem:s24+$0xD000];
	_ =	sdelay $0x1  }
0x3fe: {  	v1 =	vadd.f32 v2, v1;
	_ =	sdelay $0x1  }
0x3ff: {  	v2 =	vld [tilespmem:s23+$0xA810]  }
0x400: {  	v0 =	vadd.f32 v0, v1;
	v1 =	vld [tilespmem:s23+$0x4810];
	_ =	sdelay $0x1  }
0x401: {  	[tilespmem:s23+$0x16800] =	vst v0  }
0x402: {  	v0 =	vld [tilespmem:s24+$0xD010];
	_ =	sdelay $0x1  }
0x403: {  	v1 =	vadd.f32 v2, v1;
	_ =	sdelay $0x1  }
0x404: {  	v2 =	vld [tilespmem:s23+$0xA820]  }
0x405: {  	v0 =	vadd.f32 v0, v1;
	v1 =	vld [tilespmem:s23+$0x4820];
	_ =	sdelay $0x1  }
0x406: {  	[tilespmem:s23+$0x16810] =	vst v0  }
0x407: {  	v0 =	vld [tilespmem:s24+$0xD020];
	_ =	sdelay $0x1  }
0x408: {  	v1 =	vadd.f32 v2, v1;
	_ =	sdelay $0x1  }
0x409: {  	v2 =	vld [tilespmem:s23+$0xA830]  }
0x40a: {  	v0 =	vadd.f32 v0, v1;
	v1 =	vld [tilespmem:s23+$0x4830];
	_ =	sdelay $0x1  }
0x40b: {  	[tilespmem:s23+$0x16820] =	vst v0  }
0x40c: {  	v0 =	vld [tilespmem:s24+$0xD030];
	_ =	sdelay $0x1  }
0x40d: {  	v1 =	vadd.f32 v2, v1;
	_ =	sdelay $0x1  }
0x40e: {  	v2 =	vld [tilespmem:s23+$0xA840]  }
0x40f: {  	v0 =	vadd.f32 v0, v1;
	v1 =	vld [tilespmem:s23+$0x4840];
	_ =	sdelay $0x1  }
0x410: {  	[tilespmem:s23+$0x16830] =	vst v0  }
0x411: {  	v0 =	vld [tilespmem:s24+$0xD040];
	_ =	sdelay $0x1  }
0x412: {  	v1 =	vadd.f32 v2, v1;
	_ =	sdelay $0x1  }
0x413: {  	v2 =	vld [tilespmem:s23+$0xA850]  }
0x414: {  	v0 =	vadd.f32 v0, v1;
	v1 =	vld [tilespmem:s23+$0x4850];
	_ =	sdelay $0x1  }
0x415: {  	[tilespmem:s23+$0x16840] =	vst v0  }
0x416: {  	v0 =	vld [tilespmem:s24+$0xD050];
	_ =	sdelay $0x1  }
0x417: {  	v1 =	vadd.f32 v2, v1;
	_ =	sdelay $0x1  }
0x418: {  	v2 =	vld [tilespmem:s23+$0xA860]  }
0x419: {  	v0 =	vadd.f32 v0, v1;
	v1 =	vld [tilespmem:s23+$0x4860];
	_ =	sdelay $0x1  }
0x41a: {  	[tilespmem:s23+$0x16850] =	vst v0  }
0x41b: {  	v0 =	vld [tilespmem:s24+$0xD060];
	_ =	sdelay $0x1  }
0x41c: {  	v1 =	vadd.f32 v2, v1;
	_ =	sdelay $0x1  }
0x41d: {  	v2 =	vld [tilespmem:s23+$0xA870]  }
0x41e: {  	v0 =	vadd.f32 v0, v1;
	v1 =	vld [tilespmem:s23+$0x4870];
	_ =	sdelay $0x1  }
0x41f: {  	[tilespmem:s23+$0x16860] =	vst v0  }
0x420: {  	v0 =	vld [tilespmem:s24+$0xD070];
	_ =	sdelay $0x1  }
0x421: {  	v1 =	vadd.f32 v2, v1;
	_ =	sdelay $0x1  }
0x422: {  	v2 =	vld [tilespmem:s23+$0xAC00]  }
0x423: {  	v0 =	vadd.f32 v0, v1;
	v1 =	vld [tilespmem:s23+$0x4C00]  }
0x424: {  	s24 =	sadd.s32 $0x3C00, s23  }
0x425: {  	[tilespmem:s23+$0x16870] =	vst v0  }
0x426: {  	v0 =	vld [tilespmem:s24+$0xD000];
	_ =	sdelay $0x1  }
0x427: {  	v1 =	vadd.f32 v2, v1;
	_ =	sdelay $0x1  }
0x428: {  	v2 =	vld [tilespmem:s23+$0xAC10]  }
0x429: {  	v0 =	vadd.f32 v0, v1;
	v1 =	vld [tilespmem:s23+$0x4C10];
	_ =	sdelay $0x1  }
0x42a: {  	[tilespmem:s23+$0x16C00] =	vst v0  }
0x42b: {  	v0 =	vld [tilespmem:s24+$0xD010];
	_ =	sdelay $0x1  }
0x42c: {  	v1 =	vadd.f32 v2, v1;
	_ =	sdelay $0x1  }
0x42d: {  	v2 =	vld [tilespmem:s23+$0xAC20]  }
0x42e: {  	v0 =	vadd.f32 v0, v1;
	v1 =	vld [tilespmem:s23+$0x4C20];
	_ =	sdelay $0x1  }
0x42f: {  	[tilespmem:s23+$0x16C10] =	vst v0  }
0x430: {  	v0 =	vld [tilespmem:s24+$0xD020];
	_ =	sdelay $0x1  }
0x431: {  	v1 =	vadd.f32 v2, v1  }
0x432: {  	v2 =	vld [tilespmem:s23+$0xB060]  }
0x433: {  	v3 =	vld [tilespmem:s23+$0xAC30]  }
0x434: {  	v0 =	vadd.f32 v0, v1;
	v1 =	vld [tilespmem:s23+$0x4C30]  }
0x435: {  	v4 =	vld [tilespmem:s23+$0x5060]  }
0x436: {  	[tilespmem:s23+$0x16C20] =	vst v0;
	v0 =	vld [tilespmem:s23+$0x11000]  }
0x437: {  	v5 =	vld [tilespmem:s24+$0xD030]  }
0x438: {  	v6 =	vld [tilespmem:s23+$0x11020]  }
0x439: {  	v1 =	vadd.f32 v3, v1;
	v3 =	vld [tilespmem:s23+$0xB000]  }
0x43a: {  	v7 =	vld [tilespmem:s23+$0x5000];
	v2 =	vadd.f32 v2, v4  }
0x43b: {  	v4 =	vld [tilespmem:s23+$0xAC40]  }
0x43c: {  	v1 =	vadd.f32 v5, v1;
	v5 =	vld [tilespmem:s23+$0x4C40]  }
0x43d: {  	v8 =	vld [tilespmem:s23+$0xAC70]  }
0x43e: {  	[tilespmem:s23+$0x16C30] =	vst v1;
	v1 =	vld [tilespmem:s23+$0x11030]  }
0x43f: {  	v9 =	vld [tilespmem:s24+$0xD040];
	v3 =	vadd.f32 v3, v7  }
0x440: {  	v7 =	vld [tilespmem:s23+$0xB010]  }
0x441: {  	v4 =	vadd.f32 v4, v5;
	v5 =	vld [tilespmem:s23+$0x11040]  }
0x442: {  	v10 =	vld [tilespmem:s23+$0xB020]  }
0x443: {  	v11 =	vld [tilespmem:s23+$0xAC50]  }
0x444: {  	v4 =	vadd.f32 v9, v4;
	v9 =	vld [tilespmem:s23+$0x4C50]  }
0x445: {  	v12 =	vld [tilespmem:s23+$0x11050]  }
0x446: {  	[tilespmem:s23+$0x16C40] =	vst v4;
	v4 =	vld [tilespmem:s23+$0xB030]  }
0x447: {  	v13 =	vld [tilespmem:s24+$0xD050]  }
0x448: {  	v14 =	vld [tilespmem:s23+$0x11070]  }
0x449: {  	v9 =	vadd.f32 v11, v9;
	v11 =	vld [tilespmem:s23+$0xB040]  }
0x44a: {  	v15 =	vld [tilespmem:s23+$0xB050]  }
0x44b: {  	v16 =	vld [tilespmem:s23+$0xAC60]  }
0x44c: {  	v9 =	vadd.f32 v13, v9;
	v13 =	vld [tilespmem:s23+$0x4C60]  }
0x44d: {  	v17 =	vld [tilespmem:s23+$0xB070]  }
0x44e: {  	[tilespmem:s23+$0x16C50] =	vst v9;
	v9 =	vld [tilespmem:s23+$0x5070]  }
0x44f: {  	v18 =	vld [tilespmem:s24+$0xD060]  }
0x450: {  	v19 =	vld [tilespmem:s23+$0x5050]  }
0x451: {  	v13 =	vadd.f32 v16, v13;
	v16 =	vld [tilespmem:s23+$0x5040]  }
0x452: {  	v20 =	vld [tilespmem:s23+$0x5030]  }
0x453: {  	v21 =	vld [tilespmem:s23+$0x5020];
	v9 =	vadd.f32 v17, v9  }
0x454: {  	v13 =	vadd.f32 v18, v13;
	v17 =	vld [tilespmem:s23+$0x5010]  }
0x455: {  	v18 =	vld [tilespmem:s23+$0x4C70];
	v15 =	vadd.f32 v15, v19  }
0x456: {  	v9 =	vadd.f32 v14, v9;
	[tilespmem:s23+$0x16C60] =	vst v13;
	v13 =	vld [tilespmem:s23+$0x11010];
	v11 =	vadd.f32 v11, v16  }
0x457: {  	v14 =	vld [tilespmem:s24+$0xD070];
	v4 =	vadd.f32 v4, v20;
	v12 =	vadd.f32 v12, v15  }
0x458: {  	v10 =	vadd.f32 v10, v21;
	v5 =	vadd.f32 v5, v11;
	[tilespmem:s23+$0x17070] =	vst v9  }
0x459: {  	v7 =	vadd.f32 v7, v17;
	v1 =	vadd.f32 v1, v4;
	[tilespmem:s23+$0x17050] =	vst v12;
	v4 =	vld [tilespmem:s23+$0x11060]  }
0x45a: {  	v8 =	vadd.f32 v8, v18;
	v6 =	vadd.f32 v6, v10;
	[tilespmem:s23+$0x17040] =	vst v5  }
0x45b: {  	v5 =	vadd.f32 v13, v7;
	[tilespmem:s23+$0x17030] =	vst v1  }
0x45c: {  	v0 =	vadd.f32 v0, v3;
	v1 =	vadd.f32 v14, v8;
	[tilespmem:s23+$0x17020] =	vst v6  }
0x45d: {  	[tilespmem:s23+$0x17010] =	vst v5  }
0x45e: {  	[tilespmem:s23+$0x17000] =	vst v0;
	v0 =	vadd.f32 v4, v2  }
0x45f: {  	[tilespmem:s23+$0x16C70] =	vst v1  }
0x460: {  	[tilespmem:s23+$0x17060] =	vst v0;
	s23 =	sor.u32 $0x4400, s22  }
0x461: {  	v0 =	vld [tilespmem:s23+$0x1000]  }
0x462: {  	v1 =	vld [tilespmem:s23+$0x7000]  }
0x463: {  	v2 =	vld [tilespmem:s23+$0xD000];
	_ =	sdelay $0x3  }
0x464: {  	v0 =	vadd.f32 v1, v0;
	_ =	sdelay $0x1  }
0x465: {  	v0 =	vadd.f32 v2, v0;
	_ =	sdelay $0x1  }
0x466: {  	[tilespmem:s23+$0x13000] =	vst v0;
	s23 =	sor.u32 $0x4410, s22  }
0x467: {  	v0 =	vld [tilespmem:s23+$0x1000]  }
0x468: {  	v1 =	vld [tilespmem:s23+$0x7000]  }
0x469: {  	v2 =	vld [tilespmem:s23+$0xD000];
	_ =	sdelay $0x3  }
0x46a: {  	v0 =	vadd.f32 v1, v0;
	_ =	sdelay $0x1  }
0x46b: {  	v0 =	vadd.f32 v2, v0;
	_ =	sdelay $0x1  }
0x46c: {  	[tilespmem:s23+$0x13000] =	vst v0;
	s23 =	sor.u32 $0x4420, s22  }
0x46d: {  	v0 =	vld [tilespmem:s23+$0x1000]  }
0x46e: {  	v1 =	vld [tilespmem:s23+$0x7000]  }
0x46f: {  	v2 =	vld [tilespmem:s23+$0xD000];
	_ =	sdelay $0x3  }
0x470: {  	v0 =	vadd.f32 v1, v0;
	_ =	sdelay $0x1  }
0x471: {  	v0 =	vadd.f32 v2, v0;
	_ =	sdelay $0x1  }
0x472: {  	[tilespmem:s23+$0x13000] =	vst v0;
	s23 =	sor.u32 $0x4430, s22  }
0x473: {  	v0 =	vld [tilespmem:s23+$0x1000]  }
0x474: {  	v1 =	vld [tilespmem:s23+$0x7000]  }
0x475: {  	v2 =	vld [tilespmem:s23+$0xD000];
	_ =	sdelay $0x3  }
0x476: {  	v0 =	vadd.f32 v1, v0;
	_ =	sdelay $0x1  }
0x477: {  	v0 =	vadd.f32 v2, v0;
	_ =	sdelay $0x1  }
0x478: {  	[tilespmem:s23+$0x13000] =	vst v0;
	s23 =	sor.u32 $0x4440, s22  }
0x479: {  	v0 =	vld [tilespmem:s23+$0x1000]  }
0x47a: {  	v1 =	vld [tilespmem:s23+$0x7000]  }
0x47b: {  	v2 =	vld [tilespmem:s23+$0xD000];
	_ =	sdelay $0x3  }
0x47c: {  	v0 =	vadd.f32 v1, v0;
	_ =	sdelay $0x1  }
0x47d: {  	v0 =	vadd.f32 v2, v0;
	_ =	sdelay $0x1  }
0x47e: {  	[tilespmem:s23+$0x13000] =	vst v0;
	s23 =	sor.u32 $0x4450, s22  }
0x47f: {  	v0 =	vld [tilespmem:s23+$0x1000]  }
0x480: {  	v1 =	vld [tilespmem:s23+$0x7000]  }
0x481: {  	v2 =	vld [tilespmem:s23+$0xD000];
	_ =	sdelay $0x3  }
0x482: {  	v0 =	vadd.f32 v1, v0;
	_ =	sdelay $0x1  }
0x483: {  	v0 =	vadd.f32 v2, v0;
	_ =	sdelay $0x1  }
0x484: {  	s22 =	sor.u32 $0x4460, s22;
	[tilespmem:s23+$0x13000] =	vst v0  }
0x485: {  	v0 =	vld [tilespmem:s22+$0x1000]  }
0x486: {  	v1 =	vld [tilespmem:s22+$0x7000]  }
0x487: {  	v2 =	vld [tilespmem:s22+$0xD000];
	_ =	sdelay $0x1  }
.Ltmp3:
0x488: {  	(pc) =	sbr.rel @p0 .LBB2_5-.Ltmp3, $3  }
0x489: {  	_ = 	snop  }
0x48a: {  	v0 =	vadd.f32 v1, v0;
	_ =	sdelay $0x1  }
0x48b: {  	v3 =	vadd.f32 v2, v0  }
0x48c: {  	_ = 	snop  }
0x48d: {  	[tilespmem:s22+$0x13000] =	vst v3  }
0x48e: {  	v0 =	vld [tilespmem:s20+$0x1000]  }
0x48f: {  	v1 =	vld [tilespmem:s20+$0x7000];
	_ =	sdelay $0x1  }
0x490: {  	v2 =	vld [tilespmem:s20+$0xD000];
	_ =	sdelay $0x2  }
0x491: {  	v0 =	vadd.f32 v1, v0  }
.Ltmp4:
0x492: {  	s17 =	sshrl.u32 s17, $0x3;
	(pc) =	sbr.rel @p1 .LBB2_8-.Ltmp4, $3  }
0x493: {  	s17 =	smul.u32 $0x300, s17;
	v0 =	vadd.f32 v2, v0;
	_ =	sdelay $0x1  }
0x494: {  	s17 =	sadd.s32 s5, s17;
	[tilespmem:s20+$0x13000] =	vst v0  }
0x495: {  	[hbm4b:s17+s7] =	stream.linear.scatter [tilespmem:s15], [sflag:$0x4], $0x3000, $0x38;
	[tilespmem:$0x19000] =	vst v63  }
0x496: {  	s17 =	sadd.s32 $0x3, s18  }
0x497: {  	s18 =	sshll.u32 s17, $0x4  }
0x498: {  	s18 =	sadd.s32 s6, s18  }
0x499: {  	s18 =	sshrl.u32 s18, $0x3  }
0x49a: {  	s18 =	smul.u32 $0x300, s18;
	_ =	sdelay $0x1  }
0x49b: {  	s19 =	simm.s32 $0x4000;
	s17 =	sshll.u32 s17, $0x7;
	s18 =	sadd.s32 s1, s18  }
0x49c: {  	[tilespmem:s19], [sflag:$0x2] =	stream.linear.gather [hbm4b:s18+s7], $0x3000, $0x38;
	[tilespmem:$0x19000] =	vst v63  }
0x49d: {  	v0 =	vld [tilespmem:s17+$0x0];
	_ =	sdelay $0x3  }
0x49e: {  	v2 =	vld [tilespmem:$0x1FFD0]  }
0x49f: {  	v1 =	vshrl.u32 v0, $0x3  }
0x4a0: {  	v3 =	vld [tilespmem:$0x1FFE0];
	v1 =	vmul.u32 $0x30, v1  }
0x4a1: {  	v0 =	vand.u32 $0x7, v0  }
0x4a2: {  	v0 =	vor.u32 v0, v1  }
0x4a3: {  	v1 =	vperm.xlane v0, v2  }
0x4a4: {  	v4 =	vld [tilespmem:$0x1FFF0]  }
0x4a5: {  	v1 =	vadd.s32 v3, v1;
	_ =	sdelay $0x3  }
0x4a6: {  	s20 =	simm.s32 $0xA000;
	v0 =	vperm.xlane v0, v4  }
0x4a7: {  	[tilespmem:s20], [sflag:$0x2] =	stream.indirect_vreg.gather [hbm4b:s2+s7], $0x80, v1, vm0, $0xb8;
	[tilespmem:$0x19000] =	vst v63  }
0x4a8: {  	s21 =	simm.s32 $0xA800;
	v0 =	vadd.s32 v3, v0  }
0x4a9: {  	[tilespmem:s21], [sflag:$0x2] =	stream.indirect_vreg.gather [hbm4b:s11+s7], $0x80, v1, vm0, $0xb8;
	[tilespmem:$0x19000] =	vst v63  }
0x4aa: {  	s22 =	simm.s32 $0xB000  }
0x4ab: {  	[tilespmem:s22], [sflag:$0x2] =	stream.indirect_vreg.gather [hbm4b:s12+s7], $0x80, v1, vm0, $0xb8;
	[tilespmem:$0x19000] =	vst v63  }
0x4ac: {  	s23 =	simm.s32 $0xB800  }
0x4ad: {  	[tilespmem:s23], [sflag:$0x2] =	stream.indirect_vreg.gather [hbm4b:s2+s7], $0x80, v0, vm0, $0xb8;
	[tilespmem:$0x19000] =	vst v63  }
0x4ae: {  	s24 =	simm.s32 $0xC000  }
0x4af: {  	[tilespmem:s24], [sflag:$0x2] =	stream.indirect_vreg.gather [hbm4b:s11+s7], $0x80, v0, vm0, $0xb8;
	[tilespmem:$0x19000] =	vst v63  }
0x4b0: {  	_ = 	snop  }
0x4b1: {  	[tilespmem:s25], [sflag:$0x2] =	stream.indirect_vreg.gather [hbm4b:s12+s7], $0x80, v0, vm0, $0xb8;
	[tilespmem:$0x19000] =	vst v63  }
0x4b2: {  	v0 =	vld [tilespmem:s17+$0x800];
	_ =	sdelay $0x4  }
0x4b3: {  	v63 =	vshrl.u32 v0, $0x3  }
0x4b4: {  	v1 =	vmul.u32 $0x30, v63  }
0x4b5: {  	v0 =	vand.u32 $0x7, v0  }
0x4b6: {  	v0 =	vor.u32 v0, v1  }
0x4b7: {  	v1 =	vperm.xlane v0, v2;
	_ =	sdelay $0x1  }
0x4b8: {  	v1 =	vadd.s32 v3, v1;
	_ =	sdelay $0x3  }
0x4b9: {  	v0 =	vperm.xlane v0, v4  }
0x4ba: {  	[tilespmem:s26], [sflag:$0x2] =	stream.indirect_vreg.gather [hbm4b:s4+s7], $0x80, v1, vm0, $0xb8;
	[tilespmem:$0x19000] =	vst v63  }
0x4bb: {  	v0 =	vadd.s32 v3, v0  }
0x4bc: {  	[tilespmem:s28], [sflag:$0x2] =	stream.indirect_vreg.gather [hbm4b:s13+s7], $0x80, v1, vm0, $0xb8;
	[tilespmem:$0x19000] =	vst v63  }
0x4bd: {  	_ = 	snop  }
0x4be: {  	[tilespmem:s29], [sflag:$0x2] =	stream.indirect_vreg.gather [hbm4b:s14+s7], $0x80, v1, vm0, $0xb8;
	[tilespmem:$0x19000] =	vst v63  }
0x4bf: {  	_ = 	snop  }
0x4c0: {  	[tilespmem:s30], [sflag:$0x2] =	stream.indirect_vreg.gather [hbm4b:s4+s7], $0x80, v0, vm0, $0xb8;
	[tilespmem:$0x19000] =	vst v63  }
.Ltmp5:
0x4c1: {  	_ = 	snop;
	(pc) =	sbr.rel .LBB2_2-.Ltmp5, $4  }
0x4c2: {  	_ = 	snop  }
0x4c3: {  	[tilespmem:s31], [sflag:$0x2] =	stream.indirect_vreg.gather [hbm4b:s13+s7], $0x80, v0, vm0, $0xb8;
	[tilespmem:$0x19000] =	vst v63  }
0x4c4: {  	s10 =	sadd.s32 $0x1, s10  }
0x4c5: {  	[tilespmem:s3], [sflag:$0x2] =	stream.indirect_vreg.gather [hbm4b:s14+s7], $0x80, v0, vm0, $0xb8;
	[tilespmem:$0x19000] =	vst v63  }
.LBB2_9:
0x4c6: {  	_ =	sfence.sel $0x180000  }
0x4c7: {  	[bflag:$0x0] =	sbarrier.arrive $0xFFFF  }
0x4c8: {  	_ =	strace $0x90000047  }
0x4c9: {  	s0 =	stileid.u32;
	[bflag:$0x2] =	sbarrier.arrive $0xFFFF  }
0x4ca: {  	p0 =	sne.s32 s0, $0x0;
	s0 =	rddreg [dreg:$0x5]  }
0x4cb: {  	s0 =	sadd.s32 @!p0 $0x100000, s0  }
0x4cc: {  	[sflag:s0] =	ssyncadd.tile.s32 @!p0 $0x1;
	_ =	shalt  }
.Lfunc_end2:
_tile_overlayer_lowered:
.L_overlay_start_2:
0x4cd: {  	(tag) =	ssettag $0x2  }
0x4ce: {  	s0 =	rddreg [dreg:$0x0];
	s2 =	stileid.u32  }
0x4cf: {  	s1 =	rddreg [dreg:$0x1];
	p0 =	sne.s32 s2, $0x0  }
0x4d0: {  	s3 =	rddreg [dreg:$0x2];
	[bflag:$0x3] =	sbarrier.arrive $0xFFFF;
	s2 =	simm.s32 @!p0 $0x1C05  }
0x4d1: {  	[timem:s3], [sflag:s2] =	dma.local @!p0 [hbm:s0], s1  }
0x4d2: {  	s0 =	simm.s32 @!p0 $0x5  }
0x4d3: {  	_ =	swait.ge @!p0 [sflag:s0], s1  }
0x4d4: {  	s1 =	ssub.s32 @!p0 $0x0, s1;
	[sflag:s0] =	ssyncset.done @!p0 $0x0  }
0x4d5: {  	[sflag:s0] =	ssyncadd.s32 @!p0 s1  }
0x4d6: {  	[bflag:$0x3] =	sbarrier.arrive $0xFFFF  }
0x4d7: {  	_ =	shalt  }

</sc_bundles>
